<compile_context>
chip_gen: v7x
topology: tpu7x:2x2x1
jax: 0.10.2.dev20260603
libtpu: 0.0.44.dev20260713+nightly
codegen_flags: <defaults>
</compile_context>

<pallas_src>
import jax
import jax.numpy as jnp
from jax import lax
from jax.experimental import pallas as pl
from jax.experimental.pallas import tpu as pltpu
from jax.experimental.pallas import tpu_sc as plsc

_RADIUS = 2
_TOP_K = 5000
_NEG = -jnp.inf

_H = 384
_W = 384
_HW = _H * _W
_B = 4
_C = 96
_SPAN = _HW // 8
_SLOT = 2176
_NSLOT = 8 * _SLOT
_SENT = -1
_PUB = 5120
_PER_TILE = 640
_KPAD = 8 * _PER_TILE
_NCH = _PER_TILE // 16


def _mp5(x):
    h, w = x.shape
    negr = jnp.full((2, w), _NEG, x.dtype)
    xp = jnp.concatenate([negr, x, negr], axis=0)
    r = jnp.maximum(
        jnp.maximum(xp[0:h], xp[1 : h + 1]),
        jnp.maximum(xp[3 : h + 3], xp[4 : h + 4]),
    )
    r = jnp.maximum(r, x)
    negc = jnp.full((h, 2), _NEG, x.dtype)
    rp = jnp.concatenate([negc, r, negc], axis=1)
    out = jnp.maximum(
        jnp.maximum(rp[:, 0:w], rp[:, 1 : w + 1]),
        jnp.maximum(rp[:, 3 : w + 3], rp[:, 4 : w + 4]),
    )
    return jnp.maximum(out, r)


def _nms_body(s_ref, o_ref):
    scores = s_ref[0, 0]
    h, w = scores.shape
    zeros = jnp.zeros_like(scores)
    max_mask = scores == _mp5(scores)
    for _ in range(2):
        supp_mask = _mp5(max_mask.astype(scores.dtype)) > 0.0
        supp_scores = jnp.where(supp_mask, zeros, scores)
        new_max_mask = supp_scores == _mp5(supp_scores)
        max_mask = max_mask | (new_max_mask & (~supp_mask))
    nms = jnp.where(max_mask, scores, zeros)
    r = _RADIUS
    row = lax.broadcasted_iota(jnp.int32, (h, w), 0)
    col = lax.broadcasted_iota(jnp.int32, (h, w), 1)
    interior = (row > r) & (row < h - r) & (col > r) & (col < w - r)
    o_ref[0, 0] = jnp.where(interior, nms, zeros)


def _nms_map(scores_map):
    b, c, h, w = scores_map.shape
    return pl.pallas_call(
        _nms_body,
        out_shape=jax.ShapeDtypeStruct((b, c, h, w), scores_map.dtype),
        grid=(b,),
        in_specs=[pl.BlockSpec((1, 1, h, w), lambda i: (i, 0, 0, 0))],
        out_specs=pl.BlockSpec((1, 1, h, w), lambda i: (i, 0, 0, 0)),
    )(scores_map)


def _iota16():
    return lax.iota(jnp.int32, 16)


_GTR_DNUMS = lax.GatherDimensionNumbers(
    offset_dims=(), collapsed_slice_dims=(0,), start_index_map=(0,))


def _vperm(x, idx):
    return lax.gather(
        x, idx[:, None], dimension_numbers=_GTR_DNUMS, slice_sizes=(1,),
        mode=lax.GatherScatterMode.PROMISE_IN_BOUNDS)


def _dup_rank(d, m):
    it = _iota16()
    d2 = jnp.where(m, d, 2048 + it)
    rank = jnp.zeros((16,), jnp.int32)
    for s in range(1, 16):
        shifted = _vperm(d2, jnp.maximum(it - s, 0))
        hit = (shifted == d2) & (it >= s)
        rank = rank + jnp.where(hit, 1, 0)
    return rank


def _parallel_radix_sort(lock, loci, hist, hists8, hists_sh, dst_k, dst_i,
                         nms_hbm, nmsbuf, sem, n_live, gbase, me_slot,
                         bl, me):
    it = _iota16()
    zeros16 = jnp.zeros((16,), jnp.int32)
    ones16 = jnp.full((16,), 1, jnp.int32)

    def _pass(pnum, _):
        shift = jnp.where(pnum == 0, 0, jnp.where(pnum == 1, 11, 22))
        limit = jnp.where(pnum == 0, _NSLOT, n_live)

        def _clr(i, __):
            hist[pl.ds(i * 16, 16)] = zeros16
            return 0

        lax.fori_loop(0, 2048 // 16, _clr, 0)

        def _count(i, __):
            k = lock[pl.ds(i * 16, 16)]
            m = (k != _SENT) & ((me_slot + i * 16 + it) < limit)
            d = lax.shift_right_logical(k, shift) & 2047
            plsc.addupdate_scatter(hist, [d], ones16, mask=m)
            return 0

        lax.fori_loop(0, _SLOT // 16, _count, 0)

        pltpu.sync_copy(hist, hists_sh.at[pl.ds((bl * 8 + me) * 2048, 2048)])
        plsc.subcore_barrier()
        pltpu.sync_copy(hists_sh.at[pl.ds(bl * 8 * 2048, 8 * 2048)], hists8)

        def _offsets(i, carry):
            g = jnp.zeros((16,), jnp.int32)
            part = jnp.zeros((16,), jnp.int32)
            for t in range(8):
                h_t = hists8[pl.ds(t * 2048 + i * 16, 16)]
                g = g + h_t
                part = part + h_t * (t < me)
            incl = plsc.cumsum(g)
            hist[pl.ds(i * 16, 16)] = carry + (incl - g) + part
            return carry + incl[15]

        lax.fori_loop(0, 2048 // 16, _offsets, jnp.int32(0))

        def _seg(sg, __):
            def _scatter(q, ___):
                c = sg * 17 + q
                k = lock[pl.ds(c * 16, 16)]
                m = (k != _SENT) & ((me_slot + c * 16 + it) < limit)
                d = lax.shift_right_logical(k, shift) & 2047
                base = plsc.load_gather(hist, [d])
                pos = base + _dup_rank(d, m)
                posg = jnp.where(m, gbase + pos, 2 * _NSLOT + it)
                plsc.addupdate_scatter(hist, [d], ones16, mask=m)
                pltpu.async_copy(lock.at[pl.ds(c * 16, 16)],
                                 dst_k.at[posg], sem)
                pltpu.async_copy(loci.at[pl.ds(c * 16, 16)],
                                 dst_i.at[posg], sem)
                return 0

            lax.fori_loop(0, 17, _scatter, 0)
            pltpu.make_async_copy(
                nms_hbm.at[pl.ds(0, 17 * 32)], nmsbuf.at[pl.ds(0, 17 * 32)],
                sem).wait()
            return 0

        lax.fori_loop(0, 8, _seg, 0)
        plsc.subcore_barrier()
        pltpu.sync_copy(dst_k.at[pl.ds(gbase + me_slot, _SLOT)],
                        lock.at[pl.ds(0, _SLOT)])
        pltpu.sync_copy(dst_i.at[pl.ds(gbase + me_slot, _SLOT)],
                        loci.at[pl.ds(0, _SLOT)])
        plsc.subcore_barrier()
        return 0

    lax.fori_loop(0, 3, _pass, 0)


def _newton_rsqrt(x):
    bits = lax.bitcast_convert_type(x, jnp.int32)
    y = lax.bitcast_convert_type(
        jnp.int32(0x5F3759DF) - lax.shift_right_logical(bits, 1), jnp.float32)
    for _ in range(3):
        y = y * (1.5 - 0.5 * x * y * y)
    return y


def _sc_body(nms_hbm, sco_hbm, des_hbm, kp_out, de_out, ks_out,
             nmsbuf, lock, loci, cntbuf, cnt_all,
             hist, hists8, sidx,
             scidx, sdst, didx, gbuf, outb, kpbuf, ksbuf,
             counts_sh, hists_sh, s0k, s0i, sem, sem2):
    cid = lax.axis_index("c")
    sid = lax.axis_index("s")
    bl = sid // 8
    chunk = sid % 8
    batch = 2 * cid + bl
    it = _iota16()

    pltpu.sync_copy(nms_hbm.at[pl.ds(batch * _HW + chunk * _SPAN, _SPAN)],
                    nmsbuf)
    base_idx = chunk * _SPAN

    def _compact(i, ptr):
        v = nmsbuf[pl.ds(i * 16, 16)]
        m = (v > 0.0) & (ptr < _SLOT - 16)
        kv = ~lax.bitcast_convert_type(v, jnp.int32)
        idxv = base_idx + i * 16 + it
        mi = m.astype(jnp.int32)
        pref = plsc.cumsum(mi)
        pos = ptr + (pref - mi)
        plsc.store_scatter(lock, [pos], kv, mask=m)
        plsc.store_scatter(loci, [pos], idxv, mask=m)
        return ptr + pref[15]

    ptr = lax.fori_loop(0, _SPAN // 16, _compact, jnp.int32(0))

    def _pad(i, _):
        cur = lock[pl.ds(i * 16, 16)]
        m = (i * 16 + it) < ptr
        lock[pl.ds(i * 16, 16)] = jnp.where(m, cur, _SENT)
        return 0

    lax.fori_loop(0, _SLOT // 16, _pad, 0)

    cntbuf[...] = jnp.broadcast_to(ptr, (16,))
    pltpu.sync_copy(cntbuf, counts_sh.at[pl.ds(sid * 16, 16)])
    plsc.subcore_barrier()

    pltpu.sync_copy(counts_sh, cnt_all)
    nv = jnp.zeros((16,), jnp.int32)
    for j in range(8):
        nv = nv + cnt_all[pl.ds((bl * 8 + j) * 16, 16)]
    n_live = nv[0]

    me = chunk
    gbase = bl * _NSLOT
    me_slot = me * _SLOT
    _parallel_radix_sort(lock, loci, hist, hists8, hists_sh, s0k, s0i,
                         nms_hbm, nmsbuf, sem, n_live, gbase, me_slot,
                         bl, me)

    myoff = chunk * _PER_TILE
    pltpu.sync_copy(s0i.at[pl.ds(gbase + myoff, _PER_TILE)], sidx)

    kp_pos0 = 2 * it
    d_pos = it * _C

    def _emit(j, _):
        p = myoff + j * 16 + it
        sidx_v = sidx[pl.ds(j * 16, 16)]
        real = p < n_live
        idx = jnp.where(real, sidx_v, p - n_live)

        t = lax.shift_right_logical(idx, 7)
        ky = lax.shift_right_logical(t * 683, 11)
        kx = idx - ky * 384
        kp_x = kx.astype(jnp.float32)
        kp_y = ky.astype(jnp.float32)
        ax = kp_x / 383.0 * 2.0 - 1.0
        ay = kp_y / 383.0 * 2.0 - 1.0
        plsc.store_scatter(kpbuf, [kp_pos0 + j * 32], ax)
        plsc.store_scatter(kpbuf, [kp_pos0 + j * 32 + 1], ay)

        px = (ax + 1.0) / 2.0 * 383.0
        py = (ay + 1.0) / 2.0 * 383.0
        x0i0 = px.astype(jnp.int32)
        y0i0 = py.astype(jnp.int32)
        x0 = x0i0.astype(jnp.float32)
        y0 = y0i0.astype(jnp.float32)
        wx1 = px - x0
        wx0 = 1.0 - wx1
        wy1 = py - y0
        wy0 = 1.0 - wy1
        x0i = jnp.minimum(x0i0, 383)
        x1i = jnp.minimum(x0i0 + 1, 383)
        y0i = jnp.minimum(y0i0, 383)
        y1i = jnp.minimum(y0i0 + 1, 383)
        sbase = batch * _HW
        scidx[pl.ds(0, 16)] = sbase + y0i * 384 + x0i
        scidx[pl.ds(16, 16)] = sbase + y0i * 384 + x1i
        scidx[pl.ds(32, 16)] = sbase + y1i * 384 + x0i
        scidx[pl.ds(48, 16)] = sbase + y1i * 384 + x1i
        sc_cp = pltpu.async_copy(sco_hbm.at[scidx], sdst, sem2)

        kxi = px.astype(jnp.int32)
        kyi = py.astype(jnp.int32)
        dflat = batch * (_C * _HW) + kyi * 384 + kxi
        for r in range(12):
            for q in range(8):
                c = r * 8 + q
                didx[r, pl.ds(q * 16, 16)] = dflat + c * _HW
        copies = [pltpu.async_copy(des_hbm.at[didx.at[r]], gbuf.at[r], sem)
                  for r in range(12)]

        sc_cp.wait()
        v00 = sdst[pl.ds(0, 16)]
        v01 = sdst[pl.ds(16, 16)]
        v10 = sdst[pl.ds(32, 16)]
        v11 = sdst[pl.ds(48, 16)]
        ksbuf[pl.ds(j * 16, 16)] = (v00 * wy0 * wx0 + v01 * wy0 * wx1
                                    + v10 * wy1 * wx0 + v11 * wy1 * wx1)

        for cp in copies:
            cp.wait()
        acc = jnp.zeros((16,), jnp.float32)
        for r in range(12):
            for q in range(8):
                g = gbuf[r, pl.ds(q * 16, 16)]
                acc = acc + g * g
        rns = _newton_rsqrt(acc)
        for r in range(12):
            for q in range(8):
                c = r * 8 + q
                g = gbuf[r, pl.ds(q * 16, 16)]
                plsc.store_scatter(outb, [d_pos + c], g * rns)
        pltpu.sync_copy(
            outb,
            de_out.at[pl.ds(batch * (_KPAD * _C) + (myoff + j * 16) * _C,
                            16 * _C)])
        return 0

    lax.fori_loop(0, _NCH, _emit, 0)

    pltpu.sync_copy(
        kpbuf,
        kp_out.at[pl.ds(batch * 2 * _KPAD + 2 * myoff, 2 * _PER_TILE)])
    pltpu.sync_copy(
        ksbuf, ks_out.at[pl.ds(batch * _KPAD + myoff, _PER_TILE)])


def _sc_select(nms_flat, scores_flat, desc_flat):
    mesh = plsc.VectorSubcoreMesh(core_axis_name="c", subcore_axis_name="s")
    f32 = jnp.float32
    i32 = jnp.int32
    kern = pl.kernel(
        _sc_body,
        out_type=[
            jax.ShapeDtypeStruct((_B * 2 * _KPAD,), f32),
            jax.ShapeDtypeStruct((_B * _KPAD * _C,), f32),
            jax.ShapeDtypeStruct((_B * _KPAD,), f32),
        ],
        mesh=mesh,
        compiler_params=pltpu.CompilerParams(needs_layout_passes=False),
        scratch_types=[
            pltpu.VMEM((_SPAN,), f32),
            pltpu.VMEM((_SLOT + 16,), i32),
            pltpu.VMEM((_SLOT + 16,), i32),
            pltpu.VMEM((16,), i32),
            pltpu.VMEM((256,), i32),
            pltpu.VMEM((2048,), i32),
            pltpu.VMEM((8 * 2048,), i32),
            pltpu.VMEM((_PER_TILE,), i32),
            pltpu.VMEM((64,), i32),
            pltpu.VMEM((64,), f32),
            pltpu.VMEM((12, 128), i32),
            pltpu.VMEM((12, 128), f32),
            pltpu.VMEM((16 * _C,), f32),
            pltpu.VMEM((2 * _PER_TILE,), f32),
            pltpu.VMEM((_PER_TILE,), f32),
            pltpu.VMEM_SHARED((256,), i32),
            pltpu.VMEM_SHARED((2 * 8 * 2048,), i32),
            pltpu.VMEM_SHARED((2 * _NSLOT + 16,), i32),
            pltpu.VMEM_SHARED((2 * _NSLOT + 16,), i32),
            pltpu.SemaphoreType.DMA,
            pltpu.SemaphoreType.DMA,
        ],
    )
    return kern(nms_flat, scores_flat, desc_flat)


def kernel(scores_map, descriptor_map):
    b, _, h, w = scores_map.shape
    nms = _nms_map(scores_map).reshape(b * h * w)
    kp, de, ks = _sc_select(
        nms,
        scores_map.reshape(b * h * w),
        descriptor_map.reshape(b * _C * h * w),
    )
    keypoints = kp.reshape(b, 2 * _KPAD)[:, : 2 * _TOP_K].reshape(b, _TOP_K, 2)
    descriptors = de.reshape(b, _KPAD * _C)[:, : _TOP_K * _C].reshape(
        b, _TOP_K, _C)
    kptscores = ks.reshape(b, _KPAD)[:, :_TOP_K]
    return keypoints, descriptors, kptscores

# --- scband reference (transcript-rebuilt; emitter-appended) ---
"""Pipeline reference for scband-dkd-88210038325779 (READ-ONLY COPY).

The authoritative reference and input builder live on the scoring server;
editing this copy changes nothing except your own understanding.
"""

import jax, jax.numpy as jnp
import numpy as np

RADIUS = 2
TOP_K = 5000

def _max_pool(x, r):
    k = 2 * r + 1
    return jax.lax.reduce_window(x, -jnp.inf, jax.lax.max, (1, 1, k, k), (1, 1, 1, 1), [(0, 0), (0, 0), (r, r), (r, r)])

def _simple_nms(scores, r):
    zeros = jnp.zeros_like(scores)
    max_mask = scores == _max_pool(scores, r)
    for _ in range(2):
        supp_mask = _max_pool(max_mask.astype(scores.dtype), r) > 0
        supp_scores = jnp.where(supp_mask, zeros, scores)
        new_max_mask = supp_scores == _max_pool(supp_scores, r)
        max_mask = max_mask | (new_max_mask & (~supp_mask))
    return jnp.where(max_mask, scores, zeros)

def _bilinear(img, x, y):
    C, H, W = img.shape
    x0 = jnp.floor(x); y0 = jnp.floor(y)
    x1 = x0 + 1.0; y1 = y0 + 1.0
    wx1 = x - x0; wx0 = 1.0 - wx1
    wy1 = y - y0; wy0 = 1.0 - wy1
    x0i = jnp.clip(x0, 0, W - 1).astype(jnp.int32)
    x1i = jnp.clip(x1, 0, W - 1).astype(jnp.int32)
    y0i = jnp.clip(y0, 0, H - 1).astype(jnp.int32)
    y1i = jnp.clip(y1, 0, H - 1).astype(jnp.int32)
    v00 = img[:, y0i, x0i]; v01 = img[:, y0i, x1i]
    v10 = img[:, y1i, x0i]; v11 = img[:, y1i, x1i]
    return v00 * wy0 * wx0 + v01 * wy0 * wx1 + v10 * wy1 * wx0 + v11 * wy1 * wx1

def _forward(scores_map, descriptor_map):
    b, _, h, w = scores_map.shape
    r = RADIUS
    scores_ng = jax.lax.stop_gradient(scores_map)
    nms = _simple_nms(scores_ng, r)
    nms = nms.at[:, :, :r + 1, :].set(0.0)
    nms = nms.at[:, :, :, :r + 1].set(0.0)
    nms = nms.at[:, :, h - r:, :].set(0.0)
    nms = nms.at[:, :, :, w - r:].set(0.0)
    _, idx = jax.lax.top_k(nms.reshape(b, -1), TOP_K)
    kp_x = (idx % w).astype(jnp.float32)
    kp_y = (idx // w).astype(jnp.float32)
    wh = jnp.array([w - 1.0, h - 1.0], dtype=jnp.float32)
    keypoints = jnp.stack([kp_x, kp_y], axis=-1) / wh * 2.0 - 1.0
    kptscores = []
    descriptors = []
    for bi in range(b):
        px = (keypoints[bi, :, 0] + 1.0) / 2.0 * (w - 1)
        py = (keypoints[bi, :, 1] + 1.0) / 2.0 * (h - 1)
        ks = _bilinear(scores_map[bi], px, py)[0]
        kptscores.append(ks)
        kx = ((keypoints[bi, :, 0] + 1.0) / 2.0 * (w - 1)).astype(jnp.int32)
        ky = ((keypoints[bi, :, 1] + 1.0) / 2.0 * (h - 1)).astype(jnp.int32)
        d = descriptor_map[bi][:, ky, kx]
        nrm = jnp.sqrt(jnp.sum(d * d, axis=0, keepdims=True))
        d = d / jnp.maximum(nrm, 1e-12)
        descriptors.append(d.T)
    return keypoints, jnp.stack(descriptors, 0), jnp.stack(kptscores, 0)

def setup_inputs(seed: int = 0):
    key = jax.random.key(seed)
    k1, k2 = jax.random.split(key)
    scores_map = jax.random.uniform(k1, (4, 1, 384, 384), dtype=jnp.float32)
    descriptor_map = jax.random.normal(k2, (4, 96, 384, 384), dtype=jnp.float32)
    return {"scores_map": scores_map, "descriptor_map": descriptor_map}

def reference(scores_map, descriptor_map):
    return _forward(scores_map, descriptor_map)

if __name__ == "__main__":
    import jax
    _d = setup_inputs()
    print(jax.jit(kernel)(*tuple(_d.values())))

</pallas_src>

<mosaic_0001>
#map = affine_map<(d0, d1) -> (0)>
module attributes {stable_mosaic.version = 14 : i64} {
  func.func @_sc_body(%arg0: i32, %arg1: i32, %arg2: memref<589824xf32, #tpu.memory_space<hbm>>, %arg3: memref<589824xf32, #tpu.memory_space<hbm>>, %arg4: memref<56623104xf32, #tpu.memory_space<hbm>>, %arg5: memref<40960xf32, #tpu.memory_space<hbm>>, %arg6: memref<1966080xf32, #tpu.memory_space<hbm>>, %arg7: memref<20480xf32, #tpu.memory_space<hbm>>, %arg8: memref<18432xf32, #tpu.memory_space<vmem>>, %arg9: memref<2192xi32, #tpu.memory_space<vmem>>, %arg10: memref<2192xi32, #tpu.memory_space<vmem>>, %arg11: memref<16xi32, #tpu.memory_space<vmem>>, %arg12: memref<256xi32, #tpu.memory_space<vmem>>, %arg13: memref<2048xi32, #tpu.memory_space<vmem>>, %arg14: memref<16384xi32, #tpu.memory_space<vmem>>, %arg15: memref<640xi32, #tpu.memory_space<vmem>>, %arg16: memref<64xi32, #tpu.memory_space<vmem>>, %arg17: memref<64xf32, #tpu.memory_space<vmem>>, %arg18: memref<12x128xi32, #tpu.memory_space<vmem>>, %arg19: memref<12x128xf32, #tpu.memory_space<vmem>>, %arg20: memref<1536xf32, #tpu.memory_space<vmem>>, %arg21: memref<1280xf32, #tpu.memory_space<vmem>>, %arg22: memref<640xf32, #tpu.memory_space<vmem>>, %arg23: memref<256xi32, #tpu.memory_space<vmem_shared>>, %arg24: memref<32768xi32, #tpu.memory_space<vmem_shared>>, %arg25: memref<34832xi32, #tpu.memory_space<vmem_shared>>, %arg26: memref<34832xi32, #tpu.memory_space<vmem_shared>>, %arg27: memref<!tpu.dma_semaphore, #tpu.memory_space<semaphore_mem>>, %arg28: memref<!tpu.dma_semaphore, #tpu.memory_space<semaphore_mem>>) attributes {dimension_semantics = [#tpu.dimension_semantics<core_parallel>, #tpu.dimension_semantics<subcore_parallel>], iteration_bounds = array<i64: 2, 16>, scalar_prefetch = 0 : i64, scratch_operands = 21 : i64, tpu.core_type = #tpu.core_type<sc_vector_subcore>, window_params = [{transform_indices = #map}, {transform_indices = #map}, {transform_indices = #map}, {transform_indices = #map}, {transform_indices = #map}, {transform_indices = #map}]} {
    %jit3A = arith.constant 8 : i32
    %div3A = arith.divsi %arg1, %jit3A : i32
    %sign3A = arith.constant 0 : i32
    %sign3A_0 = arith.cmpi sgt, %arg1, %sign3A : i32
    %sign3A_1 = arith.extui %sign3A_0 : i1 to i32
    %sign3A_2 = arith.constant 0 : i32
    %sign3A_3 = arith.cmpi slt, %arg1, %sign3A_2 : i32
    %sign3A_4 = arith.extui %sign3A_3 : i1 to i32
    %sign3A_5 = arith.subi %sign3A_1, %sign3A_4 : i32
    %sign3A_6 = arith.constant 0 : i32
    %sign3A_7 = arith.cmpi sgt, %jit3A, %sign3A_6 : i32
    %sign3A_8 = arith.extui %sign3A_7 : i1 to i32
    %sign3A_9 = arith.constant 0 : i32
    %sign3A_10 = arith.cmpi slt, %jit3A, %sign3A_9 : i32
    %sign3A_11 = arith.extui %sign3A_10 : i1 to i32
    %sign3A_12 = arith.subi %sign3A_8, %sign3A_11 : i32
    %ne3A = arith.cmpi ne, %sign3A_5, %sign3A_12 : i32
    %rem3A = arith.remsi %arg1, %jit3A : i32
    %ne3A_13 = arith.constant 0 : i32
    %ne3A_14 = arith.cmpi ne, %rem3A, %ne3A_13 : i32
    %and3A = arith.andi %ne3A, %ne3A_14 : i1
    %sub3A = arith.constant 1 : i32
    %sub3A_15 = arith.subi %div3A, %sub3A : i32
    %select_n3A = arith.select %and3A, %sub3A_15, %div3A : i32
    %jit3A_16 = arith.constant 8 : i32
    %eq3A = arith.constant 0 : i32
    %eq3A_17 = arith.cmpi eq, %jit3A_16, %eq3A : i32
    %jit3A_18 = arith.constant 1 : i32
    %select_n3A_19 = arith.select %eq3A_17, %jit3A_18, %jit3A_16 : i32
    %rem3A_20 = arith.remsi %arg1, %select_n3A_19 : i32
    %ne3A_21 = arith.constant 0 : i32
    %ne3A_22 = arith.cmpi ne, %rem3A_20, %ne3A_21 : i32
    %lt3A = arith.constant 0 : i32
    %lt3A_23 = arith.cmpi slt, %rem3A_20, %lt3A : i32
    %lt3A_24 = arith.constant 0 : i32
    %lt3A_25 = arith.cmpi slt, %select_n3A_19, %lt3A_24 : i32
    %ne3A_26 = arith.xori %lt3A_23, %lt3A_25 : i1
    %and3A_27 = arith.andi %ne3A_26, %ne3A_22 : i1
    %add3A = arith.addi %rem3A_20, %select_n3A_19 : i32
    %select_n3A_28 = arith.select %and3A_27, %add3A, %rem3A_20 : i32
    %mul3A = arith.constant 2 : i32
    %mul3A_29 = arith.muli %mul3A, %arg0 : i32
    %add3A_30 = arith.addi %mul3A_29, %select_n3A : i32
    %iota3A = tpu.iota {dimensions = array<i32: 0>} : vector<16xi32>
    %mul3A_31 = arith.constant 147456 : i32
    %mul3A_32 = arith.muli %add3A_30, %mul3A_31 : i32
    %mul3A_33 = arith.constant 18432 : i32
    %mul3A_34 = arith.muli %select_n3A_28, %mul3A_33 : i32
    %add3A_35 = arith.addi %mul3A_32, %mul3A_34 : i32
    "tpu.region"() ({
      %run_scoped3A = tpu.sem_alloc : memref<!tpu.dma_semaphore, #tpu.memory_space<semaphore_mem>>
      %dma_start3A = tpu.memref_slice %arg2[%add3A_35] : memref<589824xf32, #tpu.memory_space<hbm>> -> memref<18432xf32, #tpu.memory_space<hbm>>
      %dma_start3A_169 = tpu.memref_slice %arg2[%add3A_35] : memref<589824xf32, #tpu.memory_space<hbm>> -> memref<18432xf32, #tpu.memory_space<hbm>>
      tpu.enqueue_dma source(%dma_start3A_169 : memref<18432xf32, #tpu.memory_space<hbm>>) target(%arg8 : memref<18432xf32, #tpu.memory_space<vmem>>) target_semaphore(%run_scoped3A : memref<!tpu.dma_semaphore, #tpu.memory_space<semaphore_mem>>)
      %dma_wait3A = tpu.memref_slice %arg2[%add3A_35] : memref<589824xf32, #tpu.memory_space<hbm>> -> memref<18432xf32, #tpu.memory_space<hbm>>
      %dma_wait3A_170 = tpu.memref_slice %arg2[%add3A_35] : memref<589824xf32, #tpu.memory_space<hbm>> -> memref<18432xf32, #tpu.memory_space<hbm>>
      tpu.wait_dma2 semaphore(%run_scoped3A : memref<!tpu.dma_semaphore, #tpu.memory_space<semaphore_mem>>) src(%dma_wait3A_170 : memref<18432xf32, #tpu.memory_space<hbm>>) dst(%arg8 : memref<18432xf32, #tpu.memory_space<vmem>>)
      tpu.yield
    }) : () -> ()
    %mul3A_36 = arith.constant 18432 : i32
    %mul3A_37 = arith.muli %select_n3A_28, %mul3A_36 : i32
    %scan3A = arith.constant 0 : i32
    %scan3A_38 = arith.constant 0 : i32
    %scan3A_39 = arith.constant 1152 : i32
    %scan3A_40 = arith.addi %scan3A_38, %scan3A_39 : i32
    %scan3A_41 = arith.constant 1 : i32
    %scan3A_42 = scf.for %scan3A_169 = %scan3A_38 to %scan3A_40 step %scan3A_41 iter_args(%scan3A_170 = %scan3A) -> (i32)  : i32 {
      %mul3A_171 = arith.constant 16 : i32
      %mul3A_172 = arith.muli %scan3A_169, %mul3A_171 : i32
      %get3A_173 = arith.index_cast %mul3A_172 : i32 to index
      %get3A_174 = tpu.vector_load %arg8[%get3A_173] {strides = array<i32>} : memref<18432xf32, #tpu.memory_space<vmem>>, vector<16xf32>,
      %gt3A = arith.constant 0.000000e+00 : f32
      %gt3A_175 = vector.broadcast %gt3A : f32 to vector<16xf32>
      %gt3A_176 = arith.cmpf ogt, %get3A_174, %gt3A_175 : vector<16xf32>
      %lt3A_177 = arith.constant 2160 : i32
      %lt3A_178 = arith.cmpi slt, %scan3A_170, %lt3A_177 : i32
      %and3A_179 = vector.broadcast %lt3A_178 : i1 to vector<16xi1>
      %and3A_180 = arith.andi %gt3A_176, %and3A_179 : vector<16xi1>
      %bitcast_convert_type3A = tpu.bitcast %get3A_174 : vector<16xf32> -> vector<16xi32>
      %not3A = arith.constant dense<-1> : vector<16xi32>
      %not3A_181 = arith.xori %bitcast_convert_type3A, %not3A : vector<16xi32>
      %mul3A_182 = arith.constant 16 : i32
      %mul3A_183 = arith.muli %scan3A_169, %mul3A_182 : i32
      %add3A_184 = arith.addi %mul3A_37, %mul3A_183 : i32
      %add3A_185 = vector.broadcast %add3A_184 : i32 to vector<16xi32>
      %add3A_186 = arith.addi %add3A_185, %iota3A : vector<16xi32>
      %convert_element_type3A = arith.extui %and3A_180 : vector<16xi1> to vector<16xi32>
      %broadcast_in_dim3A_187 = arith.constant true
      %broadcast_in_dim3A_188 = vector.broadcast %broadcast_in_dim3A_187 : i1 to vector<16xi1>
      %masked_cumsum3A = tpu.scan <sum>, %convert_element_type3A masked %broadcast_in_dim3A_188 : vector<16xi32>, vector<16xi1> -> vector<16xi32>
      %sub3A_189 = arith.subi %masked_cumsum3A, %convert_element_type3A : vector<16xi32>
      %add3A_190 = vector.broadcast %scan3A_170 : i32 to vector<16xi32>
      %add3A_191 = arith.addi %add3A_190, %sub3A_189 : vector<16xi32>
      tpu.vector_store_idx %arg9[%add3A_191], %not3A_181 masked %and3A_180 : memref<2192xi32, #tpu.memory_space<vmem>>[vector<16xi32>], vector<16xi32>, vector<16xi1>
      tpu.vector_store_idx %arg10[%add3A_191], %add3A_186 masked %and3A_180 : memref<2192xi32, #tpu.memory_space<vmem>>[vector<16xi32>], vector<16xi32>, vector<16xi1>
      %slice3A_192 = vector.extract_strided_slice %masked_cumsum3A {offsets = [15], sizes = [1], strides = [1]} : vector<16xi32> to vector<1xi32>
      %squeeze3A_193 = vector.extract %slice3A_192[0] : i32 from vector<1xi32>
      %add3A_194 = arith.addi %scan3A_170, %squeeze3A_193 : i32
      scf.yield %add3A_194 : i32
    }
    %scan3A_43 = arith.constant 1152 : i32
    %scan3A_44 = arith.constant 0 : i32
    %scan3A_45 = arith.constant 0 : i32
    %scan3A_46 = arith.constant 136 : i32
    %scan3A_47 = arith.addi %scan3A_45, %scan3A_46 : i32
    %scan3A_48 = arith.constant 1 : i32
    %scan3A_49 = scf.for %scan3A_169 = %scan3A_45 to %scan3A_47 step %scan3A_48 iter_args(%scan3A_170 = %scan3A_44) -> (i32)  : i32 {
      %mul3A_171 = arith.constant 16 : i32
      %mul3A_172 = arith.muli %scan3A_169, %mul3A_171 : i32
      %get3A_173 = arith.index_cast %mul3A_172 : i32 to index
      %get3A_174 = tpu.vector_load %arg9[%get3A_173] {strides = array<i32>} : memref<2192xi32, #tpu.memory_space<vmem>>, vector<16xi32>,
      %mul3A_175 = arith.constant 16 : i32
      %mul3A_176 = arith.muli %scan3A_169, %mul3A_175 : i32
      %add3A_177 = vector.broadcast %mul3A_176 : i32 to vector<16xi32>
      %add3A_178 = arith.addi %add3A_177, %iota3A : vector<16xi32>
      %lt3A_179 = vector.broadcast %scan3A_42 : i32 to vector<16xi32>
      %lt3A_180 = arith.cmpi slt, %add3A_178, %lt3A_179 : vector<16xi32>
      %jit3A_181 = arith.constant -1 : i32
      %broadcast_in_dim3A_182 = vector.broadcast %jit3A_181 : i32 to vector<16xi32>
      %select_n3A_183 = arith.select %lt3A_180, %get3A_174, %broadcast_in_dim3A_182 : vector<16xi1>, vector<16xi32>
      %mul3A_184 = arith.constant 16 : i32
      %mul3A_185 = arith.muli %scan3A_169, %mul3A_184 : i32
      %swap3A_186 = arith.index_cast %mul3A_185 : i32 to index
      %swap3A_187 = tpu.vector_load %arg9[%swap3A_186] {strides = array<i32>} : memref<2192xi32, #tpu.memory_space<vmem>>, vector<16xi32>,
      tpu.vector_store %arg9[%swap3A_186], %select_n3A_183 {strides = array<i32>} : memref<2192xi32, #tpu.memory_space<vmem>>, vector<16xi32>,
      %scan3A_188 = arith.constant 0 : i32
      scf.yield %scan3A_188 : i32
    }
    %scan3A_50 = arith.constant 136 : i32
    %broadcast_in_dim3A = vector.broadcast %scan3A_42 : i32 to vector<16xi32>
    %swap3A = arith.constant 0 : index
    %swap3A_51 = tpu.vector_load %arg11[%swap3A] {strides = array<i32>} : memref<16xi32, #tpu.memory_space<vmem>>, vector<16xi32>,
    tpu.vector_store %arg11[%swap3A], %broadcast_in_dim3A {strides = array<i32>} : memref<16xi32, #tpu.memory_space<vmem>>, vector<16xi32>,
    %mul3A_52 = arith.constant 16 : i32
    %mul3A_53 = arith.muli %arg1, %mul3A_52 : i32
    "tpu.region"() ({
      %run_scoped3A = tpu.sem_alloc : memref<!tpu.dma_semaphore, #tpu.memory_space<semaphore_mem>>
      %dma_start3A = tpu.memref_slice %arg23[%mul3A_53] : memref<256xi32, #tpu.memory_space<vmem_shared>> -> memref<16xi32, #tpu.memory_space<vmem_shared>>
      %dma_start3A_169 = tpu.memref_slice %arg23[%mul3A_53] : memref<256xi32, #tpu.memory_space<vmem_shared>> -> memref<16xi32, #tpu.memory_space<vmem_shared>>
      tpu.enqueue_dma source(%arg11 : memref<16xi32, #tpu.memory_space<vmem>>) target(%dma_start3A_169 : memref<16xi32, #tpu.memory_space<vmem_shared>>) target_semaphore(%run_scoped3A : memref<!tpu.dma_semaphore, #tpu.memory_space<semaphore_mem>>)
      %dma_wait3A = tpu.memref_slice %arg23[%mul3A_53] : memref<256xi32, #tpu.memory_space<vmem_shared>> -> memref<16xi32, #tpu.memory_space<vmem_shared>>
      %dma_wait3A_170 = tpu.memref_slice %arg23[%mul3A_53] : memref<256xi32, #tpu.memory_space<vmem_shared>> -> memref<16xi32, #tpu.memory_space<vmem_shared>>
      tpu.wait_dma2 semaphore(%run_scoped3A : memref<!tpu.dma_semaphore, #tpu.memory_space<semaphore_mem>>) src(%arg11 : memref<16xi32, #tpu.memory_space<vmem>>) dst(%dma_wait3A_170 : memref<16xi32, #tpu.memory_space<vmem_shared>>)
      tpu.yield
    }) : () -> ()
    %barrier3A = arith.constant 0 : index
    tpu.barrier barrier_id(%barrier3A)
    "tpu.region"() ({
      %run_scoped3A = tpu.sem_alloc : memref<!tpu.dma_semaphore, #tpu.memory_space<semaphore_mem>>
      tpu.enqueue_dma source(%arg23 : memref<256xi32, #tpu.memory_space<vmem_shared>>) target(%arg12 : memref<256xi32, #tpu.memory_space<vmem>>) target_semaphore(%run_scoped3A : memref<!tpu.dma_semaphore, #tpu.memory_space<semaphore_mem>>)
      tpu.wait_dma2 semaphore(%run_scoped3A : memref<!tpu.dma_semaphore, #tpu.memory_space<semaphore_mem>>) src(%arg23 : memref<256xi32, #tpu.memory_space<vmem_shared>>) dst(%arg12 : memref<256xi32, #tpu.memory_space<vmem>>)
      tpu.yield
    }) : () -> ()
    %broadcast_in_dim3A_54 = arith.constant 0 : i32
    %broadcast_in_dim3A_55 = vector.broadcast %broadcast_in_dim3A_54 : i32 to vector<16xi32>
    %mul3A_56 = arith.constant 8 : i32
    %mul3A_57 = arith.muli %select_n3A, %mul3A_56 : i32
    %add3A_58 = arith.constant 0 : i32
    %add3A_59 = arith.addi %mul3A_57, %add3A_58 : i32
    %mul3A_60 = arith.constant 16 : i32
    %mul3A_61 = arith.muli %add3A_59, %mul3A_60 : i32
    %get3A = arith.index_cast %mul3A_61 : i32 to index
    %get3A_62 = tpu.vector_load %arg12[%get3A] {strides = array<i32>} : memref<256xi32, #tpu.memory_space<vmem>>, vector<16xi32>,
    %add3A_63 = arith.addi %broadcast_in_dim3A_55, %get3A_62 : vector<16xi32>
    %mul3A_64 = arith.constant 8 : i32
    %mul3A_65 = arith.muli %select_n3A, %mul3A_64 : i32
    %add3A_66 = arith.constant 1 : i32
    %add3A_67 = arith.addi %mul3A_65, %add3A_66 : i32
    %mul3A_68 = arith.constant 16 : i32
    %mul3A_69 = arith.muli %add3A_67, %mul3A_68 : i32
    %get3A_70 = arith.index_cast %mul3A_69 : i32 to index
    %get3A_71 = tpu.vector_load %arg12[%get3A_70] {strides = array<i32>} : memref<256xi32, #tpu.memory_space<vmem>>, vector<16xi32>,
    %add3A_72 = arith.addi %add3A_63, %get3A_71 : vector<16xi32>
    %mul3A_73 = arith.constant 8 : i32
    %mul3A_74 = arith.muli %select_n3A, %mul3A_73 : i32
    %add3A_75 = arith.constant 2 : i32
    %add3A_76 = arith.addi %mul3A_74, %add3A_75 : i32
    %mul3A_77 = arith.constant 16 : i32
    %mul3A_78 = arith.muli %add3A_76, %mul3A_77 : i32
    %get3A_79 = arith.index_cast %mul3A_78 : i32 to index
    %get3A_80 = tpu.vector_load %arg12[%get3A_79] {strides = array<i32>} : memref<256xi32, #tpu.memory_space<vmem>>, vector<16xi32>,
    %add3A_81 = arith.addi %add3A_72, %get3A_80 : vector<16xi32>
    %mul3A_82 = arith.constant 8 : i32
    %mul3A_83 = arith.muli %select_n3A, %mul3A_82 : i32
    %add3A_84 = arith.constant 3 : i32
    %add3A_85 = arith.addi %mul3A_83, %add3A_84 : i32
    %mul3A_86 = arith.constant 16 : i32
    %mul3A_87 = arith.muli %add3A_85, %mul3A_86 : i32
    %get3A_88 = arith.index_cast %mul3A_87 : i32 to index
    %get3A_89 = tpu.vector_load %arg12[%get3A_88] {strides = array<i32>} : memref<256xi32, #tpu.memory_space<vmem>>, vector<16xi32>,
    %add3A_90 = arith.addi %add3A_81, %get3A_89 : vector<16xi32>
    %mul3A_91 = arith.constant 8 : i32
    %mul3A_92 = arith.muli %select_n3A, %mul3A_91 : i32
    %add3A_93 = arith.constant 4 : i32
    %add3A_94 = arith.addi %mul3A_92, %add3A_93 : i32
    %mul3A_95 = arith.constant 16 : i32
    %mul3A_96 = arith.muli %add3A_94, %mul3A_95 : i32
    %get3A_97 = arith.index_cast %mul3A_96 : i32 to index
    %get3A_98 = tpu.vector_load %arg12[%get3A_97] {strides = array<i32>} : memref<256xi32, #tpu.memory_space<vmem>>, vector<16xi32>,
    %add3A_99 = arith.addi %add3A_90, %get3A_98 : vector<16xi32>
    %mul3A_100 = arith.constant 8 : i32
    %mul3A_101 = arith.muli %select_n3A, %mul3A_100 : i32
    %add3A_102 = arith.constant 5 : i32
    %add3A_103 = arith.addi %mul3A_101, %add3A_102 : i32
    %mul3A_104 = arith.constant 16 : i32
    %mul3A_105 = arith.muli %add3A_103, %mul3A_104 : i32
    %get3A_106 = arith.index_cast %mul3A_105 : i32 to index
    %get3A_107 = tpu.vector_load %arg12[%get3A_106] {strides = array<i32>} : memref<256xi32, #tpu.memory_space<vmem>>, vector<16xi32>,
    %add3A_108 = arith.addi %add3A_99, %get3A_107 : vector<16xi32>
    %mul3A_109 = arith.constant 8 : i32
    %mul3A_110 = arith.muli %select_n3A, %mul3A_109 : i32
    %add3A_111 = arith.constant 6 : i32
    %add3A_112 = arith.addi %mul3A_110, %add3A_111 : i32
    %mul3A_113 = arith.constant 16 : i32
    %mul3A_114 = arith.muli %add3A_112, %mul3A_113 : i32
    %get3A_115 = arith.index_cast %mul3A_114 : i32 to index
    %get3A_116 = tpu.vector_load %arg12[%get3A_115] {strides = array<i32>} : memref<256xi32, #tpu.memory_space<vmem>>, vector<16xi32>,
    %add3A_117 = arith.addi %add3A_108, %get3A_116 : vector<16xi32>
    %mul3A_118 = arith.constant 8 : i32
    %mul3A_119 = arith.muli %select_n3A, %mul3A_118 : i32
    %add3A_120 = arith.constant 7 : i32
    %add3A_121 = arith.addi %mul3A_119, %add3A_120 : i32
    %mul3A_122 = arith.constant 16 : i32
    %mul3A_123 = arith.muli %add3A_121, %mul3A_122 : i32
    %get3A_124 = arith.index_cast %mul3A_123 : i32 to index
    %get3A_125 = tpu.vector_load %arg12[%get3A_124] {strides = array<i32>} : memref<256xi32, #tpu.memory_space<vmem>>, vector<16xi32>,
    %add3A_126 = arith.addi %add3A_117, %get3A_125 : vector<16xi32>
    %slice3A = vector.extract_strided_slice %add3A_126 {offsets = [0], sizes = [1], strides = [1]} : vector<16xi32> to vector<1xi32>
    %squeeze3A = vector.extract %slice3A[0] : i32 from vector<1xi32>
    %mul3A_127 = arith.constant 17408 : i32
    %mul3A_128 = arith.muli %select_n3A, %mul3A_127 : i32
    %mul3A_129 = arith.constant 2176 : i32
    %mul3A_130 = arith.muli %select_n3A_28, %mul3A_129 : i32
    %iota3A_131 = tpu.iota {dimensions = array<i32: 0>} : vector<16xi32>
    %broadcast_in_dim3A_132 = arith.constant 0 : i32
    %broadcast_in_dim3A_133 = vector.broadcast %broadcast_in_dim3A_132 : i32 to vector<16xi32>
    %broadcast_in_dim3A_134 = arith.constant 1 : i32
    %broadcast_in_dim3A_135 = vector.broadcast %broadcast_in_dim3A_134 : i32 to vector<16xi32>
    %scan3A_136 = arith.constant 0 : i32
    %scan3A_137 = arith.constant 0 : i32
    %scan3A_138 = arith.constant 3 : i32
    %scan3A_139 = arith.addi %scan3A_137, %scan3A_138 : i32
    %scan3A_140 = arith.constant 1 : i32
    %scan3A_141 = scf.for %scan3A_169 = %scan3A_137 to %scan3A_139 step %scan3A_140 iter_args(%scan3A_170 = %scan3A_136) -> (i32)  : i32 {
      %eq3A_171 = arith.constant 0 : i32
      %eq3A_172 = arith.cmpi eq, %scan3A_169, %eq3A_171 : i32
      %eq3A_173 = arith.constant 1 : i32
      %eq3A_174 = arith.cmpi eq, %scan3A_169, %eq3A_173 : i32
      %jit3A_175 = arith.constant 11 : i32
      %jit3A_176 = arith.constant 22 : i32
      %select_n3A_177 = arith.select %eq3A_174, %jit3A_175, %jit3A_176 : i32
      %jit3A_178 = arith.constant 0 : i32
      %select_n3A_179 = arith.select %eq3A_172, %jit3A_178, %select_n3A_177 : i32
      %eq3A_180 = arith.constant 0 : i32
      %eq3A_181 = arith.cmpi eq, %scan3A_169, %eq3A_180 : i32
      %jit3A_182 = arith.constant 17408 : i32
      %select_n3A_183 = arith.select %eq3A_181, %jit3A_182, %squeeze3A : i32
      %scan3A_184 = arith.constant 0 : i32
      %scan3A_185 = arith.constant 0 : i32
      %scan3A_186 = arith.constant 128 : i32
      %scan3A_187 = arith.addi %scan3A_185, %scan3A_186 : i32
      %scan3A_188 = arith.constant 1 : i32
      %scan3A_189 = scf.for %scan3A_227 = %scan3A_185 to %scan3A_187 step %scan3A_188 iter_args(%scan3A_228 = %scan3A_184) -> (i32)  : i32 {
        %mul3A_229 = arith.constant 16 : i32
        %mul3A_230 = arith.muli %scan3A_227, %mul3A_229 : i32
        %swap3A_231 = arith.index_cast %mul3A_230 : i32 to index
        %swap3A_232 = tpu.vector_load %arg13[%swap3A_231] {strides = array<i32>} : memref<2048xi32, #tpu.memory_space<vmem>>, vector<16xi32>,
        tpu.vector_store %arg13[%swap3A_231], %broadcast_in_dim3A_133 {strides = array<i32>} : memref<2048xi32, #tpu.memory_space<vmem>>, vector<16xi32>,
        %scan3A_233 = arith.constant 0 : i32
        scf.yield %scan3A_233 : i32
      }
      %scan3A_190 = arith.constant 128 : i32
      %scan3A_191 = arith.constant 0 : i32
      %scan3A_192 = arith.constant 0 : i32
      %scan3A_193 = arith.constant 136 : i32
      %scan3A_194 = arith.addi %scan3A_192, %scan3A_193 : i32
      %scan3A_195 = arith.constant 1 : i32
      %scan3A_196 = scf.for %scan3A_227 = %scan3A_192 to %scan3A_194 step %scan3A_195 iter_args(%scan3A_228 = %scan3A_191) -> (i32)  : i32 {
        %mul3A_229 = arith.constant 16 : i32
        %mul3A_230 = arith.muli %scan3A_227, %mul3A_229 : i32
        %get3A_231 = arith.index_cast %mul3A_230 : i32 to index
        %get3A_232 = tpu.vector_load %arg9[%get3A_231] {strides = array<i32>} : memref<2192xi32, #tpu.memory_space<vmem>>, vector<16xi32>,
        %ne3A_233 = arith.constant -1 : i32
        %ne3A_234 = vector.broadcast %ne3A_233 : i32 to vector<16xi32>
        %ne3A_235 = arith.cmpi ne, %get3A_232, %ne3A_234 : vector<16xi32>
        %mul3A_236 = arith.constant 16 : i32
        %mul3A_237 = arith.muli %scan3A_227, %mul3A_236 : i32
        %add3A_238 = arith.addi %mul3A_130, %mul3A_237 : i32
        %add3A_239 = vector.broadcast %add3A_238 : i32 to vector<16xi32>
        %add3A_240 = arith.addi %add3A_239, %iota3A_131 : vector<16xi32>
        %lt3A_241 = vector.broadcast %select_n3A_183 : i32 to vector<16xi32>
        %lt3A_242 = arith.cmpi slt, %add3A_240, %lt3A_241 : vector<16xi32>
        %and3A_243 = arith.andi %ne3A_235, %lt3A_242 : vector<16xi1>
        %shift_right_logical3A = vector.broadcast %select_n3A_179 : i32 to vector<16xi32>
        %shift_right_logical3A_244 = arith.shrui %get3A_232, %shift_right_logical3A : vector<16xi32>
        %and3A_245 = arith.constant 2047 : i32
        %and3A_246 = vector.broadcast %and3A_245 : i32 to vector<16xi32>
        %and3A_247 = arith.andi %shift_right_logical3A_244, %and3A_246 : vector<16xi32>
        tpu.vector_store_idx %arg13[%and3A_247], %broadcast_in_dim3A_135 masked %and3A_243 {add = true} : memref<2048xi32, #tpu.memory_space<vmem>>[vector<16xi32>], vector<16xi32>, vector<16xi1>
        %scan3A_248 = arith.constant 0 : i32
        scf.yield %scan3A_248 : i32
      }
      %scan3A_197 = arith.constant 136 : i32
      %mul3A_198 = arith.constant 8 : i32
      %mul3A_199 = arith.muli %select_n3A, %mul3A_198 : i32
      %add3A_200 = arith.addi %mul3A_199, %select_n3A_28 : i32
      %mul3A_201 = arith.constant 2048 : i32
      %mul3A_202 = arith.muli %add3A_200, %mul3A_201 : i32
      "tpu.region"() ({
        %run_scoped3A = tpu.sem_alloc : memref<!tpu.dma_semaphore, #tpu.memory_space<semaphore_mem>>
        %dma_start3A = tpu.memref_slice %arg24[%mul3A_202] : memref<32768xi32, #tpu.memory_space<vmem_shared>> -> memref<2048xi32, #tpu.memory_space<vmem_shared>>
        %dma_start3A_227 = tpu.memref_slice %arg24[%mul3A_202] : memref<32768xi32, #tpu.memory_space<vmem_shared>> -> memref<2048xi32, #tpu.memory_space<vmem_shared>>
        tpu.enqueue_dma source(%arg13 : memref<2048xi32, #tpu.memory_space<vmem>>) target(%dma_start3A_227 : memref<2048xi32, #tpu.memory_space<vmem_shared>>) target_semaphore(%run_scoped3A : memref<!tpu.dma_semaphore, #tpu.memory_space<semaphore_mem>>)
        %dma_wait3A = tpu.memref_slice %arg24[%mul3A_202] : memref<32768xi32, #tpu.memory_space<vmem_shared>> -> memref<2048xi32, #tpu.memory_space<vmem_shared>>
        %dma_wait3A_228 = tpu.memref_slice %arg24[%mul3A_202] : memref<32768xi32, #tpu.memory_space<vmem_shared>> -> memref<2048xi32, #tpu.memory_space<vmem_shared>>
        tpu.wait_dma2 semaphore(%run_scoped3A : memref<!tpu.dma_semaphore, #tpu.memory_space<semaphore_mem>>) src(%arg13 : memref<2048xi32, #tpu.memory_space<vmem>>) dst(%dma_wait3A_228 : memref<2048xi32, #tpu.memory_space<vmem_shared>>)
        tpu.yield
      }) : () -> ()
      %barrier3A_203 = arith.constant 0 : index
      tpu.barrier barrier_id(%barrier3A_203)
      %mul3A_204 = arith.constant 8 : i32
      %mul3A_205 = arith.muli %select_n3A, %mul3A_204 : i32
      %mul3A_206 = arith.constant 2048 : i32
      %mul3A_207 = arith.muli %mul3A_205, %mul3A_206 : i32
      "tpu.region"() ({
        %run_scoped3A = tpu.sem_alloc : memref<!tpu.dma_semaphore, #tpu.memory_space<semaphore_mem>>
        %dma_start3A = tpu.memref_slice %arg24[%mul3A_207] : memref<32768xi32, #tpu.memory_space<vmem_shared>> -> memref<16384xi32, #tpu.memory_space<vmem_shared>>
        %dma_start3A_227 = tpu.memref_slice %arg24[%mul3A_207] : memref<32768xi32, #tpu.memory_space<vmem_shared>> -> memref<16384xi32, #tpu.memory_space<vmem_shared>>
        tpu.enqueue_dma source(%dma_start3A_227 : memref<16384xi32, #tpu.memory_space<vmem_shared>>) target(%arg14 : memref<16384xi32, #tpu.memory_space<vmem>>) target_semaphore(%run_scoped3A : memref<!tpu.dma_semaphore, #tpu.memory_space<semaphore_mem>>)
        %dma_wait3A = tpu.memref_slice %arg24[%mul3A_207] : memref<32768xi32, #tpu.memory_space<vmem_shared>> -> memref<16384xi32, #tpu.memory_space<vmem_shared>>
        %dma_wait3A_228 = tpu.memref_slice %arg24[%mul3A_207] : memref<32768xi32, #tpu.memory_space<vmem_shared>> -> memref<16384xi32, #tpu.memory_space<vmem_shared>>
        tpu.wait_dma2 semaphore(%run_scoped3A : memref<!tpu.dma_semaphore, #tpu.memory_space<semaphore_mem>>) src(%dma_wait3A_228 : memref<16384xi32, #tpu.memory_space<vmem_shared>>) dst(%arg14 : memref<16384xi32, #tpu.memory_space<vmem>>)
        tpu.yield
      }) : () -> ()
      %scan3A_208 = arith.constant 0 : i32
      %scan3A_209 = arith.constant 0 : i32
      %scan3A_210 = arith.constant 128 : i32
      %scan3A_211 = arith.addi %scan3A_209, %scan3A_210 : i32
      %scan3A_212 = arith.constant 1 : i32
      %scan3A_213 = scf.for %scan3A_227 = %scan3A_209 to %scan3A_211 step %scan3A_212 iter_args(%scan3A_228 = %scan3A_208) -> (i32)  : i32 {
        %broadcast_in_dim3A_229 = arith.constant 0 : i32
        %broadcast_in_dim3A_230 = vector.broadcast %broadcast_in_dim3A_229 : i32 to vector<16xi32>
        %broadcast_in_dim3A_231 = arith.constant 0 : i32
        %broadcast_in_dim3A_232 = vector.broadcast %broadcast_in_dim3A_231 : i32 to vector<16xi32>
        %mul3A_233 = arith.constant 16 : i32
        %mul3A_234 = arith.muli %scan3A_227, %mul3A_233 : i32
        %add3A_235 = arith.constant 0 : i32
        %add3A_236 = arith.addi %add3A_235, %mul3A_234 : i32
        %get3A_237 = arith.index_cast %add3A_236 : i32 to index
        %get3A_238 = tpu.vector_load %arg14[%get3A_237] {strides = array<i32>} : memref<16384xi32, #tpu.memory_space<vmem>>, vector<16xi32>,
        %add3A_239 = arith.addi %broadcast_in_dim3A_230, %get3A_238 : vector<16xi32>
        %gt3A = arith.constant 0 : i32
        %gt3A_240 = arith.cmpi sgt, %select_n3A_28, %gt3A : i32
        %convert_element_type3A = arith.extui %gt3A_240 : i1 to i32
        %mul3A_241 = vector.broadcast %convert_element_type3A : i32 to vector<16xi32>
        %mul3A_242 = arith.muli %get3A_238, %mul3A_241 : vector<16xi32>
        %add3A_243 = arith.addi %broadcast_in_dim3A_232, %mul3A_242 : vector<16xi32>
        %mul3A_244 = arith.constant 16 : i32
        %mul3A_245 = arith.muli %scan3A_227, %mul3A_244 : i32
        %add3A_246 = arith.constant 2048 : i32
        %add3A_247 = arith.addi %add3A_246, %mul3A_245 : i32
        %get3A_248 = arith.index_cast %add3A_247 : i32 to index
        %get3A_249 = tpu.vector_load %arg14[%get3A_248] {strides = array<i32>} : memref<16384xi32, #tpu.memory_space<vmem>>, vector<16xi32>,
        %add3A_250 = arith.addi %add3A_239, %get3A_249 : vector<16xi32>
        %gt3A_251 = arith.constant 1 : i32
        %gt3A_252 = arith.cmpi sgt, %select_n3A_28, %gt3A_251 : i32
        %convert_element_type3A_253 = arith.extui %gt3A_252 : i1 to i32
        %mul3A_254 = vector.broadcast %convert_element_type3A_253 : i32 to vector<16xi32>
        %mul3A_255 = arith.muli %get3A_249, %mul3A_254 : vector<16xi32>
        %add3A_256 = arith.addi %add3A_243, %mul3A_255 : vector<16xi32>
        %mul3A_257 = arith.constant 16 : i32
        %mul3A_258 = arith.muli %scan3A_227, %mul3A_257 : i32
        %add3A_259 = arith.constant 4096 : i32
        %add3A_260 = arith.addi %add3A_259, %mul3A_258 : i32
        %get3A_261 = arith.index_cast %add3A_260 : i32 to index
        %get3A_262 = tpu.vector_load %arg14[%get3A_261] {strides = array<i32>} : memref<16384xi32, #tpu.memory_space<vmem>>, vector<16xi32>,
        %add3A_263 = arith.addi %add3A_250, %get3A_262 : vector<16xi32>
        %gt3A_264 = arith.constant 2 : i32
        %gt3A_265 = arith.cmpi sgt, %select_n3A_28, %gt3A_264 : i32
        %convert_element_type3A_266 = arith.extui %gt3A_265 : i1 to i32
        %mul3A_267 = vector.broadcast %convert_element_type3A_266 : i32 to vector<16xi32>
        %mul3A_268 = arith.muli %get3A_262, %mul3A_267 : vector<16xi32>
        %add3A_269 = arith.addi %add3A_256, %mul3A_268 : vector<16xi32>
        %mul3A_270 = arith.constant 16 : i32
        %mul3A_271 = arith.muli %scan3A_227, %mul3A_270 : i32
        %add3A_272 = arith.constant 6144 : i32
        %add3A_273 = arith.addi %add3A_272, %mul3A_271 : i32
        %get3A_274 = arith.index_cast %add3A_273 : i32 to index
        %get3A_275 = tpu.vector_load %arg14[%get3A_274] {strides = array<i32>} : memref<16384xi32, #tpu.memory_space<vmem>>, vector<16xi32>,
        %add3A_276 = arith.addi %add3A_263, %get3A_275 : vector<16xi32>
        %gt3A_277 = arith.constant 3 : i32
        %gt3A_278 = arith.cmpi sgt, %select_n3A_28, %gt3A_277 : i32
        %convert_element_type3A_279 = arith.extui %gt3A_278 : i1 to i32
        %mul3A_280 = vector.broadcast %convert_element_type3A_279 : i32 to vector<16xi32>
        %mul3A_281 = arith.muli %get3A_275, %mul3A_280 : vector<16xi32>
        %add3A_282 = arith.addi %add3A_269, %mul3A_281 : vector<16xi32>
        %mul3A_283 = arith.constant 16 : i32
        %mul3A_284 = arith.muli %scan3A_227, %mul3A_283 : i32
        %add3A_285 = arith.constant 8192 : i32
        %add3A_286 = arith.addi %add3A_285, %mul3A_284 : i32
        %get3A_287 = arith.index_cast %add3A_286 : i32 to index
        %get3A_288 = tpu.vector_load %arg14[%get3A_287] {strides = array<i32>} : memref<16384xi32, #tpu.memory_space<vmem>>, vector<16xi32>,
        %add3A_289 = arith.addi %add3A_276, %get3A_288 : vector<16xi32>
        %gt3A_290 = arith.constant 4 : i32
        %gt3A_291 = arith.cmpi sgt, %select_n3A_28, %gt3A_290 : i32
        %convert_element_type3A_292 = arith.extui %gt3A_291 : i1 to i32
        %mul3A_293 = vector.broadcast %convert_element_type3A_292 : i32 to vector<16xi32>
        %mul3A_294 = arith.muli %get3A_288, %mul3A_293 : vector<16xi32>
        %add3A_295 = arith.addi %add3A_282, %mul3A_294 : vector<16xi32>
        %mul3A_296 = arith.constant 16 : i32
        %mul3A_297 = arith.muli %scan3A_227, %mul3A_296 : i32
        %add3A_298 = arith.constant 10240 : i32
        %add3A_299 = arith.addi %add3A_298, %mul3A_297 : i32
        %get3A_300 = arith.index_cast %add3A_299 : i32 to index
        %get3A_301 = tpu.vector_load %arg14[%get3A_300] {strides = array<i32>} : memref<16384xi32, #tpu.memory_space<vmem>>, vector<16xi32>,
        %add3A_302 = arith.addi %add3A_289, %get3A_301 : vector<16xi32>
        %gt3A_303 = arith.constant 5 : i32
        %gt3A_304 = arith.cmpi sgt, %select_n3A_28, %gt3A_303 : i32
        %convert_element_type3A_305 = arith.extui %gt3A_304 : i1 to i32
        %mul3A_306 = vector.broadcast %convert_element_type3A_305 : i32 to vector<16xi32>
        %mul3A_307 = arith.muli %get3A_301, %mul3A_306 : vector<16xi32>
        %add3A_308 = arith.addi %add3A_295, %mul3A_307 : vector<16xi32>
        %mul3A_309 = arith.constant 16 : i32
        %mul3A_310 = arith.muli %scan3A_227, %mul3A_309 : i32
        %add3A_311 = arith.constant 12288 : i32
        %add3A_312 = arith.addi %add3A_311, %mul3A_310 : i32
        %get3A_313 = arith.index_cast %add3A_312 : i32 to index
        %get3A_314 = tpu.vector_load %arg14[%get3A_313] {strides = array<i32>} : memref<16384xi32, #tpu.memory_space<vmem>>, vector<16xi32>,
        %add3A_315 = arith.addi %add3A_302, %get3A_314 : vector<16xi32>
        %gt3A_316 = arith.constant 6 : i32
        %gt3A_317 = arith.cmpi sgt, %select_n3A_28, %gt3A_316 : i32
        %convert_element_type3A_318 = arith.extui %gt3A_317 : i1 to i32
        %mul3A_319 = vector.broadcast %convert_element_type3A_318 : i32 to vector<16xi32>
        %mul3A_320 = arith.muli %get3A_314, %mul3A_319 : vector<16xi32>
        %add3A_321 = arith.addi %add3A_308, %mul3A_320 : vector<16xi32>
        %mul3A_322 = arith.constant 16 : i32
        %mul3A_323 = arith.muli %scan3A_227, %mul3A_322 : i32
        %add3A_324 = arith.constant 14336 : i32
        %add3A_325 = arith.addi %add3A_324, %mul3A_323 : i32
        %get3A_326 = arith.index_cast %add3A_325 : i32 to index
        %get3A_327 = tpu.vector_load %arg14[%get3A_326] {strides = array<i32>} : memref<16384xi32, #tpu.memory_space<vmem>>, vector<16xi32>,
        %add3A_328 = arith.addi %add3A_315, %get3A_327 : vector<16xi32>
        %gt3A_329 = arith.constant 7 : i32
        %gt3A_330 = arith.cmpi sgt, %select_n3A_28, %gt3A_329 : i32
        %convert_element_type3A_331 = arith.extui %gt3A_330 : i1 to i32
        %mul3A_332 = vector.broadcast %convert_element_type3A_331 : i32 to vector<16xi32>
        %mul3A_333 = arith.muli %get3A_327, %mul3A_332 : vector<16xi32>
        %add3A_334 = arith.addi %add3A_321, %mul3A_333 : vector<16xi32>
        %broadcast_in_dim3A_335 = arith.constant true
        %broadcast_in_dim3A_336 = vector.broadcast %broadcast_in_dim3A_335 : i1 to vector<16xi1>
        %masked_cumsum3A = tpu.scan <sum>, %add3A_328 masked %broadcast_in_dim3A_336 : vector<16xi32>, vector<16xi1> -> vector<16xi32>
        %sub3A_337 = arith.subi %masked_cumsum3A, %add3A_328 : vector<16xi32>
        %add3A_338 = vector.broadcast %scan3A_228 : i32 to vector<16xi32>
        %add3A_339 = arith.addi %add3A_338, %sub3A_337 : vector<16xi32>
        %add3A_340 = arith.addi %add3A_339, %add3A_334 : vector<16xi32>
        %mul3A_341 = arith.constant 16 : i32
        %mul3A_342 = arith.muli %scan3A_227, %mul3A_341 : i32
        %swap3A_343 = arith.index_cast %mul3A_342 : i32 to index
        %swap3A_344 = tpu.vector_load %arg13[%swap3A_343] {strides = array<i32>} : memref<2048xi32, #tpu.memory_space<vmem>>, vector<16xi32>,
        tpu.vector_store %arg13[%swap3A_343], %add3A_340 {strides = array<i32>} : memref<2048xi32, #tpu.memory_space<vmem>>, vector<16xi32>,
        %slice3A_345 = vector.extract_strided_slice %masked_cumsum3A {offsets = [15], sizes = [1], strides = [1]} : vector<16xi32> to vector<1xi32>
        %squeeze3A_346 = vector.extract %slice3A_345[0] : i32 from vector<1xi32>
        %add3A_347 = arith.addi %scan3A_228, %squeeze3A_346 : i32
        scf.yield %add3A_347 : i32
      }
      %scan3A_214 = arith.constant 128 : i32
      %scan3A_215 = arith.constant 0 : i32
      %scan3A_216 = arith.constant 0 : i32
      %scan3A_217 = arith.constant 8 : i32
      %scan3A_218 = arith.addi %scan3A_216, %scan3A_217 : i32
      %scan3A_219 = arith.constant 1 : i32
      %scan3A_220 = scf.for %scan3A_227 = %scan3A_216 to %scan3A_218 step %scan3A_219 iter_args(%scan3A_228 = %scan3A_215) -> (i32)  : i32 {
        %scan3A_229 = arith.constant 0 : i32
        %scan3A_230 = arith.constant 0 : i32
        %scan3A_231 = arith.constant 17 : i32
        %scan3A_232 = arith.addi %scan3A_230, %scan3A_231 : i32
        %scan3A_233 = arith.constant 1 : i32
        %scan3A_234 = scf.for %scan3A_244 = %scan3A_230 to %scan3A_232 step %scan3A_233 iter_args(%scan3A_245 = %scan3A_229) -> (i32)  : i32 {
          %mul3A_246 = arith.constant 17 : i32
          %mul3A_247 = arith.muli %scan3A_227, %mul3A_246 : i32
          %add3A_248 = arith.addi %mul3A_247, %scan3A_244 : i32
          %mul3A_249 = arith.constant 16 : i32
          %mul3A_250 = arith.muli %add3A_248, %mul3A_249 : i32
          %get3A_251 = arith.index_cast %mul3A_250 : i32 to index
          %get3A_252 = tpu.vector_load %arg9[%get3A_251] {strides = array<i32>} : memref<2192xi32, #tpu.memory_space<vmem>>, vector<16xi32>,
          %ne3A_253 = arith.constant -1 : i32
          %ne3A_254 = vector.broadcast %ne3A_253 : i32 to vector<16xi32>
          %ne3A_255 = arith.cmpi ne, %get3A_252, %ne3A_254 : vector<16xi32>
          %mul3A_256 = arith.constant 16 : i32
          %mul3A_257 = arith.muli %add3A_248, %mul3A_256 : i32
          %add3A_258 = arith.addi %mul3A_130, %mul3A_257 : i32
          %add3A_259 = vector.broadcast %add3A_258 : i32 to vector<16xi32>
          %add3A_260 = arith.addi %add3A_259, %iota3A_131 : vector<16xi32>
          %lt3A_261 = vector.broadcast %select_n3A_183 : i32 to vector<16xi32>
          %lt3A_262 = arith.cmpi slt, %add3A_260, %lt3A_261 : vector<16xi32>
          %and3A_263 = arith.andi %ne3A_255, %lt3A_262 : vector<16xi1>
          %shift_right_logical3A = vector.broadcast %select_n3A_179 : i32 to vector<16xi32>
          %shift_right_logical3A_264 = arith.shrui %get3A_252, %shift_right_logical3A : vector<16xi32>
          %and3A_265 = arith.constant 2047 : i32
          %and3A_266 = vector.broadcast %and3A_265 : i32 to vector<16xi32>
          %and3A_267 = arith.andi %shift_right_logical3A_264, %and3A_266 : vector<16xi32>
          %gather3A = tpu.vector_load_idx %arg13[%and3A_267] : memref<2048xi32, #tpu.memory_space<vmem>>[vector<16xi32>], vector<16xi32>,
          %iota3A_268 = tpu.iota {dimensions = array<i32: 0>} : vector<16xi32>
          %add3A_269 = arith.constant 2048 : i32
          %add3A_270 = vector.broadcast %add3A_269 : i32 to vector<16xi32>
          %add3A_271 = arith.addi %add3A_270, %iota3A_268 : vector<16xi32>
          %select_n3A_272 = arith.select %and3A_263, %and3A_267, %add3A_271 : vector<16xi1>, vector<16xi32>
          %broadcast_in_dim3A_273 = arith.constant 0 : i32
          %broadcast_in_dim3A_274 = vector.broadcast %broadcast_in_dim3A_273 : i32 to vector<16xi32>
          %sub3A_275 = arith.constant 1 : i32
          %sub3A_276 = vector.broadcast %sub3A_275 : i32 to vector<16xi32>
          %sub3A_277 = arith.subi %iota3A_268, %sub3A_276 : vector<16xi32>
          %max3A = arith.constant 0 : i32
          %max3A_278 = vector.broadcast %max3A : i32 to vector<16xi32>
          %max3A_279 = arith.maxsi %sub3A_277, %max3A_278 : vector<16xi32>
          %broadcast_in_dim3A_280 = vector.shape_cast %max3A_279 : vector<16xi32> to vector<16x1xi32>
          %gather3A_281 = vector.shape_cast %broadcast_in_dim3A_280 : vector<16x1xi32> to vector<16xi32>
          %gather3A_282 = tpu.dynamic_gather %select_n3A_272[%gather3A_281] in [0] : vector<16xi32>, vector<16xi32> -> vector<16xi32>
          %eq3A_283 = arith.cmpi eq, %gather3A_282, %select_n3A_272 : vector<16xi32>
          %ge3A = arith.constant 1 : i32
          %ge3A_284 = vector.broadcast %ge3A : i32 to vector<16xi32>
          %ge3A_285 = arith.cmpi sge, %iota3A_268, %ge3A_284 : vector<16xi32>
          %and3A_286 = arith.andi %eq3A_283, %ge3A_285 : vector<16xi1>
          %jit3A_287 = arith.constant 1 : i32
          %jit3A_288 = arith.constant 0 : i32
          %broadcast_in_dim3A_289 = vector.broadcast %jit3A_287 : i32 to vector<16xi32>
          %broadcast_in_dim3A_290 = vector.broadcast %jit3A_288 : i32 to vector<16xi32>
          %select_n3A_291 = arith.select %and3A_286, %broadcast_in_dim3A_289, %broadcast_in_dim3A_290 : vector<16xi1>, vector<16xi32>
          %add3A_292 = arith.addi %broadcast_in_dim3A_274, %select_n3A_291 : vector<16xi32>
          %sub3A_293 = arith.constant 2 : i32
          %sub3A_294 = vector.broadcast %sub3A_293 : i32 to vector<16xi32>
          %sub3A_295 = arith.subi %iota3A_268, %sub3A_294 : vector<16xi32>
          %max3A_296 = arith.constant 0 : i32
          %max3A_297 = vector.broadcast %max3A_296 : i32 to vector<16xi32>
          %max3A_298 = arith.maxsi %sub3A_295, %max3A_297 : vector<16xi32>
          %broadcast_in_dim3A_299 = vector.shape_cast %max3A_298 : vector<16xi32> to vector<16x1xi32>
          %gather3A_300 = vector.shape_cast %broadcast_in_dim3A_299 : vector<16x1xi32> to vector<16xi32>
          %gather3A_301 = tpu.dynamic_gather %select_n3A_272[%gather3A_300] in [0] : vector<16xi32>, vector<16xi32> -> vector<16xi32>
          %eq3A_302 = arith.cmpi eq, %gather3A_301, %select_n3A_272 : vector<16xi32>
          %ge3A_303 = arith.constant 2 : i32
          %ge3A_304 = vector.broadcast %ge3A_303 : i32 to vector<16xi32>
          %ge3A_305 = arith.cmpi sge, %iota3A_268, %ge3A_304 : vector<16xi32>
          %and3A_306 = arith.andi %eq3A_302, %ge3A_305 : vector<16xi1>
          %jit3A_307 = arith.constant 1 : i32
          %jit3A_308 = arith.constant 0 : i32
          %broadcast_in_dim3A_309 = vector.broadcast %jit3A_307 : i32 to vector<16xi32>
          %broadcast_in_dim3A_310 = vector.broadcast %jit3A_308 : i32 to vector<16xi32>
          %select_n3A_311 = arith.select %and3A_306, %broadcast_in_dim3A_309, %broadcast_in_dim3A_310 : vector<16xi1>, vector<16xi32>
          %add3A_312 = arith.addi %add3A_292, %select_n3A_311 : vector<16xi32>
          %sub3A_313 = arith.constant 3 : i32
          %sub3A_314 = vector.broadcast %sub3A_313 : i32 to vector<16xi32>
          %sub3A_315 = arith.subi %iota3A_268, %sub3A_314 : vector<16xi32>
          %max3A_316 = arith.constant 0 : i32
          %max3A_317 = vector.broadcast %max3A_316 : i32 to vector<16xi32>
          %max3A_318 = arith.maxsi %sub3A_315, %max3A_317 : vector<16xi32>
          %broadcast_in_dim3A_319 = vector.shape_cast %max3A_318 : vector<16xi32> to vector<16x1xi32>
          %gather3A_320 = vector.shape_cast %broadcast_in_dim3A_319 : vector<16x1xi32> to vector<16xi32>
          %gather3A_321 = tpu.dynamic_gather %select_n3A_272[%gather3A_320] in [0] : vector<16xi32>, vector<16xi32> -> vector<16xi32>
          %eq3A_322 = arith.cmpi eq, %gather3A_321, %select_n3A_272 : vector<16xi32>
          %ge3A_323 = arith.constant 3 : i32
          %ge3A_324 = vector.broadcast %ge3A_323 : i32 to vector<16xi32>
          %ge3A_325 = arith.cmpi sge, %iota3A_268, %ge3A_324 : vector<16xi32>
          %and3A_326 = arith.andi %eq3A_322, %ge3A_325 : vector<16xi1>
          %jit3A_327 = arith.constant 1 : i32
          %jit3A_328 = arith.constant 0 : i32
          %broadcast_in_dim3A_329 = vector.broadcast %jit3A_327 : i32 to vector<16xi32>
          %broadcast_in_dim3A_330 = vector.broadcast %jit3A_328 : i32 to vector<16xi32>
          %select_n3A_331 = arith.select %and3A_326, %broadcast_in_dim3A_329, %broadcast_in_dim3A_330 : vector<16xi1>, vector<16xi32>
          %add3A_332 = arith.addi %add3A_312, %select_n3A_331 : vector<16xi32>
          %sub3A_333 = arith.constant 4 : i32
          %sub3A_334 = vector.broadcast %sub3A_333 : i32 to vector<16xi32>
          %sub3A_335 = arith.subi %iota3A_268, %sub3A_334 : vector<16xi32>
          %max3A_336 = arith.constant 0 : i32
          %max3A_337 = vector.broadcast %max3A_336 : i32 to vector<16xi32>
          %max3A_338 = arith.maxsi %sub3A_335, %max3A_337 : vector<16xi32>
          %broadcast_in_dim3A_339 = vector.shape_cast %max3A_338 : vector<16xi32> to vector<16x1xi32>
          %gather3A_340 = vector.shape_cast %broadcast_in_dim3A_339 : vector<16x1xi32> to vector<16xi32>
          %gather3A_341 = tpu.dynamic_gather %select_n3A_272[%gather3A_340] in [0] : vector<16xi32>, vector<16xi32> -> vector<16xi32>
          %eq3A_342 = arith.cmpi eq, %gather3A_341, %select_n3A_272 : vector<16xi32>
          %ge3A_343 = arith.constant 4 : i32
          %ge3A_344 = vector.broadcast %ge3A_343 : i32 to vector<16xi32>
          %ge3A_345 = arith.cmpi sge, %iota3A_268, %ge3A_344 : vector<16xi32>
          %and3A_346 = arith.andi %eq3A_342, %ge3A_345 : vector<16xi1>
          %jit3A_347 = arith.constant 1 : i32
          %jit3A_348 = arith.constant 0 : i32
          %broadcast_in_dim3A_349 = vector.broadcast %jit3A_347 : i32 to vector<16xi32>
          %broadcast_in_dim3A_350 = vector.broadcast %jit3A_348 : i32 to vector<16xi32>
          %select_n3A_351 = arith.select %and3A_346, %broadcast_in_dim3A_349, %broadcast_in_dim3A_350 : vector<16xi1>, vector<16xi32>
          %add3A_352 = arith.addi %add3A_332, %select_n3A_351 : vector<16xi32>
          %sub3A_353 = arith.constant 5 : i32
          %sub3A_354 = vector.broadcast %sub3A_353 : i32 to vector<16xi32>
          %sub3A_355 = arith.subi %iota3A_268, %sub3A_354 : vector<16xi32>
          %max3A_356 = arith.constant 0 : i32
          %max3A_357 = vector.broadcast %max3A_356 : i32 to vector<16xi32>
          %max3A_358 = arith.maxsi %sub3A_355, %max3A_357 : vector<16xi32>
          %broadcast_in_dim3A_359 = vector.shape_cast %max3A_358 : vector<16xi32> to vector<16x1xi32>
          %gather3A_360 = vector.shape_cast %broadcast_in_dim3A_359 : vector<16x1xi32> to vector<16xi32>
          %gather3A_361 = tpu.dynamic_gather %select_n3A_272[%gather3A_360] in [0] : vector<16xi32>, vector<16xi32> -> vector<16xi32>
          %eq3A_362 = arith.cmpi eq, %gather3A_361, %select_n3A_272 : vector<16xi32>
          %ge3A_363 = arith.constant 5 : i32
          %ge3A_364 = vector.broadcast %ge3A_363 : i32 to vector<16xi32>
          %ge3A_365 = arith.cmpi sge, %iota3A_268, %ge3A_364 : vector<16xi32>
          %and3A_366 = arith.andi %eq3A_362, %ge3A_365 : vector<16xi1>
          %jit3A_367 = arith.constant 1 : i32
          %jit3A_368 = arith.constant 0 : i32
          %broadcast_in_dim3A_369 = vector.broadcast %jit3A_367 : i32 to vector<16xi32>
          %broadcast_in_dim3A_370 = vector.broadcast %jit3A_368 : i32 to vector<16xi32>
          %select_n3A_371 = arith.select %and3A_366, %broadcast_in_dim3A_369, %broadcast_in_dim3A_370 : vector<16xi1>, vector<16xi32>
          %add3A_372 = arith.addi %add3A_352, %select_n3A_371 : vector<16xi32>
          %sub3A_373 = arith.constant 6 : i32
          %sub3A_374 = vector.broadcast %sub3A_373 : i32 to vector<16xi32>
          %sub3A_375 = arith.subi %iota3A_268, %sub3A_374 : vector<16xi32>
          %max3A_376 = arith.constant 0 : i32
          %max3A_377 = vector.broadcast %max3A_376 : i32 to vector<16xi32>
          %max3A_378 = arith.maxsi %sub3A_375, %max3A_377 : vector<16xi32>
          %broadcast_in_dim3A_379 = vector.shape_cast %max3A_378 : vector<16xi32> to vector<16x1xi32>
          %gather3A_380 = vector.shape_cast %broadcast_in_dim3A_379 : vector<16x1xi32> to vector<16xi32>
          %gather3A_381 = tpu.dynamic_gather %select_n3A_272[%gather3A_380] in [0] : vector<16xi32>, vector<16xi32> -> vector<16xi32>
          %eq3A_382 = arith.cmpi eq, %gather3A_381, %select_n3A_272 : vector<16xi32>
          %ge3A_383 = arith.constant 6 : i32
          %ge3A_384 = vector.broadcast %ge3A_383 : i32 to vector<16xi32>
          %ge3A_385 = arith.cmpi sge, %iota3A_268, %ge3A_384 : vector<16xi32>
          %and3A_386 = arith.andi %eq3A_382, %ge3A_385 : vector<16xi1>
          %jit3A_387 = arith.constant 1 : i32
          %jit3A_388 = arith.constant 0 : i32
          %broadcast_in_dim3A_389 = vector.broadcast %jit3A_387 : i32 to vector<16xi32>
          %broadcast_in_dim3A_390 = vector.broadcast %jit3A_388 : i32 to vector<16xi32>
          %select_n3A_391 = arith.select %and3A_386, %broadcast_in_dim3A_389, %broadcast_in_dim3A_390 : vector<16xi1>, vector<16xi32>
          %add3A_392 = arith.addi %add3A_372, %select_n3A_391 : vector<16xi32>
          %sub3A_393 = arith.constant 7 : i32
          %sub3A_394 = vector.broadcast %sub3A_393 : i32 to vector<16xi32>
          %sub3A_395 = arith.subi %iota3A_268, %sub3A_394 : vector<16xi32>
          %max3A_396 = arith.constant 0 : i32
          %max3A_397 = vector.broadcast %max3A_396 : i32 to vector<16xi32>
          %max3A_398 = arith.maxsi %sub3A_395, %max3A_397 : vector<16xi32>
          %broadcast_in_dim3A_399 = vector.shape_cast %max3A_398 : vector<16xi32> to vector<16x1xi32>
          %gather3A_400 = vector.shape_cast %broadcast_in_dim3A_399 : vector<16x1xi32> to vector<16xi32>
          %gather3A_401 = tpu.dynamic_gather %select_n3A_272[%gather3A_400] in [0] : vector<16xi32>, vector<16xi32> -> vector<16xi32>
          %eq3A_402 = arith.cmpi eq, %gather3A_401, %select_n3A_272 : vector<16xi32>
          %ge3A_403 = arith.constant 7 : i32
          %ge3A_404 = vector.broadcast %ge3A_403 : i32 to vector<16xi32>
          %ge3A_405 = arith.cmpi sge, %iota3A_268, %ge3A_404 : vector<16xi32>
          %and3A_406 = arith.andi %eq3A_402, %ge3A_405 : vector<16xi1>
          %jit3A_407 = arith.constant 1 : i32
          %jit3A_408 = arith.constant 0 : i32
          %broadcast_in_dim3A_409 = vector.broadcast %jit3A_407 : i32 to vector<16xi32>
          %broadcast_in_dim3A_410 = vector.broadcast %jit3A_408 : i32 to vector<16xi32>
          %select_n3A_411 = arith.select %and3A_406, %broadcast_in_dim3A_409, %broadcast_in_dim3A_410 : vector<16xi1>, vector<16xi32>
          %add3A_412 = arith.addi %add3A_392, %select_n3A_411 : vector<16xi32>
          %sub3A_413 = arith.constant 8 : i32
          %sub3A_414 = vector.broadcast %sub3A_413 : i32 to vector<16xi32>
          %sub3A_415 = arith.subi %iota3A_268, %sub3A_414 : vector<16xi32>
          %max3A_416 = arith.constant 0 : i32
          %max3A_417 = vector.broadcast %max3A_416 : i32 to vector<16xi32>
          %max3A_418 = arith.maxsi %sub3A_415, %max3A_417 : vector<16xi32>
          %broadcast_in_dim3A_419 = vector.shape_cast %max3A_418 : vector<16xi32> to vector<16x1xi32>
          %gather3A_420 = vector.shape_cast %broadcast_in_dim3A_419 : vector<16x1xi32> to vector<16xi32>
          %gather3A_421 = tpu.dynamic_gather %select_n3A_272[%gather3A_420] in [0] : vector<16xi32>, vector<16xi32> -> vector<16xi32>
          %eq3A_422 = arith.cmpi eq, %gather3A_421, %select_n3A_272 : vector<16xi32>
          %ge3A_423 = arith.constant 8 : i32
          %ge3A_424 = vector.broadcast %ge3A_423 : i32 to vector<16xi32>
          %ge3A_425 = arith.cmpi sge, %iota3A_268, %ge3A_424 : vector<16xi32>
          %and3A_426 = arith.andi %eq3A_422, %ge3A_425 : vector<16xi1>
          %jit3A_427 = arith.constant 1 : i32
          %jit3A_428 = arith.constant 0 : i32
          %broadcast_in_dim3A_429 = vector.broadcast %jit3A_427 : i32 to vector<16xi32>
          %broadcast_in_dim3A_430 = vector.broadcast %jit3A_428 : i32 to vector<16xi32>
          %select_n3A_431 = arith.select %and3A_426, %broadcast_in_dim3A_429, %broadcast_in_dim3A_430 : vector<16xi1>, vector<16xi32>
          %add3A_432 = arith.addi %add3A_412, %select_n3A_431 : vector<16xi32>
          %sub3A_433 = arith.constant 9 : i32
          %sub3A_434 = vector.broadcast %sub3A_433 : i32 to vector<16xi32>
          %sub3A_435 = arith.subi %iota3A_268, %sub3A_434 : vector<16xi32>
          %max3A_436 = arith.constant 0 : i32
          %max3A_437 = vector.broadcast %max3A_436 : i32 to vector<16xi32>
          %max3A_438 = arith.maxsi %sub3A_435, %max3A_437 : vector<16xi32>
          %broadcast_in_dim3A_439 = vector.shape_cast %max3A_438 : vector<16xi32> to vector<16x1xi32>
          %gather3A_440 = vector.shape_cast %broadcast_in_dim3A_439 : vector<16x1xi32> to vector<16xi32>
          %gather3A_441 = tpu.dynamic_gather %select_n3A_272[%gather3A_440] in [0] : vector<16xi32>, vector<16xi32> -> vector<16xi32>
          %eq3A_442 = arith.cmpi eq, %gather3A_441, %select_n3A_272 : vector<16xi32>
          %ge3A_443 = arith.constant 9 : i32
          %ge3A_444 = vector.broadcast %ge3A_443 : i32 to vector<16xi32>
          %ge3A_445 = arith.cmpi sge, %iota3A_268, %ge3A_444 : vector<16xi32>
          %and3A_446 = arith.andi %eq3A_442, %ge3A_445 : vector<16xi1>
          %jit3A_447 = arith.constant 1 : i32
          %jit3A_448 = arith.constant 0 : i32
          %broadcast_in_dim3A_449 = vector.broadcast %jit3A_447 : i32 to vector<16xi32>
          %broadcast_in_dim3A_450 = vector.broadcast %jit3A_448 : i32 to vector<16xi32>
          %select_n3A_451 = arith.select %and3A_446, %broadcast_in_dim3A_449, %broadcast_in_dim3A_450 : vector<16xi1>, vector<16xi32>
          %add3A_452 = arith.addi %add3A_432, %select_n3A_451 : vector<16xi32>
          %sub3A_453 = arith.constant 10 : i32
          %sub3A_454 = vector.broadcast %sub3A_453 : i32 to vector<16xi32>
          %sub3A_455 = arith.subi %iota3A_268, %sub3A_454 : vector<16xi32>
          %max3A_456 = arith.constant 0 : i32
          %max3A_457 = vector.broadcast %max3A_456 : i32 to vector<16xi32>
          %max3A_458 = arith.maxsi %sub3A_455, %max3A_457 : vector<16xi32>
          %broadcast_in_dim3A_459 = vector.shape_cast %max3A_458 : vector<16xi32> to vector<16x1xi32>
          %gather3A_460 = vector.shape_cast %broadcast_in_dim3A_459 : vector<16x1xi32> to vector<16xi32>
          %gather3A_461 = tpu.dynamic_gather %select_n3A_272[%gather3A_460] in [0] : vector<16xi32>, vector<16xi32> -> vector<16xi32>
          %eq3A_462 = arith.cmpi eq, %gather3A_461, %select_n3A_272 : vector<16xi32>
          %ge3A_463 = arith.constant 10 : i32
          %ge3A_464 = vector.broadcast %ge3A_463 : i32 to vector<16xi32>
          %ge3A_465 = arith.cmpi sge, %iota3A_268, %ge3A_464 : vector<16xi32>
          %and3A_466 = arith.andi %eq3A_462, %ge3A_465 : vector<16xi1>
          %jit3A_467 = arith.constant 1 : i32
          %jit3A_468 = arith.constant 0 : i32
          %broadcast_in_dim3A_469 = vector.broadcast %jit3A_467 : i32 to vector<16xi32>
          %broadcast_in_dim3A_470 = vector.broadcast %jit3A_468 : i32 to vector<16xi32>
          %select_n3A_471 = arith.select %and3A_466, %broadcast_in_dim3A_469, %broadcast_in_dim3A_470 : vector<16xi1>, vector<16xi32>
          %add3A_472 = arith.addi %add3A_452, %select_n3A_471 : vector<16xi32>
          %sub3A_473 = arith.constant 11 : i32
          %sub3A_474 = vector.broadcast %sub3A_473 : i32 to vector<16xi32>
          %sub3A_475 = arith.subi %iota3A_268, %sub3A_474 : vector<16xi32>
          %max3A_476 = arith.constant 0 : i32
          %max3A_477 = vector.broadcast %max3A_476 : i32 to vector<16xi32>
          %max3A_478 = arith.maxsi %sub3A_475, %max3A_477 : vector<16xi32>
          %broadcast_in_dim3A_479 = vector.shape_cast %max3A_478 : vector<16xi32> to vector<16x1xi32>
          %gather3A_480 = vector.shape_cast %broadcast_in_dim3A_479 : vector<16x1xi32> to vector<16xi32>
          %gather3A_481 = tpu.dynamic_gather %select_n3A_272[%gather3A_480] in [0] : vector<16xi32>, vector<16xi32> -> vector<16xi32>
          %eq3A_482 = arith.cmpi eq, %gather3A_481, %select_n3A_272 : vector<16xi32>
          %ge3A_483 = arith.constant 11 : i32
          %ge3A_484 = vector.broadcast %ge3A_483 : i32 to vector<16xi32>
          %ge3A_485 = arith.cmpi sge, %iota3A_268, %ge3A_484 : vector<16xi32>
          %and3A_486 = arith.andi %eq3A_482, %ge3A_485 : vector<16xi1>
          %jit3A_487 = arith.constant 1 : i32
          %jit3A_488 = arith.constant 0 : i32
          %broadcast_in_dim3A_489 = vector.broadcast %jit3A_487 : i32 to vector<16xi32>
          %broadcast_in_dim3A_490 = vector.broadcast %jit3A_488 : i32 to vector<16xi32>
          %select_n3A_491 = arith.select %and3A_486, %broadcast_in_dim3A_489, %broadcast_in_dim3A_490 : vector<16xi1>, vector<16xi32>
          %add3A_492 = arith.addi %add3A_472, %select_n3A_491 : vector<16xi32>
          %sub3A_493 = arith.constant 12 : i32
          %sub3A_494 = vector.broadcast %sub3A_493 : i32 to vector<16xi32>
          %sub3A_495 = arith.subi %iota3A_268, %sub3A_494 : vector<16xi32>
          %max3A_496 = arith.constant 0 : i32
          %max3A_497 = vector.broadcast %max3A_496 : i32 to vector<16xi32>
          %max3A_498 = arith.maxsi %sub3A_495, %max3A_497 : vector<16xi32>
          %broadcast_in_dim3A_499 = vector.shape_cast %max3A_498 : vector<16xi32> to vector<16x1xi32>
          %gather3A_500 = vector.shape_cast %broadcast_in_dim3A_499 : vector<16x1xi32> to vector<16xi32>
          %gather3A_501 = tpu.dynamic_gather %select_n3A_272[%gather3A_500] in [0] : vector<16xi32>, vector<16xi32> -> vector<16xi32>
          %eq3A_502 = arith.cmpi eq, %gather3A_501, %select_n3A_272 : vector<16xi32>
          %ge3A_503 = arith.constant 12 : i32
          %ge3A_504 = vector.broadcast %ge3A_503 : i32 to vector<16xi32>
          %ge3A_505 = arith.cmpi sge, %iota3A_268, %ge3A_504 : vector<16xi32>
          %and3A_506 = arith.andi %eq3A_502, %ge3A_505 : vector<16xi1>
          %jit3A_507 = arith.constant 1 : i32
          %jit3A_508 = arith.constant 0 : i32
          %broadcast_in_dim3A_509 = vector.broadcast %jit3A_507 : i32 to vector<16xi32>
          %broadcast_in_dim3A_510 = vector.broadcast %jit3A_508 : i32 to vector<16xi32>
          %select_n3A_511 = arith.select %and3A_506, %broadcast_in_dim3A_509, %broadcast_in_dim3A_510 : vector<16xi1>, vector<16xi32>
          %add3A_512 = arith.addi %add3A_492, %select_n3A_511 : vector<16xi32>
          %sub3A_513 = arith.constant 13 : i32
          %sub3A_514 = vector.broadcast %sub3A_513 : i32 to vector<16xi32>
          %sub3A_515 = arith.subi %iota3A_268, %sub3A_514 : vector<16xi32>
          %max3A_516 = arith.constant 0 : i32
          %max3A_517 = vector.broadcast %max3A_516 : i32 to vector<16xi32>
          %max3A_518 = arith.maxsi %sub3A_515, %max3A_517 : vector<16xi32>
          %broadcast_in_dim3A_519 = vector.shape_cast %max3A_518 : vector<16xi32> to vector<16x1xi32>
          %gather3A_520 = vector.shape_cast %broadcast_in_dim3A_519 : vector<16x1xi32> to vector<16xi32>
          %gather3A_521 = tpu.dynamic_gather %select_n3A_272[%gather3A_520] in [0] : vector<16xi32>, vector<16xi32> -> vector<16xi32>
          %eq3A_522 = arith.cmpi eq, %gather3A_521, %select_n3A_272 : vector<16xi32>
          %ge3A_523 = arith.constant 13 : i32
          %ge3A_524 = vector.broadcast %ge3A_523 : i32 to vector<16xi32>
          %ge3A_525 = arith.cmpi sge, %iota3A_268, %ge3A_524 : vector<16xi32>
          %and3A_526 = arith.andi %eq3A_522, %ge3A_525 : vector<16xi1>
          %jit3A_527 = arith.constant 1 : i32
          %jit3A_528 = arith.constant 0 : i32
          %broadcast_in_dim3A_529 = vector.broadcast %jit3A_527 : i32 to vector<16xi32>
          %broadcast_in_dim3A_530 = vector.broadcast %jit3A_528 : i32 to vector<16xi32>
          %select_n3A_531 = arith.select %and3A_526, %broadcast_in_dim3A_529, %broadcast_in_dim3A_530 : vector<16xi1>, vector<16xi32>
          %add3A_532 = arith.addi %add3A_512, %select_n3A_531 : vector<16xi32>
          %sub3A_533 = arith.constant 14 : i32
          %sub3A_534 = vector.broadcast %sub3A_533 : i32 to vector<16xi32>
          %sub3A_535 = arith.subi %iota3A_268, %sub3A_534 : vector<16xi32>
          %max3A_536 = arith.constant 0 : i32
          %max3A_537 = vector.broadcast %max3A_536 : i32 to vector<16xi32>
          %max3A_538 = arith.maxsi %sub3A_535, %max3A_537 : vector<16xi32>
          %broadcast_in_dim3A_539 = vector.shape_cast %max3A_538 : vector<16xi32> to vector<16x1xi32>
          %gather3A_540 = vector.shape_cast %broadcast_in_dim3A_539 : vector<16x1xi32> to vector<16xi32>
          %gather3A_541 = tpu.dynamic_gather %select_n3A_272[%gather3A_540] in [0] : vector<16xi32>, vector<16xi32> -> vector<16xi32>
          %eq3A_542 = arith.cmpi eq, %gather3A_541, %select_n3A_272 : vector<16xi32>
          %ge3A_543 = arith.constant 14 : i32
          %ge3A_544 = vector.broadcast %ge3A_543 : i32 to vector<16xi32>
          %ge3A_545 = arith.cmpi sge, %iota3A_268, %ge3A_544 : vector<16xi32>
          %and3A_546 = arith.andi %eq3A_542, %ge3A_545 : vector<16xi1>
          %jit3A_547 = arith.constant 1 : i32
          %jit3A_548 = arith.constant 0 : i32
          %broadcast_in_dim3A_549 = vector.broadcast %jit3A_547 : i32 to vector<16xi32>
          %broadcast_in_dim3A_550 = vector.broadcast %jit3A_548 : i32 to vector<16xi32>
          %select_n3A_551 = arith.select %and3A_546, %broadcast_in_dim3A_549, %broadcast_in_dim3A_550 : vector<16xi1>, vector<16xi32>
          %add3A_552 = arith.addi %add3A_532, %select_n3A_551 : vector<16xi32>
          %sub3A_553 = arith.constant 15 : i32
          %sub3A_554 = vector.broadcast %sub3A_553 : i32 to vector<16xi32>
          %sub3A_555 = arith.subi %iota3A_268, %sub3A_554 : vector<16xi32>
          %max3A_556 = arith.constant 0 : i32
          %max3A_557 = vector.broadcast %max3A_556 : i32 to vector<16xi32>
          %max3A_558 = arith.maxsi %sub3A_555, %max3A_557 : vector<16xi32>
          %broadcast_in_dim3A_559 = vector.shape_cast %max3A_558 : vector<16xi32> to vector<16x1xi32>
          %gather3A_560 = vector.shape_cast %broadcast_in_dim3A_559 : vector<16x1xi32> to vector<16xi32>
          %gather3A_561 = tpu.dynamic_gather %select_n3A_272[%gather3A_560] in [0] : vector<16xi32>, vector<16xi32> -> vector<16xi32>
          %eq3A_562 = arith.cmpi eq, %gather3A_561, %select_n3A_272 : vector<16xi32>
          %ge3A_563 = arith.constant 15 : i32
          %ge3A_564 = vector.broadcast %ge3A_563 : i32 to vector<16xi32>
          %ge3A_565 = arith.cmpi sge, %iota3A_268, %ge3A_564 : vector<16xi32>
          %and3A_566 = arith.andi %eq3A_562, %ge3A_565 : vector<16xi1>
          %jit3A_567 = arith.constant 1 : i32
          %jit3A_568 = arith.constant 0 : i32
          %broadcast_in_dim3A_569 = vector.broadcast %jit3A_567 : i32 to vector<16xi32>
          %broadcast_in_dim3A_570 = vector.broadcast %jit3A_568 : i32 to vector<16xi32>
          %select_n3A_571 = arith.select %and3A_566, %broadcast_in_dim3A_569, %broadcast_in_dim3A_570 : vector<16xi1>, vector<16xi32>
          %add3A_572 = arith.addi %add3A_552, %select_n3A_571 : vector<16xi32>
          %add3A_573 = arith.addi %gather3A, %add3A_572 : vector<16xi32>
          %add3A_574 = vector.broadcast %mul3A_128 : i32 to vector<16xi32>
          %add3A_575 = arith.addi %add3A_574, %add3A_573 : vector<16xi32>
          %add3A_576 = arith.constant 34816 : i32
          %add3A_577 = vector.broadcast %add3A_576 : i32 to vector<16xi32>
          %add3A_578 = arith.addi %add3A_577, %iota3A_131 : vector<16xi32>
          %select_n3A_579 = arith.select %and3A_263, %add3A_575, %add3A_578 : vector<16xi1>, vector<16xi32>
          tpu.vector_store_idx %arg13[%and3A_267], %broadcast_in_dim3A_135 masked %and3A_263 {add = true} : memref<2048xi32, #tpu.memory_space<vmem>>[vector<16xi32>], vector<16xi32>, vector<16xi1>
          %mul3A_580 = arith.constant 16 : i32
          %mul3A_581 = arith.muli %add3A_248, %mul3A_580 : i32
          %dma_start3A = tpu.memref_slice %arg9[%mul3A_581] : memref<2192xi32, #tpu.memory_space<vmem>> -> memref<16xi32, #tpu.memory_space<vmem>>
          %dma_start3A_582 = arith.constant 0 : i32
          %dma_start3A_583 = tpu.memref_slice %arg25[%dma_start3A_582] : memref<34832xi32, #tpu.memory_space<vmem_shared>> -> memref<34832xi32, #tpu.memory_space<vmem_shared>>
          tpu.enqueue_indirect_dma source(%dma_start3A : memref<16xi32, #tpu.memory_space<vmem>>) target(%dma_start3A_583 : memref<34832xi32, #tpu.memory_space<vmem_shared>>) offsets(%select_n3A_579 : vector<16xi32>) semaphore(%arg27 : memref<!tpu.dma_semaphore, #tpu.memory_space<semaphore_mem>>)
          %mul3A_584 = arith.constant 16 : i32
          %mul3A_585 = arith.muli %add3A_248, %mul3A_584 : i32
          %dma_start3A_586 = tpu.memref_slice %arg10[%mul3A_585] : memref<2192xi32, #tpu.memory_space<vmem>> -> memref<16xi32, #tpu.memory_space<vmem>>
          %dma_start3A_587 = arith.constant 0 : i32
          %dma_start3A_588 = tpu.memref_slice %arg26[%dma_start3A_587] : memref<34832xi32, #tpu.memory_space<vmem_shared>> -> memref<34832xi32, #tpu.memory_space<vmem_shared>>
          tpu.enqueue_indirect_dma source(%dma_start3A_586 : memref<16xi32, #tpu.memory_space<vmem>>) target(%dma_start3A_588 : memref<34832xi32, #tpu.memory_space<vmem_shared>>) offsets(%select_n3A_579 : vector<16xi32>) semaphore(%arg27 : memref<!tpu.dma_semaphore, #tpu.memory_space<semaphore_mem>>)
          %scan3A_589 = arith.constant 0 : i32
          scf.yield %scan3A_589 : i32
        }
        %scan3A_235 = arith.constant 17 : i32
        %dma_wait3A = arith.constant 0 : i32
        %dma_wait3A_236 = tpu.memref_slice %arg8[%dma_wait3A] : memref<18432xf32, #tpu.memory_space<vmem>> -> memref<544xf32, #tpu.memory_space<vmem>>
        %dma_wait3A_237 = arith.constant 0 : i32
        %dma_wait3A_238 = tpu.memref_slice %arg2[%dma_wait3A_237] : memref<589824xf32, #tpu.memory_space<hbm>> -> memref<544xf32, #tpu.memory_space<hbm>>
        %dma_wait3A_239 = arith.constant 0 : i32
        %dma_wait3A_240 = tpu.memref_slice %arg8[%dma_wait3A_239] : memref<18432xf32, #tpu.memory_space<vmem>> -> memref<544xf32, #tpu.memory_space<vmem>>
        %dma_wait3A_241 = arith.constant 0 : i32
        %dma_wait3A_242 = tpu.memref_slice %arg2[%dma_wait3A_241] : memref<589824xf32, #tpu.memory_space<hbm>> -> memref<544xf32, #tpu.memory_space<hbm>>
        tpu.wait_dma2 semaphore(%arg27 : memref<!tpu.dma_semaphore, #tpu.memory_space<semaphore_mem>>) src(%dma_wait3A_242 : memref<544xf32, #tpu.memory_space<hbm>>) dst(%dma_wait3A_240 : memref<544xf32, #tpu.memory_space<vmem>>)
        %scan3A_243 = arith.constant 0 : i32
        scf.yield %scan3A_243 : i32
      }
      %scan3A_221 = arith.constant 8 : i32
      %barrier3A_222 = arith.constant 0 : index
      tpu.barrier barrier_id(%barrier3A_222)
      %add3A_223 = arith.addi %mul3A_128, %mul3A_130 : i32
      "tpu.region"() ({
        %run_scoped3A = tpu.sem_alloc : memref<!tpu.dma_semaphore, #tpu.memory_space<semaphore_mem>>
        %dma_start3A = arith.constant 0 : i32
        %dma_start3A_227 = tpu.memref_slice %arg9[%dma_start3A] : memref<2192xi32, #tpu.memory_space<vmem>> -> memref<2176xi32, #tpu.memory_space<vmem>>
        %dma_start3A_228 = tpu.memref_slice %arg25[%add3A_223] : memref<34832xi32, #tpu.memory_space<vmem_shared>> -> memref<2176xi32, #tpu.memory_space<vmem_shared>>
        %dma_start3A_229 = arith.constant 0 : i32
        %dma_start3A_230 = tpu.memref_slice %arg9[%dma_start3A_229] : memref<2192xi32, #tpu.memory_space<vmem>> -> memref<2176xi32, #tpu.memory_space<vmem>>
        %dma_start3A_231 = tpu.memref_slice %arg25[%add3A_223] : memref<34832xi32, #tpu.memory_space<vmem_shared>> -> memref<2176xi32, #tpu.memory_space<vmem_shared>>
        tpu.enqueue_dma source(%dma_start3A_231 : memref<2176xi32, #tpu.memory_space<vmem_shared>>) target(%dma_start3A_230 : memref<2176xi32, #tpu.memory_space<vmem>>) target_semaphore(%run_scoped3A : memref<!tpu.dma_semaphore, #tpu.memory_space<semaphore_mem>>)
        %dma_wait3A = arith.constant 0 : i32
        %dma_wait3A_232 = tpu.memref_slice %arg9[%dma_wait3A] : memref<2192xi32, #tpu.memory_space<vmem>> -> memref<2176xi32, #tpu.memory_space<vmem>>
        %dma_wait3A_233 = tpu.memref_slice %arg25[%add3A_223] : memref<34832xi32, #tpu.memory_space<vmem_shared>> -> memref<2176xi32, #tpu.memory_space<vmem_shared>>
        %dma_wait3A_234 = arith.constant 0 : i32
        %dma_wait3A_235 = tpu.memref_slice %arg9[%dma_wait3A_234] : memref<2192xi32, #tpu.memory_space<vmem>> -> memref<2176xi32, #tpu.memory_space<vmem>>
        %dma_wait3A_236 = tpu.memref_slice %arg25[%add3A_223] : memref<34832xi32, #tpu.memory_space<vmem_shared>> -> memref<2176xi32, #tpu.memory_space<vmem_shared>>
        tpu.wait_dma2 semaphore(%run_scoped3A : memref<!tpu.dma_semaphore, #tpu.memory_space<semaphore_mem>>) src(%dma_wait3A_236 : memref<2176xi32, #tpu.memory_space<vmem_shared>>) dst(%dma_wait3A_235 : memref<2176xi32, #tpu.memory_space<vmem>>)
        tpu.yield
      }) : () -> ()
      %add3A_224 = arith.addi %mul3A_128, %mul3A_130 : i32
      "tpu.region"() ({
        %run_scoped3A = tpu.sem_alloc : memref<!tpu.dma_semaphore, #tpu.memory_space<semaphore_mem>>
        %dma_start3A = arith.constant 0 : i32
        %dma_start3A_227 = tpu.memref_slice %arg10[%dma_start3A] : memref<2192xi32, #tpu.memory_space<vmem>> -> memref<2176xi32, #tpu.memory_space<vmem>>
        %dma_start3A_228 = tpu.memref_slice %arg26[%add3A_224] : memref<34832xi32, #tpu.memory_space<vmem_shared>> -> memref<2176xi32, #tpu.memory_space<vmem_shared>>
        %dma_start3A_229 = arith.constant 0 : i32
        %dma_start3A_230 = tpu.memref_slice %arg10[%dma_start3A_229] : memref<2192xi32, #tpu.memory_space<vmem>> -> memref<2176xi32, #tpu.memory_space<vmem>>
        %dma_start3A_231 = tpu.memref_slice %arg26[%add3A_224] : memref<34832xi32, #tpu.memory_space<vmem_shared>> -> memref<2176xi32, #tpu.memory_space<vmem_shared>>
        tpu.enqueue_dma source(%dma_start3A_231 : memref<2176xi32, #tpu.memory_space<vmem_shared>>) target(%dma_start3A_230 : memref<2176xi32, #tpu.memory_space<vmem>>) target_semaphore(%run_scoped3A : memref<!tpu.dma_semaphore, #tpu.memory_space<semaphore_mem>>)
        %dma_wait3A = arith.constant 0 : i32
        %dma_wait3A_232 = tpu.memref_slice %arg10[%dma_wait3A] : memref<2192xi32, #tpu.memory_space<vmem>> -> memref<2176xi32, #tpu.memory_space<vmem>>
        %dma_wait3A_233 = tpu.memref_slice %arg26[%add3A_224] : memref<34832xi32, #tpu.memory_space<vmem_shared>> -> memref<2176xi32, #tpu.memory_space<vmem_shared>>
        %dma_wait3A_234 = arith.constant 0 : i32
        %dma_wait3A_235 = tpu.memref_slice %arg10[%dma_wait3A_234] : memref<2192xi32, #tpu.memory_space<vmem>> -> memref<2176xi32, #tpu.memory_space<vmem>>
        %dma_wait3A_236 = tpu.memref_slice %arg26[%add3A_224] : memref<34832xi32, #tpu.memory_space<vmem_shared>> -> memref<2176xi32, #tpu.memory_space<vmem_shared>>
        tpu.wait_dma2 semaphore(%run_scoped3A : memref<!tpu.dma_semaphore, #tpu.memory_space<semaphore_mem>>) src(%dma_wait3A_236 : memref<2176xi32, #tpu.memory_space<vmem_shared>>) dst(%dma_wait3A_235 : memref<2176xi32, #tpu.memory_space<vmem>>)
        tpu.yield
      }) : () -> ()
      %barrier3A_225 = arith.constant 0 : index
      tpu.barrier barrier_id(%barrier3A_225)
      %scan3A_226 = arith.constant 0 : i32
      scf.yield %scan3A_226 : i32
    }
    %scan3A_142 = arith.constant 3 : i32
    %mul3A_143 = arith.constant 640 : i32
    %mul3A_144 = arith.muli %select_n3A_28, %mul3A_143 : i32
    %add3A_145 = arith.addi %mul3A_128, %mul3A_144 : i32
    "tpu.region"() ({
      %run_scoped3A = tpu.sem_alloc : memref<!tpu.dma_semaphore, #tpu.memory_space<semaphore_mem>>
      %dma_start3A = tpu.memref_slice %arg26[%add3A_145] : memref<34832xi32, #tpu.memory_space<vmem_shared>> -> memref<640xi32, #tpu.memory_space<vmem_shared>>
      %dma_start3A_169 = tpu.memref_slice %arg26[%add3A_145] : memref<34832xi32, #tpu.memory_space<vmem_shared>> -> memref<640xi32, #tpu.memory_space<vmem_shared>>
      tpu.enqueue_dma source(%dma_start3A_169 : memref<640xi32, #tpu.memory_space<vmem_shared>>) target(%arg15 : memref<640xi32, #tpu.memory_space<vmem>>) target_semaphore(%run_scoped3A : memref<!tpu.dma_semaphore, #tpu.memory_space<semaphore_mem>>)
      %dma_wait3A = tpu.memref_slice %arg26[%add3A_145] : memref<34832xi32, #tpu.memory_space<vmem_shared>> -> memref<640xi32, #tpu.memory_space<vmem_shared>>
      %dma_wait3A_170 = tpu.memref_slice %arg26[%add3A_145] : memref<34832xi32, #tpu.memory_space<vmem_shared>> -> memref<640xi32, #tpu.memory_space<vmem_shared>>
      tpu.wait_dma2 semaphore(%run_scoped3A : memref<!tpu.dma_semaphore, #tpu.memory_space<semaphore_mem>>) src(%dma_wait3A_170 : memref<640xi32, #tpu.memory_space<vmem_shared>>) dst(%arg15 : memref<640xi32, #tpu.memory_space<vmem>>)
      tpu.yield
    }) : () -> ()
    %mul3A_146 = arith.constant 2 : i32
    %mul3A_147 = vector.broadcast %mul3A_146 : i32 to vector<16xi32>
    %mul3A_148 = arith.muli %mul3A_147, %iota3A : vector<16xi32>
    %mul3A_149 = arith.constant 96 : i32
    %mul3A_150 = vector.broadcast %mul3A_149 : i32 to vector<16xi32>
    %mul3A_151 = arith.muli %iota3A, %mul3A_150 : vector<16xi32>
    %scan3A_152 = arith.constant 0 : i32
    %scan3A_153 = arith.constant 0 : i32
    %scan3A_154 = arith.constant 40 : i32
    %scan3A_155 = arith.addi %scan3A_153, %scan3A_154 : i32
    %scan3A_156 = arith.constant 1 : i32
    %scan3A_157 = scf.for %scan3A_169 = %scan3A_153 to %scan3A_155 step %scan3A_156 iter_args(%scan3A_170 = %scan3A_152) -> (i32)  : i32 {
      %mul3A_171 = arith.constant 16 : i32
      %mul3A_172 = arith.muli %scan3A_169, %mul3A_171 : i32
      %add3A_173 = arith.addi %mul3A_144, %mul3A_172 : i32
      %add3A_174 = vector.broadcast %add3A_173 : i32 to vector<16xi32>
      %add3A_175 = arith.addi %add3A_174, %iota3A : vector<16xi32>
      %mul3A_176 = arith.constant 16 : i32
      %mul3A_177 = arith.muli %scan3A_169, %mul3A_176 : i32
      %get3A_178 = arith.index_cast %mul3A_177 : i32 to index
      %get3A_179 = tpu.vector_load %arg15[%get3A_178] {strides = array<i32>} : memref<640xi32, #tpu.memory_space<vmem>>, vector<16xi32>,
      %lt3A_180 = vector.broadcast %squeeze3A : i32 to vector<16xi32>
      %lt3A_181 = arith.cmpi slt, %add3A_175, %lt3A_180 : vector<16xi32>
      %sub3A_182 = vector.broadcast %squeeze3A : i32 to vector<16xi32>
      %sub3A_183 = arith.subi %add3A_175, %sub3A_182 : vector<16xi32>
      %select_n3A_184 = arith.select %lt3A_181, %get3A_179, %sub3A_183 : vector<16xi1>, vector<16xi32>
      %shift_right_logical3A = arith.constant 7 : i32
      %shift_right_logical3A_185 = vector.broadcast %shift_right_logical3A : i32 to vector<16xi32>
      %shift_right_logical3A_186 = arith.shrui %select_n3A_184, %shift_right_logical3A_185 : vector<16xi32>
      %mul3A_187 = arith.constant 683 : i32
      %mul3A_188 = vector.broadcast %mul3A_187 : i32 to vector<16xi32>
      %mul3A_189 = arith.muli %shift_right_logical3A_186, %mul3A_188 : vector<16xi32>
      %shift_right_logical3A_190 = arith.constant 11 : i32
      %shift_right_logical3A_191 = vector.broadcast %shift_right_logical3A_190 : i32 to vector<16xi32>
      %shift_right_logical3A_192 = arith.shrui %mul3A_189, %shift_right_logical3A_191 : vector<16xi32>
      %mul3A_193 = arith.constant 384 : i32
      %mul3A_194 = vector.broadcast %mul3A_193 : i32 to vector<16xi32>
      %mul3A_195 = arith.muli %shift_right_logical3A_192, %mul3A_194 : vector<16xi32>
      %sub3A_196 = arith.subi %select_n3A_184, %mul3A_195 : vector<16xi32>
      %convert_element_type3A = arith.sitofp %sub3A_196 : vector<16xi32> to vector<16xf32>
      %convert_element_type3A_197 = arith.sitofp %shift_right_logical3A_192 : vector<16xi32> to vector<16xf32>
      %div3A_198 = arith.constant 3.830000e+02 : f32
      %div3A_199 = vector.broadcast %div3A_198 : f32 to vector<16xf32>
      %div3A_200 = arith.divf %convert_element_type3A, %div3A_199 : vector<16xf32>
      %mul3A_201 = arith.constant 2.000000e+00 : f32
      %mul3A_202 = vector.broadcast %mul3A_201 : f32 to vector<16xf32>
      %mul3A_203 = arith.mulf %div3A_200, %mul3A_202 : vector<16xf32>
      %sub3A_204 = arith.constant 1.000000e+00 : f32
      %sub3A_205 = vector.broadcast %sub3A_204 : f32 to vector<16xf32>
      %sub3A_206 = arith.subf %mul3A_203, %sub3A_205 : vector<16xf32>
      %div3A_207 = arith.constant 3.830000e+02 : f32
      %div3A_208 = vector.broadcast %div3A_207 : f32 to vector<16xf32>
      %div3A_209 = arith.divf %convert_element_type3A_197, %div3A_208 : vector<16xf32>
      %mul3A_210 = arith.constant 2.000000e+00 : f32
      %mul3A_211 = vector.broadcast %mul3A_210 : f32 to vector<16xf32>
      %mul3A_212 = arith.mulf %div3A_209, %mul3A_211 : vector<16xf32>
      %sub3A_213 = arith.constant 1.000000e+00 : f32
      %sub3A_214 = vector.broadcast %sub3A_213 : f32 to vector<16xf32>
      %sub3A_215 = arith.subf %mul3A_212, %sub3A_214 : vector<16xf32>
      %mul3A_216 = arith.constant 32 : i32
      %mul3A_217 = arith.muli %scan3A_169, %mul3A_216 : i32
      %add3A_218 = vector.broadcast %mul3A_217 : i32 to vector<16xi32>
      %add3A_219 = arith.addi %mul3A_148, %add3A_218 : vector<16xi32>
      tpu.vector_store_idx %arg21[%add3A_219], %sub3A_206 : memref<1280xf32, #tpu.memory_space<vmem>>[vector<16xi32>], vector<16xf32>,
      %mul3A_220 = arith.constant 32 : i32
      %mul3A_221 = arith.muli %scan3A_169, %mul3A_220 : i32
      %add3A_222 = vector.broadcast %mul3A_221 : i32 to vector<16xi32>
      %add3A_223 = arith.addi %mul3A_148, %add3A_222 : vector<16xi32>
      %add3A_224 = arith.constant 1 : i32
      %add3A_225 = vector.broadcast %add3A_224 : i32 to vector<16xi32>
      %add3A_226 = arith.addi %add3A_223, %add3A_225 : vector<16xi32>
      tpu.vector_store_idx %arg21[%add3A_226], %sub3A_215 : memref<1280xf32, #tpu.memory_space<vmem>>[vector<16xi32>], vector<16xf32>,
      %add3A_227 = arith.constant 1.000000e+00 : f32
      %add3A_228 = vector.broadcast %add3A_227 : f32 to vector<16xf32>
      %add3A_229 = arith.addf %sub3A_206, %add3A_228 : vector<16xf32>
      %div3A_230 = arith.constant 2.000000e+00 : f32
      %div3A_231 = vector.broadcast %div3A_230 : f32 to vector<16xf32>
      %div3A_232 = arith.divf %add3A_229, %div3A_231 : vector<16xf32>
      %mul3A_233 = arith.constant 3.830000e+02 : f32
      %mul3A_234 = vector.broadcast %mul3A_233 : f32 to vector<16xf32>
      %mul3A_235 = arith.mulf %div3A_232, %mul3A_234 : vector<16xf32>
      %add3A_236 = arith.constant 1.000000e+00 : f32
      %add3A_237 = vector.broadcast %add3A_236 : f32 to vector<16xf32>
      %add3A_238 = arith.addf %sub3A_215, %add3A_237 : vector<16xf32>
      %div3A_239 = arith.constant 2.000000e+00 : f32
      %div3A_240 = vector.broadcast %div3A_239 : f32 to vector<16xf32>
      %div3A_241 = arith.divf %add3A_238, %div3A_240 : vector<16xf32>
      %mul3A_242 = arith.constant 3.830000e+02 : f32
      %mul3A_243 = vector.broadcast %mul3A_242 : f32 to vector<16xf32>
      %mul3A_244 = arith.mulf %div3A_241, %mul3A_243 : vector<16xf32>
      %convert_element_type3A_245 = arith.fptosi %mul3A_235 : vector<16xf32> to vector<16xi32>
      %convert_element_type3A_246 = arith.fptosi %mul3A_244 : vector<16xf32> to vector<16xi32>
      %convert_element_type3A_247 = arith.sitofp %convert_element_type3A_245 : vector<16xi32> to vector<16xf32>
      %convert_element_type3A_248 = arith.sitofp %convert_element_type3A_246 : vector<16xi32> to vector<16xf32>
      %sub3A_249 = arith.subf %mul3A_235, %convert_element_type3A_247 : vector<16xf32>
      %sub3A_250 = arith.constant 1.000000e+00 : f32
      %sub3A_251 = vector.broadcast %sub3A_250 : f32 to vector<16xf32>
      %sub3A_252 = arith.subf %sub3A_251, %sub3A_249 : vector<16xf32>
      %sub3A_253 = arith.subf %mul3A_244, %convert_element_type3A_248 : vector<16xf32>
      %sub3A_254 = arith.constant 1.000000e+00 : f32
      %sub3A_255 = vector.broadcast %sub3A_254 : f32 to vector<16xf32>
      %sub3A_256 = arith.subf %sub3A_255, %sub3A_253 : vector<16xf32>
      %min3A = arith.constant 383 : i32
      %min3A_257 = vector.broadcast %min3A : i32 to vector<16xi32>
      %min3A_258 = arith.minsi %convert_element_type3A_245, %min3A_257 : vector<16xi32>
      %add3A_259 = arith.constant 1 : i32
      %add3A_260 = vector.broadcast %add3A_259 : i32 to vector<16xi32>
      %add3A_261 = arith.addi %convert_element_type3A_245, %add3A_260 : vector<16xi32>
      %min3A_262 = arith.constant 383 : i32
      %min3A_263 = vector.broadcast %min3A_262 : i32 to vector<16xi32>
      %min3A_264 = arith.minsi %add3A_261, %min3A_263 : vector<16xi32>
      %min3A_265 = arith.constant 383 : i32
      %min3A_266 = vector.broadcast %min3A_265 : i32 to vector<16xi32>
      %min3A_267 = arith.minsi %convert_element_type3A_246, %min3A_266 : vector<16xi32>
      %add3A_268 = arith.constant 1 : i32
      %add3A_269 = vector.broadcast %add3A_268 : i32 to vector<16xi32>
      %add3A_270 = arith.addi %convert_element_type3A_246, %add3A_269 : vector<16xi32>
      %min3A_271 = arith.constant 383 : i32
      %min3A_272 = vector.broadcast %min3A_271 : i32 to vector<16xi32>
      %min3A_273 = arith.minsi %add3A_270, %min3A_272 : vector<16xi32>
      %mul3A_274 = arith.constant 147456 : i32
      %mul3A_275 = arith.muli %add3A_30, %mul3A_274 : i32
      %mul3A_276 = arith.constant 384 : i32
      %mul3A_277 = vector.broadcast %mul3A_276 : i32 to vector<16xi32>
      %mul3A_278 = arith.muli %min3A_267, %mul3A_277 : vector<16xi32>
      %add3A_279 = vector.broadcast %mul3A_275 : i32 to vector<16xi32>
      %add3A_280 = arith.addi %add3A_279, %mul3A_278 : vector<16xi32>
      %add3A_281 = arith.addi %add3A_280, %min3A_258 : vector<16xi32>
      %swap3A_282 = arith.constant 0 : index
      %swap3A_283 = tpu.vector_load %arg16[%swap3A_282] {strides = array<i32>} : memref<64xi32, #tpu.memory_space<vmem>>, vector<16xi32>,
      tpu.vector_store %arg16[%swap3A_282], %add3A_281 {strides = array<i32>} : memref<64xi32, #tpu.memory_space<vmem>>, vector<16xi32>,
      %mul3A_284 = arith.constant 384 : i32
      %mul3A_285 = vector.broadcast %mul3A_284 : i32 to vector<16xi32>
      %mul3A_286 = arith.muli %min3A_267, %mul3A_285 : vector<16xi32>
      %add3A_287 = vector.broadcast %mul3A_275 : i32 to vector<16xi32>
      %add3A_288 = arith.addi %add3A_287, %mul3A_286 : vector<16xi32>
      %add3A_289 = arith.addi %add3A_288, %min3A_264 : vector<16xi32>
      %swap3A_290 = arith.constant 16 : index
      %swap3A_291 = tpu.vector_load %arg16[%swap3A_290] {strides = array<i32>} : memref<64xi32, #tpu.memory_space<vmem>>, vector<16xi32>,
      tpu.vector_store %arg16[%swap3A_290], %add3A_289 {strides = array<i32>} : memref<64xi32, #tpu.memory_space<vmem>>, vector<16xi32>,
      %mul3A_292 = arith.constant 384 : i32
      %mul3A_293 = vector.broadcast %mul3A_292 : i32 to vector<16xi32>
      %mul3A_294 = arith.muli %min3A_273, %mul3A_293 : vector<16xi32>
      %add3A_295 = vector.broadcast %mul3A_275 : i32 to vector<16xi32>
      %add3A_296 = arith.addi %add3A_295, %mul3A_294 : vector<16xi32>
      %add3A_297 = arith.addi %add3A_296, %min3A_258 : vector<16xi32>
      %swap3A_298 = arith.constant 32 : index
      %swap3A_299 = tpu.vector_load %arg16[%swap3A_298] {strides = array<i32>} : memref<64xi32, #tpu.memory_space<vmem>>, vector<16xi32>,
      tpu.vector_store %arg16[%swap3A_298], %add3A_297 {strides = array<i32>} : memref<64xi32, #tpu.memory_space<vmem>>, vector<16xi32>,
      %mul3A_300 = arith.constant 384 : i32
      %mul3A_301 = vector.broadcast %mul3A_300 : i32 to vector<16xi32>
      %mul3A_302 = arith.muli %min3A_273, %mul3A_301 : vector<16xi32>
      %add3A_303 = vector.broadcast %mul3A_275 : i32 to vector<16xi32>
      %add3A_304 = arith.addi %add3A_303, %mul3A_302 : vector<16xi32>
      %add3A_305 = arith.addi %add3A_304, %min3A_264 : vector<16xi32>
      %swap3A_306 = arith.constant 48 : index
      %swap3A_307 = tpu.vector_load %arg16[%swap3A_306] {strides = array<i32>} : memref<64xi32, #tpu.memory_space<vmem>>, vector<16xi32>,
      tpu.vector_store %arg16[%swap3A_306], %add3A_305 {strides = array<i32>} : memref<64xi32, #tpu.memory_space<vmem>>, vector<16xi32>,
      %dma_start3A = arith.constant 0 : i32
      %dma_start3A_308 = tpu.memref_slice %arg3[%dma_start3A] : memref<589824xf32, #tpu.memory_space<hbm>> -> memref<589824xf32, #tpu.memory_space<hbm>>
      tpu.enqueue_indirect_dma source(%dma_start3A_308 : memref<589824xf32, #tpu.memory_space<hbm>>) target(%arg17 : memref<64xf32, #tpu.memory_space<vmem>>) offsets(%arg16 : memref<64xi32, #tpu.memory_space<vmem>>) semaphore(%arg28 : memref<!tpu.dma_semaphore, #tpu.memory_space<semaphore_mem>>)
      %convert_element_type3A_309 = arith.fptosi %mul3A_235 : vector<16xf32> to vector<16xi32>
      %convert_element_type3A_310 = arith.fptosi %mul3A_244 : vector<16xf32> to vector<16xi32>
      %mul3A_311 = arith.constant 14155776 : i32
      %mul3A_312 = arith.muli %add3A_30, %mul3A_311 : i32
      %mul3A_313 = arith.constant 384 : i32
      %mul3A_314 = vector.broadcast %mul3A_313 : i32 to vector<16xi32>
      %mul3A_315 = arith.muli %convert_element_type3A_310, %mul3A_314 : vector<16xi32>
      %add3A_316 = vector.broadcast %mul3A_312 : i32 to vector<16xi32>
      %add3A_317 = arith.addi %add3A_316, %mul3A_315 : vector<16xi32>
      %add3A_318 = arith.addi %add3A_317, %convert_element_type3A_309 : vector<16xi32>
      %add3A_319 = arith.constant 0 : i32
      %add3A_320 = vector.broadcast %add3A_319 : i32 to vector<16xi32>
      %add3A_321 = arith.addi %add3A_318, %add3A_320 : vector<16xi32>
      %swap3A_322 = arith.constant 0 : i32
      %swap3A_323 = arith.index_cast %swap3A_322 : i32 to index
      %swap3A_324 = arith.constant 0 : index
      %swap3A_325 = tpu.vector_load %arg18[%swap3A_323, %swap3A_324] {strides = array<i32>} : memref<12x128xi32, #tpu.memory_space<vmem>>, vector<16xi32>,
      tpu.vector_store %arg18[%swap3A_323, %swap3A_324], %add3A_321 {strides = array<i32>} : memref<12x128xi32, #tpu.memory_space<vmem>>, vector<16xi32>,
      %add3A_326 = arith.constant 147456 : i32
      %add3A_327 = vector.broadcast %add3A_326 : i32 to vector<16xi32>
      %add3A_328 = arith.addi %add3A_318, %add3A_327 : vector<16xi32>
      %swap3A_329 = arith.constant 0 : i32
      %swap3A_330 = arith.index_cast %swap3A_329 : i32 to index
      %swap3A_331 = arith.constant 16 : index
      %swap3A_332 = tpu.vector_load %arg18[%swap3A_330, %swap3A_331] {strides = array<i32>} : memref<12x128xi32, #tpu.memory_space<vmem>>, vector<16xi32>,
      tpu.vector_store %arg18[%swap3A_330, %swap3A_331], %add3A_328 {strides = array<i32>} : memref<12x128xi32, #tpu.memory_space<vmem>>, vector<16xi32>,
      %add3A_333 = arith.constant 294912 : i32
      %add3A_334 = vector.broadcast %add3A_333 : i32 to vector<16xi32>
      %add3A_335 = arith.addi %add3A_318, %add3A_334 : vector<16xi32>
      %swap3A_336 = arith.constant 0 : i32
      %swap3A_337 = arith.index_cast %swap3A_336 : i32 to index
      %swap3A_338 = arith.constant 32 : index
      %swap3A_339 = tpu.vector_load %arg18[%swap3A_337, %swap3A_338] {strides = array<i32>} : memref<12x128xi32, #tpu.memory_space<vmem>>, vector<16xi32>,
      tpu.vector_store %arg18[%swap3A_337, %swap3A_338], %add3A_335 {strides = array<i32>} : memref<12x128xi32, #tpu.memory_space<vmem>>, vector<16xi32>,
      %add3A_340 = arith.constant 442368 : i32
      %add3A_341 = vector.broadcast %add3A_340 : i32 to vector<16xi32>
      %add3A_342 = arith.addi %add3A_318, %add3A_341 : vector<16xi32>
      %swap3A_343 = arith.constant 0 : i32
      %swap3A_344 = arith.index_cast %swap3A_343 : i32 to index
      %swap3A_345 = arith.constant 48 : index
      %swap3A_346 = tpu.vector_load %arg18[%swap3A_344, %swap3A_345] {strides = array<i32>} : memref<12x128xi32, #tpu.memory_space<vmem>>, vector<16xi32>,
      tpu.vector_store %arg18[%swap3A_344, %swap3A_345], %add3A_342 {strides = array<i32>} : memref<12x128xi32, #tpu.memory_space<vmem>>, vector<16xi32>,
      %add3A_347 = arith.constant 589824 : i32
      %add3A_348 = vector.broadcast %add3A_347 : i32 to vector<16xi32>
      %add3A_349 = arith.addi %add3A_318, %add3A_348 : vector<16xi32>
      %swap3A_350 = arith.constant 0 : i32
      %swap3A_351 = arith.index_cast %swap3A_350 : i32 to index
      %swap3A_352 = arith.constant 64 : index
      %swap3A_353 = tpu.vector_load %arg18[%swap3A_351, %swap3A_352] {strides = array<i32>} : memref<12x128xi32, #tpu.memory_space<vmem>>, vector<16xi32>,
      tpu.vector_store %arg18[%swap3A_351, %swap3A_352], %add3A_349 {strides = array<i32>} : memref<12x128xi32, #tpu.memory_space<vmem>>, vector<16xi32>,
      %add3A_354 = arith.constant 737280 : i32
      %add3A_355 = vector.broadcast %add3A_354 : i32 to vector<16xi32>
      %add3A_356 = arith.addi %add3A_318, %add3A_355 : vector<16xi32>
      %swap3A_357 = arith.constant 0 : i32
      %swap3A_358 = arith.index_cast %swap3A_357 : i32 to index
      %swap3A_359 = arith.constant 80 : index
      %swap3A_360 = tpu.vector_load %arg18[%swap3A_358, %swap3A_359] {strides = array<i32>} : memref<12x128xi32, #tpu.memory_space<vmem>>, vector<16xi32>,
      tpu.vector_store %arg18[%swap3A_358, %swap3A_359], %add3A_356 {strides = array<i32>} : memref<12x128xi32, #tpu.memory_space<vmem>>, vector<16xi32>,
      %add3A_361 = arith.constant 884736 : i32
      %add3A_362 = vector.broadcast %add3A_361 : i32 to vector<16xi32>
      %add3A_363 = arith.addi %add3A_318, %add3A_362 : vector<16xi32>
      %swap3A_364 = arith.constant 0 : i32
      %swap3A_365 = arith.index_cast %swap3A_364 : i32 to index
      %swap3A_366 = arith.constant 96 : index
      %swap3A_367 = tpu.vector_load %arg18[%swap3A_365, %swap3A_366] {strides = array<i32>} : memref<12x128xi32, #tpu.memory_space<vmem>>, vector<16xi32>,
      tpu.vector_store %arg18[%swap3A_365, %swap3A_366], %add3A_363 {strides = array<i32>} : memref<12x128xi32, #tpu.memory_space<vmem>>, vector<16xi32>,
      %add3A_368 = arith.constant 1032192 : i32
      %add3A_369 = vector.broadcast %add3A_368 : i32 to vector<16xi32>
      %add3A_370 = arith.addi %add3A_318, %add3A_369 : vector<16xi32>
      %swap3A_371 = arith.constant 0 : i32
      %swap3A_372 = arith.index_cast %swap3A_371 : i32 to index
      %swap3A_373 = arith.constant 112 : index
      %swap3A_374 = tpu.vector_load %arg18[%swap3A_372, %swap3A_373] {strides = array<i32>} : memref<12x128xi32, #tpu.memory_space<vmem>>, vector<16xi32>,
      tpu.vector_store %arg18[%swap3A_372, %swap3A_373], %add3A_370 {strides = array<i32>} : memref<12x128xi32, #tpu.memory_space<vmem>>, vector<16xi32>,
      %add3A_375 = arith.constant 1179648 : i32
      %add3A_376 = vector.broadcast %add3A_375 : i32 to vector<16xi32>
      %add3A_377 = arith.addi %add3A_318, %add3A_376 : vector<16xi32>
      %swap3A_378 = arith.constant 1 : i32
      %swap3A_379 = arith.index_cast %swap3A_378 : i32 to index
      %swap3A_380 = arith.constant 0 : index
      %swap3A_381 = tpu.vector_load %arg18[%swap3A_379, %swap3A_380] {strides = array<i32>} : memref<12x128xi32, #tpu.memory_space<vmem>>, vector<16xi32>,
      tpu.vector_store %arg18[%swap3A_379, %swap3A_380], %add3A_377 {strides = array<i32>} : memref<12x128xi32, #tpu.memory_space<vmem>>, vector<16xi32>,
      %add3A_382 = arith.constant 1327104 : i32
      %add3A_383 = vector.broadcast %add3A_382 : i32 to vector<16xi32>
      %add3A_384 = arith.addi %add3A_318, %add3A_383 : vector<16xi32>
      %swap3A_385 = arith.constant 1 : i32
      %swap3A_386 = arith.index_cast %swap3A_385 : i32 to index
      %swap3A_387 = arith.constant 16 : index
      %swap3A_388 = tpu.vector_load %arg18[%swap3A_386, %swap3A_387] {strides = array<i32>} : memref<12x128xi32, #tpu.memory_space<vmem>>, vector<16xi32>,
      tpu.vector_store %arg18[%swap3A_386, %swap3A_387], %add3A_384 {strides = array<i32>} : memref<12x128xi32, #tpu.memory_space<vmem>>, vector<16xi32>,
      %add3A_389 = arith.constant 1474560 : i32
      %add3A_390 = vector.broadcast %add3A_389 : i32 to vector<16xi32>
      %add3A_391 = arith.addi %add3A_318, %add3A_390 : vector<16xi32>
      %swap3A_392 = arith.constant 1 : i32
      %swap3A_393 = arith.index_cast %swap3A_392 : i32 to index
      %swap3A_394 = arith.constant 32 : index
      %swap3A_395 = tpu.vector_load %arg18[%swap3A_393, %swap3A_394] {strides = array<i32>} : memref<12x128xi32, #tpu.memory_space<vmem>>, vector<16xi32>,
      tpu.vector_store %arg18[%swap3A_393, %swap3A_394], %add3A_391 {strides = array<i32>} : memref<12x128xi32, #tpu.memory_space<vmem>>, vector<16xi32>,
      %add3A_396 = arith.constant 1622016 : i32
      %add3A_397 = vector.broadcast %add3A_396 : i32 to vector<16xi32>
      %add3A_398 = arith.addi %add3A_318, %add3A_397 : vector<16xi32>
      %swap3A_399 = arith.constant 1 : i32
      %swap3A_400 = arith.index_cast %swap3A_399 : i32 to index
      %swap3A_401 = arith.constant 48 : index
      %swap3A_402 = tpu.vector_load %arg18[%swap3A_400, %swap3A_401] {strides = array<i32>} : memref<12x128xi32, #tpu.memory_space<vmem>>, vector<16xi32>,
      tpu.vector_store %arg18[%swap3A_400, %swap3A_401], %add3A_398 {strides = array<i32>} : memref<12x128xi32, #tpu.memory_space<vmem>>, vector<16xi32>,
      %add3A_403 = arith.constant 1769472 : i32
      %add3A_404 = vector.broadcast %add3A_403 : i32 to vector<16xi32>
      %add3A_405 = arith.addi %add3A_318, %add3A_404 : vector<16xi32>
      %swap3A_406 = arith.constant 1 : i32
      %swap3A_407 = arith.index_cast %swap3A_406 : i32 to index
      %swap3A_408 = arith.constant 64 : index
      %swap3A_409 = tpu.vector_load %arg18[%swap3A_407, %swap3A_408] {strides = array<i32>} : memref<12x128xi32, #tpu.memory_space<vmem>>, vector<16xi32>,
      tpu.vector_store %arg18[%swap3A_407, %swap3A_408], %add3A_405 {strides = array<i32>} : memref<12x128xi32, #tpu.memory_space<vmem>>, vector<16xi32>,
      %add3A_410 = arith.constant 1916928 : i32
      %add3A_411 = vector.broadcast %add3A_410 : i32 to vector<16xi32>
      %add3A_412 = arith.addi %add3A_318, %add3A_411 : vector<16xi32>
      %swap3A_413 = arith.constant 1 : i32
      %swap3A_414 = arith.index_cast %swap3A_413 : i32 to index
      %swap3A_415 = arith.constant 80 : index
      %swap3A_416 = tpu.vector_load %arg18[%swap3A_414, %swap3A_415] {strides = array<i32>} : memref<12x128xi32, #tpu.memory_space<vmem>>, vector<16xi32>,
      tpu.vector_store %arg18[%swap3A_414, %swap3A_415], %add3A_412 {strides = array<i32>} : memref<12x128xi32, #tpu.memory_space<vmem>>, vector<16xi32>,
      %add3A_417 = arith.constant 2064384 : i32
      %add3A_418 = vector.broadcast %add3A_417 : i32 to vector<16xi32>
      %add3A_419 = arith.addi %add3A_318, %add3A_418 : vector<16xi32>
      %swap3A_420 = arith.constant 1 : i32
      %swap3A_421 = arith.index_cast %swap3A_420 : i32 to index
      %swap3A_422 = arith.constant 96 : index
      %swap3A_423 = tpu.vector_load %arg18[%swap3A_421, %swap3A_422] {strides = array<i32>} : memref<12x128xi32, #tpu.memory_space<vmem>>, vector<16xi32>,
      tpu.vector_store %arg18[%swap3A_421, %swap3A_422], %add3A_419 {strides = array<i32>} : memref<12x128xi32, #tpu.memory_space<vmem>>, vector<16xi32>,
      %add3A_424 = arith.constant 2211840 : i32
      %add3A_425 = vector.broadcast %add3A_424 : i32 to vector<16xi32>
      %add3A_426 = arith.addi %add3A_318, %add3A_425 : vector<16xi32>
      %swap3A_427 = arith.constant 1 : i32
      %swap3A_428 = arith.index_cast %swap3A_427 : i32 to index
      %swap3A_429 = arith.constant 112 : index
      %swap3A_430 = tpu.vector_load %arg18[%swap3A_428, %swap3A_429] {strides = array<i32>} : memref<12x128xi32, #tpu.memory_space<vmem>>, vector<16xi32>,
      tpu.vector_store %arg18[%swap3A_428, %swap3A_429], %add3A_426 {strides = array<i32>} : memref<12x128xi32, #tpu.memory_space<vmem>>, vector<16xi32>,
      %add3A_431 = arith.constant 2359296 : i32
      %add3A_432 = vector.broadcast %add3A_431 : i32 to vector<16xi32>
      %add3A_433 = arith.addi %add3A_318, %add3A_432 : vector<16xi32>
      %swap3A_434 = arith.constant 2 : i32
      %swap3A_435 = arith.index_cast %swap3A_434 : i32 to index
      %swap3A_436 = arith.constant 0 : index
      %swap3A_437 = tpu.vector_load %arg18[%swap3A_435, %swap3A_436] {strides = array<i32>} : memref<12x128xi32, #tpu.memory_space<vmem>>, vector<16xi32>,
      tpu.vector_store %arg18[%swap3A_435, %swap3A_436], %add3A_433 {strides = array<i32>} : memref<12x128xi32, #tpu.memory_space<vmem>>, vector<16xi32>,
      %add3A_438 = arith.constant 2506752 : i32
      %add3A_439 = vector.broadcast %add3A_438 : i32 to vector<16xi32>
      %add3A_440 = arith.addi %add3A_318, %add3A_439 : vector<16xi32>
      %swap3A_441 = arith.constant 2 : i32
      %swap3A_442 = arith.index_cast %swap3A_441 : i32 to index
      %swap3A_443 = arith.constant 16 : index
      %swap3A_444 = tpu.vector_load %arg18[%swap3A_442, %swap3A_443] {strides = array<i32>} : memref<12x128xi32, #tpu.memory_space<vmem>>, vector<16xi32>,
      tpu.vector_store %arg18[%swap3A_442, %swap3A_443], %add3A_440 {strides = array<i32>} : memref<12x128xi32, #tpu.memory_space<vmem>>, vector<16xi32>,
      %add3A_445 = arith.constant 2654208 : i32
      %add3A_446 = vector.broadcast %add3A_445 : i32 to vector<16xi32>
      %add3A_447 = arith.addi %add3A_318, %add3A_446 : vector<16xi32>
      %swap3A_448 = arith.constant 2 : i32
      %swap3A_449 = arith.index_cast %swap3A_448 : i32 to index
      %swap3A_450 = arith.constant 32 : index
      %swap3A_451 = tpu.vector_load %arg18[%swap3A_449, %swap3A_450] {strides = array<i32>} : memref<12x128xi32, #tpu.memory_space<vmem>>, vector<16xi32>,
      tpu.vector_store %arg18[%swap3A_449, %swap3A_450], %add3A_447 {strides = array<i32>} : memref<12x128xi32, #tpu.memory_space<vmem>>, vector<16xi32>,
      %add3A_452 = arith.constant 2801664 : i32
      %add3A_453 = vector.broadcast %add3A_452 : i32 to vector<16xi32>
      %add3A_454 = arith.addi %add3A_318, %add3A_453 : vector<16xi32>
      %swap3A_455 = arith.constant 2 : i32
      %swap3A_456 = arith.index_cast %swap3A_455 : i32 to index
      %swap3A_457 = arith.constant 48 : index
      %swap3A_458 = tpu.vector_load %arg18[%swap3A_456, %swap3A_457] {strides = array<i32>} : memref<12x128xi32, #tpu.memory_space<vmem>>, vector<16xi32>,
      tpu.vector_store %arg18[%swap3A_456, %swap3A_457], %add3A_454 {strides = array<i32>} : memref<12x128xi32, #tpu.memory_space<vmem>>, vector<16xi32>,
      %add3A_459 = arith.constant 2949120 : i32
      %add3A_460 = vector.broadcast %add3A_459 : i32 to vector<16xi32>
      %add3A_461 = arith.addi %add3A_318, %add3A_460 : vector<16xi32>
      %swap3A_462 = arith.constant 2 : i32
      %swap3A_463 = arith.index_cast %swap3A_462 : i32 to index
      %swap3A_464 = arith.constant 64 : index
      %swap3A_465 = tpu.vector_load %arg18[%swap3A_463, %swap3A_464] {strides = array<i32>} : memref<12x128xi32, #tpu.memory_space<vmem>>, vector<16xi32>,
      tpu.vector_store %arg18[%swap3A_463, %swap3A_464], %add3A_461 {strides = array<i32>} : memref<12x128xi32, #tpu.memory_space<vmem>>, vector<16xi32>,
      %add3A_466 = arith.constant 3096576 : i32
      %add3A_467 = vector.broadcast %add3A_466 : i32 to vector<16xi32>
      %add3A_468 = arith.addi %add3A_318, %add3A_467 : vector<16xi32>
      %swap3A_469 = arith.constant 2 : i32
      %swap3A_470 = arith.index_cast %swap3A_469 : i32 to index
      %swap3A_471 = arith.constant 80 : index
      %swap3A_472 = tpu.vector_load %arg18[%swap3A_470, %swap3A_471] {strides = array<i32>} : memref<12x128xi32, #tpu.memory_space<vmem>>, vector<16xi32>,
      tpu.vector_store %arg18[%swap3A_470, %swap3A_471], %add3A_468 {strides = array<i32>} : memref<12x128xi32, #tpu.memory_space<vmem>>, vector<16xi32>,
      %add3A_473 = arith.constant 3244032 : i32
      %add3A_474 = vector.broadcast %add3A_473 : i32 to vector<16xi32>
      %add3A_475 = arith.addi %add3A_318, %add3A_474 : vector<16xi32>
      %swap3A_476 = arith.constant 2 : i32
      %swap3A_477 = arith.index_cast %swap3A_476 : i32 to index
      %swap3A_478 = arith.constant 96 : index
      %swap3A_479 = tpu.vector_load %arg18[%swap3A_477, %swap3A_478] {strides = array<i32>} : memref<12x128xi32, #tpu.memory_space<vmem>>, vector<16xi32>,
      tpu.vector_store %arg18[%swap3A_477, %swap3A_478], %add3A_475 {strides = array<i32>} : memref<12x128xi32, #tpu.memory_space<vmem>>, vector<16xi32>,
      %add3A_480 = arith.constant 3391488 : i32
      %add3A_481 = vector.broadcast %add3A_480 : i32 to vector<16xi32>
      %add3A_482 = arith.addi %add3A_318, %add3A_481 : vector<16xi32>
      %swap3A_483 = arith.constant 2 : i32
      %swap3A_484 = arith.index_cast %swap3A_483 : i32 to index
      %swap3A_485 = arith.constant 112 : index
      %swap3A_486 = tpu.vector_load %arg18[%swap3A_484, %swap3A_485] {strides = array<i32>} : memref<12x128xi32, #tpu.memory_space<vmem>>, vector<16xi32>,
      tpu.vector_store %arg18[%swap3A_484, %swap3A_485], %add3A_482 {strides = array<i32>} : memref<12x128xi32, #tpu.memory_space<vmem>>, vector<16xi32>,
      %add3A_487 = arith.constant 3538944 : i32
      %add3A_488 = vector.broadcast %add3A_487 : i32 to vector<16xi32>
      %add3A_489 = arith.addi %add3A_318, %add3A_488 : vector<16xi32>
      %swap3A_490 = arith.constant 3 : i32
      %swap3A_491 = arith.index_cast %swap3A_490 : i32 to index
      %swap3A_492 = arith.constant 0 : index
      %swap3A_493 = tpu.vector_load %arg18[%swap3A_491, %swap3A_492] {strides = array<i32>} : memref<12x128xi32, #tpu.memory_space<vmem>>, vector<16xi32>,
      tpu.vector_store %arg18[%swap3A_491, %swap3A_492], %add3A_489 {strides = array<i32>} : memref<12x128xi32, #tpu.memory_space<vmem>>, vector<16xi32>,
      %add3A_494 = arith.constant 3686400 : i32
      %add3A_495 = vector.broadcast %add3A_494 : i32 to vector<16xi32>
      %add3A_496 = arith.addi %add3A_318, %add3A_495 : vector<16xi32>
      %swap3A_497 = arith.constant 3 : i32
      %swap3A_498 = arith.index_cast %swap3A_497 : i32 to index
      %swap3A_499 = arith.constant 16 : index
      %swap3A_500 = tpu.vector_load %arg18[%swap3A_498, %swap3A_499] {strides = array<i32>} : memref<12x128xi32, #tpu.memory_space<vmem>>, vector<16xi32>,
      tpu.vector_store %arg18[%swap3A_498, %swap3A_499], %add3A_496 {strides = array<i32>} : memref<12x128xi32, #tpu.memory_space<vmem>>, vector<16xi32>,
      %add3A_501 = arith.constant 3833856 : i32
      %add3A_502 = vector.broadcast %add3A_501 : i32 to vector<16xi32>
      %add3A_503 = arith.addi %add3A_318, %add3A_502 : vector<16xi32>
      %swap3A_504 = arith.constant 3 : i32
      %swap3A_505 = arith.index_cast %swap3A_504 : i32 to index
      %swap3A_506 = arith.constant 32 : index
      %swap3A_507 = tpu.vector_load %arg18[%swap3A_505, %swap3A_506] {strides = array<i32>} : memref<12x128xi32, #tpu.memory_space<vmem>>, vector<16xi32>,
      tpu.vector_store %arg18[%swap3A_505, %swap3A_506], %add3A_503 {strides = array<i32>} : memref<12x128xi32, #tpu.memory_space<vmem>>, vector<16xi32>,
      %add3A_508 = arith.constant 3981312 : i32
      %add3A_509 = vector.broadcast %add3A_508 : i32 to vector<16xi32>
      %add3A_510 = arith.addi %add3A_318, %add3A_509 : vector<16xi32>
      %swap3A_511 = arith.constant 3 : i32
      %swap3A_512 = arith.index_cast %swap3A_511 : i32 to index
      %swap3A_513 = arith.constant 48 : index
      %swap3A_514 = tpu.vector_load %arg18[%swap3A_512, %swap3A_513] {strides = array<i32>} : memref<12x128xi32, #tpu.memory_space<vmem>>, vector<16xi32>,
      tpu.vector_store %arg18[%swap3A_512, %swap3A_513], %add3A_510 {strides = array<i32>} : memref<12x128xi32, #tpu.memory_space<vmem>>, vector<16xi32>,
      %add3A_515 = arith.constant 4128768 : i32
      %add3A_516 = vector.broadcast %add3A_515 : i32 to vector<16xi32>
      %add3A_517 = arith.addi %add3A_318, %add3A_516 : vector<16xi32>
      %swap3A_518 = arith.constant 3 : i32
      %swap3A_519 = arith.index_cast %swap3A_518 : i32 to index
      %swap3A_520 = arith.constant 64 : index
      %swap3A_521 = tpu.vector_load %arg18[%swap3A_519, %swap3A_520] {strides = array<i32>} : memref<12x128xi32, #tpu.memory_space<vmem>>, vector<16xi32>,
      tpu.vector_store %arg18[%swap3A_519, %swap3A_520], %add3A_517 {strides = array<i32>} : memref<12x128xi32, #tpu.memory_space<vmem>>, vector<16xi32>,
      %add3A_522 = arith.constant 4276224 : i32
      %add3A_523 = vector.broadcast %add3A_522 : i32 to vector<16xi32>
      %add3A_524 = arith.addi %add3A_318, %add3A_523 : vector<16xi32>
      %swap3A_525 = arith.constant 3 : i32
      %swap3A_526 = arith.index_cast %swap3A_525 : i32 to index
      %swap3A_527 = arith.constant 80 : index
      %swap3A_528 = tpu.vector_load %arg18[%swap3A_526, %swap3A_527] {strides = array<i32>} : memref<12x128xi32, #tpu.memory_space<vmem>>, vector<16xi32>,
      tpu.vector_store %arg18[%swap3A_526, %swap3A_527], %add3A_524 {strides = array<i32>} : memref<12x128xi32, #tpu.memory_space<vmem>>, vector<16xi32>,
      %add3A_529 = arith.constant 4423680 : i32
      %add3A_530 = vector.broadcast %add3A_529 : i32 to vector<16xi32>
      %add3A_531 = arith.addi %add3A_318, %add3A_530 : vector<16xi32>
      %swap3A_532 = arith.constant 3 : i32
      %swap3A_533 = arith.index_cast %swap3A_532 : i32 to index
      %swap3A_534 = arith.constant 96 : index
      %swap3A_535 = tpu.vector_load %arg18[%swap3A_533, %swap3A_534] {strides = array<i32>} : memref<12x128xi32, #tpu.memory_space<vmem>>, vector<16xi32>,
      tpu.vector_store %arg18[%swap3A_533, %swap3A_534], %add3A_531 {strides = array<i32>} : memref<12x128xi32, #tpu.memory_space<vmem>>, vector<16xi32>,
      %add3A_536 = arith.constant 4571136 : i32
      %add3A_537 = vector.broadcast %add3A_536 : i32 to vector<16xi32>
      %add3A_538 = arith.addi %add3A_318, %add3A_537 : vector<16xi32>
      %swap3A_539 = arith.constant 3 : i32
      %swap3A_540 = arith.index_cast %swap3A_539 : i32 to index
      %swap3A_541 = arith.constant 112 : index
      %swap3A_542 = tpu.vector_load %arg18[%swap3A_540, %swap3A_541] {strides = array<i32>} : memref<12x128xi32, #tpu.memory_space<vmem>>, vector<16xi32>,
      tpu.vector_store %arg18[%swap3A_540, %swap3A_541], %add3A_538 {strides = array<i32>} : memref<12x128xi32, #tpu.memory_space<vmem>>, vector<16xi32>,
      %add3A_543 = arith.constant 4718592 : i32
      %add3A_544 = vector.broadcast %add3A_543 : i32 to vector<16xi32>
      %add3A_545 = arith.addi %add3A_318, %add3A_544 : vector<16xi32>
      %swap3A_546 = arith.constant 4 : i32
      %swap3A_547 = arith.index_cast %swap3A_546 : i32 to index
      %swap3A_548 = arith.constant 0 : index
      %swap3A_549 = tpu.vector_load %arg18[%swap3A_547, %swap3A_548] {strides = array<i32>} : memref<12x128xi32, #tpu.memory_space<vmem>>, vector<16xi32>,
      tpu.vector_store %arg18[%swap3A_547, %swap3A_548], %add3A_545 {strides = array<i32>} : memref<12x128xi32, #tpu.memory_space<vmem>>, vector<16xi32>,
      %add3A_550 = arith.constant 4866048 : i32
      %add3A_551 = vector.broadcast %add3A_550 : i32 to vector<16xi32>
      %add3A_552 = arith.addi %add3A_318, %add3A_551 : vector<16xi32>
      %swap3A_553 = arith.constant 4 : i32
      %swap3A_554 = arith.index_cast %swap3A_553 : i32 to index
      %swap3A_555 = arith.constant 16 : index
      %swap3A_556 = tpu.vector_load %arg18[%swap3A_554, %swap3A_555] {strides = array<i32>} : memref<12x128xi32, #tpu.memory_space<vmem>>, vector<16xi32>,
      tpu.vector_store %arg18[%swap3A_554, %swap3A_555], %add3A_552 {strides = array<i32>} : memref<12x128xi32, #tpu.memory_space<vmem>>, vector<16xi32>,
      %add3A_557 = arith.constant 5013504 : i32
      %add3A_558 = vector.broadcast %add3A_557 : i32 to vector<16xi32>
      %add3A_559 = arith.addi %add3A_318, %add3A_558 : vector<16xi32>
      %swap3A_560 = arith.constant 4 : i32
      %swap3A_561 = arith.index_cast %swap3A_560 : i32 to index
      %swap3A_562 = arith.constant 32 : index
      %swap3A_563 = tpu.vector_load %arg18[%swap3A_561, %swap3A_562] {strides = array<i32>} : memref<12x128xi32, #tpu.memory_space<vmem>>, vector<16xi32>,
      tpu.vector_store %arg18[%swap3A_561, %swap3A_562], %add3A_559 {strides = array<i32>} : memref<12x128xi32, #tpu.memory_space<vmem>>, vector<16xi32>,
      %add3A_564 = arith.constant 5160960 : i32
      %add3A_565 = vector.broadcast %add3A_564 : i32 to vector<16xi32>
      %add3A_566 = arith.addi %add3A_318, %add3A_565 : vector<16xi32>
      %swap3A_567 = arith.constant 4 : i32
      %swap3A_568 = arith.index_cast %swap3A_567 : i32 to index
      %swap3A_569 = arith.constant 48 : index
      %swap3A_570 = tpu.vector_load %arg18[%swap3A_568, %swap3A_569] {strides = array<i32>} : memref<12x128xi32, #tpu.memory_space<vmem>>, vector<16xi32>,
      tpu.vector_store %arg18[%swap3A_568, %swap3A_569], %add3A_566 {strides = array<i32>} : memref<12x128xi32, #tpu.memory_space<vmem>>, vector<16xi32>,
      %add3A_571 = arith.constant 5308416 : i32
      %add3A_572 = vector.broadcast %add3A_571 : i32 to vector<16xi32>
      %add3A_573 = arith.addi %add3A_318, %add3A_572 : vector<16xi32>
      %swap3A_574 = arith.constant 4 : i32
      %swap3A_575 = arith.index_cast %swap3A_574 : i32 to index
      %swap3A_576 = arith.constant 64 : index
      %swap3A_577 = tpu.vector_load %arg18[%swap3A_575, %swap3A_576] {strides = array<i32>} : memref<12x128xi32, #tpu.memory_space<vmem>>, vector<16xi32>,
      tpu.vector_store %arg18[%swap3A_575, %swap3A_576], %add3A_573 {strides = array<i32>} : memref<12x128xi32, #tpu.memory_space<vmem>>, vector<16xi32>,
      %add3A_578 = arith.constant 5455872 : i32
      %add3A_579 = vector.broadcast %add3A_578 : i32 to vector<16xi32>
      %add3A_580 = arith.addi %add3A_318, %add3A_579 : vector<16xi32>
      %swap3A_581 = arith.constant 4 : i32
      %swap3A_582 = arith.index_cast %swap3A_581 : i32 to index
      %swap3A_583 = arith.constant 80 : index
      %swap3A_584 = tpu.vector_load %arg18[%swap3A_582, %swap3A_583] {strides = array<i32>} : memref<12x128xi32, #tpu.memory_space<vmem>>, vector<16xi32>,
      tpu.vector_store %arg18[%swap3A_582, %swap3A_583], %add3A_580 {strides = array<i32>} : memref<12x128xi32, #tpu.memory_space<vmem>>, vector<16xi32>,
      %add3A_585 = arith.constant 5603328 : i32
      %add3A_586 = vector.broadcast %add3A_585 : i32 to vector<16xi32>
      %add3A_587 = arith.addi %add3A_318, %add3A_586 : vector<16xi32>
      %swap3A_588 = arith.constant 4 : i32
      %swap3A_589 = arith.index_cast %swap3A_588 : i32 to index
      %swap3A_590 = arith.constant 96 : index
      %swap3A_591 = tpu.vector_load %arg18[%swap3A_589, %swap3A_590] {strides = array<i32>} : memref<12x128xi32, #tpu.memory_space<vmem>>, vector<16xi32>,
      tpu.vector_store %arg18[%swap3A_589, %swap3A_590], %add3A_587 {strides = array<i32>} : memref<12x128xi32, #tpu.memory_space<vmem>>, vector<16xi32>,
      %add3A_592 = arith.constant 5750784 : i32
      %add3A_593 = vector.broadcast %add3A_592 : i32 to vector<16xi32>
      %add3A_594 = arith.addi %add3A_318, %add3A_593 : vector<16xi32>
      %swap3A_595 = arith.constant 4 : i32
      %swap3A_596 = arith.index_cast %swap3A_595 : i32 to index
      %swap3A_597 = arith.constant 112 : index
      %swap3A_598 = tpu.vector_load %arg18[%swap3A_596, %swap3A_597] {strides = array<i32>} : memref<12x128xi32, #tpu.memory_space<vmem>>, vector<16xi32>,
      tpu.vector_store %arg18[%swap3A_596, %swap3A_597], %add3A_594 {strides = array<i32>} : memref<12x128xi32, #tpu.memory_space<vmem>>, vector<16xi32>,
      %add3A_599 = arith.constant 5898240 : i32
      %add3A_600 = vector.broadcast %add3A_599 : i32 to vector<16xi32>
      %add3A_601 = arith.addi %add3A_318, %add3A_600 : vector<16xi32>
      %swap3A_602 = arith.constant 5 : i32
      %swap3A_603 = arith.index_cast %swap3A_602 : i32 to index
      %swap3A_604 = arith.constant 0 : index
      %swap3A_605 = tpu.vector_load %arg18[%swap3A_603, %swap3A_604] {strides = array<i32>} : memref<12x128xi32, #tpu.memory_space<vmem>>, vector<16xi32>,
      tpu.vector_store %arg18[%swap3A_603, %swap3A_604], %add3A_601 {strides = array<i32>} : memref<12x128xi32, #tpu.memory_space<vmem>>, vector<16xi32>,
      %add3A_606 = arith.constant 6045696 : i32
      %add3A_607 = vector.broadcast %add3A_606 : i32 to vector<16xi32>
      %add3A_608 = arith.addi %add3A_318, %add3A_607 : vector<16xi32>
      %swap3A_609 = arith.constant 5 : i32
      %swap3A_610 = arith.index_cast %swap3A_609 : i32 to index
      %swap3A_611 = arith.constant 16 : index
      %swap3A_612 = tpu.vector_load %arg18[%swap3A_610, %swap3A_611] {strides = array<i32>} : memref<12x128xi32, #tpu.memory_space<vmem>>, vector<16xi32>,
      tpu.vector_store %arg18[%swap3A_610, %swap3A_611], %add3A_608 {strides = array<i32>} : memref<12x128xi32, #tpu.memory_space<vmem>>, vector<16xi32>,
      %add3A_613 = arith.constant 6193152 : i32
      %add3A_614 = vector.broadcast %add3A_613 : i32 to vector<16xi32>
      %add3A_615 = arith.addi %add3A_318, %add3A_614 : vector<16xi32>
      %swap3A_616 = arith.constant 5 : i32
      %swap3A_617 = arith.index_cast %swap3A_616 : i32 to index
      %swap3A_618 = arith.constant 32 : index
      %swap3A_619 = tpu.vector_load %arg18[%swap3A_617, %swap3A_618] {strides = array<i32>} : memref<12x128xi32, #tpu.memory_space<vmem>>, vector<16xi32>,
      tpu.vector_store %arg18[%swap3A_617, %swap3A_618], %add3A_615 {strides = array<i32>} : memref<12x128xi32, #tpu.memory_space<vmem>>, vector<16xi32>,
      %add3A_620 = arith.constant 6340608 : i32
      %add3A_621 = vector.broadcast %add3A_620 : i32 to vector<16xi32>
      %add3A_622 = arith.addi %add3A_318, %add3A_621 : vector<16xi32>
      %swap3A_623 = arith.constant 5 : i32
      %swap3A_624 = arith.index_cast %swap3A_623 : i32 to index
      %swap3A_625 = arith.constant 48 : index
      %swap3A_626 = tpu.vector_load %arg18[%swap3A_624, %swap3A_625] {strides = array<i32>} : memref<12x128xi32, #tpu.memory_space<vmem>>, vector<16xi32>,
      tpu.vector_store %arg18[%swap3A_624, %swap3A_625], %add3A_622 {strides = array<i32>} : memref<12x128xi32, #tpu.memory_space<vmem>>, vector<16xi32>,
      %add3A_627 = arith.constant 6488064 : i32
      %add3A_628 = vector.broadcast %add3A_627 : i32 to vector<16xi32>
      %add3A_629 = arith.addi %add3A_318, %add3A_628 : vector<16xi32>
      %swap3A_630 = arith.constant 5 : i32
      %swap3A_631 = arith.index_cast %swap3A_630 : i32 to index
      %swap3A_632 = arith.constant 64 : index
      %swap3A_633 = tpu.vector_load %arg18[%swap3A_631, %swap3A_632] {strides = array<i32>} : memref<12x128xi32, #tpu.memory_space<vmem>>, vector<16xi32>,
      tpu.vector_store %arg18[%swap3A_631, %swap3A_632], %add3A_629 {strides = array<i32>} : memref<12x128xi32, #tpu.memory_space<vmem>>, vector<16xi32>,
      %add3A_634 = arith.constant 6635520 : i32
      %add3A_635 = vector.broadcast %add3A_634 : i32 to vector<16xi32>
      %add3A_636 = arith.addi %add3A_318, %add3A_635 : vector<16xi32>
      %swap3A_637 = arith.constant 5 : i32
      %swap3A_638 = arith.index_cast %swap3A_637 : i32 to index
      %swap3A_639 = arith.constant 80 : index
      %swap3A_640 = tpu.vector_load %arg18[%swap3A_638, %swap3A_639] {strides = array<i32>} : memref<12x128xi32, #tpu.memory_space<vmem>>, vector<16xi32>,
      tpu.vector_store %arg18[%swap3A_638, %swap3A_639], %add3A_636 {strides = array<i32>} : memref<12x128xi32, #tpu.memory_space<vmem>>, vector<16xi32>,
      %add3A_641 = arith.constant 6782976 : i32
      %add3A_642 = vector.broadcast %add3A_641 : i32 to vector<16xi32>
      %add3A_643 = arith.addi %add3A_318, %add3A_642 : vector<16xi32>
      %swap3A_644 = arith.constant 5 : i32
      %swap3A_645 = arith.index_cast %swap3A_644 : i32 to index
      %swap3A_646 = arith.constant 96 : index
      %swap3A_647 = tpu.vector_load %arg18[%swap3A_645, %swap3A_646] {strides = array<i32>} : memref<12x128xi32, #tpu.memory_space<vmem>>, vector<16xi32>,
      tpu.vector_store %arg18[%swap3A_645, %swap3A_646], %add3A_643 {strides = array<i32>} : memref<12x128xi32, #tpu.memory_space<vmem>>, vector<16xi32>,
      %add3A_648 = arith.constant 6930432 : i32
      %add3A_649 = vector.broadcast %add3A_648 : i32 to vector<16xi32>
      %add3A_650 = arith.addi %add3A_318, %add3A_649 : vector<16xi32>
      %swap3A_651 = arith.constant 5 : i32
      %swap3A_652 = arith.index_cast %swap3A_651 : i32 to index
      %swap3A_653 = arith.constant 112 : index
      %swap3A_654 = tpu.vector_load %arg18[%swap3A_652, %swap3A_653] {strides = array<i32>} : memref<12x128xi32, #tpu.memory_space<vmem>>, vector<16xi32>,
      tpu.vector_store %arg18[%swap3A_652, %swap3A_653], %add3A_650 {strides = array<i32>} : memref<12x128xi32, #tpu.memory_space<vmem>>, vector<16xi32>,
      %add3A_655 = arith.constant 7077888 : i32
      %add3A_656 = vector.broadcast %add3A_655 : i32 to vector<16xi32>
      %add3A_657 = arith.addi %add3A_318, %add3A_656 : vector<16xi32>
      %swap3A_658 = arith.constant 6 : i32
      %swap3A_659 = arith.index_cast %swap3A_658 : i32 to index
      %swap3A_660 = arith.constant 0 : index
      %swap3A_661 = tpu.vector_load %arg18[%swap3A_659, %swap3A_660] {strides = array<i32>} : memref<12x128xi32, #tpu.memory_space<vmem>>, vector<16xi32>,
      tpu.vector_store %arg18[%swap3A_659, %swap3A_660], %add3A_657 {strides = array<i32>} : memref<12x128xi32, #tpu.memory_space<vmem>>, vector<16xi32>,
      %add3A_662 = arith.constant 7225344 : i32
      %add3A_663 = vector.broadcast %add3A_662 : i32 to vector<16xi32>
      %add3A_664 = arith.addi %add3A_318, %add3A_663 : vector<16xi32>
      %swap3A_665 = arith.constant 6 : i32
      %swap3A_666 = arith.index_cast %swap3A_665 : i32 to index
      %swap3A_667 = arith.constant 16 : index
      %swap3A_668 = tpu.vector_load %arg18[%swap3A_666, %swap3A_667] {strides = array<i32>} : memref<12x128xi32, #tpu.memory_space<vmem>>, vector<16xi32>,
      tpu.vector_store %arg18[%swap3A_666, %swap3A_667], %add3A_664 {strides = array<i32>} : memref<12x128xi32, #tpu.memory_space<vmem>>, vector<16xi32>,
      %add3A_669 = arith.constant 7372800 : i32
      %add3A_670 = vector.broadcast %add3A_669 : i32 to vector<16xi32>
      %add3A_671 = arith.addi %add3A_318, %add3A_670 : vector<16xi32>
      %swap3A_672 = arith.constant 6 : i32
      %swap3A_673 = arith.index_cast %swap3A_672 : i32 to index
      %swap3A_674 = arith.constant 32 : index
      %swap3A_675 = tpu.vector_load %arg18[%swap3A_673, %swap3A_674] {strides = array<i32>} : memref<12x128xi32, #tpu.memory_space<vmem>>, vector<16xi32>,
      tpu.vector_store %arg18[%swap3A_673, %swap3A_674], %add3A_671 {strides = array<i32>} : memref<12x128xi32, #tpu.memory_space<vmem>>, vector<16xi32>,
      %add3A_676 = arith.constant 7520256 : i32
      %add3A_677 = vector.broadcast %add3A_676 : i32 to vector<16xi32>
      %add3A_678 = arith.addi %add3A_318, %add3A_677 : vector<16xi32>
      %swap3A_679 = arith.constant 6 : i32
      %swap3A_680 = arith.index_cast %swap3A_679 : i32 to index
      %swap3A_681 = arith.constant 48 : index
      %swap3A_682 = tpu.vector_load %arg18[%swap3A_680, %swap3A_681] {strides = array<i32>} : memref<12x128xi32, #tpu.memory_space<vmem>>, vector<16xi32>,
      tpu.vector_store %arg18[%swap3A_680, %swap3A_681], %add3A_678 {strides = array<i32>} : memref<12x128xi32, #tpu.memory_space<vmem>>, vector<16xi32>,
      %add3A_683 = arith.constant 7667712 : i32
      %add3A_684 = vector.broadcast %add3A_683 : i32 to vector<16xi32>
      %add3A_685 = arith.addi %add3A_318, %add3A_684 : vector<16xi32>
      %swap3A_686 = arith.constant 6 : i32
      %swap3A_687 = arith.index_cast %swap3A_686 : i32 to index
      %swap3A_688 = arith.constant 64 : index
      %swap3A_689 = tpu.vector_load %arg18[%swap3A_687, %swap3A_688] {strides = array<i32>} : memref<12x128xi32, #tpu.memory_space<vmem>>, vector<16xi32>,
      tpu.vector_store %arg18[%swap3A_687, %swap3A_688], %add3A_685 {strides = array<i32>} : memref<12x128xi32, #tpu.memory_space<vmem>>, vector<16xi32>,
      %add3A_690 = arith.constant 7815168 : i32
      %add3A_691 = vector.broadcast %add3A_690 : i32 to vector<16xi32>
      %add3A_692 = arith.addi %add3A_318, %add3A_691 : vector<16xi32>
      %swap3A_693 = arith.constant 6 : i32
      %swap3A_694 = arith.index_cast %swap3A_693 : i32 to index
      %swap3A_695 = arith.constant 80 : index
      %swap3A_696 = tpu.vector_load %arg18[%swap3A_694, %swap3A_695] {strides = array<i32>} : memref<12x128xi32, #tpu.memory_space<vmem>>, vector<16xi32>,
      tpu.vector_store %arg18[%swap3A_694, %swap3A_695], %add3A_692 {strides = array<i32>} : memref<12x128xi32, #tpu.memory_space<vmem>>, vector<16xi32>,
      %add3A_697 = arith.constant 7962624 : i32
      %add3A_698 = vector.broadcast %add3A_697 : i32 to vector<16xi32>
      %add3A_699 = arith.addi %add3A_318, %add3A_698 : vector<16xi32>
      %swap3A_700 = arith.constant 6 : i32
      %swap3A_701 = arith.index_cast %swap3A_700 : i32 to index
      %swap3A_702 = arith.constant 96 : index
      %swap3A_703 = tpu.vector_load %arg18[%swap3A_701, %swap3A_702] {strides = array<i32>} : memref<12x128xi32, #tpu.memory_space<vmem>>, vector<16xi32>,
      tpu.vector_store %arg18[%swap3A_701, %swap3A_702], %add3A_699 {strides = array<i32>} : memref<12x128xi32, #tpu.memory_space<vmem>>, vector<16xi32>,
      %add3A_704 = arith.constant 8110080 : i32
      %add3A_705 = vector.broadcast %add3A_704 : i32 to vector<16xi32>
      %add3A_706 = arith.addi %add3A_318, %add3A_705 : vector<16xi32>
      %swap3A_707 = arith.constant 6 : i32
      %swap3A_708 = arith.index_cast %swap3A_707 : i32 to index
      %swap3A_709 = arith.constant 112 : index
      %swap3A_710 = tpu.vector_load %arg18[%swap3A_708, %swap3A_709] {strides = array<i32>} : memref<12x128xi32, #tpu.memory_space<vmem>>, vector<16xi32>,
      tpu.vector_store %arg18[%swap3A_708, %swap3A_709], %add3A_706 {strides = array<i32>} : memref<12x128xi32, #tpu.memory_space<vmem>>, vector<16xi32>,
      %add3A_711 = arith.constant 8257536 : i32
      %add3A_712 = vector.broadcast %add3A_711 : i32 to vector<16xi32>
      %add3A_713 = arith.addi %add3A_318, %add3A_712 : vector<16xi32>
      %swap3A_714 = arith.constant 7 : i32
      %swap3A_715 = arith.index_cast %swap3A_714 : i32 to index
      %swap3A_716 = arith.constant 0 : index
      %swap3A_717 = tpu.vector_load %arg18[%swap3A_715, %swap3A_716] {strides = array<i32>} : memref<12x128xi32, #tpu.memory_space<vmem>>, vector<16xi32>,
      tpu.vector_store %arg18[%swap3A_715, %swap3A_716], %add3A_713 {strides = array<i32>} : memref<12x128xi32, #tpu.memory_space<vmem>>, vector<16xi32>,
      %add3A_718 = arith.constant 8404992 : i32
      %add3A_719 = vector.broadcast %add3A_718 : i32 to vector<16xi32>
      %add3A_720 = arith.addi %add3A_318, %add3A_719 : vector<16xi32>
      %swap3A_721 = arith.constant 7 : i32
      %swap3A_722 = arith.index_cast %swap3A_721 : i32 to index
      %swap3A_723 = arith.constant 16 : index
      %swap3A_724 = tpu.vector_load %arg18[%swap3A_722, %swap3A_723] {strides = array<i32>} : memref<12x128xi32, #tpu.memory_space<vmem>>, vector<16xi32>,
      tpu.vector_store %arg18[%swap3A_722, %swap3A_723], %add3A_720 {strides = array<i32>} : memref<12x128xi32, #tpu.memory_space<vmem>>, vector<16xi32>,
      %add3A_725 = arith.constant 8552448 : i32
      %add3A_726 = vector.broadcast %add3A_725 : i32 to vector<16xi32>
      %add3A_727 = arith.addi %add3A_318, %add3A_726 : vector<16xi32>
      %swap3A_728 = arith.constant 7 : i32
      %swap3A_729 = arith.index_cast %swap3A_728 : i32 to index
      %swap3A_730 = arith.constant 32 : index
      %swap3A_731 = tpu.vector_load %arg18[%swap3A_729, %swap3A_730] {strides = array<i32>} : memref<12x128xi32, #tpu.memory_space<vmem>>, vector<16xi32>,
      tpu.vector_store %arg18[%swap3A_729, %swap3A_730], %add3A_727 {strides = array<i32>} : memref<12x128xi32, #tpu.memory_space<vmem>>, vector<16xi32>,
      %add3A_732 = arith.constant 8699904 : i32
      %add3A_733 = vector.broadcast %add3A_732 : i32 to vector<16xi32>
      %add3A_734 = arith.addi %add3A_318, %add3A_733 : vector<16xi32>
      %swap3A_735 = arith.constant 7 : i32
      %swap3A_736 = arith.index_cast %swap3A_735 : i32 to index
      %swap3A_737 = arith.constant 48 : index
      %swap3A_738 = tpu.vector_load %arg18[%swap3A_736, %swap3A_737] {strides = array<i32>} : memref<12x128xi32, #tpu.memory_space<vmem>>, vector<16xi32>,
      tpu.vector_store %arg18[%swap3A_736, %swap3A_737], %add3A_734 {strides = array<i32>} : memref<12x128xi32, #tpu.memory_space<vmem>>, vector<16xi32>,
      %add3A_739 = arith.constant 8847360 : i32
      %add3A_740 = vector.broadcast %add3A_739 : i32 to vector<16xi32>
      %add3A_741 = arith.addi %add3A_318, %add3A_740 : vector<16xi32>
      %swap3A_742 = arith.constant 7 : i32
      %swap3A_743 = arith.index_cast %swap3A_742 : i32 to index
      %swap3A_744 = arith.constant 64 : index
      %swap3A_745 = tpu.vector_load %arg18[%swap3A_743, %swap3A_744] {strides = array<i32>} : memref<12x128xi32, #tpu.memory_space<vmem>>, vector<16xi32>,
      tpu.vector_store %arg18[%swap3A_743, %swap3A_744], %add3A_741 {strides = array<i32>} : memref<12x128xi32, #tpu.memory_space<vmem>>, vector<16xi32>,
      %add3A_746 = arith.constant 8994816 : i32
      %add3A_747 = vector.broadcast %add3A_746 : i32 to vector<16xi32>
      %add3A_748 = arith.addi %add3A_318, %add3A_747 : vector<16xi32>
      %swap3A_749 = arith.constant 7 : i32
      %swap3A_750 = arith.index_cast %swap3A_749 : i32 to index
      %swap3A_751 = arith.constant 80 : index
      %swap3A_752 = tpu.vector_load %arg18[%swap3A_750, %swap3A_751] {strides = array<i32>} : memref<12x128xi32, #tpu.memory_space<vmem>>, vector<16xi32>,
      tpu.vector_store %arg18[%swap3A_750, %swap3A_751], %add3A_748 {strides = array<i32>} : memref<12x128xi32, #tpu.memory_space<vmem>>, vector<16xi32>,
      %add3A_753 = arith.constant 9142272 : i32
      %add3A_754 = vector.broadcast %add3A_753 : i32 to vector<16xi32>
      %add3A_755 = arith.addi %add3A_318, %add3A_754 : vector<16xi32>
      %swap3A_756 = arith.constant 7 : i32
      %swap3A_757 = arith.index_cast %swap3A_756 : i32 to index
      %swap3A_758 = arith.constant 96 : index
      %swap3A_759 = tpu.vector_load %arg18[%swap3A_757, %swap3A_758] {strides = array<i32>} : memref<12x128xi32, #tpu.memory_space<vmem>>, vector<16xi32>,
      tpu.vector_store %arg18[%swap3A_757, %swap3A_758], %add3A_755 {strides = array<i32>} : memref<12x128xi32, #tpu.memory_space<vmem>>, vector<16xi32>,
      %add3A_760 = arith.constant 9289728 : i32
      %add3A_761 = vector.broadcast %add3A_760 : i32 to vector<16xi32>
      %add3A_762 = arith.addi %add3A_318, %add3A_761 : vector<16xi32>
      %swap3A_763 = arith.constant 7 : i32
      %swap3A_764 = arith.index_cast %swap3A_763 : i32 to index
      %swap3A_765 = arith.constant 112 : index
      %swap3A_766 = tpu.vector_load %arg18[%swap3A_764, %swap3A_765] {strides = array<i32>} : memref<12x128xi32, #tpu.memory_space<vmem>>, vector<16xi32>,
      tpu.vector_store %arg18[%swap3A_764, %swap3A_765], %add3A_762 {strides = array<i32>} : memref<12x128xi32, #tpu.memory_space<vmem>>, vector<16xi32>,
      %add3A_767 = arith.constant 9437184 : i32
      %add3A_768 = vector.broadcast %add3A_767 : i32 to vector<16xi32>
      %add3A_769 = arith.addi %add3A_318, %add3A_768 : vector<16xi32>
      %swap3A_770 = arith.constant 8 : i32
      %swap3A_771 = arith.index_cast %swap3A_770 : i32 to index
      %swap3A_772 = arith.constant 0 : index
      %swap3A_773 = tpu.vector_load %arg18[%swap3A_771, %swap3A_772] {strides = array<i32>} : memref<12x128xi32, #tpu.memory_space<vmem>>, vector<16xi32>,
      tpu.vector_store %arg18[%swap3A_771, %swap3A_772], %add3A_769 {strides = array<i32>} : memref<12x128xi32, #tpu.memory_space<vmem>>, vector<16xi32>,
      %add3A_774 = arith.constant 9584640 : i32
      %add3A_775 = vector.broadcast %add3A_774 : i32 to vector<16xi32>
      %add3A_776 = arith.addi %add3A_318, %add3A_775 : vector<16xi32>
      %swap3A_777 = arith.constant 8 : i32
      %swap3A_778 = arith.index_cast %swap3A_777 : i32 to index
      %swap3A_779 = arith.constant 16 : index
      %swap3A_780 = tpu.vector_load %arg18[%swap3A_778, %swap3A_779] {strides = array<i32>} : memref<12x128xi32, #tpu.memory_space<vmem>>, vector<16xi32>,
      tpu.vector_store %arg18[%swap3A_778, %swap3A_779], %add3A_776 {strides = array<i32>} : memref<12x128xi32, #tpu.memory_space<vmem>>, vector<16xi32>,
      %add3A_781 = arith.constant 9732096 : i32
      %add3A_782 = vector.broadcast %add3A_781 : i32 to vector<16xi32>
      %add3A_783 = arith.addi %add3A_318, %add3A_782 : vector<16xi32>
      %swap3A_784 = arith.constant 8 : i32
      %swap3A_785 = arith.index_cast %swap3A_784 : i32 to index
      %swap3A_786 = arith.constant 32 : index
      %swap3A_787 = tpu.vector_load %arg18[%swap3A_785, %swap3A_786] {strides = array<i32>} : memref<12x128xi32, #tpu.memory_space<vmem>>, vector<16xi32>,
      tpu.vector_store %arg18[%swap3A_785, %swap3A_786], %add3A_783 {strides = array<i32>} : memref<12x128xi32, #tpu.memory_space<vmem>>, vector<16xi32>,
      %add3A_788 = arith.constant 9879552 : i32
      %add3A_789 = vector.broadcast %add3A_788 : i32 to vector<16xi32>
      %add3A_790 = arith.addi %add3A_318, %add3A_789 : vector<16xi32>
      %swap3A_791 = arith.constant 8 : i32
      %swap3A_792 = arith.index_cast %swap3A_791 : i32 to index
      %swap3A_793 = arith.constant 48 : index
      %swap3A_794 = tpu.vector_load %arg18[%swap3A_792, %swap3A_793] {strides = array<i32>} : memref<12x128xi32, #tpu.memory_space<vmem>>, vector<16xi32>,
      tpu.vector_store %arg18[%swap3A_792, %swap3A_793], %add3A_790 {strides = array<i32>} : memref<12x128xi32, #tpu.memory_space<vmem>>, vector<16xi32>,
      %add3A_795 = arith.constant 10027008 : i32
      %add3A_796 = vector.broadcast %add3A_795 : i32 to vector<16xi32>
      %add3A_797 = arith.addi %add3A_318, %add3A_796 : vector<16xi32>
      %swap3A_798 = arith.constant 8 : i32
      %swap3A_799 = arith.index_cast %swap3A_798 : i32 to index
      %swap3A_800 = arith.constant 64 : index
      %swap3A_801 = tpu.vector_load %arg18[%swap3A_799, %swap3A_800] {strides = array<i32>} : memref<12x128xi32, #tpu.memory_space<vmem>>, vector<16xi32>,
      tpu.vector_store %arg18[%swap3A_799, %swap3A_800], %add3A_797 {strides = array<i32>} : memref<12x128xi32, #tpu.memory_space<vmem>>, vector<16xi32>,
      %add3A_802 = arith.constant 10174464 : i32
      %add3A_803 = vector.broadcast %add3A_802 : i32 to vector<16xi32>
      %add3A_804 = arith.addi %add3A_318, %add3A_803 : vector<16xi32>
      %swap3A_805 = arith.constant 8 : i32
      %swap3A_806 = arith.index_cast %swap3A_805 : i32 to index
      %swap3A_807 = arith.constant 80 : index
      %swap3A_808 = tpu.vector_load %arg18[%swap3A_806, %swap3A_807] {strides = array<i32>} : memref<12x128xi32, #tpu.memory_space<vmem>>, vector<16xi32>,
      tpu.vector_store %arg18[%swap3A_806, %swap3A_807], %add3A_804 {strides = array<i32>} : memref<12x128xi32, #tpu.memory_space<vmem>>, vector<16xi32>,
      %add3A_809 = arith.constant 10321920 : i32
      %add3A_810 = vector.broadcast %add3A_809 : i32 to vector<16xi32>
      %add3A_811 = arith.addi %add3A_318, %add3A_810 : vector<16xi32>
      %swap3A_812 = arith.constant 8 : i32
      %swap3A_813 = arith.index_cast %swap3A_812 : i32 to index
      %swap3A_814 = arith.constant 96 : index
      %swap3A_815 = tpu.vector_load %arg18[%swap3A_813, %swap3A_814] {strides = array<i32>} : memref<12x128xi32, #tpu.memory_space<vmem>>, vector<16xi32>,
      tpu.vector_store %arg18[%swap3A_813, %swap3A_814], %add3A_811 {strides = array<i32>} : memref<12x128xi32, #tpu.memory_space<vmem>>, vector<16xi32>,
      %add3A_816 = arith.constant 10469376 : i32
      %add3A_817 = vector.broadcast %add3A_816 : i32 to vector<16xi32>
      %add3A_818 = arith.addi %add3A_318, %add3A_817 : vector<16xi32>
      %swap3A_819 = arith.constant 8 : i32
      %swap3A_820 = arith.index_cast %swap3A_819 : i32 to index
      %swap3A_821 = arith.constant 112 : index
      %swap3A_822 = tpu.vector_load %arg18[%swap3A_820, %swap3A_821] {strides = array<i32>} : memref<12x128xi32, #tpu.memory_space<vmem>>, vector<16xi32>,
      tpu.vector_store %arg18[%swap3A_820, %swap3A_821], %add3A_818 {strides = array<i32>} : memref<12x128xi32, #tpu.memory_space<vmem>>, vector<16xi32>,
      %add3A_823 = arith.constant 10616832 : i32
      %add3A_824 = vector.broadcast %add3A_823 : i32 to vector<16xi32>
      %add3A_825 = arith.addi %add3A_318, %add3A_824 : vector<16xi32>
      %swap3A_826 = arith.constant 9 : i32
      %swap3A_827 = arith.index_cast %swap3A_826 : i32 to index
      %swap3A_828 = arith.constant 0 : index
      %swap3A_829 = tpu.vector_load %arg18[%swap3A_827, %swap3A_828] {strides = array<i32>} : memref<12x128xi32, #tpu.memory_space<vmem>>, vector<16xi32>,
      tpu.vector_store %arg18[%swap3A_827, %swap3A_828], %add3A_825 {strides = array<i32>} : memref<12x128xi32, #tpu.memory_space<vmem>>, vector<16xi32>,
      %add3A_830 = arith.constant 10764288 : i32
      %add3A_831 = vector.broadcast %add3A_830 : i32 to vector<16xi32>
      %add3A_832 = arith.addi %add3A_318, %add3A_831 : vector<16xi32>
      %swap3A_833 = arith.constant 9 : i32
      %swap3A_834 = arith.index_cast %swap3A_833 : i32 to index
      %swap3A_835 = arith.constant 16 : index
      %swap3A_836 = tpu.vector_load %arg18[%swap3A_834, %swap3A_835] {strides = array<i32>} : memref<12x128xi32, #tpu.memory_space<vmem>>, vector<16xi32>,
      tpu.vector_store %arg18[%swap3A_834, %swap3A_835], %add3A_832 {strides = array<i32>} : memref<12x128xi32, #tpu.memory_space<vmem>>, vector<16xi32>,
      %add3A_837 = arith.constant 10911744 : i32
      %add3A_838 = vector.broadcast %add3A_837 : i32 to vector<16xi32>
      %add3A_839 = arith.addi %add3A_318, %add3A_838 : vector<16xi32>
      %swap3A_840 = arith.constant 9 : i32
      %swap3A_841 = arith.index_cast %swap3A_840 : i32 to index
      %swap3A_842 = arith.constant 32 : index
      %swap3A_843 = tpu.vector_load %arg18[%swap3A_841, %swap3A_842] {strides = array<i32>} : memref<12x128xi32, #tpu.memory_space<vmem>>, vector<16xi32>,
      tpu.vector_store %arg18[%swap3A_841, %swap3A_842], %add3A_839 {strides = array<i32>} : memref<12x128xi32, #tpu.memory_space<vmem>>, vector<16xi32>,
      %add3A_844 = arith.constant 11059200 : i32
      %add3A_845 = vector.broadcast %add3A_844 : i32 to vector<16xi32>
      %add3A_846 = arith.addi %add3A_318, %add3A_845 : vector<16xi32>
      %swap3A_847 = arith.constant 9 : i32
      %swap3A_848 = arith.index_cast %swap3A_847 : i32 to index
      %swap3A_849 = arith.constant 48 : index
      %swap3A_850 = tpu.vector_load %arg18[%swap3A_848, %swap3A_849] {strides = array<i32>} : memref<12x128xi32, #tpu.memory_space<vmem>>, vector<16xi32>,
      tpu.vector_store %arg18[%swap3A_848, %swap3A_849], %add3A_846 {strides = array<i32>} : memref<12x128xi32, #tpu.memory_space<vmem>>, vector<16xi32>,
      %add3A_851 = arith.constant 11206656 : i32
      %add3A_852 = vector.broadcast %add3A_851 : i32 to vector<16xi32>
      %add3A_853 = arith.addi %add3A_318, %add3A_852 : vector<16xi32>
      %swap3A_854 = arith.constant 9 : i32
      %swap3A_855 = arith.index_cast %swap3A_854 : i32 to index
      %swap3A_856 = arith.constant 64 : index
      %swap3A_857 = tpu.vector_load %arg18[%swap3A_855, %swap3A_856] {strides = array<i32>} : memref<12x128xi32, #tpu.memory_space<vmem>>, vector<16xi32>,
      tpu.vector_store %arg18[%swap3A_855, %swap3A_856], %add3A_853 {strides = array<i32>} : memref<12x128xi32, #tpu.memory_space<vmem>>, vector<16xi32>,
      %add3A_858 = arith.constant 11354112 : i32
      %add3A_859 = vector.broadcast %add3A_858 : i32 to vector<16xi32>
      %add3A_860 = arith.addi %add3A_318, %add3A_859 : vector<16xi32>
      %swap3A_861 = arith.constant 9 : i32
      %swap3A_862 = arith.index_cast %swap3A_861 : i32 to index
      %swap3A_863 = arith.constant 80 : index
      %swap3A_864 = tpu.vector_load %arg18[%swap3A_862, %swap3A_863] {strides = array<i32>} : memref<12x128xi32, #tpu.memory_space<vmem>>, vector<16xi32>,
      tpu.vector_store %arg18[%swap3A_862, %swap3A_863], %add3A_860 {strides = array<i32>} : memref<12x128xi32, #tpu.memory_space<vmem>>, vector<16xi32>,
      %add3A_865 = arith.constant 11501568 : i32
      %add3A_866 = vector.broadcast %add3A_865 : i32 to vector<16xi32>
      %add3A_867 = arith.addi %add3A_318, %add3A_866 : vector<16xi32>
      %swap3A_868 = arith.constant 9 : i32
      %swap3A_869 = arith.index_cast %swap3A_868 : i32 to index
      %swap3A_870 = arith.constant 96 : index
      %swap3A_871 = tpu.vector_load %arg18[%swap3A_869, %swap3A_870] {strides = array<i32>} : memref<12x128xi32, #tpu.memory_space<vmem>>, vector<16xi32>,
      tpu.vector_store %arg18[%swap3A_869, %swap3A_870], %add3A_867 {strides = array<i32>} : memref<12x128xi32, #tpu.memory_space<vmem>>, vector<16xi32>,
      %add3A_872 = arith.constant 11649024 : i32
      %add3A_873 = vector.broadcast %add3A_872 : i32 to vector<16xi32>
      %add3A_874 = arith.addi %add3A_318, %add3A_873 : vector<16xi32>
      %swap3A_875 = arith.constant 9 : i32
      %swap3A_876 = arith.index_cast %swap3A_875 : i32 to index
      %swap3A_877 = arith.constant 112 : index
      %swap3A_878 = tpu.vector_load %arg18[%swap3A_876, %swap3A_877] {strides = array<i32>} : memref<12x128xi32, #tpu.memory_space<vmem>>, vector<16xi32>,
      tpu.vector_store %arg18[%swap3A_876, %swap3A_877], %add3A_874 {strides = array<i32>} : memref<12x128xi32, #tpu.memory_space<vmem>>, vector<16xi32>,
      %add3A_879 = arith.constant 11796480 : i32
      %add3A_880 = vector.broadcast %add3A_879 : i32 to vector<16xi32>
      %add3A_881 = arith.addi %add3A_318, %add3A_880 : vector<16xi32>
      %swap3A_882 = arith.constant 10 : i32
      %swap3A_883 = arith.index_cast %swap3A_882 : i32 to index
      %swap3A_884 = arith.constant 0 : index
      %swap3A_885 = tpu.vector_load %arg18[%swap3A_883, %swap3A_884] {strides = array<i32>} : memref<12x128xi32, #tpu.memory_space<vmem>>, vector<16xi32>,
      tpu.vector_store %arg18[%swap3A_883, %swap3A_884], %add3A_881 {strides = array<i32>} : memref<12x128xi32, #tpu.memory_space<vmem>>, vector<16xi32>,
      %add3A_886 = arith.constant 11943936 : i32
      %add3A_887 = vector.broadcast %add3A_886 : i32 to vector<16xi32>
      %add3A_888 = arith.addi %add3A_318, %add3A_887 : vector<16xi32>
      %swap3A_889 = arith.constant 10 : i32
      %swap3A_890 = arith.index_cast %swap3A_889 : i32 to index
      %swap3A_891 = arith.constant 16 : index
      %swap3A_892 = tpu.vector_load %arg18[%swap3A_890, %swap3A_891] {strides = array<i32>} : memref<12x128xi32, #tpu.memory_space<vmem>>, vector<16xi32>,
      tpu.vector_store %arg18[%swap3A_890, %swap3A_891], %add3A_888 {strides = array<i32>} : memref<12x128xi32, #tpu.memory_space<vmem>>, vector<16xi32>,
      %add3A_893 = arith.constant 12091392 : i32
      %add3A_894 = vector.broadcast %add3A_893 : i32 to vector<16xi32>
      %add3A_895 = arith.addi %add3A_318, %add3A_894 : vector<16xi32>
      %swap3A_896 = arith.constant 10 : i32
      %swap3A_897 = arith.index_cast %swap3A_896 : i32 to index
      %swap3A_898 = arith.constant 32 : index
      %swap3A_899 = tpu.vector_load %arg18[%swap3A_897, %swap3A_898] {strides = array<i32>} : memref<12x128xi32, #tpu.memory_space<vmem>>, vector<16xi32>,
      tpu.vector_store %arg18[%swap3A_897, %swap3A_898], %add3A_895 {strides = array<i32>} : memref<12x128xi32, #tpu.memory_space<vmem>>, vector<16xi32>,
      %add3A_900 = arith.constant 12238848 : i32
      %add3A_901 = vector.broadcast %add3A_900 : i32 to vector<16xi32>
      %add3A_902 = arith.addi %add3A_318, %add3A_901 : vector<16xi32>
      %swap3A_903 = arith.constant 10 : i32
      %swap3A_904 = arith.index_cast %swap3A_903 : i32 to index
      %swap3A_905 = arith.constant 48 : index
      %swap3A_906 = tpu.vector_load %arg18[%swap3A_904, %swap3A_905] {strides = array<i32>} : memref<12x128xi32, #tpu.memory_space<vmem>>, vector<16xi32>,
      tpu.vector_store %arg18[%swap3A_904, %swap3A_905], %add3A_902 {strides = array<i32>} : memref<12x128xi32, #tpu.memory_space<vmem>>, vector<16xi32>,
      %add3A_907 = arith.constant 12386304 : i32
      %add3A_908 = vector.broadcast %add3A_907 : i32 to vector<16xi32>
      %add3A_909 = arith.addi %add3A_318, %add3A_908 : vector<16xi32>
      %swap3A_910 = arith.constant 10 : i32
      %swap3A_911 = arith.index_cast %swap3A_910 : i32 to index
      %swap3A_912 = arith.constant 64 : index
      %swap3A_913 = tpu.vector_load %arg18[%swap3A_911, %swap3A_912] {strides = array<i32>} : memref<12x128xi32, #tpu.memory_space<vmem>>, vector<16xi32>,
      tpu.vector_store %arg18[%swap3A_911, %swap3A_912], %add3A_909 {strides = array<i32>} : memref<12x128xi32, #tpu.memory_space<vmem>>, vector<16xi32>,
      %add3A_914 = arith.constant 12533760 : i32
      %add3A_915 = vector.broadcast %add3A_914 : i32 to vector<16xi32>
      %add3A_916 = arith.addi %add3A_318, %add3A_915 : vector<16xi32>
      %swap3A_917 = arith.constant 10 : i32
      %swap3A_918 = arith.index_cast %swap3A_917 : i32 to index
      %swap3A_919 = arith.constant 80 : index
      %swap3A_920 = tpu.vector_load %arg18[%swap3A_918, %swap3A_919] {strides = array<i32>} : memref<12x128xi32, #tpu.memory_space<vmem>>, vector<16xi32>,
      tpu.vector_store %arg18[%swap3A_918, %swap3A_919], %add3A_916 {strides = array<i32>} : memref<12x128xi32, #tpu.memory_space<vmem>>, vector<16xi32>,
      %add3A_921 = arith.constant 12681216 : i32
      %add3A_922 = vector.broadcast %add3A_921 : i32 to vector<16xi32>
      %add3A_923 = arith.addi %add3A_318, %add3A_922 : vector<16xi32>
      %swap3A_924 = arith.constant 10 : i32
      %swap3A_925 = arith.index_cast %swap3A_924 : i32 to index
      %swap3A_926 = arith.constant 96 : index
      %swap3A_927 = tpu.vector_load %arg18[%swap3A_925, %swap3A_926] {strides = array<i32>} : memref<12x128xi32, #tpu.memory_space<vmem>>, vector<16xi32>,
      tpu.vector_store %arg18[%swap3A_925, %swap3A_926], %add3A_923 {strides = array<i32>} : memref<12x128xi32, #tpu.memory_space<vmem>>, vector<16xi32>,
      %add3A_928 = arith.constant 12828672 : i32
      %add3A_929 = vector.broadcast %add3A_928 : i32 to vector<16xi32>
      %add3A_930 = arith.addi %add3A_318, %add3A_929 : vector<16xi32>
      %swap3A_931 = arith.constant 10 : i32
      %swap3A_932 = arith.index_cast %swap3A_931 : i32 to index
      %swap3A_933 = arith.constant 112 : index
      %swap3A_934 = tpu.vector_load %arg18[%swap3A_932, %swap3A_933] {strides = array<i32>} : memref<12x128xi32, #tpu.memory_space<vmem>>, vector<16xi32>,
      tpu.vector_store %arg18[%swap3A_932, %swap3A_933], %add3A_930 {strides = array<i32>} : memref<12x128xi32, #tpu.memory_space<vmem>>, vector<16xi32>,
      %add3A_935 = arith.constant 12976128 : i32
      %add3A_936 = vector.broadcast %add3A_935 : i32 to vector<16xi32>
      %add3A_937 = arith.addi %add3A_318, %add3A_936 : vector<16xi32>
      %swap3A_938 = arith.constant 11 : i32
      %swap3A_939 = arith.index_cast %swap3A_938 : i32 to index
      %swap3A_940 = arith.constant 0 : index
      %swap3A_941 = tpu.vector_load %arg18[%swap3A_939, %swap3A_940] {strides = array<i32>} : memref<12x128xi32, #tpu.memory_space<vmem>>, vector<16xi32>,
      tpu.vector_store %arg18[%swap3A_939, %swap3A_940], %add3A_937 {strides = array<i32>} : memref<12x128xi32, #tpu.memory_space<vmem>>, vector<16xi32>,
      %add3A_942 = arith.constant 13123584 : i32
      %add3A_943 = vector.broadcast %add3A_942 : i32 to vector<16xi32>
      %add3A_944 = arith.addi %add3A_318, %add3A_943 : vector<16xi32>
      %swap3A_945 = arith.constant 11 : i32
      %swap3A_946 = arith.index_cast %swap3A_945 : i32 to index
      %swap3A_947 = arith.constant 16 : index
      %swap3A_948 = tpu.vector_load %arg18[%swap3A_946, %swap3A_947] {strides = array<i32>} : memref<12x128xi32, #tpu.memory_space<vmem>>, vector<16xi32>,
      tpu.vector_store %arg18[%swap3A_946, %swap3A_947], %add3A_944 {strides = array<i32>} : memref<12x128xi32, #tpu.memory_space<vmem>>, vector<16xi32>,
      %add3A_949 = arith.constant 13271040 : i32
      %add3A_950 = vector.broadcast %add3A_949 : i32 to vector<16xi32>
      %add3A_951 = arith.addi %add3A_318, %add3A_950 : vector<16xi32>
      %swap3A_952 = arith.constant 11 : i32
      %swap3A_953 = arith.index_cast %swap3A_952 : i32 to index
      %swap3A_954 = arith.constant 32 : index
      %swap3A_955 = tpu.vector_load %arg18[%swap3A_953, %swap3A_954] {strides = array<i32>} : memref<12x128xi32, #tpu.memory_space<vmem>>, vector<16xi32>,
      tpu.vector_store %arg18[%swap3A_953, %swap3A_954], %add3A_951 {strides = array<i32>} : memref<12x128xi32, #tpu.memory_space<vmem>>, vector<16xi32>,
      %add3A_956 = arith.constant 13418496 : i32
      %add3A_957 = vector.broadcast %add3A_956 : i32 to vector<16xi32>
      %add3A_958 = arith.addi %add3A_318, %add3A_957 : vector<16xi32>
      %swap3A_959 = arith.constant 11 : i32
      %swap3A_960 = arith.index_cast %swap3A_959 : i32 to index
      %swap3A_961 = arith.constant 48 : index
      %swap3A_962 = tpu.vector_load %arg18[%swap3A_960, %swap3A_961] {strides = array<i32>} : memref<12x128xi32, #tpu.memory_space<vmem>>, vector<16xi32>,
      tpu.vector_store %arg18[%swap3A_960, %swap3A_961], %add3A_958 {strides = array<i32>} : memref<12x128xi32, #tpu.memory_space<vmem>>, vector<16xi32>,
      %add3A_963 = arith.constant 13565952 : i32
      %add3A_964 = vector.broadcast %add3A_963 : i32 to vector<16xi32>
      %add3A_965 = arith.addi %add3A_318, %add3A_964 : vector<16xi32>
      %swap3A_966 = arith.constant 11 : i32
      %swap3A_967 = arith.index_cast %swap3A_966 : i32 to index
      %swap3A_968 = arith.constant 64 : index
      %swap3A_969 = tpu.vector_load %arg18[%swap3A_967, %swap3A_968] {strides = array<i32>} : memref<12x128xi32, #tpu.memory_space<vmem>>, vector<16xi32>,
      tpu.vector_store %arg18[%swap3A_967, %swap3A_968], %add3A_965 {strides = array<i32>} : memref<12x128xi32, #tpu.memory_space<vmem>>, vector<16xi32>,
      %add3A_970 = arith.constant 13713408 : i32
      %add3A_971 = vector.broadcast %add3A_970 : i32 to vector<16xi32>
      %add3A_972 = arith.addi %add3A_318, %add3A_971 : vector<16xi32>
      %swap3A_973 = arith.constant 11 : i32
      %swap3A_974 = arith.index_cast %swap3A_973 : i32 to index
      %swap3A_975 = arith.constant 80 : index
      %swap3A_976 = tpu.vector_load %arg18[%swap3A_974, %swap3A_975] {strides = array<i32>} : memref<12x128xi32, #tpu.memory_space<vmem>>, vector<16xi32>,
      tpu.vector_store %arg18[%swap3A_974, %swap3A_975], %add3A_972 {strides = array<i32>} : memref<12x128xi32, #tpu.memory_space<vmem>>, vector<16xi32>,
      %add3A_977 = arith.constant 13860864 : i32
      %add3A_978 = vector.broadcast %add3A_977 : i32 to vector<16xi32>
      %add3A_979 = arith.addi %add3A_318, %add3A_978 : vector<16xi32>
      %swap3A_980 = arith.constant 11 : i32
      %swap3A_981 = arith.index_cast %swap3A_980 : i32 to index
      %swap3A_982 = arith.constant 96 : index
      %swap3A_983 = tpu.vector_load %arg18[%swap3A_981, %swap3A_982] {strides = array<i32>} : memref<12x128xi32, #tpu.memory_space<vmem>>, vector<16xi32>,
      tpu.vector_store %arg18[%swap3A_981, %swap3A_982], %add3A_979 {strides = array<i32>} : memref<12x128xi32, #tpu.memory_space<vmem>>, vector<16xi32>,
      %add3A_984 = arith.constant 14008320 : i32
      %add3A_985 = vector.broadcast %add3A_984 : i32 to vector<16xi32>
      %add3A_986 = arith.addi %add3A_318, %add3A_985 : vector<16xi32>
      %swap3A_987 = arith.constant 11 : i32
      %swap3A_988 = arith.index_cast %swap3A_987 : i32 to index
      %swap3A_989 = arith.constant 112 : index
      %swap3A_990 = tpu.vector_load %arg18[%swap3A_988, %swap3A_989] {strides = array<i32>} : memref<12x128xi32, #tpu.memory_space<vmem>>, vector<16xi32>,
      tpu.vector_store %arg18[%swap3A_988, %swap3A_989], %add3A_986 {strides = array<i32>} : memref<12x128xi32, #tpu.memory_space<vmem>>, vector<16xi32>,
      %dma_start3A_991 = arith.constant 0 : i32
      %dma_start3A_992 = arith.constant 0 : i32
      %dma_start3A_993 = arith.constant 0 : i32
      %dma_start3A_994 = tpu.memref_slice %arg19[%dma_start3A_992, %dma_start3A_993] : memref<12x128xf32, #tpu.memory_space<vmem>> -> memref<1x128xf32, #tpu.memory_space<vmem>>
      %dma_start3A_995 = tpu.memref_squeeze %dma_start3A_994 : memref<1x128xf32, #tpu.memory_space<vmem>> -> memref<128xf32, #tpu.memory_space<vmem>>
      %dma_start3A_996 = arith.constant 0 : i32
      %dma_start3A_997 = tpu.memref_slice %arg18[%dma_start3A_991, %dma_start3A_996] : memref<12x128xi32, #tpu.memory_space<vmem>> -> memref<1x128xi32, #tpu.memory_space<vmem>>
      %dma_start3A_998 = tpu.memref_squeeze %dma_start3A_997 : memref<1x128xi32, #tpu.memory_space<vmem>> -> memref<128xi32, #tpu.memory_space<vmem>>
      %dma_start3A_999 = arith.constant 0 : i32
      %dma_start3A_1000 = tpu.memref_slice %arg4[%dma_start3A_999] : memref<56623104xf32, #tpu.memory_space<hbm>> -> memref<56623104xf32, #tpu.memory_space<hbm>>
      tpu.enqueue_indirect_dma source(%dma_start3A_1000 : memref<56623104xf32, #tpu.memory_space<hbm>>) target(%dma_start3A_995 : memref<128xf32, #tpu.memory_space<vmem>>) offsets(%dma_start3A_998 : memref<128xi32, #tpu.memory_space<vmem>>) semaphore(%arg27 : memref<!tpu.dma_semaphore, #tpu.memory_space<semaphore_mem>>)
      %dma_start3A_1001 = arith.constant 1 : i32
      %dma_start3A_1002 = arith.constant 1 : i32
      %dma_start3A_1003 = arith.constant 0 : i32
      %dma_start3A_1004 = tpu.memref_slice %arg19[%dma_start3A_1002, %dma_start3A_1003] : memref<12x128xf32, #tpu.memory_space<vmem>> -> memref<1x128xf32, #tpu.memory_space<vmem>>
      %dma_start3A_1005 = tpu.memref_squeeze %dma_start3A_1004 : memref<1x128xf32, #tpu.memory_space<vmem>> -> memref<128xf32, #tpu.memory_space<vmem>>
      %dma_start3A_1006 = arith.constant 0 : i32
      %dma_start3A_1007 = tpu.memref_slice %arg18[%dma_start3A_1001, %dma_start3A_1006] : memref<12x128xi32, #tpu.memory_space<vmem>> -> memref<1x128xi32, #tpu.memory_space<vmem>>
      %dma_start3A_1008 = tpu.memref_squeeze %dma_start3A_1007 : memref<1x128xi32, #tpu.memory_space<vmem>> -> memref<128xi32, #tpu.memory_space<vmem>>
      %dma_start3A_1009 = arith.constant 0 : i32
      %dma_start3A_1010 = tpu.memref_slice %arg4[%dma_start3A_1009] : memref<56623104xf32, #tpu.memory_space<hbm>> -> memref<56623104xf32, #tpu.memory_space<hbm>>
      tpu.enqueue_indirect_dma source(%dma_start3A_1010 : memref<56623104xf32, #tpu.memory_space<hbm>>) target(%dma_start3A_1005 : memref<128xf32, #tpu.memory_space<vmem>>) offsets(%dma_start3A_1008 : memref<128xi32, #tpu.memory_space<vmem>>) semaphore(%arg27 : memref<!tpu.dma_semaphore, #tpu.memory_space<semaphore_mem>>)
      %dma_start3A_1011 = arith.constant 2 : i32
      %dma_start3A_1012 = arith.constant 2 : i32
      %dma_start3A_1013 = arith.constant 0 : i32
      %dma_start3A_1014 = tpu.memref_slice %arg19[%dma_start3A_1012, %dma_start3A_1013] : memref<12x128xf32, #tpu.memory_space<vmem>> -> memref<1x128xf32, #tpu.memory_space<vmem>>
      %dma_start3A_1015 = tpu.memref_squeeze %dma_start3A_1014 : memref<1x128xf32, #tpu.memory_space<vmem>> -> memref<128xf32, #tpu.memory_space<vmem>>
      %dma_start3A_1016 = arith.constant 0 : i32
      %dma_start3A_1017 = tpu.memref_slice %arg18[%dma_start3A_1011, %dma_start3A_1016] : memref<12x128xi32, #tpu.memory_space<vmem>> -> memref<1x128xi32, #tpu.memory_space<vmem>>
      %dma_start3A_1018 = tpu.memref_squeeze %dma_start3A_1017 : memref<1x128xi32, #tpu.memory_space<vmem>> -> memref<128xi32, #tpu.memory_space<vmem>>
      %dma_start3A_1019 = arith.constant 0 : i32
      %dma_start3A_1020 = tpu.memref_slice %arg4[%dma_start3A_1019] : memref<56623104xf32, #tpu.memory_space<hbm>> -> memref<56623104xf32, #tpu.memory_space<hbm>>
      tpu.enqueue_indirect_dma source(%dma_start3A_1020 : memref<56623104xf32, #tpu.memory_space<hbm>>) target(%dma_start3A_1015 : memref<128xf32, #tpu.memory_space<vmem>>) offsets(%dma_start3A_1018 : memref<128xi32, #tpu.memory_space<vmem>>) semaphore(%arg27 : memref<!tpu.dma_semaphore, #tpu.memory_space<semaphore_mem>>)
      %dma_start3A_1021 = arith.constant 3 : i32
      %dma_start3A_1022 = arith.constant 3 : i32
      %dma_start3A_1023 = arith.constant 0 : i32
      %dma_start3A_1024 = tpu.memref_slice %arg19[%dma_start3A_1022, %dma_start3A_1023] : memref<12x128xf32, #tpu.memory_space<vmem>> -> memref<1x128xf32, #tpu.memory_space<vmem>>
      %dma_start3A_1025 = tpu.memref_squeeze %dma_start3A_1024 : memref<1x128xf32, #tpu.memory_space<vmem>> -> memref<128xf32, #tpu.memory_space<vmem>>
      %dma_start3A_1026 = arith.constant 0 : i32
      %dma_start3A_1027 = tpu.memref_slice %arg18[%dma_start3A_1021, %dma_start3A_1026] : memref<12x128xi32, #tpu.memory_space<vmem>> -> memref<1x128xi32, #tpu.memory_space<vmem>>
      %dma_start3A_1028 = tpu.memref_squeeze %dma_start3A_1027 : memref<1x128xi32, #tpu.memory_space<vmem>> -> memref<128xi32, #tpu.memory_space<vmem>>
      %dma_start3A_1029 = arith.constant 0 : i32
      %dma_start3A_1030 = tpu.memref_slice %arg4[%dma_start3A_1029] : memref<56623104xf32, #tpu.memory_space<hbm>> -> memref<56623104xf32, #tpu.memory_space<hbm>>
      tpu.enqueue_indirect_dma source(%dma_start3A_1030 : memref<56623104xf32, #tpu.memory_space<hbm>>) target(%dma_start3A_1025 : memref<128xf32, #tpu.memory_space<vmem>>) offsets(%dma_start3A_1028 : memref<128xi32, #tpu.memory_space<vmem>>) semaphore(%arg27 : memref<!tpu.dma_semaphore, #tpu.memory_space<semaphore_mem>>)
      %dma_start3A_1031 = arith.constant 4 : i32
      %dma_start3A_1032 = arith.constant 4 : i32
      %dma_start3A_1033 = arith.constant 0 : i32
      %dma_start3A_1034 = tpu.memref_slice %arg19[%dma_start3A_1032, %dma_start3A_1033] : memref<12x128xf32, #tpu.memory_space<vmem>> -> memref<1x128xf32, #tpu.memory_space<vmem>>
      %dma_start3A_1035 = tpu.memref_squeeze %dma_start3A_1034 : memref<1x128xf32, #tpu.memory_space<vmem>> -> memref<128xf32, #tpu.memory_space<vmem>>
      %dma_start3A_1036 = arith.constant 0 : i32
      %dma_start3A_1037 = tpu.memref_slice %arg18[%dma_start3A_1031, %dma_start3A_1036] : memref<12x128xi32, #tpu.memory_space<vmem>> -> memref<1x128xi32, #tpu.memory_space<vmem>>
      %dma_start3A_1038 = tpu.memref_squeeze %dma_start3A_1037 : memref<1x128xi32, #tpu.memory_space<vmem>> -> memref<128xi32, #tpu.memory_space<vmem>>
      %dma_start3A_1039 = arith.constant 0 : i32
      %dma_start3A_1040 = tpu.memref_slice %arg4[%dma_start3A_1039] : memref<56623104xf32, #tpu.memory_space<hbm>> -> memref<56623104xf32, #tpu.memory_space<hbm>>
      tpu.enqueue_indirect_dma source(%dma_start3A_1040 : memref<56623104xf32, #tpu.memory_space<hbm>>) target(%dma_start3A_1035 : memref<128xf32, #tpu.memory_space<vmem>>) offsets(%dma_start3A_1038 : memref<128xi32, #tpu.memory_space<vmem>>) semaphore(%arg27 : memref<!tpu.dma_semaphore, #tpu.memory_space<semaphore_mem>>)
      %dma_start3A_1041 = arith.constant 5 : i32
      %dma_start3A_1042 = arith.constant 5 : i32
      %dma_start3A_1043 = arith.constant 0 : i32
      %dma_start3A_1044 = tpu.memref_slice %arg19[%dma_start3A_1042, %dma_start3A_1043] : memref<12x128xf32, #tpu.memory_space<vmem>> -> memref<1x128xf32, #tpu.memory_space<vmem>>
      %dma_start3A_1045 = tpu.memref_squeeze %dma_start3A_1044 : memref<1x128xf32, #tpu.memory_space<vmem>> -> memref<128xf32, #tpu.memory_space<vmem>>
      %dma_start3A_1046 = arith.constant 0 : i32
      %dma_start3A_1047 = tpu.memref_slice %arg18[%dma_start3A_1041, %dma_start3A_1046] : memref<12x128xi32, #tpu.memory_space<vmem>> -> memref<1x128xi32, #tpu.memory_space<vmem>>
      %dma_start3A_1048 = tpu.memref_squeeze %dma_start3A_1047 : memref<1x128xi32, #tpu.memory_space<vmem>> -> memref<128xi32, #tpu.memory_space<vmem>>
      %dma_start3A_1049 = arith.constant 0 : i32
      %dma_start3A_1050 = tpu.memref_slice %arg4[%dma_start3A_1049] : memref<56623104xf32, #tpu.memory_space<hbm>> -> memref<56623104xf32, #tpu.memory_space<hbm>>
      tpu.enqueue_indirect_dma source(%dma_start3A_1050 : memref<56623104xf32, #tpu.memory_space<hbm>>) target(%dma_start3A_1045 : memref<128xf32, #tpu.memory_space<vmem>>) offsets(%dma_start3A_1048 : memref<128xi32, #tpu.memory_space<vmem>>) semaphore(%arg27 : memref<!tpu.dma_semaphore, #tpu.memory_space<semaphore_mem>>)
      %dma_start3A_1051 = arith.constant 6 : i32
      %dma_start3A_1052 = arith.constant 6 : i32
      %dma_start3A_1053 = arith.constant 0 : i32
      %dma_start3A_1054 = tpu.memref_slice %arg19[%dma_start3A_1052, %dma_start3A_1053] : memref<12x128xf32, #tpu.memory_space<vmem>> -> memref<1x128xf32, #tpu.memory_space<vmem>>
      %dma_start3A_1055 = tpu.memref_squeeze %dma_start3A_1054 : memref<1x128xf32, #tpu.memory_space<vmem>> -> memref<128xf32, #tpu.memory_space<vmem>>
      %dma_start3A_1056 = arith.constant 0 : i32
      %dma_start3A_1057 = tpu.memref_slice %arg18[%dma_start3A_1051, %dma_start3A_1056] : memref<12x128xi32, #tpu.memory_space<vmem>> -> memref<1x128xi32, #tpu.memory_space<vmem>>
      %dma_start3A_1058 = tpu.memref_squeeze %dma_start3A_1057 : memref<1x128xi32, #tpu.memory_space<vmem>> -> memref<128xi32, #tpu.memory_space<vmem>>
      %dma_start3A_1059 = arith.constant 0 : i32
      %dma_start3A_1060 = tpu.memref_slice %arg4[%dma_start3A_1059] : memref<56623104xf32, #tpu.memory_space<hbm>> -> memref<56623104xf32, #tpu.memory_space<hbm>>
      tpu.enqueue_indirect_dma source(%dma_start3A_1060 : memref<56623104xf32, #tpu.memory_space<hbm>>) target(%dma_start3A_1055 : memref<128xf32, #tpu.memory_space<vmem>>) offsets(%dma_start3A_1058 : memref<128xi32, #tpu.memory_space<vmem>>) semaphore(%arg27 : memref<!tpu.dma_semaphore, #tpu.memory_space<semaphore_mem>>)
      %dma_start3A_1061 = arith.constant 7 : i32
      %dma_start3A_1062 = arith.constant 7 : i32
      %dma_start3A_1063 = arith.constant 0 : i32
      %dma_start3A_1064 = tpu.memref_slice %arg19[%dma_start3A_1062, %dma_start3A_1063] : memref<12x128xf32, #tpu.memory_space<vmem>> -> memref<1x128xf32, #tpu.memory_space<vmem>>
      %dma_start3A_1065 = tpu.memref_squeeze %dma_start3A_1064 : memref<1x128xf32, #tpu.memory_space<vmem>> -> memref<128xf32, #tpu.memory_space<vmem>>
      %dma_start3A_1066 = arith.constant 0 : i32
      %dma_start3A_1067 = tpu.memref_slice %arg18[%dma_start3A_1061, %dma_start3A_1066] : memref<12x128xi32, #tpu.memory_space<vmem>> -> memref<1x128xi32, #tpu.memory_space<vmem>>
      %dma_start3A_1068 = tpu.memref_squeeze %dma_start3A_1067 : memref<1x128xi32, #tpu.memory_space<vmem>> -> memref<128xi32, #tpu.memory_space<vmem>>
      %dma_start3A_1069 = arith.constant 0 : i32
      %dma_start3A_1070 = tpu.memref_slice %arg4[%dma_start3A_1069] : memref<56623104xf32, #tpu.memory_space<hbm>> -> memref<56623104xf32, #tpu.memory_space<hbm>>
      tpu.enqueue_indirect_dma source(%dma_start3A_1070 : memref<56623104xf32, #tpu.memory_space<hbm>>) target(%dma_start3A_1065 : memref<128xf32, #tpu.memory_space<vmem>>) offsets(%dma_start3A_1068 : memref<128xi32, #tpu.memory_space<vmem>>) semaphore(%arg27 : memref<!tpu.dma_semaphore, #tpu.memory_space<semaphore_mem>>)
      %dma_start3A_1071 = arith.constant 8 : i32
      %dma_start3A_1072 = arith.constant 8 : i32
      %dma_start3A_1073 = arith.constant 0 : i32
      %dma_start3A_1074 = tpu.memref_slice %arg19[%dma_start3A_1072, %dma_start3A_1073] : memref<12x128xf32, #tpu.memory_space<vmem>> -> memref<1x128xf32, #tpu.memory_space<vmem>>
      %dma_start3A_1075 = tpu.memref_squeeze %dma_start3A_1074 : memref<1x128xf32, #tpu.memory_space<vmem>> -> memref<128xf32, #tpu.memory_space<vmem>>
      %dma_start3A_1076 = arith.constant 0 : i32
      %dma_start3A_1077 = tpu.memref_slice %arg18[%dma_start3A_1071, %dma_start3A_1076] : memref<12x128xi32, #tpu.memory_space<vmem>> -> memref<1x128xi32, #tpu.memory_space<vmem>>
      %dma_start3A_1078 = tpu.memref_squeeze %dma_start3A_1077 : memref<1x128xi32, #tpu.memory_space<vmem>> -> memref<128xi32, #tpu.memory_space<vmem>>
      %dma_start3A_1079 = arith.constant 0 : i32
      %dma_start3A_1080 = tpu.memref_slice %arg4[%dma_start3A_1079] : memref<56623104xf32, #tpu.memory_space<hbm>> -> memref<56623104xf32, #tpu.memory_space<hbm>>
      tpu.enqueue_indirect_dma source(%dma_start3A_1080 : memref<56623104xf32, #tpu.memory_space<hbm>>) target(%dma_start3A_1075 : memref<128xf32, #tpu.memory_space<vmem>>) offsets(%dma_start3A_1078 : memref<128xi32, #tpu.memory_space<vmem>>) semaphore(%arg27 : memref<!tpu.dma_semaphore, #tpu.memory_space<semaphore_mem>>)
      %dma_start3A_1081 = arith.constant 9 : i32
      %dma_start3A_1082 = arith.constant 9 : i32
      %dma_start3A_1083 = arith.constant 0 : i32
      %dma_start3A_1084 = tpu.memref_slice %arg19[%dma_start3A_1082, %dma_start3A_1083] : memref<12x128xf32, #tpu.memory_space<vmem>> -> memref<1x128xf32, #tpu.memory_space<vmem>>
      %dma_start3A_1085 = tpu.memref_squeeze %dma_start3A_1084 : memref<1x128xf32, #tpu.memory_space<vmem>> -> memref<128xf32, #tpu.memory_space<vmem>>
      %dma_start3A_1086 = arith.constant 0 : i32
      %dma_start3A_1087 = tpu.memref_slice %arg18[%dma_start3A_1081, %dma_start3A_1086] : memref<12x128xi32, #tpu.memory_space<vmem>> -> memref<1x128xi32, #tpu.memory_space<vmem>>
      %dma_start3A_1088 = tpu.memref_squeeze %dma_start3A_1087 : memref<1x128xi32, #tpu.memory_space<vmem>> -> memref<128xi32, #tpu.memory_space<vmem>>
      %dma_start3A_1089 = arith.constant 0 : i32
      %dma_start3A_1090 = tpu.memref_slice %arg4[%dma_start3A_1089] : memref<56623104xf32, #tpu.memory_space<hbm>> -> memref<56623104xf32, #tpu.memory_space<hbm>>
      tpu.enqueue_indirect_dma source(%dma_start3A_1090 : memref<56623104xf32, #tpu.memory_space<hbm>>) target(%dma_start3A_1085 : memref<128xf32, #tpu.memory_space<vmem>>) offsets(%dma_start3A_1088 : memref<128xi32, #tpu.memory_space<vmem>>) semaphore(%arg27 : memref<!tpu.dma_semaphore, #tpu.memory_space<semaphore_mem>>)
      %dma_start3A_1091 = arith.constant 10 : i32
      %dma_start3A_1092 = arith.constant 10 : i32
      %dma_start3A_1093 = arith.constant 0 : i32
      %dma_start3A_1094 = tpu.memref_slice %arg19[%dma_start3A_1092, %dma_start3A_1093] : memref<12x128xf32, #tpu.memory_space<vmem>> -> memref<1x128xf32, #tpu.memory_space<vmem>>
      %dma_start3A_1095 = tpu.memref_squeeze %dma_start3A_1094 : memref<1x128xf32, #tpu.memory_space<vmem>> -> memref<128xf32, #tpu.memory_space<vmem>>
      %dma_start3A_1096 = arith.constant 0 : i32
      %dma_start3A_1097 = tpu.memref_slice %arg18[%dma_start3A_1091, %dma_start3A_1096] : memref<12x128xi32, #tpu.memory_space<vmem>> -> memref<1x128xi32, #tpu.memory_space<vmem>>
      %dma_start3A_1098 = tpu.memref_squeeze %dma_start3A_1097 : memref<1x128xi32, #tpu.memory_space<vmem>> -> memref<128xi32, #tpu.memory_space<vmem>>
      %dma_start3A_1099 = arith.constant 0 : i32
      %dma_start3A_1100 = tpu.memref_slice %arg4[%dma_start3A_1099] : memref<56623104xf32, #tpu.memory_space<hbm>> -> memref<56623104xf32, #tpu.memory_space<hbm>>
      tpu.enqueue_indirect_dma source(%dma_start3A_1100 : memref<56623104xf32, #tpu.memory_space<hbm>>) target(%dma_start3A_1095 : memref<128xf32, #tpu.memory_space<vmem>>) offsets(%dma_start3A_1098 : memref<128xi32, #tpu.memory_space<vmem>>) semaphore(%arg27 : memref<!tpu.dma_semaphore, #tpu.memory_space<semaphore_mem>>)
      %dma_start3A_1101 = arith.constant 11 : i32
      %dma_start3A_1102 = arith.constant 11 : i32
      %dma_start3A_1103 = arith.constant 0 : i32
      %dma_start3A_1104 = tpu.memref_slice %arg19[%dma_start3A_1102, %dma_start3A_1103] : memref<12x128xf32, #tpu.memory_space<vmem>> -> memref<1x128xf32, #tpu.memory_space<vmem>>
      %dma_start3A_1105 = tpu.memref_squeeze %dma_start3A_1104 : memref<1x128xf32, #tpu.memory_space<vmem>> -> memref<128xf32, #tpu.memory_space<vmem>>
      %dma_start3A_1106 = arith.constant 0 : i32
      %dma_start3A_1107 = tpu.memref_slice %arg18[%dma_start3A_1101, %dma_start3A_1106] : memref<12x128xi32, #tpu.memory_space<vmem>> -> memref<1x128xi32, #tpu.memory_space<vmem>>
      %dma_start3A_1108 = tpu.memref_squeeze %dma_start3A_1107 : memref<1x128xi32, #tpu.memory_space<vmem>> -> memref<128xi32, #tpu.memory_space<vmem>>
      %dma_start3A_1109 = arith.constant 0 : i32
      %dma_start3A_1110 = tpu.memref_slice %arg4[%dma_start3A_1109] : memref<56623104xf32, #tpu.memory_space<hbm>> -> memref<56623104xf32, #tpu.memory_space<hbm>>
      tpu.enqueue_indirect_dma source(%dma_start3A_1110 : memref<56623104xf32, #tpu.memory_space<hbm>>) target(%dma_start3A_1105 : memref<128xf32, #tpu.memory_space<vmem>>) offsets(%dma_start3A_1108 : memref<128xi32, #tpu.memory_space<vmem>>) semaphore(%arg27 : memref<!tpu.dma_semaphore, #tpu.memory_space<semaphore_mem>>)
      %dma_wait3A = arith.constant 0 : i32
      %dma_wait3A_1111 = tpu.memref_slice %arg3[%dma_wait3A] : memref<589824xf32, #tpu.memory_space<hbm>> -> memref<589824xf32, #tpu.memory_space<hbm>>
      tpu.wait_indirect_dma semaphore(%arg28 : memref<!tpu.dma_semaphore, #tpu.memory_space<semaphore_mem>>) src(%dma_wait3A_1111 : memref<589824xf32, #tpu.memory_space<hbm>>) dst(%arg17 : memref<64xf32, #tpu.memory_space<vmem>>)
      %get3A_1112 = arith.constant 0 : index
      %get3A_1113 = tpu.vector_load %arg17[%get3A_1112] {strides = array<i32>} : memref<64xf32, #tpu.memory_space<vmem>>, vector<16xf32>,
      %get3A_1114 = arith.constant 16 : index
      %get3A_1115 = tpu.vector_load %arg17[%get3A_1114] {strides = array<i32>} : memref<64xf32, #tpu.memory_space<vmem>>, vector<16xf32>,
      %get3A_1116 = arith.constant 32 : index
      %get3A_1117 = tpu.vector_load %arg17[%get3A_1116] {strides = array<i32>} : memref<64xf32, #tpu.memory_space<vmem>>, vector<16xf32>,
      %get3A_1118 = arith.constant 48 : index
      %get3A_1119 = tpu.vector_load %arg17[%get3A_1118] {strides = array<i32>} : memref<64xf32, #tpu.memory_space<vmem>>, vector<16xf32>,
      %mul3A_1120 = arith.mulf %get3A_1113, %sub3A_256 : vector<16xf32>
      %mul3A_1121 = arith.mulf %mul3A_1120, %sub3A_252 : vector<16xf32>
      %mul3A_1122 = arith.mulf %get3A_1115, %sub3A_256 : vector<16xf32>
      %mul3A_1123 = arith.mulf %mul3A_1122, %sub3A_249 : vector<16xf32>
      %add3A_1124 = arith.addf %mul3A_1121, %mul3A_1123 : vector<16xf32>
      %mul3A_1125 = arith.mulf %get3A_1117, %sub3A_253 : vector<16xf32>
      %mul3A_1126 = arith.mulf %mul3A_1125, %sub3A_252 : vector<16xf32>
      %add3A_1127 = arith.addf %add3A_1124, %mul3A_1126 : vector<16xf32>
      %mul3A_1128 = arith.mulf %get3A_1119, %sub3A_253 : vector<16xf32>
      %mul3A_1129 = arith.mulf %mul3A_1128, %sub3A_249 : vector<16xf32>
      %add3A_1130 = arith.addf %add3A_1127, %mul3A_1129 : vector<16xf32>
      %mul3A_1131 = arith.constant 16 : i32
      %mul3A_1132 = arith.muli %scan3A_169, %mul3A_1131 : i32
      %swap3A_1133 = arith.index_cast %mul3A_1132 : i32 to index
      %swap3A_1134 = tpu.vector_load %arg22[%swap3A_1133] {strides = array<i32>} : memref<640xf32, #tpu.memory_space<vmem>>, vector<16xf32>,
      tpu.vector_store %arg22[%swap3A_1133], %add3A_1130 {strides = array<i32>} : memref<640xf32, #tpu.memory_space<vmem>>, vector<16xf32>,
      %dma_wait3A_1135 = arith.constant 0 : i32
      %dma_wait3A_1136 = arith.constant 0 : i32
      %dma_wait3A_1137 = arith.constant 0 : i32
      %dma_wait3A_1138 = tpu.memref_slice %arg19[%dma_wait3A_1136, %dma_wait3A_1137] : memref<12x128xf32, #tpu.memory_space<vmem>> -> memref<1x128xf32, #tpu.memory_space<vmem>>
      %dma_wait3A_1139 = tpu.memref_squeeze %dma_wait3A_1138 : memref<1x128xf32, #tpu.memory_space<vmem>> -> memref<128xf32, #tpu.memory_space<vmem>>
      %dma_wait3A_1140 = arith.constant 0 : i32
      %dma_wait3A_1141 = tpu.memref_slice %arg18[%dma_wait3A_1135, %dma_wait3A_1140] : memref<12x128xi32, #tpu.memory_space<vmem>> -> memref<1x128xi32, #tpu.memory_space<vmem>>
      %dma_wait3A_1142 = tpu.memref_squeeze %dma_wait3A_1141 : memref<1x128xi32, #tpu.memory_space<vmem>> -> memref<128xi32, #tpu.memory_space<vmem>>
      %dma_wait3A_1143 = arith.constant 0 : i32
      %dma_wait3A_1144 = tpu.memref_slice %arg4[%dma_wait3A_1143] : memref<56623104xf32, #tpu.memory_space<hbm>> -> memref<56623104xf32, #tpu.memory_space<hbm>>
      tpu.wait_indirect_dma semaphore(%arg27 : memref<!tpu.dma_semaphore, #tpu.memory_space<semaphore_mem>>) src(%dma_wait3A_1144 : memref<56623104xf32, #tpu.memory_space<hbm>>) dst(%dma_wait3A_1139 : memref<128xf32, #tpu.memory_space<vmem>>)
      %dma_wait3A_1145 = arith.constant 1 : i32
      %dma_wait3A_1146 = arith.constant 1 : i32
      %dma_wait3A_1147 = arith.constant 0 : i32
      %dma_wait3A_1148 = tpu.memref_slice %arg19[%dma_wait3A_1146, %dma_wait3A_1147] : memref<12x128xf32, #tpu.memory_space<vmem>> -> memref<1x128xf32, #tpu.memory_space<vmem>>
      %dma_wait3A_1149 = tpu.memref_squeeze %dma_wait3A_1148 : memref<1x128xf32, #tpu.memory_space<vmem>> -> memref<128xf32, #tpu.memory_space<vmem>>
      %dma_wait3A_1150 = arith.constant 0 : i32
      %dma_wait3A_1151 = tpu.memref_slice %arg18[%dma_wait3A_1145, %dma_wait3A_1150] : memref<12x128xi32, #tpu.memory_space<vmem>> -> memref<1x128xi32, #tpu.memory_space<vmem>>
      %dma_wait3A_1152 = tpu.memref_squeeze %dma_wait3A_1151 : memref<1x128xi32, #tpu.memory_space<vmem>> -> memref<128xi32, #tpu.memory_space<vmem>>
      %dma_wait3A_1153 = arith.constant 0 : i32
      %dma_wait3A_1154 = tpu.memref_slice %arg4[%dma_wait3A_1153] : memref<56623104xf32, #tpu.memory_space<hbm>> -> memref<56623104xf32, #tpu.memory_space<hbm>>
      tpu.wait_indirect_dma semaphore(%arg27 : memref<!tpu.dma_semaphore, #tpu.memory_space<semaphore_mem>>) src(%dma_wait3A_1154 : memref<56623104xf32, #tpu.memory_space<hbm>>) dst(%dma_wait3A_1149 : memref<128xf32, #tpu.memory_space<vmem>>)
      %dma_wait3A_1155 = arith.constant 2 : i32
      %dma_wait3A_1156 = arith.constant 2 : i32
      %dma_wait3A_1157 = arith.constant 0 : i32
      %dma_wait3A_1158 = tpu.memref_slice %arg19[%dma_wait3A_1156, %dma_wait3A_1157] : memref<12x128xf32, #tpu.memory_space<vmem>> -> memref<1x128xf32, #tpu.memory_space<vmem>>
      %dma_wait3A_1159 = tpu.memref_squeeze %dma_wait3A_1158 : memref<1x128xf32, #tpu.memory_space<vmem>> -> memref<128xf32, #tpu.memory_space<vmem>>
      %dma_wait3A_1160 = arith.constant 0 : i32
      %dma_wait3A_1161 = tpu.memref_slice %arg18[%dma_wait3A_1155, %dma_wait3A_1160] : memref<12x128xi32, #tpu.memory_space<vmem>> -> memref<1x128xi32, #tpu.memory_space<vmem>>
      %dma_wait3A_1162 = tpu.memref_squeeze %dma_wait3A_1161 : memref<1x128xi32, #tpu.memory_space<vmem>> -> memref<128xi32, #tpu.memory_space<vmem>>
      %dma_wait3A_1163 = arith.constant 0 : i32
      %dma_wait3A_1164 = tpu.memref_slice %arg4[%dma_wait3A_1163] : memref<56623104xf32, #tpu.memory_space<hbm>> -> memref<56623104xf32, #tpu.memory_space<hbm>>
      tpu.wait_indirect_dma semaphore(%arg27 : memref<!tpu.dma_semaphore, #tpu.memory_space<semaphore_mem>>) src(%dma_wait3A_1164 : memref<56623104xf32, #tpu.memory_space<hbm>>) dst(%dma_wait3A_1159 : memref<128xf32, #tpu.memory_space<vmem>>)
      %dma_wait3A_1165 = arith.constant 3 : i32
      %dma_wait3A_1166 = arith.constant 3 : i32
      %dma_wait3A_1167 = arith.constant 0 : i32
      %dma_wait3A_1168 = tpu.memref_slice %arg19[%dma_wait3A_1166, %dma_wait3A_1167] : memref<12x128xf32, #tpu.memory_space<vmem>> -> memref<1x128xf32, #tpu.memory_space<vmem>>
      %dma_wait3A_1169 = tpu.memref_squeeze %dma_wait3A_1168 : memref<1x128xf32, #tpu.memory_space<vmem>> -> memref<128xf32, #tpu.memory_space<vmem>>
      %dma_wait3A_1170 = arith.constant 0 : i32
      %dma_wait3A_1171 = tpu.memref_slice %arg18[%dma_wait3A_1165, %dma_wait3A_1170] : memref<12x128xi32, #tpu.memory_space<vmem>> -> memref<1x128xi32, #tpu.memory_space<vmem>>
      %dma_wait3A_1172 = tpu.memref_squeeze %dma_wait3A_1171 : memref<1x128xi32, #tpu.memory_space<vmem>> -> memref<128xi32, #tpu.memory_space<vmem>>
      %dma_wait3A_1173 = arith.constant 0 : i32
      %dma_wait3A_1174 = tpu.memref_slice %arg4[%dma_wait3A_1173] : memref<56623104xf32, #tpu.memory_space<hbm>> -> memref<56623104xf32, #tpu.memory_space<hbm>>
      tpu.wait_indirect_dma semaphore(%arg27 : memref<!tpu.dma_semaphore, #tpu.memory_space<semaphore_mem>>) src(%dma_wait3A_1174 : memref<56623104xf32, #tpu.memory_space<hbm>>) dst(%dma_wait3A_1169 : memref<128xf32, #tpu.memory_space<vmem>>)
      %dma_wait3A_1175 = arith.constant 4 : i32
      %dma_wait3A_1176 = arith.constant 4 : i32
      %dma_wait3A_1177 = arith.constant 0 : i32
      %dma_wait3A_1178 = tpu.memref_slice %arg19[%dma_wait3A_1176, %dma_wait3A_1177] : memref<12x128xf32, #tpu.memory_space<vmem>> -> memref<1x128xf32, #tpu.memory_space<vmem>>
      %dma_wait3A_1179 = tpu.memref_squeeze %dma_wait3A_1178 : memref<1x128xf32, #tpu.memory_space<vmem>> -> memref<128xf32, #tpu.memory_space<vmem>>
      %dma_wait3A_1180 = arith.constant 0 : i32
      %dma_wait3A_1181 = tpu.memref_slice %arg18[%dma_wait3A_1175, %dma_wait3A_1180] : memref<12x128xi32, #tpu.memory_space<vmem>> -> memref<1x128xi32, #tpu.memory_space<vmem>>
      %dma_wait3A_1182 = tpu.memref_squeeze %dma_wait3A_1181 : memref<1x128xi32, #tpu.memory_space<vmem>> -> memref<128xi32, #tpu.memory_space<vmem>>
      %dma_wait3A_1183 = arith.constant 0 : i32
      %dma_wait3A_1184 = tpu.memref_slice %arg4[%dma_wait3A_1183] : memref<56623104xf32, #tpu.memory_space<hbm>> -> memref<56623104xf32, #tpu.memory_space<hbm>>
      tpu.wait_indirect_dma semaphore(%arg27 : memref<!tpu.dma_semaphore, #tpu.memory_space<semaphore_mem>>) src(%dma_wait3A_1184 : memref<56623104xf32, #tpu.memory_space<hbm>>) dst(%dma_wait3A_1179 : memref<128xf32, #tpu.memory_space<vmem>>)
      %dma_wait3A_1185 = arith.constant 5 : i32
      %dma_wait3A_1186 = arith.constant 5 : i32
      %dma_wait3A_1187 = arith.constant 0 : i32
      %dma_wait3A_1188 = tpu.memref_slice %arg19[%dma_wait3A_1186, %dma_wait3A_1187] : memref<12x128xf32, #tpu.memory_space<vmem>> -> memref<1x128xf32, #tpu.memory_space<vmem>>
      %dma_wait3A_1189 = tpu.memref_squeeze %dma_wait3A_1188 : memref<1x128xf32, #tpu.memory_space<vmem>> -> memref<128xf32, #tpu.memory_space<vmem>>
      %dma_wait3A_1190 = arith.constant 0 : i32
      %dma_wait3A_1191 = tpu.memref_slice %arg18[%dma_wait3A_1185, %dma_wait3A_1190] : memref<12x128xi32, #tpu.memory_space<vmem>> -> memref<1x128xi32, #tpu.memory_space<vmem>>
      %dma_wait3A_1192 = tpu.memref_squeeze %dma_wait3A_1191 : memref<1x128xi32, #tpu.memory_space<vmem>> -> memref<128xi32, #tpu.memory_space<vmem>>
      %dma_wait3A_1193 = arith.constant 0 : i32
      %dma_wait3A_1194 = tpu.memref_slice %arg4[%dma_wait3A_1193] : memref<56623104xf32, #tpu.memory_space<hbm>> -> memref<56623104xf32, #tpu.memory_space<hbm>>
      tpu.wait_indirect_dma semaphore(%arg27 : memref<!tpu.dma_semaphore, #tpu.memory_space<semaphore_mem>>) src(%dma_wait3A_1194 : memref<56623104xf32, #tpu.memory_space<hbm>>) dst(%dma_wait3A_1189 : memref<128xf32, #tpu.memory_space<vmem>>)
      %dma_wait3A_1195 = arith.constant 6 : i32
      %dma_wait3A_1196 = arith.constant 6 : i32
      %dma_wait3A_1197 = arith.constant 0 : i32
      %dma_wait3A_1198 = tpu.memref_slice %arg19[%dma_wait3A_1196, %dma_wait3A_1197] : memref<12x128xf32, #tpu.memory_space<vmem>> -> memref<1x128xf32, #tpu.memory_space<vmem>>
      %dma_wait3A_1199 = tpu.memref_squeeze %dma_wait3A_1198 : memref<1x128xf32, #tpu.memory_space<vmem>> -> memref<128xf32, #tpu.memory_space<vmem>>
      %dma_wait3A_1200 = arith.constant 0 : i32
      %dma_wait3A_1201 = tpu.memref_slice %arg18[%dma_wait3A_1195, %dma_wait3A_1200] : memref<12x128xi32, #tpu.memory_space<vmem>> -> memref<1x128xi32, #tpu.memory_space<vmem>>
      %dma_wait3A_1202 = tpu.memref_squeeze %dma_wait3A_1201 : memref<1x128xi32, #tpu.memory_space<vmem>> -> memref<128xi32, #tpu.memory_space<vmem>>
      %dma_wait3A_1203 = arith.constant 0 : i32
      %dma_wait3A_1204 = tpu.memref_slice %arg4[%dma_wait3A_1203] : memref<56623104xf32, #tpu.memory_space<hbm>> -> memref<56623104xf32, #tpu.memory_space<hbm>>
      tpu.wait_indirect_dma semaphore(%arg27 : memref<!tpu.dma_semaphore, #tpu.memory_space<semaphore_mem>>) src(%dma_wait3A_1204 : memref<56623104xf32, #tpu.memory_space<hbm>>) dst(%dma_wait3A_1199 : memref<128xf32, #tpu.memory_space<vmem>>)
      %dma_wait3A_1205 = arith.constant 7 : i32
      %dma_wait3A_1206 = arith.constant 7 : i32
      %dma_wait3A_1207 = arith.constant 0 : i32
      %dma_wait3A_1208 = tpu.memref_slice %arg19[%dma_wait3A_1206, %dma_wait3A_1207] : memref<12x128xf32, #tpu.memory_space<vmem>> -> memref<1x128xf32, #tpu.memory_space<vmem>>
      %dma_wait3A_1209 = tpu.memref_squeeze %dma_wait3A_1208 : memref<1x128xf32, #tpu.memory_space<vmem>> -> memref<128xf32, #tpu.memory_space<vmem>>
      %dma_wait3A_1210 = arith.constant 0 : i32
      %dma_wait3A_1211 = tpu.memref_slice %arg18[%dma_wait3A_1205, %dma_wait3A_1210] : memref<12x128xi32, #tpu.memory_space<vmem>> -> memref<1x128xi32, #tpu.memory_space<vmem>>
      %dma_wait3A_1212 = tpu.memref_squeeze %dma_wait3A_1211 : memref<1x128xi32, #tpu.memory_space<vmem>> -> memref<128xi32, #tpu.memory_space<vmem>>
      %dma_wait3A_1213 = arith.constant 0 : i32
      %dma_wait3A_1214 = tpu.memref_slice %arg4[%dma_wait3A_1213] : memref<56623104xf32, #tpu.memory_space<hbm>> -> memref<56623104xf32, #tpu.memory_space<hbm>>
      tpu.wait_indirect_dma semaphore(%arg27 : memref<!tpu.dma_semaphore, #tpu.memory_space<semaphore_mem>>) src(%dma_wait3A_1214 : memref<56623104xf32, #tpu.memory_space<hbm>>) dst(%dma_wait3A_1209 : memref<128xf32, #tpu.memory_space<vmem>>)
      %dma_wait3A_1215 = arith.constant 8 : i32
      %dma_wait3A_1216 = arith.constant 8 : i32
      %dma_wait3A_1217 = arith.constant 0 : i32
      %dma_wait3A_1218 = tpu.memref_slice %arg19[%dma_wait3A_1216, %dma_wait3A_1217] : memref<12x128xf32, #tpu.memory_space<vmem>> -> memref<1x128xf32, #tpu.memory_space<vmem>>
      %dma_wait3A_1219 = tpu.memref_squeeze %dma_wait3A_1218 : memref<1x128xf32, #tpu.memory_space<vmem>> -> memref<128xf32, #tpu.memory_space<vmem>>
      %dma_wait3A_1220 = arith.constant 0 : i32
      %dma_wait3A_1221 = tpu.memref_slice %arg18[%dma_wait3A_1215, %dma_wait3A_1220] : memref<12x128xi32, #tpu.memory_space<vmem>> -> memref<1x128xi32, #tpu.memory_space<vmem>>
      %dma_wait3A_1222 = tpu.memref_squeeze %dma_wait3A_1221 : memref<1x128xi32, #tpu.memory_space<vmem>> -> memref<128xi32, #tpu.memory_space<vmem>>
      %dma_wait3A_1223 = arith.constant 0 : i32
      %dma_wait3A_1224 = tpu.memref_slice %arg4[%dma_wait3A_1223] : memref<56623104xf32, #tpu.memory_space<hbm>> -> memref<56623104xf32, #tpu.memory_space<hbm>>
      tpu.wait_indirect_dma semaphore(%arg27 : memref<!tpu.dma_semaphore, #tpu.memory_space<semaphore_mem>>) src(%dma_wait3A_1224 : memref<56623104xf32, #tpu.memory_space<hbm>>) dst(%dma_wait3A_1219 : memref<128xf32, #tpu.memory_space<vmem>>)
      %dma_wait3A_1225 = arith.constant 9 : i32
      %dma_wait3A_1226 = arith.constant 9 : i32
      %dma_wait3A_1227 = arith.constant 0 : i32
      %dma_wait3A_1228 = tpu.memref_slice %arg19[%dma_wait3A_1226, %dma_wait3A_1227] : memref<12x128xf32, #tpu.memory_space<vmem>> -> memref<1x128xf32, #tpu.memory_space<vmem>>
      %dma_wait3A_1229 = tpu.memref_squeeze %dma_wait3A_1228 : memref<1x128xf32, #tpu.memory_space<vmem>> -> memref<128xf32, #tpu.memory_space<vmem>>
      %dma_wait3A_1230 = arith.constant 0 : i32
      %dma_wait3A_1231 = tpu.memref_slice %arg18[%dma_wait3A_1225, %dma_wait3A_1230] : memref<12x128xi32, #tpu.memory_space<vmem>> -> memref<1x128xi32, #tpu.memory_space<vmem>>
      %dma_wait3A_1232 = tpu.memref_squeeze %dma_wait3A_1231 : memref<1x128xi32, #tpu.memory_space<vmem>> -> memref<128xi32, #tpu.memory_space<vmem>>
      %dma_wait3A_1233 = arith.constant 0 : i32
      %dma_wait3A_1234 = tpu.memref_slice %arg4[%dma_wait3A_1233] : memref<56623104xf32, #tpu.memory_space<hbm>> -> memref<56623104xf32, #tpu.memory_space<hbm>>
      tpu.wait_indirect_dma semaphore(%arg27 : memref<!tpu.dma_semaphore, #tpu.memory_space<semaphore_mem>>) src(%dma_wait3A_1234 : memref<56623104xf32, #tpu.memory_space<hbm>>) dst(%dma_wait3A_1229 : memref<128xf32, #tpu.memory_space<vmem>>)
      %dma_wait3A_1235 = arith.constant 10 : i32
      %dma_wait3A_1236 = arith.constant 10 : i32
      %dma_wait3A_1237 = arith.constant 0 : i32
      %dma_wait3A_1238 = tpu.memref_slice %arg19[%dma_wait3A_1236, %dma_wait3A_1237] : memref<12x128xf32, #tpu.memory_space<vmem>> -> memref<1x128xf32, #tpu.memory_space<vmem>>
      %dma_wait3A_1239 = tpu.memref_squeeze %dma_wait3A_1238 : memref<1x128xf32, #tpu.memory_space<vmem>> -> memref<128xf32, #tpu.memory_space<vmem>>
      %dma_wait3A_1240 = arith.constant 0 : i32
      %dma_wait3A_1241 = tpu.memref_slice %arg18[%dma_wait3A_1235, %dma_wait3A_1240] : memref<12x128xi32, #tpu.memory_space<vmem>> -> memref<1x128xi32, #tpu.memory_space<vmem>>
      %dma_wait3A_1242 = tpu.memref_squeeze %dma_wait3A_1241 : memref<1x128xi32, #tpu.memory_space<vmem>> -> memref<128xi32, #tpu.memory_space<vmem>>
      %dma_wait3A_1243 = arith.constant 0 : i32
      %dma_wait3A_1244 = tpu.memref_slice %arg4[%dma_wait3A_1243] : memref<56623104xf32, #tpu.memory_space<hbm>> -> memref<56623104xf32, #tpu.memory_space<hbm>>
      tpu.wait_indirect_dma semaphore(%arg27 : memref<!tpu.dma_semaphore, #tpu.memory_space<semaphore_mem>>) src(%dma_wait3A_1244 : memref<56623104xf32, #tpu.memory_space<hbm>>) dst(%dma_wait3A_1239 : memref<128xf32, #tpu.memory_space<vmem>>)
      %dma_wait3A_1245 = arith.constant 11 : i32
      %dma_wait3A_1246 = arith.constant 11 : i32
      %dma_wait3A_1247 = arith.constant 0 : i32
      %dma_wait3A_1248 = tpu.memref_slice %arg19[%dma_wait3A_1246, %dma_wait3A_1247] : memref<12x128xf32, #tpu.memory_space<vmem>> -> memref<1x128xf32, #tpu.memory_space<vmem>>
      %dma_wait3A_1249 = tpu.memref_squeeze %dma_wait3A_1248 : memref<1x128xf32, #tpu.memory_space<vmem>> -> memref<128xf32, #tpu.memory_space<vmem>>
      %dma_wait3A_1250 = arith.constant 0 : i32
      %dma_wait3A_1251 = tpu.memref_slice %arg18[%dma_wait3A_1245, %dma_wait3A_1250] : memref<12x128xi32, #tpu.memory_space<vmem>> -> memref<1x128xi32, #tpu.memory_space<vmem>>
      %dma_wait3A_1252 = tpu.memref_squeeze %dma_wait3A_1251 : memref<1x128xi32, #tpu.memory_space<vmem>> -> memref<128xi32, #tpu.memory_space<vmem>>
      %dma_wait3A_1253 = arith.constant 0 : i32
      %dma_wait3A_1254 = tpu.memref_slice %arg4[%dma_wait3A_1253] : memref<56623104xf32, #tpu.memory_space<hbm>> -> memref<56623104xf32, #tpu.memory_space<hbm>>
      tpu.wait_indirect_dma semaphore(%arg27 : memref<!tpu.dma_semaphore, #tpu.memory_space<semaphore_mem>>) src(%dma_wait3A_1254 : memref<56623104xf32, #tpu.memory_space<hbm>>) dst(%dma_wait3A_1249 : memref<128xf32, #tpu.memory_space<vmem>>)
      %broadcast_in_dim3A_1255 = arith.constant 0.000000e+00 : f32
      %broadcast_in_dim3A_1256 = vector.broadcast %broadcast_in_dim3A_1255 : f32 to vector<16xf32>
      %get3A_1257 = arith.constant 0 : i32
      %get3A_1258 = arith.index_cast %get3A_1257 : i32 to index
      %get3A_1259 = arith.constant 0 : index
      %get3A_1260 = tpu.vector_load %arg19[%get3A_1258, %get3A_1259] {strides = array<i32>} : memref<12x128xf32, #tpu.memory_space<vmem>>, vector<16xf32>,
      %mul3A_1261 = arith.mulf %get3A_1260, %get3A_1260 : vector<16xf32>
      %add3A_1262 = arith.addf %broadcast_in_dim3A_1256, %mul3A_1261 : vector<16xf32>
      %get3A_1263 = arith.constant 0 : i32
      %get3A_1264 = arith.index_cast %get3A_1263 : i32 to index
      %get3A_1265 = arith.constant 16 : index
      %get3A_1266 = tpu.vector_load %arg19[%get3A_1264, %get3A_1265] {strides = array<i32>} : memref<12x128xf32, #tpu.memory_space<vmem>>, vector<16xf32>,
      %mul3A_1267 = arith.mulf %get3A_1266, %get3A_1266 : vector<16xf32>
      %add3A_1268 = arith.addf %add3A_1262, %mul3A_1267 : vector<16xf32>
      %get3A_1269 = arith.constant 0 : i32
      %get3A_1270 = arith.index_cast %get3A_1269 : i32 to index
      %get3A_1271 = arith.constant 32 : index
      %get3A_1272 = tpu.vector_load %arg19[%get3A_1270, %get3A_1271] {strides = array<i32>} : memref<12x128xf32, #tpu.memory_space<vmem>>, vector<16xf32>,
      %mul3A_1273 = arith.mulf %get3A_1272, %get3A_1272 : vector<16xf32>
      %add3A_1274 = arith.addf %add3A_1268, %mul3A_1273 : vector<16xf32>
      %get3A_1275 = arith.constant 0 : i32
      %get3A_1276 = arith.index_cast %get3A_1275 : i32 to index
      %get3A_1277 = arith.constant 48 : index
      %get3A_1278 = tpu.vector_load %arg19[%get3A_1276, %get3A_1277] {strides = array<i32>} : memref<12x128xf32, #tpu.memory_space<vmem>>, vector<16xf32>,
      %mul3A_1279 = arith.mulf %get3A_1278, %get3A_1278 : vector<16xf32>
      %add3A_1280 = arith.addf %add3A_1274, %mul3A_1279 : vector<16xf32>
      %get3A_1281 = arith.constant 0 : i32
      %get3A_1282 = arith.index_cast %get3A_1281 : i32 to index
      %get3A_1283 = arith.constant 64 : index
      %get3A_1284 = tpu.vector_load %arg19[%get3A_1282, %get3A_1283] {strides = array<i32>} : memref<12x128xf32, #tpu.memory_space<vmem>>, vector<16xf32>,
      %mul3A_1285 = arith.mulf %get3A_1284, %get3A_1284 : vector<16xf32>
      %add3A_1286 = arith.addf %add3A_1280, %mul3A_1285 : vector<16xf32>
      %get3A_1287 = arith.constant 0 : i32
      %get3A_1288 = arith.index_cast %get3A_1287 : i32 to index
      %get3A_1289 = arith.constant 80 : index
      %get3A_1290 = tpu.vector_load %arg19[%get3A_1288, %get3A_1289] {strides = array<i32>} : memref<12x128xf32, #tpu.memory_space<vmem>>, vector<16xf32>,
      %mul3A_1291 = arith.mulf %get3A_1290, %get3A_1290 : vector<16xf32>
      %add3A_1292 = arith.addf %add3A_1286, %mul3A_1291 : vector<16xf32>
      %get3A_1293 = arith.constant 0 : i32
      %get3A_1294 = arith.index_cast %get3A_1293 : i32 to index
      %get3A_1295 = arith.constant 96 : index
      %get3A_1296 = tpu.vector_load %arg19[%get3A_1294, %get3A_1295] {strides = array<i32>} : memref<12x128xf32, #tpu.memory_space<vmem>>, vector<16xf32>,
      %mul3A_1297 = arith.mulf %get3A_1296, %get3A_1296 : vector<16xf32>
      %add3A_1298 = arith.addf %add3A_1292, %mul3A_1297 : vector<16xf32>
      %get3A_1299 = arith.constant 0 : i32
      %get3A_1300 = arith.index_cast %get3A_1299 : i32 to index
      %get3A_1301 = arith.constant 112 : index
      %get3A_1302 = tpu.vector_load %arg19[%get3A_1300, %get3A_1301] {strides = array<i32>} : memref<12x128xf32, #tpu.memory_space<vmem>>, vector<16xf32>,
      %mul3A_1303 = arith.mulf %get3A_1302, %get3A_1302 : vector<16xf32>
      %add3A_1304 = arith.addf %add3A_1298, %mul3A_1303 : vector<16xf32>
      %get3A_1305 = arith.constant 1 : i32
      %get3A_1306 = arith.index_cast %get3A_1305 : i32 to index
      %get3A_1307 = arith.constant 0 : index
      %get3A_1308 = tpu.vector_load %arg19[%get3A_1306, %get3A_1307] {strides = array<i32>} : memref<12x128xf32, #tpu.memory_space<vmem>>, vector<16xf32>,
      %mul3A_1309 = arith.mulf %get3A_1308, %get3A_1308 : vector<16xf32>
      %add3A_1310 = arith.addf %add3A_1304, %mul3A_1309 : vector<16xf32>
      %get3A_1311 = arith.constant 1 : i32
      %get3A_1312 = arith.index_cast %get3A_1311 : i32 to index
      %get3A_1313 = arith.constant 16 : index
      %get3A_1314 = tpu.vector_load %arg19[%get3A_1312, %get3A_1313] {strides = array<i32>} : memref<12x128xf32, #tpu.memory_space<vmem>>, vector<16xf32>,
      %mul3A_1315 = arith.mulf %get3A_1314, %get3A_1314 : vector<16xf32>
      %add3A_1316 = arith.addf %add3A_1310, %mul3A_1315 : vector<16xf32>
      %get3A_1317 = arith.constant 1 : i32
      %get3A_1318 = arith.index_cast %get3A_1317 : i32 to index
      %get3A_1319 = arith.constant 32 : index
      %get3A_1320 = tpu.vector_load %arg19[%get3A_1318, %get3A_1319] {strides = array<i32>} : memref<12x128xf32, #tpu.memory_space<vmem>>, vector<16xf32>,
      %mul3A_1321 = arith.mulf %get3A_1320, %get3A_1320 : vector<16xf32>
      %add3A_1322 = arith.addf %add3A_1316, %mul3A_1321 : vector<16xf32>
      %get3A_1323 = arith.constant 1 : i32
      %get3A_1324 = arith.index_cast %get3A_1323 : i32 to index
      %get3A_1325 = arith.constant 48 : index
      %get3A_1326 = tpu.vector_load %arg19[%get3A_1324, %get3A_1325] {strides = array<i32>} : memref<12x128xf32, #tpu.memory_space<vmem>>, vector<16xf32>,
      %mul3A_1327 = arith.mulf %get3A_1326, %get3A_1326 : vector<16xf32>
      %add3A_1328 = arith.addf %add3A_1322, %mul3A_1327 : vector<16xf32>
      %get3A_1329 = arith.constant 1 : i32
      %get3A_1330 = arith.index_cast %get3A_1329 : i32 to index
      %get3A_1331 = arith.constant 64 : index
      %get3A_1332 = tpu.vector_load %arg19[%get3A_1330, %get3A_1331] {strides = array<i32>} : memref<12x128xf32, #tpu.memory_space<vmem>>, vector<16xf32>,
      %mul3A_1333 = arith.mulf %get3A_1332, %get3A_1332 : vector<16xf32>
      %add3A_1334 = arith.addf %add3A_1328, %mul3A_1333 : vector<16xf32>
      %get3A_1335 = arith.constant 1 : i32
      %get3A_1336 = arith.index_cast %get3A_1335 : i32 to index
      %get3A_1337 = arith.constant 80 : index
      %get3A_1338 = tpu.vector_load %arg19[%get3A_1336, %get3A_1337] {strides = array<i32>} : memref<12x128xf32, #tpu.memory_space<vmem>>, vector<16xf32>,
      %mul3A_1339 = arith.mulf %get3A_1338, %get3A_1338 : vector<16xf32>
      %add3A_1340 = arith.addf %add3A_1334, %mul3A_1339 : vector<16xf32>
      %get3A_1341 = arith.constant 1 : i32
      %get3A_1342 = arith.index_cast %get3A_1341 : i32 to index
      %get3A_1343 = arith.constant 96 : index
      %get3A_1344 = tpu.vector_load %arg19[%get3A_1342, %get3A_1343] {strides = array<i32>} : memref<12x128xf32, #tpu.memory_space<vmem>>, vector<16xf32>,
      %mul3A_1345 = arith.mulf %get3A_1344, %get3A_1344 : vector<16xf32>
      %add3A_1346 = arith.addf %add3A_1340, %mul3A_1345 : vector<16xf32>
      %get3A_1347 = arith.constant 1 : i32
      %get3A_1348 = arith.index_cast %get3A_1347 : i32 to index
      %get3A_1349 = arith.constant 112 : index
      %get3A_1350 = tpu.vector_load %arg19[%get3A_1348, %get3A_1349] {strides = array<i32>} : memref<12x128xf32, #tpu.memory_space<vmem>>, vector<16xf32>,
      %mul3A_1351 = arith.mulf %get3A_1350, %get3A_1350 : vector<16xf32>
      %add3A_1352 = arith.addf %add3A_1346, %mul3A_1351 : vector<16xf32>
      %get3A_1353 = arith.constant 2 : i32
      %get3A_1354 = arith.index_cast %get3A_1353 : i32 to index
      %get3A_1355 = arith.constant 0 : index
      %get3A_1356 = tpu.vector_load %arg19[%get3A_1354, %get3A_1355] {strides = array<i32>} : memref<12x128xf32, #tpu.memory_space<vmem>>, vector<16xf32>,
      %mul3A_1357 = arith.mulf %get3A_1356, %get3A_1356 : vector<16xf32>
      %add3A_1358 = arith.addf %add3A_1352, %mul3A_1357 : vector<16xf32>
      %get3A_1359 = arith.constant 2 : i32
      %get3A_1360 = arith.index_cast %get3A_1359 : i32 to index
      %get3A_1361 = arith.constant 16 : index
      %get3A_1362 = tpu.vector_load %arg19[%get3A_1360, %get3A_1361] {strides = array<i32>} : memref<12x128xf32, #tpu.memory_space<vmem>>, vector<16xf32>,
      %mul3A_1363 = arith.mulf %get3A_1362, %get3A_1362 : vector<16xf32>
      %add3A_1364 = arith.addf %add3A_1358, %mul3A_1363 : vector<16xf32>
      %get3A_1365 = arith.constant 2 : i32
      %get3A_1366 = arith.index_cast %get3A_1365 : i32 to index
      %get3A_1367 = arith.constant 32 : index
      %get3A_1368 = tpu.vector_load %arg19[%get3A_1366, %get3A_1367] {strides = array<i32>} : memref<12x128xf32, #tpu.memory_space<vmem>>, vector<16xf32>,
      %mul3A_1369 = arith.mulf %get3A_1368, %get3A_1368 : vector<16xf32>
      %add3A_1370 = arith.addf %add3A_1364, %mul3A_1369 : vector<16xf32>
      %get3A_1371 = arith.constant 2 : i32
      %get3A_1372 = arith.index_cast %get3A_1371 : i32 to index
      %get3A_1373 = arith.constant 48 : index
      %get3A_1374 = tpu.vector_load %arg19[%get3A_1372, %get3A_1373] {strides = array<i32>} : memref<12x128xf32, #tpu.memory_space<vmem>>, vector<16xf32>,
      %mul3A_1375 = arith.mulf %get3A_1374, %get3A_1374 : vector<16xf32>
      %add3A_1376 = arith.addf %add3A_1370, %mul3A_1375 : vector<16xf32>
      %get3A_1377 = arith.constant 2 : i32
      %get3A_1378 = arith.index_cast %get3A_1377 : i32 to index
      %get3A_1379 = arith.constant 64 : index
      %get3A_1380 = tpu.vector_load %arg19[%get3A_1378, %get3A_1379] {strides = array<i32>} : memref<12x128xf32, #tpu.memory_space<vmem>>, vector<16xf32>,
      %mul3A_1381 = arith.mulf %get3A_1380, %get3A_1380 : vector<16xf32>
      %add3A_1382 = arith.addf %add3A_1376, %mul3A_1381 : vector<16xf32>
      %get3A_1383 = arith.constant 2 : i32
      %get3A_1384 = arith.index_cast %get3A_1383 : i32 to index
      %get3A_1385 = arith.constant 80 : index
      %get3A_1386 = tpu.vector_load %arg19[%get3A_1384, %get3A_1385] {strides = array<i32>} : memref<12x128xf32, #tpu.memory_space<vmem>>, vector<16xf32>,
      %mul3A_1387 = arith.mulf %get3A_1386, %get3A_1386 : vector<16xf32>
      %add3A_1388 = arith.addf %add3A_1382, %mul3A_1387 : vector<16xf32>
      %get3A_1389 = arith.constant 2 : i32
      %get3A_1390 = arith.index_cast %get3A_1389 : i32 to index
      %get3A_1391 = arith.constant 96 : index
      %get3A_1392 = tpu.vector_load %arg19[%get3A_1390, %get3A_1391] {strides = array<i32>} : memref<12x128xf32, #tpu.memory_space<vmem>>, vector<16xf32>,
      %mul3A_1393 = arith.mulf %get3A_1392, %get3A_1392 : vector<16xf32>
      %add3A_1394 = arith.addf %add3A_1388, %mul3A_1393 : vector<16xf32>
      %get3A_1395 = arith.constant 2 : i32
      %get3A_1396 = arith.index_cast %get3A_1395 : i32 to index
      %get3A_1397 = arith.constant 112 : index
      %get3A_1398 = tpu.vector_load %arg19[%get3A_1396, %get3A_1397] {strides = array<i32>} : memref<12x128xf32, #tpu.memory_space<vmem>>, vector<16xf32>,
      %mul3A_1399 = arith.mulf %get3A_1398, %get3A_1398 : vector<16xf32>
      %add3A_1400 = arith.addf %add3A_1394, %mul3A_1399 : vector<16xf32>
      %get3A_1401 = arith.constant 3 : i32
      %get3A_1402 = arith.index_cast %get3A_1401 : i32 to index
      %get3A_1403 = arith.constant 0 : index
      %get3A_1404 = tpu.vector_load %arg19[%get3A_1402, %get3A_1403] {strides = array<i32>} : memref<12x128xf32, #tpu.memory_space<vmem>>, vector<16xf32>,
      %mul3A_1405 = arith.mulf %get3A_1404, %get3A_1404 : vector<16xf32>
      %add3A_1406 = arith.addf %add3A_1400, %mul3A_1405 : vector<16xf32>
      %get3A_1407 = arith.constant 3 : i32
      %get3A_1408 = arith.index_cast %get3A_1407 : i32 to index
      %get3A_1409 = arith.constant 16 : index
      %get3A_1410 = tpu.vector_load %arg19[%get3A_1408, %get3A_1409] {strides = array<i32>} : memref<12x128xf32, #tpu.memory_space<vmem>>, vector<16xf32>,
      %mul3A_1411 = arith.mulf %get3A_1410, %get3A_1410 : vector<16xf32>
      %add3A_1412 = arith.addf %add3A_1406, %mul3A_1411 : vector<16xf32>
      %get3A_1413 = arith.constant 3 : i32
      %get3A_1414 = arith.index_cast %get3A_1413 : i32 to index
      %get3A_1415 = arith.constant 32 : index
      %get3A_1416 = tpu.vector_load %arg19[%get3A_1414, %get3A_1415] {strides = array<i32>} : memref<12x128xf32, #tpu.memory_space<vmem>>, vector<16xf32>,
      %mul3A_1417 = arith.mulf %get3A_1416, %get3A_1416 : vector<16xf32>
      %add3A_1418 = arith.addf %add3A_1412, %mul3A_1417 : vector<16xf32>
      %get3A_1419 = arith.constant 3 : i32
      %get3A_1420 = arith.index_cast %get3A_1419 : i32 to index
      %get3A_1421 = arith.constant 48 : index
      %get3A_1422 = tpu.vector_load %arg19[%get3A_1420, %get3A_1421] {strides = array<i32>} : memref<12x128xf32, #tpu.memory_space<vmem>>, vector<16xf32>,
      %mul3A_1423 = arith.mulf %get3A_1422, %get3A_1422 : vector<16xf32>
      %add3A_1424 = arith.addf %add3A_1418, %mul3A_1423 : vector<16xf32>
      %get3A_1425 = arith.constant 3 : i32
      %get3A_1426 = arith.index_cast %get3A_1425 : i32 to index
      %get3A_1427 = arith.constant 64 : index
      %get3A_1428 = tpu.vector_load %arg19[%get3A_1426, %get3A_1427] {strides = array<i32>} : memref<12x128xf32, #tpu.memory_space<vmem>>, vector<16xf32>,
      %mul3A_1429 = arith.mulf %get3A_1428, %get3A_1428 : vector<16xf32>
      %add3A_1430 = arith.addf %add3A_1424, %mul3A_1429 : vector<16xf32>
      %get3A_1431 = arith.constant 3 : i32
      %get3A_1432 = arith.index_cast %get3A_1431 : i32 to index
      %get3A_1433 = arith.constant 80 : index
      %get3A_1434 = tpu.vector_load %arg19[%get3A_1432, %get3A_1433] {strides = array<i32>} : memref<12x128xf32, #tpu.memory_space<vmem>>, vector<16xf32>,
      %mul3A_1435 = arith.mulf %get3A_1434, %get3A_1434 : vector<16xf32>
      %add3A_1436 = arith.addf %add3A_1430, %mul3A_1435 : vector<16xf32>
      %get3A_1437 = arith.constant 3 : i32
      %get3A_1438 = arith.index_cast %get3A_1437 : i32 to index
      %get3A_1439 = arith.constant 96 : index
      %get3A_1440 = tpu.vector_load %arg19[%get3A_1438, %get3A_1439] {strides = array<i32>} : memref<12x128xf32, #tpu.memory_space<vmem>>, vector<16xf32>,
      %mul3A_1441 = arith.mulf %get3A_1440, %get3A_1440 : vector<16xf32>
      %add3A_1442 = arith.addf %add3A_1436, %mul3A_1441 : vector<16xf32>
      %get3A_1443 = arith.constant 3 : i32
      %get3A_1444 = arith.index_cast %get3A_1443 : i32 to index
      %get3A_1445 = arith.constant 112 : index
      %get3A_1446 = tpu.vector_load %arg19[%get3A_1444, %get3A_1445] {strides = array<i32>} : memref<12x128xf32, #tpu.memory_space<vmem>>, vector<16xf32>,
      %mul3A_1447 = arith.mulf %get3A_1446, %get3A_1446 : vector<16xf32>
      %add3A_1448 = arith.addf %add3A_1442, %mul3A_1447 : vector<16xf32>
      %get3A_1449 = arith.constant 4 : i32
      %get3A_1450 = arith.index_cast %get3A_1449 : i32 to index
      %get3A_1451 = arith.constant 0 : index
      %get3A_1452 = tpu.vector_load %arg19[%get3A_1450, %get3A_1451] {strides = array<i32>} : memref<12x128xf32, #tpu.memory_space<vmem>>, vector<16xf32>,
      %mul3A_1453 = arith.mulf %get3A_1452, %get3A_1452 : vector<16xf32>
      %add3A_1454 = arith.addf %add3A_1448, %mul3A_1453 : vector<16xf32>
      %get3A_1455 = arith.constant 4 : i32
      %get3A_1456 = arith.index_cast %get3A_1455 : i32 to index
      %get3A_1457 = arith.constant 16 : index
      %get3A_1458 = tpu.vector_load %arg19[%get3A_1456, %get3A_1457] {strides = array<i32>} : memref<12x128xf32, #tpu.memory_space<vmem>>, vector<16xf32>,
      %mul3A_1459 = arith.mulf %get3A_1458, %get3A_1458 : vector<16xf32>
      %add3A_1460 = arith.addf %add3A_1454, %mul3A_1459 : vector<16xf32>
      %get3A_1461 = arith.constant 4 : i32
      %get3A_1462 = arith.index_cast %get3A_1461 : i32 to index
      %get3A_1463 = arith.constant 32 : index
      %get3A_1464 = tpu.vector_load %arg19[%get3A_1462, %get3A_1463] {strides = array<i32>} : memref<12x128xf32, #tpu.memory_space<vmem>>, vector<16xf32>,
      %mul3A_1465 = arith.mulf %get3A_1464, %get3A_1464 : vector<16xf32>
      %add3A_1466 = arith.addf %add3A_1460, %mul3A_1465 : vector<16xf32>
      %get3A_1467 = arith.constant 4 : i32
      %get3A_1468 = arith.index_cast %get3A_1467 : i32 to index
      %get3A_1469 = arith.constant 48 : index
      %get3A_1470 = tpu.vector_load %arg19[%get3A_1468, %get3A_1469] {strides = array<i32>} : memref<12x128xf32, #tpu.memory_space<vmem>>, vector<16xf32>,
      %mul3A_1471 = arith.mulf %get3A_1470, %get3A_1470 : vector<16xf32>
      %add3A_1472 = arith.addf %add3A_1466, %mul3A_1471 : vector<16xf32>
      %get3A_1473 = arith.constant 4 : i32
      %get3A_1474 = arith.index_cast %get3A_1473 : i32 to index
      %get3A_1475 = arith.constant 64 : index
      %get3A_1476 = tpu.vector_load %arg19[%get3A_1474, %get3A_1475] {strides = array<i32>} : memref<12x128xf32, #tpu.memory_space<vmem>>, vector<16xf32>,
      %mul3A_1477 = arith.mulf %get3A_1476, %get3A_1476 : vector<16xf32>
      %add3A_1478 = arith.addf %add3A_1472, %mul3A_1477 : vector<16xf32>
      %get3A_1479 = arith.constant 4 : i32
      %get3A_1480 = arith.index_cast %get3A_1479 : i32 to index
      %get3A_1481 = arith.constant 80 : index
      %get3A_1482 = tpu.vector_load %arg19[%get3A_1480, %get3A_1481] {strides = array<i32>} : memref<12x128xf32, #tpu.memory_space<vmem>>, vector<16xf32>,
      %mul3A_1483 = arith.mulf %get3A_1482, %get3A_1482 : vector<16xf32>
      %add3A_1484 = arith.addf %add3A_1478, %mul3A_1483 : vector<16xf32>
      %get3A_1485 = arith.constant 4 : i32
      %get3A_1486 = arith.index_cast %get3A_1485 : i32 to index
      %get3A_1487 = arith.constant 96 : index
      %get3A_1488 = tpu.vector_load %arg19[%get3A_1486, %get3A_1487] {strides = array<i32>} : memref<12x128xf32, #tpu.memory_space<vmem>>, vector<16xf32>,
      %mul3A_1489 = arith.mulf %get3A_1488, %get3A_1488 : vector<16xf32>
      %add3A_1490 = arith.addf %add3A_1484, %mul3A_1489 : vector<16xf32>
      %get3A_1491 = arith.constant 4 : i32
      %get3A_1492 = arith.index_cast %get3A_1491 : i32 to index
      %get3A_1493 = arith.constant 112 : index
      %get3A_1494 = tpu.vector_load %arg19[%get3A_1492, %get3A_1493] {strides = array<i32>} : memref<12x128xf32, #tpu.memory_space<vmem>>, vector<16xf32>,
      %mul3A_1495 = arith.mulf %get3A_1494, %get3A_1494 : vector<16xf32>
      %add3A_1496 = arith.addf %add3A_1490, %mul3A_1495 : vector<16xf32>
      %get3A_1497 = arith.constant 5 : i32
      %get3A_1498 = arith.index_cast %get3A_1497 : i32 to index
      %get3A_1499 = arith.constant 0 : index
      %get3A_1500 = tpu.vector_load %arg19[%get3A_1498, %get3A_1499] {strides = array<i32>} : memref<12x128xf32, #tpu.memory_space<vmem>>, vector<16xf32>,
      %mul3A_1501 = arith.mulf %get3A_1500, %get3A_1500 : vector<16xf32>
      %add3A_1502 = arith.addf %add3A_1496, %mul3A_1501 : vector<16xf32>
      %get3A_1503 = arith.constant 5 : i32
      %get3A_1504 = arith.index_cast %get3A_1503 : i32 to index
      %get3A_1505 = arith.constant 16 : index
      %get3A_1506 = tpu.vector_load %arg19[%get3A_1504, %get3A_1505] {strides = array<i32>} : memref<12x128xf32, #tpu.memory_space<vmem>>, vector<16xf32>,
      %mul3A_1507 = arith.mulf %get3A_1506, %get3A_1506 : vector<16xf32>
      %add3A_1508 = arith.addf %add3A_1502, %mul3A_1507 : vector<16xf32>
      %get3A_1509 = arith.constant 5 : i32
      %get3A_1510 = arith.index_cast %get3A_1509 : i32 to index
      %get3A_1511 = arith.constant 32 : index
      %get3A_1512 = tpu.vector_load %arg19[%get3A_1510, %get3A_1511] {strides = array<i32>} : memref<12x128xf32, #tpu.memory_space<vmem>>, vector<16xf32>,
      %mul3A_1513 = arith.mulf %get3A_1512, %get3A_1512 : vector<16xf32>
      %add3A_1514 = arith.addf %add3A_1508, %mul3A_1513 : vector<16xf32>
      %get3A_1515 = arith.constant 5 : i32
      %get3A_1516 = arith.index_cast %get3A_1515 : i32 to index
      %get3A_1517 = arith.constant 48 : index
      %get3A_1518 = tpu.vector_load %arg19[%get3A_1516, %get3A_1517] {strides = array<i32>} : memref<12x128xf32, #tpu.memory_space<vmem>>, vector<16xf32>,
      %mul3A_1519 = arith.mulf %get3A_1518, %get3A_1518 : vector<16xf32>
      %add3A_1520 = arith.addf %add3A_1514, %mul3A_1519 : vector<16xf32>
      %get3A_1521 = arith.constant 5 : i32
      %get3A_1522 = arith.index_cast %get3A_1521 : i32 to index
      %get3A_1523 = arith.constant 64 : index
      %get3A_1524 = tpu.vector_load %arg19[%get3A_1522, %get3A_1523] {strides = array<i32>} : memref<12x128xf32, #tpu.memory_space<vmem>>, vector<16xf32>,
      %mul3A_1525 = arith.mulf %get3A_1524, %get3A_1524 : vector<16xf32>
      %add3A_1526 = arith.addf %add3A_1520, %mul3A_1525 : vector<16xf32>
      %get3A_1527 = arith.constant 5 : i32
      %get3A_1528 = arith.index_cast %get3A_1527 : i32 to index
      %get3A_1529 = arith.constant 80 : index
      %get3A_1530 = tpu.vector_load %arg19[%get3A_1528, %get3A_1529] {strides = array<i32>} : memref<12x128xf32, #tpu.memory_space<vmem>>, vector<16xf32>,
      %mul3A_1531 = arith.mulf %get3A_1530, %get3A_1530 : vector<16xf32>
      %add3A_1532 = arith.addf %add3A_1526, %mul3A_1531 : vector<16xf32>
      %get3A_1533 = arith.constant 5 : i32
      %get3A_1534 = arith.index_cast %get3A_1533 : i32 to index
      %get3A_1535 = arith.constant 96 : index
      %get3A_1536 = tpu.vector_load %arg19[%get3A_1534, %get3A_1535] {strides = array<i32>} : memref<12x128xf32, #tpu.memory_space<vmem>>, vector<16xf32>,
      %mul3A_1537 = arith.mulf %get3A_1536, %get3A_1536 : vector<16xf32>
      %add3A_1538 = arith.addf %add3A_1532, %mul3A_1537 : vector<16xf32>
      %get3A_1539 = arith.constant 5 : i32
      %get3A_1540 = arith.index_cast %get3A_1539 : i32 to index
      %get3A_1541 = arith.constant 112 : index
      %get3A_1542 = tpu.vector_load %arg19[%get3A_1540, %get3A_1541] {strides = array<i32>} : memref<12x128xf32, #tpu.memory_space<vmem>>, vector<16xf32>,
      %mul3A_1543 = arith.mulf %get3A_1542, %get3A_1542 : vector<16xf32>
      %add3A_1544 = arith.addf %add3A_1538, %mul3A_1543 : vector<16xf32>
      %get3A_1545 = arith.constant 6 : i32
      %get3A_1546 = arith.index_cast %get3A_1545 : i32 to index
      %get3A_1547 = arith.constant 0 : index
      %get3A_1548 = tpu.vector_load %arg19[%get3A_1546, %get3A_1547] {strides = array<i32>} : memref<12x128xf32, #tpu.memory_space<vmem>>, vector<16xf32>,
      %mul3A_1549 = arith.mulf %get3A_1548, %get3A_1548 : vector<16xf32>
      %add3A_1550 = arith.addf %add3A_1544, %mul3A_1549 : vector<16xf32>
      %get3A_1551 = arith.constant 6 : i32
      %get3A_1552 = arith.index_cast %get3A_1551 : i32 to index
      %get3A_1553 = arith.constant 16 : index
      %get3A_1554 = tpu.vector_load %arg19[%get3A_1552, %get3A_1553] {strides = array<i32>} : memref<12x128xf32, #tpu.memory_space<vmem>>, vector<16xf32>,
      %mul3A_1555 = arith.mulf %get3A_1554, %get3A_1554 : vector<16xf32>
      %add3A_1556 = arith.addf %add3A_1550, %mul3A_1555 : vector<16xf32>
      %get3A_1557 = arith.constant 6 : i32
      %get3A_1558 = arith.index_cast %get3A_1557 : i32 to index
      %get3A_1559 = arith.constant 32 : index
      %get3A_1560 = tpu.vector_load %arg19[%get3A_1558, %get3A_1559] {strides = array<i32>} : memref<12x128xf32, #tpu.memory_space<vmem>>, vector<16xf32>,
      %mul3A_1561 = arith.mulf %get3A_1560, %get3A_1560 : vector<16xf32>
      %add3A_1562 = arith.addf %add3A_1556, %mul3A_1561 : vector<16xf32>
      %get3A_1563 = arith.constant 6 : i32
      %get3A_1564 = arith.index_cast %get3A_1563 : i32 to index
      %get3A_1565 = arith.constant 48 : index
      %get3A_1566 = tpu.vector_load %arg19[%get3A_1564, %get3A_1565] {strides = array<i32>} : memref<12x128xf32, #tpu.memory_space<vmem>>, vector<16xf32>,
      %mul3A_1567 = arith.mulf %get3A_1566, %get3A_1566 : vector<16xf32>
      %add3A_1568 = arith.addf %add3A_1562, %mul3A_1567 : vector<16xf32>
      %get3A_1569 = arith.constant 6 : i32
      %get3A_1570 = arith.index_cast %get3A_1569 : i32 to index
      %get3A_1571 = arith.constant 64 : index
      %get3A_1572 = tpu.vector_load %arg19[%get3A_1570, %get3A_1571] {strides = array<i32>} : memref<12x128xf32, #tpu.memory_space<vmem>>, vector<16xf32>,
      %mul3A_1573 = arith.mulf %get3A_1572, %get3A_1572 : vector<16xf32>
      %add3A_1574 = arith.addf %add3A_1568, %mul3A_1573 : vector<16xf32>
      %get3A_1575 = arith.constant 6 : i32
      %get3A_1576 = arith.index_cast %get3A_1575 : i32 to index
      %get3A_1577 = arith.constant 80 : index
      %get3A_1578 = tpu.vector_load %arg19[%get3A_1576, %get3A_1577] {strides = array<i32>} : memref<12x128xf32, #tpu.memory_space<vmem>>, vector<16xf32>,
      %mul3A_1579 = arith.mulf %get3A_1578, %get3A_1578 : vector<16xf32>
      %add3A_1580 = arith.addf %add3A_1574, %mul3A_1579 : vector<16xf32>
      %get3A_1581 = arith.constant 6 : i32
      %get3A_1582 = arith.index_cast %get3A_1581 : i32 to index
      %get3A_1583 = arith.constant 96 : index
      %get3A_1584 = tpu.vector_load %arg19[%get3A_1582, %get3A_1583] {strides = array<i32>} : memref<12x128xf32, #tpu.memory_space<vmem>>, vector<16xf32>,
      %mul3A_1585 = arith.mulf %get3A_1584, %get3A_1584 : vector<16xf32>
      %add3A_1586 = arith.addf %add3A_1580, %mul3A_1585 : vector<16xf32>
      %get3A_1587 = arith.constant 6 : i32
      %get3A_1588 = arith.index_cast %get3A_1587 : i32 to index
      %get3A_1589 = arith.constant 112 : index
      %get3A_1590 = tpu.vector_load %arg19[%get3A_1588, %get3A_1589] {strides = array<i32>} : memref<12x128xf32, #tpu.memory_space<vmem>>, vector<16xf32>,
      %mul3A_1591 = arith.mulf %get3A_1590, %get3A_1590 : vector<16xf32>
      %add3A_1592 = arith.addf %add3A_1586, %mul3A_1591 : vector<16xf32>
      %get3A_1593 = arith.constant 7 : i32
      %get3A_1594 = arith.index_cast %get3A_1593 : i32 to index
      %get3A_1595 = arith.constant 0 : index
      %get3A_1596 = tpu.vector_load %arg19[%get3A_1594, %get3A_1595] {strides = array<i32>} : memref<12x128xf32, #tpu.memory_space<vmem>>, vector<16xf32>,
      %mul3A_1597 = arith.mulf %get3A_1596, %get3A_1596 : vector<16xf32>
      %add3A_1598 = arith.addf %add3A_1592, %mul3A_1597 : vector<16xf32>
      %get3A_1599 = arith.constant 7 : i32
      %get3A_1600 = arith.index_cast %get3A_1599 : i32 to index
      %get3A_1601 = arith.constant 16 : index
      %get3A_1602 = tpu.vector_load %arg19[%get3A_1600, %get3A_1601] {strides = array<i32>} : memref<12x128xf32, #tpu.memory_space<vmem>>, vector<16xf32>,
      %mul3A_1603 = arith.mulf %get3A_1602, %get3A_1602 : vector<16xf32>
      %add3A_1604 = arith.addf %add3A_1598, %mul3A_1603 : vector<16xf32>
      %get3A_1605 = arith.constant 7 : i32
      %get3A_1606 = arith.index_cast %get3A_1605 : i32 to index
      %get3A_1607 = arith.constant 32 : index
      %get3A_1608 = tpu.vector_load %arg19[%get3A_1606, %get3A_1607] {strides = array<i32>} : memref<12x128xf32, #tpu.memory_space<vmem>>, vector<16xf32>,
      %mul3A_1609 = arith.mulf %get3A_1608, %get3A_1608 : vector<16xf32>
      %add3A_1610 = arith.addf %add3A_1604, %mul3A_1609 : vector<16xf32>
      %get3A_1611 = arith.constant 7 : i32
      %get3A_1612 = arith.index_cast %get3A_1611 : i32 to index
      %get3A_1613 = arith.constant 48 : index
      %get3A_1614 = tpu.vector_load %arg19[%get3A_1612, %get3A_1613] {strides = array<i32>} : memref<12x128xf32, #tpu.memory_space<vmem>>, vector<16xf32>,
      %mul3A_1615 = arith.mulf %get3A_1614, %get3A_1614 : vector<16xf32>
      %add3A_1616 = arith.addf %add3A_1610, %mul3A_1615 : vector<16xf32>
      %get3A_1617 = arith.constant 7 : i32
      %get3A_1618 = arith.index_cast %get3A_1617 : i32 to index
      %get3A_1619 = arith.constant 64 : index
      %get3A_1620 = tpu.vector_load %arg19[%get3A_1618, %get3A_1619] {strides = array<i32>} : memref<12x128xf32, #tpu.memory_space<vmem>>, vector<16xf32>,
      %mul3A_1621 = arith.mulf %get3A_1620, %get3A_1620 : vector<16xf32>
      %add3A_1622 = arith.addf %add3A_1616, %mul3A_1621 : vector<16xf32>
      %get3A_1623 = arith.constant 7 : i32
      %get3A_1624 = arith.index_cast %get3A_1623 : i32 to index
      %get3A_1625 = arith.constant 80 : index
      %get3A_1626 = tpu.vector_load %arg19[%get3A_1624, %get3A_1625] {strides = array<i32>} : memref<12x128xf32, #tpu.memory_space<vmem>>, vector<16xf32>,
      %mul3A_1627 = arith.mulf %get3A_1626, %get3A_1626 : vector<16xf32>
      %add3A_1628 = arith.addf %add3A_1622, %mul3A_1627 : vector<16xf32>
      %get3A_1629 = arith.constant 7 : i32
      %get3A_1630 = arith.index_cast %get3A_1629 : i32 to index
      %get3A_1631 = arith.constant 96 : index
      %get3A_1632 = tpu.vector_load %arg19[%get3A_1630, %get3A_1631] {strides = array<i32>} : memref<12x128xf32, #tpu.memory_space<vmem>>, vector<16xf32>,
      %mul3A_1633 = arith.mulf %get3A_1632, %get3A_1632 : vector<16xf32>
      %add3A_1634 = arith.addf %add3A_1628, %mul3A_1633 : vector<16xf32>
      %get3A_1635 = arith.constant 7 : i32
      %get3A_1636 = arith.index_cast %get3A_1635 : i32 to index
      %get3A_1637 = arith.constant 112 : index
      %get3A_1638 = tpu.vector_load %arg19[%get3A_1636, %get3A_1637] {strides = array<i32>} : memref<12x128xf32, #tpu.memory_space<vmem>>, vector<16xf32>,
      %mul3A_1639 = arith.mulf %get3A_1638, %get3A_1638 : vector<16xf32>
      %add3A_1640 = arith.addf %add3A_1634, %mul3A_1639 : vector<16xf32>
      %get3A_1641 = arith.constant 8 : i32
      %get3A_1642 = arith.index_cast %get3A_1641 : i32 to index
      %get3A_1643 = arith.constant 0 : index
      %get3A_1644 = tpu.vector_load %arg19[%get3A_1642, %get3A_1643] {strides = array<i32>} : memref<12x128xf32, #tpu.memory_space<vmem>>, vector<16xf32>,
      %mul3A_1645 = arith.mulf %get3A_1644, %get3A_1644 : vector<16xf32>
      %add3A_1646 = arith.addf %add3A_1640, %mul3A_1645 : vector<16xf32>
      %get3A_1647 = arith.constant 8 : i32
      %get3A_1648 = arith.index_cast %get3A_1647 : i32 to index
      %get3A_1649 = arith.constant 16 : index
      %get3A_1650 = tpu.vector_load %arg19[%get3A_1648, %get3A_1649] {strides = array<i32>} : memref<12x128xf32, #tpu.memory_space<vmem>>, vector<16xf32>,
      %mul3A_1651 = arith.mulf %get3A_1650, %get3A_1650 : vector<16xf32>
      %add3A_1652 = arith.addf %add3A_1646, %mul3A_1651 : vector<16xf32>
      %get3A_1653 = arith.constant 8 : i32
      %get3A_1654 = arith.index_cast %get3A_1653 : i32 to index
      %get3A_1655 = arith.constant 32 : index
      %get3A_1656 = tpu.vector_load %arg19[%get3A_1654, %get3A_1655] {strides = array<i32>} : memref<12x128xf32, #tpu.memory_space<vmem>>, vector<16xf32>,
      %mul3A_1657 = arith.mulf %get3A_1656, %get3A_1656 : vector<16xf32>
      %add3A_1658 = arith.addf %add3A_1652, %mul3A_1657 : vector<16xf32>
      %get3A_1659 = arith.constant 8 : i32
      %get3A_1660 = arith.index_cast %get3A_1659 : i32 to index
      %get3A_1661 = arith.constant 48 : index
      %get3A_1662 = tpu.vector_load %arg19[%get3A_1660, %get3A_1661] {strides = array<i32>} : memref<12x128xf32, #tpu.memory_space<vmem>>, vector<16xf32>,
      %mul3A_1663 = arith.mulf %get3A_1662, %get3A_1662 : vector<16xf32>
      %add3A_1664 = arith.addf %add3A_1658, %mul3A_1663 : vector<16xf32>
      %get3A_1665 = arith.constant 8 : i32
      %get3A_1666 = arith.index_cast %get3A_1665 : i32 to index
      %get3A_1667 = arith.constant 64 : index
      %get3A_1668 = tpu.vector_load %arg19[%get3A_1666, %get3A_1667] {strides = array<i32>} : memref<12x128xf32, #tpu.memory_space<vmem>>, vector<16xf32>,
      %mul3A_1669 = arith.mulf %get3A_1668, %get3A_1668 : vector<16xf32>
      %add3A_1670 = arith.addf %add3A_1664, %mul3A_1669 : vector<16xf32>
      %get3A_1671 = arith.constant 8 : i32
      %get3A_1672 = arith.index_cast %get3A_1671 : i32 to index
      %get3A_1673 = arith.constant 80 : index
      %get3A_1674 = tpu.vector_load %arg19[%get3A_1672, %get3A_1673] {strides = array<i32>} : memref<12x128xf32, #tpu.memory_space<vmem>>, vector<16xf32>,
      %mul3A_1675 = arith.mulf %get3A_1674, %get3A_1674 : vector<16xf32>
      %add3A_1676 = arith.addf %add3A_1670, %mul3A_1675 : vector<16xf32>
      %get3A_1677 = arith.constant 8 : i32
      %get3A_1678 = arith.index_cast %get3A_1677 : i32 to index
      %get3A_1679 = arith.constant 96 : index
      %get3A_1680 = tpu.vector_load %arg19[%get3A_1678, %get3A_1679] {strides = array<i32>} : memref<12x128xf32, #tpu.memory_space<vmem>>, vector<16xf32>,
      %mul3A_1681 = arith.mulf %get3A_1680, %get3A_1680 : vector<16xf32>
      %add3A_1682 = arith.addf %add3A_1676, %mul3A_1681 : vector<16xf32>
      %get3A_1683 = arith.constant 8 : i32
      %get3A_1684 = arith.index_cast %get3A_1683 : i32 to index
      %get3A_1685 = arith.constant 112 : index
      %get3A_1686 = tpu.vector_load %arg19[%get3A_1684, %get3A_1685] {strides = array<i32>} : memref<12x128xf32, #tpu.memory_space<vmem>>, vector<16xf32>,
      %mul3A_1687 = arith.mulf %get3A_1686, %get3A_1686 : vector<16xf32>
      %add3A_1688 = arith.addf %add3A_1682, %mul3A_1687 : vector<16xf32>
      %get3A_1689 = arith.constant 9 : i32
      %get3A_1690 = arith.index_cast %get3A_1689 : i32 to index
      %get3A_1691 = arith.constant 0 : index
      %get3A_1692 = tpu.vector_load %arg19[%get3A_1690, %get3A_1691] {strides = array<i32>} : memref<12x128xf32, #tpu.memory_space<vmem>>, vector<16xf32>,
      %mul3A_1693 = arith.mulf %get3A_1692, %get3A_1692 : vector<16xf32>
      %add3A_1694 = arith.addf %add3A_1688, %mul3A_1693 : vector<16xf32>
      %get3A_1695 = arith.constant 9 : i32
      %get3A_1696 = arith.index_cast %get3A_1695 : i32 to index
      %get3A_1697 = arith.constant 16 : index
      %get3A_1698 = tpu.vector_load %arg19[%get3A_1696, %get3A_1697] {strides = array<i32>} : memref<12x128xf32, #tpu.memory_space<vmem>>, vector<16xf32>,
      %mul3A_1699 = arith.mulf %get3A_1698, %get3A_1698 : vector<16xf32>
      %add3A_1700 = arith.addf %add3A_1694, %mul3A_1699 : vector<16xf32>
      %get3A_1701 = arith.constant 9 : i32
      %get3A_1702 = arith.index_cast %get3A_1701 : i32 to index
      %get3A_1703 = arith.constant 32 : index
      %get3A_1704 = tpu.vector_load %arg19[%get3A_1702, %get3A_1703] {strides = array<i32>} : memref<12x128xf32, #tpu.memory_space<vmem>>, vector<16xf32>,
      %mul3A_1705 = arith.mulf %get3A_1704, %get3A_1704 : vector<16xf32>
      %add3A_1706 = arith.addf %add3A_1700, %mul3A_1705 : vector<16xf32>
      %get3A_1707 = arith.constant 9 : i32
      %get3A_1708 = arith.index_cast %get3A_1707 : i32 to index
      %get3A_1709 = arith.constant 48 : index
      %get3A_1710 = tpu.vector_load %arg19[%get3A_1708, %get3A_1709] {strides = array<i32>} : memref<12x128xf32, #tpu.memory_space<vmem>>, vector<16xf32>,
      %mul3A_1711 = arith.mulf %get3A_1710, %get3A_1710 : vector<16xf32>
      %add3A_1712 = arith.addf %add3A_1706, %mul3A_1711 : vector<16xf32>
      %get3A_1713 = arith.constant 9 : i32
      %get3A_1714 = arith.index_cast %get3A_1713 : i32 to index
      %get3A_1715 = arith.constant 64 : index
      %get3A_1716 = tpu.vector_load %arg19[%get3A_1714, %get3A_1715] {strides = array<i32>} : memref<12x128xf32, #tpu.memory_space<vmem>>, vector<16xf32>,
      %mul3A_1717 = arith.mulf %get3A_1716, %get3A_1716 : vector<16xf32>
      %add3A_1718 = arith.addf %add3A_1712, %mul3A_1717 : vector<16xf32>
      %get3A_1719 = arith.constant 9 : i32
      %get3A_1720 = arith.index_cast %get3A_1719 : i32 to index
      %get3A_1721 = arith.constant 80 : index
      %get3A_1722 = tpu.vector_load %arg19[%get3A_1720, %get3A_1721] {strides = array<i32>} : memref<12x128xf32, #tpu.memory_space<vmem>>, vector<16xf32>,
      %mul3A_1723 = arith.mulf %get3A_1722, %get3A_1722 : vector<16xf32>
      %add3A_1724 = arith.addf %add3A_1718, %mul3A_1723 : vector<16xf32>
      %get3A_1725 = arith.constant 9 : i32
      %get3A_1726 = arith.index_cast %get3A_1725 : i32 to index
      %get3A_1727 = arith.constant 96 : index
      %get3A_1728 = tpu.vector_load %arg19[%get3A_1726, %get3A_1727] {strides = array<i32>} : memref<12x128xf32, #tpu.memory_space<vmem>>, vector<16xf32>,
      %mul3A_1729 = arith.mulf %get3A_1728, %get3A_1728 : vector<16xf32>
      %add3A_1730 = arith.addf %add3A_1724, %mul3A_1729 : vector<16xf32>
      %get3A_1731 = arith.constant 9 : i32
      %get3A_1732 = arith.index_cast %get3A_1731 : i32 to index
      %get3A_1733 = arith.constant 112 : index
      %get3A_1734 = tpu.vector_load %arg19[%get3A_1732, %get3A_1733] {strides = array<i32>} : memref<12x128xf32, #tpu.memory_space<vmem>>, vector<16xf32>,
      %mul3A_1735 = arith.mulf %get3A_1734, %get3A_1734 : vector<16xf32>
      %add3A_1736 = arith.addf %add3A_1730, %mul3A_1735 : vector<16xf32>
      %get3A_1737 = arith.constant 10 : i32
      %get3A_1738 = arith.index_cast %get3A_1737 : i32 to index
      %get3A_1739 = arith.constant 0 : index
      %get3A_1740 = tpu.vector_load %arg19[%get3A_1738, %get3A_1739] {strides = array<i32>} : memref<12x128xf32, #tpu.memory_space<vmem>>, vector<16xf32>,
      %mul3A_1741 = arith.mulf %get3A_1740, %get3A_1740 : vector<16xf32>
      %add3A_1742 = arith.addf %add3A_1736, %mul3A_1741 : vector<16xf32>
      %get3A_1743 = arith.constant 10 : i32
      %get3A_1744 = arith.index_cast %get3A_1743 : i32 to index
      %get3A_1745 = arith.constant 16 : index
      %get3A_1746 = tpu.vector_load %arg19[%get3A_1744, %get3A_1745] {strides = array<i32>} : memref<12x128xf32, #tpu.memory_space<vmem>>, vector<16xf32>,
      %mul3A_1747 = arith.mulf %get3A_1746, %get3A_1746 : vector<16xf32>
      %add3A_1748 = arith.addf %add3A_1742, %mul3A_1747 : vector<16xf32>
      %get3A_1749 = arith.constant 10 : i32
      %get3A_1750 = arith.index_cast %get3A_1749 : i32 to index
      %get3A_1751 = arith.constant 32 : index
      %get3A_1752 = tpu.vector_load %arg19[%get3A_1750, %get3A_1751] {strides = array<i32>} : memref<12x128xf32, #tpu.memory_space<vmem>>, vector<16xf32>,
      %mul3A_1753 = arith.mulf %get3A_1752, %get3A_1752 : vector<16xf32>
      %add3A_1754 = arith.addf %add3A_1748, %mul3A_1753 : vector<16xf32>
      %get3A_1755 = arith.constant 10 : i32
      %get3A_1756 = arith.index_cast %get3A_1755 : i32 to index
      %get3A_1757 = arith.constant 48 : index
      %get3A_1758 = tpu.vector_load %arg19[%get3A_1756, %get3A_1757] {strides = array<i32>} : memref<12x128xf32, #tpu.memory_space<vmem>>, vector<16xf32>,
      %mul3A_1759 = arith.mulf %get3A_1758, %get3A_1758 : vector<16xf32>
      %add3A_1760 = arith.addf %add3A_1754, %mul3A_1759 : vector<16xf32>
      %get3A_1761 = arith.constant 10 : i32
      %get3A_1762 = arith.index_cast %get3A_1761 : i32 to index
      %get3A_1763 = arith.constant 64 : index
      %get3A_1764 = tpu.vector_load %arg19[%get3A_1762, %get3A_1763] {strides = array<i32>} : memref<12x128xf32, #tpu.memory_space<vmem>>, vector<16xf32>,
      %mul3A_1765 = arith.mulf %get3A_1764, %get3A_1764 : vector<16xf32>
      %add3A_1766 = arith.addf %add3A_1760, %mul3A_1765 : vector<16xf32>
      %get3A_1767 = arith.constant 10 : i32
      %get3A_1768 = arith.index_cast %get3A_1767 : i32 to index
      %get3A_1769 = arith.constant 80 : index
      %get3A_1770 = tpu.vector_load %arg19[%get3A_1768, %get3A_1769] {strides = array<i32>} : memref<12x128xf32, #tpu.memory_space<vmem>>, vector<16xf32>,
      %mul3A_1771 = arith.mulf %get3A_1770, %get3A_1770 : vector<16xf32>
      %add3A_1772 = arith.addf %add3A_1766, %mul3A_1771 : vector<16xf32>
      %get3A_1773 = arith.constant 10 : i32
      %get3A_1774 = arith.index_cast %get3A_1773 : i32 to index
      %get3A_1775 = arith.constant 96 : index
      %get3A_1776 = tpu.vector_load %arg19[%get3A_1774, %get3A_1775] {strides = array<i32>} : memref<12x128xf32, #tpu.memory_space<vmem>>, vector<16xf32>,
      %mul3A_1777 = arith.mulf %get3A_1776, %get3A_1776 : vector<16xf32>
      %add3A_1778 = arith.addf %add3A_1772, %mul3A_1777 : vector<16xf32>
      %get3A_1779 = arith.constant 10 : i32
      %get3A_1780 = arith.index_cast %get3A_1779 : i32 to index
      %get3A_1781 = arith.constant 112 : index
      %get3A_1782 = tpu.vector_load %arg19[%get3A_1780, %get3A_1781] {strides = array<i32>} : memref<12x128xf32, #tpu.memory_space<vmem>>, vector<16xf32>,
      %mul3A_1783 = arith.mulf %get3A_1782, %get3A_1782 : vector<16xf32>
      %add3A_1784 = arith.addf %add3A_1778, %mul3A_1783 : vector<16xf32>
      %get3A_1785 = arith.constant 11 : i32
      %get3A_1786 = arith.index_cast %get3A_1785 : i32 to index
      %get3A_1787 = arith.constant 0 : index
      %get3A_1788 = tpu.vector_load %arg19[%get3A_1786, %get3A_1787] {strides = array<i32>} : memref<12x128xf32, #tpu.memory_space<vmem>>, vector<16xf32>,
      %mul3A_1789 = arith.mulf %get3A_1788, %get3A_1788 : vector<16xf32>
      %add3A_1790 = arith.addf %add3A_1784, %mul3A_1789 : vector<16xf32>
      %get3A_1791 = arith.constant 11 : i32
      %get3A_1792 = arith.index_cast %get3A_1791 : i32 to index
      %get3A_1793 = arith.constant 16 : index
      %get3A_1794 = tpu.vector_load %arg19[%get3A_1792, %get3A_1793] {strides = array<i32>} : memref<12x128xf32, #tpu.memory_space<vmem>>, vector<16xf32>,
      %mul3A_1795 = arith.mulf %get3A_1794, %get3A_1794 : vector<16xf32>
      %add3A_1796 = arith.addf %add3A_1790, %mul3A_1795 : vector<16xf32>
      %get3A_1797 = arith.constant 11 : i32
      %get3A_1798 = arith.index_cast %get3A_1797 : i32 to index
      %get3A_1799 = arith.constant 32 : index
      %get3A_1800 = tpu.vector_load %arg19[%get3A_1798, %get3A_1799] {strides = array<i32>} : memref<12x128xf32, #tpu.memory_space<vmem>>, vector<16xf32>,
      %mul3A_1801 = arith.mulf %get3A_1800, %get3A_1800 : vector<16xf32>
      %add3A_1802 = arith.addf %add3A_1796, %mul3A_1801 : vector<16xf32>
      %get3A_1803 = arith.constant 11 : i32
      %get3A_1804 = arith.index_cast %get3A_1803 : i32 to index
      %get3A_1805 = arith.constant 48 : index
      %get3A_1806 = tpu.vector_load %arg19[%get3A_1804, %get3A_1805] {strides = array<i32>} : memref<12x128xf32, #tpu.memory_space<vmem>>, vector<16xf32>,
      %mul3A_1807 = arith.mulf %get3A_1806, %get3A_1806 : vector<16xf32>
      %add3A_1808 = arith.addf %add3A_1802, %mul3A_1807 : vector<16xf32>
      %get3A_1809 = arith.constant 11 : i32
      %get3A_1810 = arith.index_cast %get3A_1809 : i32 to index
      %get3A_1811 = arith.constant 64 : index
      %get3A_1812 = tpu.vector_load %arg19[%get3A_1810, %get3A_1811] {strides = array<i32>} : memref<12x128xf32, #tpu.memory_space<vmem>>, vector<16xf32>,
      %mul3A_1813 = arith.mulf %get3A_1812, %get3A_1812 : vector<16xf32>
      %add3A_1814 = arith.addf %add3A_1808, %mul3A_1813 : vector<16xf32>
      %get3A_1815 = arith.constant 11 : i32
      %get3A_1816 = arith.index_cast %get3A_1815 : i32 to index
      %get3A_1817 = arith.constant 80 : index
      %get3A_1818 = tpu.vector_load %arg19[%get3A_1816, %get3A_1817] {strides = array<i32>} : memref<12x128xf32, #tpu.memory_space<vmem>>, vector<16xf32>,
      %mul3A_1819 = arith.mulf %get3A_1818, %get3A_1818 : vector<16xf32>
      %add3A_1820 = arith.addf %add3A_1814, %mul3A_1819 : vector<16xf32>
      %get3A_1821 = arith.constant 11 : i32
      %get3A_1822 = arith.index_cast %get3A_1821 : i32 to index
      %get3A_1823 = arith.constant 96 : index
      %get3A_1824 = tpu.vector_load %arg19[%get3A_1822, %get3A_1823] {strides = array<i32>} : memref<12x128xf32, #tpu.memory_space<vmem>>, vector<16xf32>,
      %mul3A_1825 = arith.mulf %get3A_1824, %get3A_1824 : vector<16xf32>
      %add3A_1826 = arith.addf %add3A_1820, %mul3A_1825 : vector<16xf32>
      %get3A_1827 = arith.constant 11 : i32
      %get3A_1828 = arith.index_cast %get3A_1827 : i32 to index
      %get3A_1829 = arith.constant 112 : index
      %get3A_1830 = tpu.vector_load %arg19[%get3A_1828, %get3A_1829] {strides = array<i32>} : memref<12x128xf32, #tpu.memory_space<vmem>>, vector<16xf32>,
      %mul3A_1831 = arith.mulf %get3A_1830, %get3A_1830 : vector<16xf32>
      %add3A_1832 = arith.addf %add3A_1826, %mul3A_1831 : vector<16xf32>
      %bitcast_convert_type3A = tpu.bitcast %add3A_1832 : vector<16xf32> -> vector<16xi32>
      %shift_right_logical3A_1833 = arith.constant 1 : i32
      %shift_right_logical3A_1834 = vector.broadcast %shift_right_logical3A_1833 : i32 to vector<16xi32>
      %shift_right_logical3A_1835 = arith.shrui %bitcast_convert_type3A, %shift_right_logical3A_1834 : vector<16xi32>
      %sub3A_1836 = arith.constant 1597463007 : i32
      %sub3A_1837 = vector.broadcast %sub3A_1836 : i32 to vector<16xi32>
      %sub3A_1838 = arith.subi %sub3A_1837, %shift_right_logical3A_1835 : vector<16xi32>
      %bitcast_convert_type3A_1839 = tpu.bitcast %sub3A_1838 : vector<16xi32> -> vector<16xf32>
      %mul3A_1840 = arith.constant 5.000000e-01 : f32
      %mul3A_1841 = vector.broadcast %mul3A_1840 : f32 to vector<16xf32>
      %mul3A_1842 = arith.mulf %mul3A_1841, %add3A_1832 : vector<16xf32>
      %mul3A_1843 = arith.mulf %mul3A_1842, %bitcast_convert_type3A_1839 : vector<16xf32>
      %mul3A_1844 = arith.mulf %mul3A_1843, %bitcast_convert_type3A_1839 : vector<16xf32>
      %sub3A_1845 = arith.constant 1.500000e+00 : f32
      %sub3A_1846 = vector.broadcast %sub3A_1845 : f32 to vector<16xf32>
      %sub3A_1847 = arith.subf %sub3A_1846, %mul3A_1844 : vector<16xf32>
      %mul3A_1848 = arith.mulf %bitcast_convert_type3A_1839, %sub3A_1847 : vector<16xf32>
      %mul3A_1849 = arith.constant 5.000000e-01 : f32
      %mul3A_1850 = vector.broadcast %mul3A_1849 : f32 to vector<16xf32>
      %mul3A_1851 = arith.mulf %mul3A_1850, %add3A_1832 : vector<16xf32>
      %mul3A_1852 = arith.mulf %mul3A_1851, %mul3A_1848 : vector<16xf32>
      %mul3A_1853 = arith.mulf %mul3A_1852, %mul3A_1848 : vector<16xf32>
      %sub3A_1854 = arith.constant 1.500000e+00 : f32
      %sub3A_1855 = vector.broadcast %sub3A_1854 : f32 to vector<16xf32>
      %sub3A_1856 = arith.subf %sub3A_1855, %mul3A_1853 : vector<16xf32>
      %mul3A_1857 = arith.mulf %mul3A_1848, %sub3A_1856 : vector<16xf32>
      %mul3A_1858 = arith.constant 5.000000e-01 : f32
      %mul3A_1859 = vector.broadcast %mul3A_1858 : f32 to vector<16xf32>
      %mul3A_1860 = arith.mulf %mul3A_1859, %add3A_1832 : vector<16xf32>
      %mul3A_1861 = arith.mulf %mul3A_1860, %mul3A_1857 : vector<16xf32>
      %mul3A_1862 = arith.mulf %mul3A_1861, %mul3A_1857 : vector<16xf32>
      %sub3A_1863 = arith.constant 1.500000e+00 : f32
      %sub3A_1864 = vector.broadcast %sub3A_1863 : f32 to vector<16xf32>
      %sub3A_1865 = arith.subf %sub3A_1864, %mul3A_1862 : vector<16xf32>
      %mul3A_1866 = arith.mulf %mul3A_1857, %sub3A_1865 : vector<16xf32>
      %get3A_1867 = arith.constant 0 : i32
      %get3A_1868 = arith.index_cast %get3A_1867 : i32 to index
      %get3A_1869 = arith.constant 0 : index
      %get3A_1870 = tpu.vector_load %arg19[%get3A_1868, %get3A_1869] {strides = array<i32>} : memref<12x128xf32, #tpu.memory_space<vmem>>, vector<16xf32>,
      %add3A_1871 = arith.constant 0 : i32
      %add3A_1872 = vector.broadcast %add3A_1871 : i32 to vector<16xi32>
      %add3A_1873 = arith.addi %mul3A_151, %add3A_1872 : vector<16xi32>
      %mul3A_1874 = arith.mulf %get3A_1870, %mul3A_1866 : vector<16xf32>
      tpu.vector_store_idx %arg20[%add3A_1873], %mul3A_1874 : memref<1536xf32, #tpu.memory_space<vmem>>[vector<16xi32>], vector<16xf32>,
      %get3A_1875 = arith.constant 0 : i32
      %get3A_1876 = arith.index_cast %get3A_1875 : i32 to index
      %get3A_1877 = arith.constant 16 : index
      %get3A_1878 = tpu.vector_load %arg19[%get3A_1876, %get3A_1877] {strides = array<i32>} : memref<12x128xf32, #tpu.memory_space<vmem>>, vector<16xf32>,
      %add3A_1879 = arith.constant 1 : i32
      %add3A_1880 = vector.broadcast %add3A_1879 : i32 to vector<16xi32>
      %add3A_1881 = arith.addi %mul3A_151, %add3A_1880 : vector<16xi32>
      %mul3A_1882 = arith.mulf %get3A_1878, %mul3A_1866 : vector<16xf32>
      tpu.vector_store_idx %arg20[%add3A_1881], %mul3A_1882 : memref<1536xf32, #tpu.memory_space<vmem>>[vector<16xi32>], vector<16xf32>,
      %get3A_1883 = arith.constant 0 : i32
      %get3A_1884 = arith.index_cast %get3A_1883 : i32 to index
      %get3A_1885 = arith.constant 32 : index
      %get3A_1886 = tpu.vector_load %arg19[%get3A_1884, %get3A_1885] {strides = array<i32>} : memref<12x128xf32, #tpu.memory_space<vmem>>, vector<16xf32>,
      %add3A_1887 = arith.constant 2 : i32
      %add3A_1888 = vector.broadcast %add3A_1887 : i32 to vector<16xi32>
      %add3A_1889 = arith.addi %mul3A_151, %add3A_1888 : vector<16xi32>
      %mul3A_1890 = arith.mulf %get3A_1886, %mul3A_1866 : vector<16xf32>
      tpu.vector_store_idx %arg20[%add3A_1889], %mul3A_1890 : memref<1536xf32, #tpu.memory_space<vmem>>[vector<16xi32>], vector<16xf32>,
      %get3A_1891 = arith.constant 0 : i32
      %get3A_1892 = arith.index_cast %get3A_1891 : i32 to index
      %get3A_1893 = arith.constant 48 : index
      %get3A_1894 = tpu.vector_load %arg19[%get3A_1892, %get3A_1893] {strides = array<i32>} : memref<12x128xf32, #tpu.memory_space<vmem>>, vector<16xf32>,
      %add3A_1895 = arith.constant 3 : i32
      %add3A_1896 = vector.broadcast %add3A_1895 : i32 to vector<16xi32>
      %add3A_1897 = arith.addi %mul3A_151, %add3A_1896 : vector<16xi32>
      %mul3A_1898 = arith.mulf %get3A_1894, %mul3A_1866 : vector<16xf32>
      tpu.vector_store_idx %arg20[%add3A_1897], %mul3A_1898 : memref<1536xf32, #tpu.memory_space<vmem>>[vector<16xi32>], vector<16xf32>,
      %get3A_1899 = arith.constant 0 : i32
      %get3A_1900 = arith.index_cast %get3A_1899 : i32 to index
      %get3A_1901 = arith.constant 64 : index
      %get3A_1902 = tpu.vector_load %arg19[%get3A_1900, %get3A_1901] {strides = array<i32>} : memref<12x128xf32, #tpu.memory_space<vmem>>, vector<16xf32>,
      %add3A_1903 = arith.constant 4 : i32
      %add3A_1904 = vector.broadcast %add3A_1903 : i32 to vector<16xi32>
      %add3A_1905 = arith.addi %mul3A_151, %add3A_1904 : vector<16xi32>
      %mul3A_1906 = arith.mulf %get3A_1902, %mul3A_1866 : vector<16xf32>
      tpu.vector_store_idx %arg20[%add3A_1905], %mul3A_1906 : memref<1536xf32, #tpu.memory_space<vmem>>[vector<16xi32>], vector<16xf32>,
      %get3A_1907 = arith.constant 0 : i32
      %get3A_1908 = arith.index_cast %get3A_1907 : i32 to index
      %get3A_1909 = arith.constant 80 : index
      %get3A_1910 = tpu.vector_load %arg19[%get3A_1908, %get3A_1909] {strides = array<i32>} : memref<12x128xf32, #tpu.memory_space<vmem>>, vector<16xf32>,
      %add3A_1911 = arith.constant 5 : i32
      %add3A_1912 = vector.broadcast %add3A_1911 : i32 to vector<16xi32>
      %add3A_1913 = arith.addi %mul3A_151, %add3A_1912 : vector<16xi32>
      %mul3A_1914 = arith.mulf %get3A_1910, %mul3A_1866 : vector<16xf32>
      tpu.vector_store_idx %arg20[%add3A_1913], %mul3A_1914 : memref<1536xf32, #tpu.memory_space<vmem>>[vector<16xi32>], vector<16xf32>,
      %get3A_1915 = arith.constant 0 : i32
      %get3A_1916 = arith.index_cast %get3A_1915 : i32 to index
      %get3A_1917 = arith.constant 96 : index
      %get3A_1918 = tpu.vector_load %arg19[%get3A_1916, %get3A_1917] {strides = array<i32>} : memref<12x128xf32, #tpu.memory_space<vmem>>, vector<16xf32>,
      %add3A_1919 = arith.constant 6 : i32
      %add3A_1920 = vector.broadcast %add3A_1919 : i32 to vector<16xi32>
      %add3A_1921 = arith.addi %mul3A_151, %add3A_1920 : vector<16xi32>
      %mul3A_1922 = arith.mulf %get3A_1918, %mul3A_1866 : vector<16xf32>
      tpu.vector_store_idx %arg20[%add3A_1921], %mul3A_1922 : memref<1536xf32, #tpu.memory_space<vmem>>[vector<16xi32>], vector<16xf32>,
      %get3A_1923 = arith.constant 0 : i32
      %get3A_1924 = arith.index_cast %get3A_1923 : i32 to index
      %get3A_1925 = arith.constant 112 : index
      %get3A_1926 = tpu.vector_load %arg19[%get3A_1924, %get3A_1925] {strides = array<i32>} : memref<12x128xf32, #tpu.memory_space<vmem>>, vector<16xf32>,
      %add3A_1927 = arith.constant 7 : i32
      %add3A_1928 = vector.broadcast %add3A_1927 : i32 to vector<16xi32>
      %add3A_1929 = arith.addi %mul3A_151, %add3A_1928 : vector<16xi32>
      %mul3A_1930 = arith.mulf %get3A_1926, %mul3A_1866 : vector<16xf32>
      tpu.vector_store_idx %arg20[%add3A_1929], %mul3A_1930 : memref<1536xf32, #tpu.memory_space<vmem>>[vector<16xi32>], vector<16xf32>,
      %get3A_1931 = arith.constant 1 : i32
      %get3A_1932 = arith.index_cast %get3A_1931 : i32 to index
      %get3A_1933 = arith.constant 0 : index
      %get3A_1934 = tpu.vector_load %arg19[%get3A_1932, %get3A_1933] {strides = array<i32>} : memref<12x128xf32, #tpu.memory_space<vmem>>, vector<16xf32>,
      %add3A_1935 = arith.constant 8 : i32
      %add3A_1936 = vector.broadcast %add3A_1935 : i32 to vector<16xi32>
      %add3A_1937 = arith.addi %mul3A_151, %add3A_1936 : vector<16xi32>
      %mul3A_1938 = arith.mulf %get3A_1934, %mul3A_1866 : vector<16xf32>
      tpu.vector_store_idx %arg20[%add3A_1937], %mul3A_1938 : memref<1536xf32, #tpu.memory_space<vmem>>[vector<16xi32>], vector<16xf32>,
      %get3A_1939 = arith.constant 1 : i32
      %get3A_1940 = arith.index_cast %get3A_1939 : i32 to index
      %get3A_1941 = arith.constant 16 : index
      %get3A_1942 = tpu.vector_load %arg19[%get3A_1940, %get3A_1941] {strides = array<i32>} : memref<12x128xf32, #tpu.memory_space<vmem>>, vector<16xf32>,
      %add3A_1943 = arith.constant 9 : i32
      %add3A_1944 = vector.broadcast %add3A_1943 : i32 to vector<16xi32>
      %add3A_1945 = arith.addi %mul3A_151, %add3A_1944 : vector<16xi32>
      %mul3A_1946 = arith.mulf %get3A_1942, %mul3A_1866 : vector<16xf32>
      tpu.vector_store_idx %arg20[%add3A_1945], %mul3A_1946 : memref<1536xf32, #tpu.memory_space<vmem>>[vector<16xi32>], vector<16xf32>,
      %get3A_1947 = arith.constant 1 : i32
      %get3A_1948 = arith.index_cast %get3A_1947 : i32 to index
      %get3A_1949 = arith.constant 32 : index
      %get3A_1950 = tpu.vector_load %arg19[%get3A_1948, %get3A_1949] {strides = array<i32>} : memref<12x128xf32, #tpu.memory_space<vmem>>, vector<16xf32>,
      %add3A_1951 = arith.constant 10 : i32
      %add3A_1952 = vector.broadcast %add3A_1951 : i32 to vector<16xi32>
      %add3A_1953 = arith.addi %mul3A_151, %add3A_1952 : vector<16xi32>
      %mul3A_1954 = arith.mulf %get3A_1950, %mul3A_1866 : vector<16xf32>
      tpu.vector_store_idx %arg20[%add3A_1953], %mul3A_1954 : memref<1536xf32, #tpu.memory_space<vmem>>[vector<16xi32>], vector<16xf32>,
      %get3A_1955 = arith.constant 1 : i32
      %get3A_1956 = arith.index_cast %get3A_1955 : i32 to index
      %get3A_1957 = arith.constant 48 : index
      %get3A_1958 = tpu.vector_load %arg19[%get3A_1956, %get3A_1957] {strides = array<i32>} : memref<12x128xf32, #tpu.memory_space<vmem>>, vector<16xf32>,
      %add3A_1959 = arith.constant 11 : i32
      %add3A_1960 = vector.broadcast %add3A_1959 : i32 to vector<16xi32>
      %add3A_1961 = arith.addi %mul3A_151, %add3A_1960 : vector<16xi32>
      %mul3A_1962 = arith.mulf %get3A_1958, %mul3A_1866 : vector<16xf32>
      tpu.vector_store_idx %arg20[%add3A_1961], %mul3A_1962 : memref<1536xf32, #tpu.memory_space<vmem>>[vector<16xi32>], vector<16xf32>,
      %get3A_1963 = arith.constant 1 : i32
      %get3A_1964 = arith.index_cast %get3A_1963 : i32 to index
      %get3A_1965 = arith.constant 64 : index
      %get3A_1966 = tpu.vector_load %arg19[%get3A_1964, %get3A_1965] {strides = array<i32>} : memref<12x128xf32, #tpu.memory_space<vmem>>, vector<16xf32>,
      %add3A_1967 = arith.constant 12 : i32
      %add3A_1968 = vector.broadcast %add3A_1967 : i32 to vector<16xi32>
      %add3A_1969 = arith.addi %mul3A_151, %add3A_1968 : vector<16xi32>
      %mul3A_1970 = arith.mulf %get3A_1966, %mul3A_1866 : vector<16xf32>
      tpu.vector_store_idx %arg20[%add3A_1969], %mul3A_1970 : memref<1536xf32, #tpu.memory_space<vmem>>[vector<16xi32>], vector<16xf32>,
      %get3A_1971 = arith.constant 1 : i32
      %get3A_1972 = arith.index_cast %get3A_1971 : i32 to index
      %get3A_1973 = arith.constant 80 : index
      %get3A_1974 = tpu.vector_load %arg19[%get3A_1972, %get3A_1973] {strides = array<i32>} : memref<12x128xf32, #tpu.memory_space<vmem>>, vector<16xf32>,
      %add3A_1975 = arith.constant 13 : i32
      %add3A_1976 = vector.broadcast %add3A_1975 : i32 to vector<16xi32>
      %add3A_1977 = arith.addi %mul3A_151, %add3A_1976 : vector<16xi32>
      %mul3A_1978 = arith.mulf %get3A_1974, %mul3A_1866 : vector<16xf32>
      tpu.vector_store_idx %arg20[%add3A_1977], %mul3A_1978 : memref<1536xf32, #tpu.memory_space<vmem>>[vector<16xi32>], vector<16xf32>,
      %get3A_1979 = arith.constant 1 : i32
      %get3A_1980 = arith.index_cast %get3A_1979 : i32 to index
      %get3A_1981 = arith.constant 96 : index
      %get3A_1982 = tpu.vector_load %arg19[%get3A_1980, %get3A_1981] {strides = array<i32>} : memref<12x128xf32, #tpu.memory_space<vmem>>, vector<16xf32>,
      %add3A_1983 = arith.constant 14 : i32
      %add3A_1984 = vector.broadcast %add3A_1983 : i32 to vector<16xi32>
      %add3A_1985 = arith.addi %mul3A_151, %add3A_1984 : vector<16xi32>
      %mul3A_1986 = arith.mulf %get3A_1982, %mul3A_1866 : vector<16xf32>
      tpu.vector_store_idx %arg20[%add3A_1985], %mul3A_1986 : memref<1536xf32, #tpu.memory_space<vmem>>[vector<16xi32>], vector<16xf32>,
      %get3A_1987 = arith.constant 1 : i32
      %get3A_1988 = arith.index_cast %get3A_1987 : i32 to index
      %get3A_1989 = arith.constant 112 : index
      %get3A_1990 = tpu.vector_load %arg19[%get3A_1988, %get3A_1989] {strides = array<i32>} : memref<12x128xf32, #tpu.memory_space<vmem>>, vector<16xf32>,
      %add3A_1991 = arith.constant 15 : i32
      %add3A_1992 = vector.broadcast %add3A_1991 : i32 to vector<16xi32>
      %add3A_1993 = arith.addi %mul3A_151, %add3A_1992 : vector<16xi32>
      %mul3A_1994 = arith.mulf %get3A_1990, %mul3A_1866 : vector<16xf32>
      tpu.vector_store_idx %arg20[%add3A_1993], %mul3A_1994 : memref<1536xf32, #tpu.memory_space<vmem>>[vector<16xi32>], vector<16xf32>,
      %get3A_1995 = arith.constant 2 : i32
      %get3A_1996 = arith.index_cast %get3A_1995 : i32 to index
      %get3A_1997 = arith.constant 0 : index
      %get3A_1998 = tpu.vector_load %arg19[%get3A_1996, %get3A_1997] {strides = array<i32>} : memref<12x128xf32, #tpu.memory_space<vmem>>, vector<16xf32>,
      %add3A_1999 = arith.constant 16 : i32
      %add3A_2000 = vector.broadcast %add3A_1999 : i32 to vector<16xi32>
      %add3A_2001 = arith.addi %mul3A_151, %add3A_2000 : vector<16xi32>
      %mul3A_2002 = arith.mulf %get3A_1998, %mul3A_1866 : vector<16xf32>
      tpu.vector_store_idx %arg20[%add3A_2001], %mul3A_2002 : memref<1536xf32, #tpu.memory_space<vmem>>[vector<16xi32>], vector<16xf32>,
      %get3A_2003 = arith.constant 2 : i32
      %get3A_2004 = arith.index_cast %get3A_2003 : i32 to index
      %get3A_2005 = arith.constant 16 : index
      %get3A_2006 = tpu.vector_load %arg19[%get3A_2004, %get3A_2005] {strides = array<i32>} : memref<12x128xf32, #tpu.memory_space<vmem>>, vector<16xf32>,
      %add3A_2007 = arith.constant 17 : i32
      %add3A_2008 = vector.broadcast %add3A_2007 : i32 to vector<16xi32>
      %add3A_2009 = arith.addi %mul3A_151, %add3A_2008 : vector<16xi32>
      %mul3A_2010 = arith.mulf %get3A_2006, %mul3A_1866 : vector<16xf32>
      tpu.vector_store_idx %arg20[%add3A_2009], %mul3A_2010 : memref<1536xf32, #tpu.memory_space<vmem>>[vector<16xi32>], vector<16xf32>,
      %get3A_2011 = arith.constant 2 : i32
      %get3A_2012 = arith.index_cast %get3A_2011 : i32 to index
      %get3A_2013 = arith.constant 32 : index
      %get3A_2014 = tpu.vector_load %arg19[%get3A_2012, %get3A_2013] {strides = array<i32>} : memref<12x128xf32, #tpu.memory_space<vmem>>, vector<16xf32>,
      %add3A_2015 = arith.constant 18 : i32
      %add3A_2016 = vector.broadcast %add3A_2015 : i32 to vector<16xi32>
      %add3A_2017 = arith.addi %mul3A_151, %add3A_2016 : vector<16xi32>
      %mul3A_2018 = arith.mulf %get3A_2014, %mul3A_1866 : vector<16xf32>
      tpu.vector_store_idx %arg20[%add3A_2017], %mul3A_2018 : memref<1536xf32, #tpu.memory_space<vmem>>[vector<16xi32>], vector<16xf32>,
      %get3A_2019 = arith.constant 2 : i32
      %get3A_2020 = arith.index_cast %get3A_2019 : i32 to index
      %get3A_2021 = arith.constant 48 : index
      %get3A_2022 = tpu.vector_load %arg19[%get3A_2020, %get3A_2021] {strides = array<i32>} : memref<12x128xf32, #tpu.memory_space<vmem>>, vector<16xf32>,
      %add3A_2023 = arith.constant 19 : i32
      %add3A_2024 = vector.broadcast %add3A_2023 : i32 to vector<16xi32>
      %add3A_2025 = arith.addi %mul3A_151, %add3A_2024 : vector<16xi32>
      %mul3A_2026 = arith.mulf %get3A_2022, %mul3A_1866 : vector<16xf32>
      tpu.vector_store_idx %arg20[%add3A_2025], %mul3A_2026 : memref<1536xf32, #tpu.memory_space<vmem>>[vector<16xi32>], vector<16xf32>,
      %get3A_2027 = arith.constant 2 : i32
      %get3A_2028 = arith.index_cast %get3A_2027 : i32 to index
      %get3A_2029 = arith.constant 64 : index
      %get3A_2030 = tpu.vector_load %arg19[%get3A_2028, %get3A_2029] {strides = array<i32>} : memref<12x128xf32, #tpu.memory_space<vmem>>, vector<16xf32>,
      %add3A_2031 = arith.constant 20 : i32
      %add3A_2032 = vector.broadcast %add3A_2031 : i32 to vector<16xi32>
      %add3A_2033 = arith.addi %mul3A_151, %add3A_2032 : vector<16xi32>
      %mul3A_2034 = arith.mulf %get3A_2030, %mul3A_1866 : vector<16xf32>
      tpu.vector_store_idx %arg20[%add3A_2033], %mul3A_2034 : memref<1536xf32, #tpu.memory_space<vmem>>[vector<16xi32>], vector<16xf32>,
      %get3A_2035 = arith.constant 2 : i32
      %get3A_2036 = arith.index_cast %get3A_2035 : i32 to index
      %get3A_2037 = arith.constant 80 : index
      %get3A_2038 = tpu.vector_load %arg19[%get3A_2036, %get3A_2037] {strides = array<i32>} : memref<12x128xf32, #tpu.memory_space<vmem>>, vector<16xf32>,
      %add3A_2039 = arith.constant 21 : i32
      %add3A_2040 = vector.broadcast %add3A_2039 : i32 to vector<16xi32>
      %add3A_2041 = arith.addi %mul3A_151, %add3A_2040 : vector<16xi32>
      %mul3A_2042 = arith.mulf %get3A_2038, %mul3A_1866 : vector<16xf32>
      tpu.vector_store_idx %arg20[%add3A_2041], %mul3A_2042 : memref<1536xf32, #tpu.memory_space<vmem>>[vector<16xi32>], vector<16xf32>,
      %get3A_2043 = arith.constant 2 : i32
      %get3A_2044 = arith.index_cast %get3A_2043 : i32 to index
      %get3A_2045 = arith.constant 96 : index
      %get3A_2046 = tpu.vector_load %arg19[%get3A_2044, %get3A_2045] {strides = array<i32>} : memref<12x128xf32, #tpu.memory_space<vmem>>, vector<16xf32>,
      %add3A_2047 = arith.constant 22 : i32
      %add3A_2048 = vector.broadcast %add3A_2047 : i32 to vector<16xi32>
      %add3A_2049 = arith.addi %mul3A_151, %add3A_2048 : vector<16xi32>
      %mul3A_2050 = arith.mulf %get3A_2046, %mul3A_1866 : vector<16xf32>
      tpu.vector_store_idx %arg20[%add3A_2049], %mul3A_2050 : memref<1536xf32, #tpu.memory_space<vmem>>[vector<16xi32>], vector<16xf32>,
      %get3A_2051 = arith.constant 2 : i32
      %get3A_2052 = arith.index_cast %get3A_2051 : i32 to index
      %get3A_2053 = arith.constant 112 : index
      %get3A_2054 = tpu.vector_load %arg19[%get3A_2052, %get3A_2053] {strides = array<i32>} : memref<12x128xf32, #tpu.memory_space<vmem>>, vector<16xf32>,
      %add3A_2055 = arith.constant 23 : i32
      %add3A_2056 = vector.broadcast %add3A_2055 : i32 to vector<16xi32>
      %add3A_2057 = arith.addi %mul3A_151, %add3A_2056 : vector<16xi32>
      %mul3A_2058 = arith.mulf %get3A_2054, %mul3A_1866 : vector<16xf32>
      tpu.vector_store_idx %arg20[%add3A_2057], %mul3A_2058 : memref<1536xf32, #tpu.memory_space<vmem>>[vector<16xi32>], vector<16xf32>,
      %get3A_2059 = arith.constant 3 : i32
      %get3A_2060 = arith.index_cast %get3A_2059 : i32 to index
      %get3A_2061 = arith.constant 0 : index
      %get3A_2062 = tpu.vector_load %arg19[%get3A_2060, %get3A_2061] {strides = array<i32>} : memref<12x128xf32, #tpu.memory_space<vmem>>, vector<16xf32>,
      %add3A_2063 = arith.constant 24 : i32
      %add3A_2064 = vector.broadcast %add3A_2063 : i32 to vector<16xi32>
      %add3A_2065 = arith.addi %mul3A_151, %add3A_2064 : vector<16xi32>
      %mul3A_2066 = arith.mulf %get3A_2062, %mul3A_1866 : vector<16xf32>
      tpu.vector_store_idx %arg20[%add3A_2065], %mul3A_2066 : memref<1536xf32, #tpu.memory_space<vmem>>[vector<16xi32>], vector<16xf32>,
      %get3A_2067 = arith.constant 3 : i32
      %get3A_2068 = arith.index_cast %get3A_2067 : i32 to index
      %get3A_2069 = arith.constant 16 : index
      %get3A_2070 = tpu.vector_load %arg19[%get3A_2068, %get3A_2069] {strides = array<i32>} : memref<12x128xf32, #tpu.memory_space<vmem>>, vector<16xf32>,
      %add3A_2071 = arith.constant 25 : i32
      %add3A_2072 = vector.broadcast %add3A_2071 : i32 to vector<16xi32>
      %add3A_2073 = arith.addi %mul3A_151, %add3A_2072 : vector<16xi32>
      %mul3A_2074 = arith.mulf %get3A_2070, %mul3A_1866 : vector<16xf32>
      tpu.vector_store_idx %arg20[%add3A_2073], %mul3A_2074 : memref<1536xf32, #tpu.memory_space<vmem>>[vector<16xi32>], vector<16xf32>,
      %get3A_2075 = arith.constant 3 : i32
      %get3A_2076 = arith.index_cast %get3A_2075 : i32 to index
      %get3A_2077 = arith.constant 32 : index
      %get3A_2078 = tpu.vector_load %arg19[%get3A_2076, %get3A_2077] {strides = array<i32>} : memref<12x128xf32, #tpu.memory_space<vmem>>, vector<16xf32>,
      %add3A_2079 = arith.constant 26 : i32
      %add3A_2080 = vector.broadcast %add3A_2079 : i32 to vector<16xi32>
      %add3A_2081 = arith.addi %mul3A_151, %add3A_2080 : vector<16xi32>
      %mul3A_2082 = arith.mulf %get3A_2078, %mul3A_1866 : vector<16xf32>
      tpu.vector_store_idx %arg20[%add3A_2081], %mul3A_2082 : memref<1536xf32, #tpu.memory_space<vmem>>[vector<16xi32>], vector<16xf32>,
      %get3A_2083 = arith.constant 3 : i32
      %get3A_2084 = arith.index_cast %get3A_2083 : i32 to index
      %get3A_2085 = arith.constant 48 : index
      %get3A_2086 = tpu.vector_load %arg19[%get3A_2084, %get3A_2085] {strides = array<i32>} : memref<12x128xf32, #tpu.memory_space<vmem>>, vector<16xf32>,
      %add3A_2087 = arith.constant 27 : i32
      %add3A_2088 = vector.broadcast %add3A_2087 : i32 to vector<16xi32>
      %add3A_2089 = arith.addi %mul3A_151, %add3A_2088 : vector<16xi32>
      %mul3A_2090 = arith.mulf %get3A_2086, %mul3A_1866 : vector<16xf32>
      tpu.vector_store_idx %arg20[%add3A_2089], %mul3A_2090 : memref<1536xf32, #tpu.memory_space<vmem>>[vector<16xi32>], vector<16xf32>,
      %get3A_2091 = arith.constant 3 : i32
      %get3A_2092 = arith.index_cast %get3A_2091 : i32 to index
      %get3A_2093 = arith.constant 64 : index
      %get3A_2094 = tpu.vector_load %arg19[%get3A_2092, %get3A_2093] {strides = array<i32>} : memref<12x128xf32, #tpu.memory_space<vmem>>, vector<16xf32>,
      %add3A_2095 = arith.constant 28 : i32
      %add3A_2096 = vector.broadcast %add3A_2095 : i32 to vector<16xi32>
      %add3A_2097 = arith.addi %mul3A_151, %add3A_2096 : vector<16xi32>
      %mul3A_2098 = arith.mulf %get3A_2094, %mul3A_1866 : vector<16xf32>
      tpu.vector_store_idx %arg20[%add3A_2097], %mul3A_2098 : memref<1536xf32, #tpu.memory_space<vmem>>[vector<16xi32>], vector<16xf32>,
      %get3A_2099 = arith.constant 3 : i32
      %get3A_2100 = arith.index_cast %get3A_2099 : i32 to index
      %get3A_2101 = arith.constant 80 : index
      %get3A_2102 = tpu.vector_load %arg19[%get3A_2100, %get3A_2101] {strides = array<i32>} : memref<12x128xf32, #tpu.memory_space<vmem>>, vector<16xf32>,
      %add3A_2103 = arith.constant 29 : i32
      %add3A_2104 = vector.broadcast %add3A_2103 : i32 to vector<16xi32>
      %add3A_2105 = arith.addi %mul3A_151, %add3A_2104 : vector<16xi32>
      %mul3A_2106 = arith.mulf %get3A_2102, %mul3A_1866 : vector<16xf32>
      tpu.vector_store_idx %arg20[%add3A_2105], %mul3A_2106 : memref<1536xf32, #tpu.memory_space<vmem>>[vector<16xi32>], vector<16xf32>,
      %get3A_2107 = arith.constant 3 : i32
      %get3A_2108 = arith.index_cast %get3A_2107 : i32 to index
      %get3A_2109 = arith.constant 96 : index
      %get3A_2110 = tpu.vector_load %arg19[%get3A_2108, %get3A_2109] {strides = array<i32>} : memref<12x128xf32, #tpu.memory_space<vmem>>, vector<16xf32>,
      %add3A_2111 = arith.constant 30 : i32
      %add3A_2112 = vector.broadcast %add3A_2111 : i32 to vector<16xi32>
      %add3A_2113 = arith.addi %mul3A_151, %add3A_2112 : vector<16xi32>
      %mul3A_2114 = arith.mulf %get3A_2110, %mul3A_1866 : vector<16xf32>
      tpu.vector_store_idx %arg20[%add3A_2113], %mul3A_2114 : memref<1536xf32, #tpu.memory_space<vmem>>[vector<16xi32>], vector<16xf32>,
      %get3A_2115 = arith.constant 3 : i32
      %get3A_2116 = arith.index_cast %get3A_2115 : i32 to index
      %get3A_2117 = arith.constant 112 : index
      %get3A_2118 = tpu.vector_load %arg19[%get3A_2116, %get3A_2117] {strides = array<i32>} : memref<12x128xf32, #tpu.memory_space<vmem>>, vector<16xf32>,
      %add3A_2119 = arith.constant 31 : i32
      %add3A_2120 = vector.broadcast %add3A_2119 : i32 to vector<16xi32>
      %add3A_2121 = arith.addi %mul3A_151, %add3A_2120 : vector<16xi32>
      %mul3A_2122 = arith.mulf %get3A_2118, %mul3A_1866 : vector<16xf32>
      tpu.vector_store_idx %arg20[%add3A_2121], %mul3A_2122 : memref<1536xf32, #tpu.memory_space<vmem>>[vector<16xi32>], vector<16xf32>,
      %get3A_2123 = arith.constant 4 : i32
      %get3A_2124 = arith.index_cast %get3A_2123 : i32 to index
      %get3A_2125 = arith.constant 0 : index
      %get3A_2126 = tpu.vector_load %arg19[%get3A_2124, %get3A_2125] {strides = array<i32>} : memref<12x128xf32, #tpu.memory_space<vmem>>, vector<16xf32>,
      %add3A_2127 = arith.constant 32 : i32
      %add3A_2128 = vector.broadcast %add3A_2127 : i32 to vector<16xi32>
      %add3A_2129 = arith.addi %mul3A_151, %add3A_2128 : vector<16xi32>
      %mul3A_2130 = arith.mulf %get3A_2126, %mul3A_1866 : vector<16xf32>
      tpu.vector_store_idx %arg20[%add3A_2129], %mul3A_2130 : memref<1536xf32, #tpu.memory_space<vmem>>[vector<16xi32>], vector<16xf32>,
      %get3A_2131 = arith.constant 4 : i32
      %get3A_2132 = arith.index_cast %get3A_2131 : i32 to index
      %get3A_2133 = arith.constant 16 : index
      %get3A_2134 = tpu.vector_load %arg19[%get3A_2132, %get3A_2133] {strides = array<i32>} : memref<12x128xf32, #tpu.memory_space<vmem>>, vector<16xf32>,
      %add3A_2135 = arith.constant 33 : i32
      %add3A_2136 = vector.broadcast %add3A_2135 : i32 to vector<16xi32>
      %add3A_2137 = arith.addi %mul3A_151, %add3A_2136 : vector<16xi32>
      %mul3A_2138 = arith.mulf %get3A_2134, %mul3A_1866 : vector<16xf32>
      tpu.vector_store_idx %arg20[%add3A_2137], %mul3A_2138 : memref<1536xf32, #tpu.memory_space<vmem>>[vector<16xi32>], vector<16xf32>,
      %get3A_2139 = arith.constant 4 : i32
      %get3A_2140 = arith.index_cast %get3A_2139 : i32 to index
      %get3A_2141 = arith.constant 32 : index
      %get3A_2142 = tpu.vector_load %arg19[%get3A_2140, %get3A_2141] {strides = array<i32>} : memref<12x128xf32, #tpu.memory_space<vmem>>, vector<16xf32>,
      %add3A_2143 = arith.constant 34 : i32
      %add3A_2144 = vector.broadcast %add3A_2143 : i32 to vector<16xi32>
      %add3A_2145 = arith.addi %mul3A_151, %add3A_2144 : vector<16xi32>
      %mul3A_2146 = arith.mulf %get3A_2142, %mul3A_1866 : vector<16xf32>
      tpu.vector_store_idx %arg20[%add3A_2145], %mul3A_2146 : memref<1536xf32, #tpu.memory_space<vmem>>[vector<16xi32>], vector<16xf32>,
      %get3A_2147 = arith.constant 4 : i32
      %get3A_2148 = arith.index_cast %get3A_2147 : i32 to index
      %get3A_2149 = arith.constant 48 : index
      %get3A_2150 = tpu.vector_load %arg19[%get3A_2148, %get3A_2149] {strides = array<i32>} : memref<12x128xf32, #tpu.memory_space<vmem>>, vector<16xf32>,
      %add3A_2151 = arith.constant 35 : i32
      %add3A_2152 = vector.broadcast %add3A_2151 : i32 to vector<16xi32>
      %add3A_2153 = arith.addi %mul3A_151, %add3A_2152 : vector<16xi32>
      %mul3A_2154 = arith.mulf %get3A_2150, %mul3A_1866 : vector<16xf32>
      tpu.vector_store_idx %arg20[%add3A_2153], %mul3A_2154 : memref<1536xf32, #tpu.memory_space<vmem>>[vector<16xi32>], vector<16xf32>,
      %get3A_2155 = arith.constant 4 : i32
      %get3A_2156 = arith.index_cast %get3A_2155 : i32 to index
      %get3A_2157 = arith.constant 64 : index
      %get3A_2158 = tpu.vector_load %arg19[%get3A_2156, %get3A_2157] {strides = array<i32>} : memref<12x128xf32, #tpu.memory_space<vmem>>, vector<16xf32>,
      %add3A_2159 = arith.constant 36 : i32
      %add3A_2160 = vector.broadcast %add3A_2159 : i32 to vector<16xi32>
      %add3A_2161 = arith.addi %mul3A_151, %add3A_2160 : vector<16xi32>
      %mul3A_2162 = arith.mulf %get3A_2158, %mul3A_1866 : vector<16xf32>
      tpu.vector_store_idx %arg20[%add3A_2161], %mul3A_2162 : memref<1536xf32, #tpu.memory_space<vmem>>[vector<16xi32>], vector<16xf32>,
      %get3A_2163 = arith.constant 4 : i32
      %get3A_2164 = arith.index_cast %get3A_2163 : i32 to index
      %get3A_2165 = arith.constant 80 : index
      %get3A_2166 = tpu.vector_load %arg19[%get3A_2164, %get3A_2165] {strides = array<i32>} : memref<12x128xf32, #tpu.memory_space<vmem>>, vector<16xf32>,
      %add3A_2167 = arith.constant 37 : i32
      %add3A_2168 = vector.broadcast %add3A_2167 : i32 to vector<16xi32>
      %add3A_2169 = arith.addi %mul3A_151, %add3A_2168 : vector<16xi32>
      %mul3A_2170 = arith.mulf %get3A_2166, %mul3A_1866 : vector<16xf32>
      tpu.vector_store_idx %arg20[%add3A_2169], %mul3A_2170 : memref<1536xf32, #tpu.memory_space<vmem>>[vector<16xi32>], vector<16xf32>,
      %get3A_2171 = arith.constant 4 : i32
      %get3A_2172 = arith.index_cast %get3A_2171 : i32 to index
      %get3A_2173 = arith.constant 96 : index
      %get3A_2174 = tpu.vector_load %arg19[%get3A_2172, %get3A_2173] {strides = array<i32>} : memref<12x128xf32, #tpu.memory_space<vmem>>, vector<16xf32>,
      %add3A_2175 = arith.constant 38 : i32
      %add3A_2176 = vector.broadcast %add3A_2175 : i32 to vector<16xi32>
      %add3A_2177 = arith.addi %mul3A_151, %add3A_2176 : vector<16xi32>
      %mul3A_2178 = arith.mulf %get3A_2174, %mul3A_1866 : vector<16xf32>
      tpu.vector_store_idx %arg20[%add3A_2177], %mul3A_2178 : memref<1536xf32, #tpu.memory_space<vmem>>[vector<16xi32>], vector<16xf32>,
      %get3A_2179 = arith.constant 4 : i32
      %get3A_2180 = arith.index_cast %get3A_2179 : i32 to index
      %get3A_2181 = arith.constant 112 : index
      %get3A_2182 = tpu.vector_load %arg19[%get3A_2180, %get3A_2181] {strides = array<i32>} : memref<12x128xf32, #tpu.memory_space<vmem>>, vector<16xf32>,
      %add3A_2183 = arith.constant 39 : i32
      %add3A_2184 = vector.broadcast %add3A_2183 : i32 to vector<16xi32>
      %add3A_2185 = arith.addi %mul3A_151, %add3A_2184 : vector<16xi32>
      %mul3A_2186 = arith.mulf %get3A_2182, %mul3A_1866 : vector<16xf32>
      tpu.vector_store_idx %arg20[%add3A_2185], %mul3A_2186 : memref<1536xf32, #tpu.memory_space<vmem>>[vector<16xi32>], vector<16xf32>,
      %get3A_2187 = arith.constant 5 : i32
      %get3A_2188 = arith.index_cast %get3A_2187 : i32 to index
      %get3A_2189 = arith.constant 0 : index
      %get3A_2190 = tpu.vector_load %arg19[%get3A_2188, %get3A_2189] {strides = array<i32>} : memref<12x128xf32, #tpu.memory_space<vmem>>, vector<16xf32>,
      %add3A_2191 = arith.constant 40 : i32
      %add3A_2192 = vector.broadcast %add3A_2191 : i32 to vector<16xi32>
      %add3A_2193 = arith.addi %mul3A_151, %add3A_2192 : vector<16xi32>
      %mul3A_2194 = arith.mulf %get3A_2190, %mul3A_1866 : vector<16xf32>
      tpu.vector_store_idx %arg20[%add3A_2193], %mul3A_2194 : memref<1536xf32, #tpu.memory_space<vmem>>[vector<16xi32>], vector<16xf32>,
      %get3A_2195 = arith.constant 5 : i32
      %get3A_2196 = arith.index_cast %get3A_2195 : i32 to index
      %get3A_2197 = arith.constant 16 : index
      %get3A_2198 = tpu.vector_load %arg19[%get3A_2196, %get3A_2197] {strides = array<i32>} : memref<12x128xf32, #tpu.memory_space<vmem>>, vector<16xf32>,
      %add3A_2199 = arith.constant 41 : i32
      %add3A_2200 = vector.broadcast %add3A_2199 : i32 to vector<16xi32>
      %add3A_2201 = arith.addi %mul3A_151, %add3A_2200 : vector<16xi32>
      %mul3A_2202 = arith.mulf %get3A_2198, %mul3A_1866 : vector<16xf32>
      tpu.vector_store_idx %arg20[%add3A_2201], %mul3A_2202 : memref<1536xf32, #tpu.memory_space<vmem>>[vector<16xi32>], vector<16xf32>,
      %get3A_2203 = arith.constant 5 : i32
      %get3A_2204 = arith.index_cast %get3A_2203 : i32 to index
      %get3A_2205 = arith.constant 32 : index
      %get3A_2206 = tpu.vector_load %arg19[%get3A_2204, %get3A_2205] {strides = array<i32>} : memref<12x128xf32, #tpu.memory_space<vmem>>, vector<16xf32>,
      %add3A_2207 = arith.constant 42 : i32
      %add3A_2208 = vector.broadcast %add3A_2207 : i32 to vector<16xi32>
      %add3A_2209 = arith.addi %mul3A_151, %add3A_2208 : vector<16xi32>
      %mul3A_2210 = arith.mulf %get3A_2206, %mul3A_1866 : vector<16xf32>
      tpu.vector_store_idx %arg20[%add3A_2209], %mul3A_2210 : memref<1536xf32, #tpu.memory_space<vmem>>[vector<16xi32>], vector<16xf32>,
      %get3A_2211 = arith.constant 5 : i32
      %get3A_2212 = arith.index_cast %get3A_2211 : i32 to index
      %get3A_2213 = arith.constant 48 : index
      %get3A_2214 = tpu.vector_load %arg19[%get3A_2212, %get3A_2213] {strides = array<i32>} : memref<12x128xf32, #tpu.memory_space<vmem>>, vector<16xf32>,
      %add3A_2215 = arith.constant 43 : i32
      %add3A_2216 = vector.broadcast %add3A_2215 : i32 to vector<16xi32>
      %add3A_2217 = arith.addi %mul3A_151, %add3A_2216 : vector<16xi32>
      %mul3A_2218 = arith.mulf %get3A_2214, %mul3A_1866 : vector<16xf32>
      tpu.vector_store_idx %arg20[%add3A_2217], %mul3A_2218 : memref<1536xf32, #tpu.memory_space<vmem>>[vector<16xi32>], vector<16xf32>,
      %get3A_2219 = arith.constant 5 : i32
      %get3A_2220 = arith.index_cast %get3A_2219 : i32 to index
      %get3A_2221 = arith.constant 64 : index
      %get3A_2222 = tpu.vector_load %arg19[%get3A_2220, %get3A_2221] {strides = array<i32>} : memref<12x128xf32, #tpu.memory_space<vmem>>, vector<16xf32>,
      %add3A_2223 = arith.constant 44 : i32
      %add3A_2224 = vector.broadcast %add3A_2223 : i32 to vector<16xi32>
      %add3A_2225 = arith.addi %mul3A_151, %add3A_2224 : vector<16xi32>
      %mul3A_2226 = arith.mulf %get3A_2222, %mul3A_1866 : vector<16xf32>
      tpu.vector_store_idx %arg20[%add3A_2225], %mul3A_2226 : memref<1536xf32, #tpu.memory_space<vmem>>[vector<16xi32>], vector<16xf32>,
      %get3A_2227 = arith.constant 5 : i32
      %get3A_2228 = arith.index_cast %get3A_2227 : i32 to index
      %get3A_2229 = arith.constant 80 : index
      %get3A_2230 = tpu.vector_load %arg19[%get3A_2228, %get3A_2229] {strides = array<i32>} : memref<12x128xf32, #tpu.memory_space<vmem>>, vector<16xf32>,
      %add3A_2231 = arith.constant 45 : i32
      %add3A_2232 = vector.broadcast %add3A_2231 : i32 to vector<16xi32>
      %add3A_2233 = arith.addi %mul3A_151, %add3A_2232 : vector<16xi32>
      %mul3A_2234 = arith.mulf %get3A_2230, %mul3A_1866 : vector<16xf32>
      tpu.vector_store_idx %arg20[%add3A_2233], %mul3A_2234 : memref<1536xf32, #tpu.memory_space<vmem>>[vector<16xi32>], vector<16xf32>,
      %get3A_2235 = arith.constant 5 : i32
      %get3A_2236 = arith.index_cast %get3A_2235 : i32 to index
      %get3A_2237 = arith.constant 96 : index
      %get3A_2238 = tpu.vector_load %arg19[%get3A_2236, %get3A_2237] {strides = array<i32>} : memref<12x128xf32, #tpu.memory_space<vmem>>, vector<16xf32>,
      %add3A_2239 = arith.constant 46 : i32
      %add3A_2240 = vector.broadcast %add3A_2239 : i32 to vector<16xi32>
      %add3A_2241 = arith.addi %mul3A_151, %add3A_2240 : vector<16xi32>
      %mul3A_2242 = arith.mulf %get3A_2238, %mul3A_1866 : vector<16xf32>
      tpu.vector_store_idx %arg20[%add3A_2241], %mul3A_2242 : memref<1536xf32, #tpu.memory_space<vmem>>[vector<16xi32>], vector<16xf32>,
      %get3A_2243 = arith.constant 5 : i32
      %get3A_2244 = arith.index_cast %get3A_2243 : i32 to index
      %get3A_2245 = arith.constant 112 : index
      %get3A_2246 = tpu.vector_load %arg19[%get3A_2244, %get3A_2245] {strides = array<i32>} : memref<12x128xf32, #tpu.memory_space<vmem>>, vector<16xf32>,
      %add3A_2247 = arith.constant 47 : i32
      %add3A_2248 = vector.broadcast %add3A_2247 : i32 to vector<16xi32>
      %add3A_2249 = arith.addi %mul3A_151, %add3A_2248 : vector<16xi32>
      %mul3A_2250 = arith.mulf %get3A_2246, %mul3A_1866 : vector<16xf32>
      tpu.vector_store_idx %arg20[%add3A_2249], %mul3A_2250 : memref<1536xf32, #tpu.memory_space<vmem>>[vector<16xi32>], vector<16xf32>,
      %get3A_2251 = arith.constant 6 : i32
      %get3A_2252 = arith.index_cast %get3A_2251 : i32 to index
      %get3A_2253 = arith.constant 0 : index
      %get3A_2254 = tpu.vector_load %arg19[%get3A_2252, %get3A_2253] {strides = array<i32>} : memref<12x128xf32, #tpu.memory_space<vmem>>, vector<16xf32>,
      %add3A_2255 = arith.constant 48 : i32
      %add3A_2256 = vector.broadcast %add3A_2255 : i32 to vector<16xi32>
      %add3A_2257 = arith.addi %mul3A_151, %add3A_2256 : vector<16xi32>
      %mul3A_2258 = arith.mulf %get3A_2254, %mul3A_1866 : vector<16xf32>
      tpu.vector_store_idx %arg20[%add3A_2257], %mul3A_2258 : memref<1536xf32, #tpu.memory_space<vmem>>[vector<16xi32>], vector<16xf32>,
      %get3A_2259 = arith.constant 6 : i32
      %get3A_2260 = arith.index_cast %get3A_2259 : i32 to index
      %get3A_2261 = arith.constant 16 : index
      %get3A_2262 = tpu.vector_load %arg19[%get3A_2260, %get3A_2261] {strides = array<i32>} : memref<12x128xf32, #tpu.memory_space<vmem>>, vector<16xf32>,
      %add3A_2263 = arith.constant 49 : i32
      %add3A_2264 = vector.broadcast %add3A_2263 : i32 to vector<16xi32>
      %add3A_2265 = arith.addi %mul3A_151, %add3A_2264 : vector<16xi32>
      %mul3A_2266 = arith.mulf %get3A_2262, %mul3A_1866 : vector<16xf32>
      tpu.vector_store_idx %arg20[%add3A_2265], %mul3A_2266 : memref<1536xf32, #tpu.memory_space<vmem>>[vector<16xi32>], vector<16xf32>,
      %get3A_2267 = arith.constant 6 : i32
      %get3A_2268 = arith.index_cast %get3A_2267 : i32 to index
      %get3A_2269 = arith.constant 32 : index
      %get3A_2270 = tpu.vector_load %arg19[%get3A_2268, %get3A_2269] {strides = array<i32>} : memref<12x128xf32, #tpu.memory_space<vmem>>, vector<16xf32>,
      %add3A_2271 = arith.constant 50 : i32
      %add3A_2272 = vector.broadcast %add3A_2271 : i32 to vector<16xi32>
      %add3A_2273 = arith.addi %mul3A_151, %add3A_2272 : vector<16xi32>
      %mul3A_2274 = arith.mulf %get3A_2270, %mul3A_1866 : vector<16xf32>
      tpu.vector_store_idx %arg20[%add3A_2273], %mul3A_2274 : memref<1536xf32, #tpu.memory_space<vmem>>[vector<16xi32>], vector<16xf32>,
      %get3A_2275 = arith.constant 6 : i32
      %get3A_2276 = arith.index_cast %get3A_2275 : i32 to index
      %get3A_2277 = arith.constant 48 : index
      %get3A_2278 = tpu.vector_load %arg19[%get3A_2276, %get3A_2277] {strides = array<i32>} : memref<12x128xf32, #tpu.memory_space<vmem>>, vector<16xf32>,
      %add3A_2279 = arith.constant 51 : i32
      %add3A_2280 = vector.broadcast %add3A_2279 : i32 to vector<16xi32>
      %add3A_2281 = arith.addi %mul3A_151, %add3A_2280 : vector<16xi32>
      %mul3A_2282 = arith.mulf %get3A_2278, %mul3A_1866 : vector<16xf32>
      tpu.vector_store_idx %arg20[%add3A_2281], %mul3A_2282 : memref<1536xf32, #tpu.memory_space<vmem>>[vector<16xi32>], vector<16xf32>,
      %get3A_2283 = arith.constant 6 : i32
      %get3A_2284 = arith.index_cast %get3A_2283 : i32 to index
      %get3A_2285 = arith.constant 64 : index
      %get3A_2286 = tpu.vector_load %arg19[%get3A_2284, %get3A_2285] {strides = array<i32>} : memref<12x128xf32, #tpu.memory_space<vmem>>, vector<16xf32>,
      %add3A_2287 = arith.constant 52 : i32
      %add3A_2288 = vector.broadcast %add3A_2287 : i32 to vector<16xi32>
      %add3A_2289 = arith.addi %mul3A_151, %add3A_2288 : vector<16xi32>
      %mul3A_2290 = arith.mulf %get3A_2286, %mul3A_1866 : vector<16xf32>
      tpu.vector_store_idx %arg20[%add3A_2289], %mul3A_2290 : memref<1536xf32, #tpu.memory_space<vmem>>[vector<16xi32>], vector<16xf32>,
      %get3A_2291 = arith.constant 6 : i32
      %get3A_2292 = arith.index_cast %get3A_2291 : i32 to index
      %get3A_2293 = arith.constant 80 : index
      %get3A_2294 = tpu.vector_load %arg19[%get3A_2292, %get3A_2293] {strides = array<i32>} : memref<12x128xf32, #tpu.memory_space<vmem>>, vector<16xf32>,
      %add3A_2295 = arith.constant 53 : i32
      %add3A_2296 = vector.broadcast %add3A_2295 : i32 to vector<16xi32>
      %add3A_2297 = arith.addi %mul3A_151, %add3A_2296 : vector<16xi32>
      %mul3A_2298 = arith.mulf %get3A_2294, %mul3A_1866 : vector<16xf32>
      tpu.vector_store_idx %arg20[%add3A_2297], %mul3A_2298 : memref<1536xf32, #tpu.memory_space<vmem>>[vector<16xi32>], vector<16xf32>,
      %get3A_2299 = arith.constant 6 : i32
      %get3A_2300 = arith.index_cast %get3A_2299 : i32 to index
      %get3A_2301 = arith.constant 96 : index
      %get3A_2302 = tpu.vector_load %arg19[%get3A_2300, %get3A_2301] {strides = array<i32>} : memref<12x128xf32, #tpu.memory_space<vmem>>, vector<16xf32>,
      %add3A_2303 = arith.constant 54 : i32
      %add3A_2304 = vector.broadcast %add3A_2303 : i32 to vector<16xi32>
      %add3A_2305 = arith.addi %mul3A_151, %add3A_2304 : vector<16xi32>
      %mul3A_2306 = arith.mulf %get3A_2302, %mul3A_1866 : vector<16xf32>
      tpu.vector_store_idx %arg20[%add3A_2305], %mul3A_2306 : memref<1536xf32, #tpu.memory_space<vmem>>[vector<16xi32>], vector<16xf32>,
      %get3A_2307 = arith.constant 6 : i32
      %get3A_2308 = arith.index_cast %get3A_2307 : i32 to index
      %get3A_2309 = arith.constant 112 : index
      %get3A_2310 = tpu.vector_load %arg19[%get3A_2308, %get3A_2309] {strides = array<i32>} : memref<12x128xf32, #tpu.memory_space<vmem>>, vector<16xf32>,
      %add3A_2311 = arith.constant 55 : i32
      %add3A_2312 = vector.broadcast %add3A_2311 : i32 to vector<16xi32>
      %add3A_2313 = arith.addi %mul3A_151, %add3A_2312 : vector<16xi32>
      %mul3A_2314 = arith.mulf %get3A_2310, %mul3A_1866 : vector<16xf32>
      tpu.vector_store_idx %arg20[%add3A_2313], %mul3A_2314 : memref<1536xf32, #tpu.memory_space<vmem>>[vector<16xi32>], vector<16xf32>,
      %get3A_2315 = arith.constant 7 : i32
      %get3A_2316 = arith.index_cast %get3A_2315 : i32 to index
      %get3A_2317 = arith.constant 0 : index
      %get3A_2318 = tpu.vector_load %arg19[%get3A_2316, %get3A_2317] {strides = array<i32>} : memref<12x128xf32, #tpu.memory_space<vmem>>, vector<16xf32>,
      %add3A_2319 = arith.constant 56 : i32
      %add3A_2320 = vector.broadcast %add3A_2319 : i32 to vector<16xi32>
      %add3A_2321 = arith.addi %mul3A_151, %add3A_2320 : vector<16xi32>
      %mul3A_2322 = arith.mulf %get3A_2318, %mul3A_1866 : vector<16xf32>
      tpu.vector_store_idx %arg20[%add3A_2321], %mul3A_2322 : memref<1536xf32, #tpu.memory_space<vmem>>[vector<16xi32>], vector<16xf32>,
      %get3A_2323 = arith.constant 7 : i32
      %get3A_2324 = arith.index_cast %get3A_2323 : i32 to index
      %get3A_2325 = arith.constant 16 : index
      %get3A_2326 = tpu.vector_load %arg19[%get3A_2324, %get3A_2325] {strides = array<i32>} : memref<12x128xf32, #tpu.memory_space<vmem>>, vector<16xf32>,
      %add3A_2327 = arith.constant 57 : i32
      %add3A_2328 = vector.broadcast %add3A_2327 : i32 to vector<16xi32>
      %add3A_2329 = arith.addi %mul3A_151, %add3A_2328 : vector<16xi32>
      %mul3A_2330 = arith.mulf %get3A_2326, %mul3A_1866 : vector<16xf32>
      tpu.vector_store_idx %arg20[%add3A_2329], %mul3A_2330 : memref<1536xf32, #tpu.memory_space<vmem>>[vector<16xi32>], vector<16xf32>,
      %get3A_2331 = arith.constant 7 : i32
      %get3A_2332 = arith.index_cast %get3A_2331 : i32 to index
      %get3A_2333 = arith.constant 32 : index
      %get3A_2334 = tpu.vector_load %arg19[%get3A_2332, %get3A_2333] {strides = array<i32>} : memref<12x128xf32, #tpu.memory_space<vmem>>, vector<16xf32>,
      %add3A_2335 = arith.constant 58 : i32
      %add3A_2336 = vector.broadcast %add3A_2335 : i32 to vector<16xi32>
      %add3A_2337 = arith.addi %mul3A_151, %add3A_2336 : vector<16xi32>
      %mul3A_2338 = arith.mulf %get3A_2334, %mul3A_1866 : vector<16xf32>
      tpu.vector_store_idx %arg20[%add3A_2337], %mul3A_2338 : memref<1536xf32, #tpu.memory_space<vmem>>[vector<16xi32>], vector<16xf32>,
      %get3A_2339 = arith.constant 7 : i32
      %get3A_2340 = arith.index_cast %get3A_2339 : i32 to index
      %get3A_2341 = arith.constant 48 : index
      %get3A_2342 = tpu.vector_load %arg19[%get3A_2340, %get3A_2341] {strides = array<i32>} : memref<12x128xf32, #tpu.memory_space<vmem>>, vector<16xf32>,
      %add3A_2343 = arith.constant 59 : i32
      %add3A_2344 = vector.broadcast %add3A_2343 : i32 to vector<16xi32>
      %add3A_2345 = arith.addi %mul3A_151, %add3A_2344 : vector<16xi32>
      %mul3A_2346 = arith.mulf %get3A_2342, %mul3A_1866 : vector<16xf32>
      tpu.vector_store_idx %arg20[%add3A_2345], %mul3A_2346 : memref<1536xf32, #tpu.memory_space<vmem>>[vector<16xi32>], vector<16xf32>,
      %get3A_2347 = arith.constant 7 : i32
      %get3A_2348 = arith.index_cast %get3A_2347 : i32 to index
      %get3A_2349 = arith.constant 64 : index
      %get3A_2350 = tpu.vector_load %arg19[%get3A_2348, %get3A_2349] {strides = array<i32>} : memref<12x128xf32, #tpu.memory_space<vmem>>, vector<16xf32>,
      %add3A_2351 = arith.constant 60 : i32
      %add3A_2352 = vector.broadcast %add3A_2351 : i32 to vector<16xi32>
      %add3A_2353 = arith.addi %mul3A_151, %add3A_2352 : vector<16xi32>
      %mul3A_2354 = arith.mulf %get3A_2350, %mul3A_1866 : vector<16xf32>
      tpu.vector_store_idx %arg20[%add3A_2353], %mul3A_2354 : memref<1536xf32, #tpu.memory_space<vmem>>[vector<16xi32>], vector<16xf32>,
      %get3A_2355 = arith.constant 7 : i32
      %get3A_2356 = arith.index_cast %get3A_2355 : i32 to index
      %get3A_2357 = arith.constant 80 : index
      %get3A_2358 = tpu.vector_load %arg19[%get3A_2356, %get3A_2357] {strides = array<i32>} : memref<12x128xf32, #tpu.memory_space<vmem>>, vector<16xf32>,
      %add3A_2359 = arith.constant 61 : i32
      %add3A_2360 = vector.broadcast %add3A_2359 : i32 to vector<16xi32>
      %add3A_2361 = arith.addi %mul3A_151, %add3A_2360 : vector<16xi32>
      %mul3A_2362 = arith.mulf %get3A_2358, %mul3A_1866 : vector<16xf32>
      tpu.vector_store_idx %arg20[%add3A_2361], %mul3A_2362 : memref<1536xf32, #tpu.memory_space<vmem>>[vector<16xi32>], vector<16xf32>,
      %get3A_2363 = arith.constant 7 : i32
      %get3A_2364 = arith.index_cast %get3A_2363 : i32 to index
      %get3A_2365 = arith.constant 96 : index
      %get3A_2366 = tpu.vector_load %arg19[%get3A_2364, %get3A_2365] {strides = array<i32>} : memref<12x128xf32, #tpu.memory_space<vmem>>, vector<16xf32>,
      %add3A_2367 = arith.constant 62 : i32
      %add3A_2368 = vector.broadcast %add3A_2367 : i32 to vector<16xi32>
      %add3A_2369 = arith.addi %mul3A_151, %add3A_2368 : vector<16xi32>
      %mul3A_2370 = arith.mulf %get3A_2366, %mul3A_1866 : vector<16xf32>
      tpu.vector_store_idx %arg20[%add3A_2369], %mul3A_2370 : memref<1536xf32, #tpu.memory_space<vmem>>[vector<16xi32>], vector<16xf32>,
      %get3A_2371 = arith.constant 7 : i32
      %get3A_2372 = arith.index_cast %get3A_2371 : i32 to index
      %get3A_2373 = arith.constant 112 : index
      %get3A_2374 = tpu.vector_load %arg19[%get3A_2372, %get3A_2373] {strides = array<i32>} : memref<12x128xf32, #tpu.memory_space<vmem>>, vector<16xf32>,
      %add3A_2375 = arith.constant 63 : i32
      %add3A_2376 = vector.broadcast %add3A_2375 : i32 to vector<16xi32>
      %add3A_2377 = arith.addi %mul3A_151, %add3A_2376 : vector<16xi32>
      %mul3A_2378 = arith.mulf %get3A_2374, %mul3A_1866 : vector<16xf32>
      tpu.vector_store_idx %arg20[%add3A_2377], %mul3A_2378 : memref<1536xf32, #tpu.memory_space<vmem>>[vector<16xi32>], vector<16xf32>,
      %get3A_2379 = arith.constant 8 : i32
      %get3A_2380 = arith.index_cast %get3A_2379 : i32 to index
      %get3A_2381 = arith.constant 0 : index
      %get3A_2382 = tpu.vector_load %arg19[%get3A_2380, %get3A_2381] {strides = array<i32>} : memref<12x128xf32, #tpu.memory_space<vmem>>, vector<16xf32>,
      %add3A_2383 = arith.constant 64 : i32
      %add3A_2384 = vector.broadcast %add3A_2383 : i32 to vector<16xi32>
      %add3A_2385 = arith.addi %mul3A_151, %add3A_2384 : vector<16xi32>
      %mul3A_2386 = arith.mulf %get3A_2382, %mul3A_1866 : vector<16xf32>
      tpu.vector_store_idx %arg20[%add3A_2385], %mul3A_2386 : memref<1536xf32, #tpu.memory_space<vmem>>[vector<16xi32>], vector<16xf32>,
      %get3A_2387 = arith.constant 8 : i32
      %get3A_2388 = arith.index_cast %get3A_2387 : i32 to index
      %get3A_2389 = arith.constant 16 : index
      %get3A_2390 = tpu.vector_load %arg19[%get3A_2388, %get3A_2389] {strides = array<i32>} : memref<12x128xf32, #tpu.memory_space<vmem>>, vector<16xf32>,
      %add3A_2391 = arith.constant 65 : i32
      %add3A_2392 = vector.broadcast %add3A_2391 : i32 to vector<16xi32>
      %add3A_2393 = arith.addi %mul3A_151, %add3A_2392 : vector<16xi32>
      %mul3A_2394 = arith.mulf %get3A_2390, %mul3A_1866 : vector<16xf32>
      tpu.vector_store_idx %arg20[%add3A_2393], %mul3A_2394 : memref<1536xf32, #tpu.memory_space<vmem>>[vector<16xi32>], vector<16xf32>,
      %get3A_2395 = arith.constant 8 : i32
      %get3A_2396 = arith.index_cast %get3A_2395 : i32 to index
      %get3A_2397 = arith.constant 32 : index
      %get3A_2398 = tpu.vector_load %arg19[%get3A_2396, %get3A_2397] {strides = array<i32>} : memref<12x128xf32, #tpu.memory_space<vmem>>, vector<16xf32>,
      %add3A_2399 = arith.constant 66 : i32
      %add3A_2400 = vector.broadcast %add3A_2399 : i32 to vector<16xi32>
      %add3A_2401 = arith.addi %mul3A_151, %add3A_2400 : vector<16xi32>
      %mul3A_2402 = arith.mulf %get3A_2398, %mul3A_1866 : vector<16xf32>
      tpu.vector_store_idx %arg20[%add3A_2401], %mul3A_2402 : memref<1536xf32, #tpu.memory_space<vmem>>[vector<16xi32>], vector<16xf32>,
      %get3A_2403 = arith.constant 8 : i32
      %get3A_2404 = arith.index_cast %get3A_2403 : i32 to index
      %get3A_2405 = arith.constant 48 : index
      %get3A_2406 = tpu.vector_load %arg19[%get3A_2404, %get3A_2405] {strides = array<i32>} : memref<12x128xf32, #tpu.memory_space<vmem>>, vector<16xf32>,
      %add3A_2407 = arith.constant 67 : i32
      %add3A_2408 = vector.broadcast %add3A_2407 : i32 to vector<16xi32>
      %add3A_2409 = arith.addi %mul3A_151, %add3A_2408 : vector<16xi32>
      %mul3A_2410 = arith.mulf %get3A_2406, %mul3A_1866 : vector<16xf32>
      tpu.vector_store_idx %arg20[%add3A_2409], %mul3A_2410 : memref<1536xf32, #tpu.memory_space<vmem>>[vector<16xi32>], vector<16xf32>,
      %get3A_2411 = arith.constant 8 : i32
      %get3A_2412 = arith.index_cast %get3A_2411 : i32 to index
      %get3A_2413 = arith.constant 64 : index
      %get3A_2414 = tpu.vector_load %arg19[%get3A_2412, %get3A_2413] {strides = array<i32>} : memref<12x128xf32, #tpu.memory_space<vmem>>, vector<16xf32>,
      %add3A_2415 = arith.constant 68 : i32
      %add3A_2416 = vector.broadcast %add3A_2415 : i32 to vector<16xi32>
      %add3A_2417 = arith.addi %mul3A_151, %add3A_2416 : vector<16xi32>
      %mul3A_2418 = arith.mulf %get3A_2414, %mul3A_1866 : vector<16xf32>
      tpu.vector_store_idx %arg20[%add3A_2417], %mul3A_2418 : memref<1536xf32, #tpu.memory_space<vmem>>[vector<16xi32>], vector<16xf32>,
      %get3A_2419 = arith.constant 8 : i32
      %get3A_2420 = arith.index_cast %get3A_2419 : i32 to index
      %get3A_2421 = arith.constant 80 : index
      %get3A_2422 = tpu.vector_load %arg19[%get3A_2420, %get3A_2421] {strides = array<i32>} : memref<12x128xf32, #tpu.memory_space<vmem>>, vector<16xf32>,
      %add3A_2423 = arith.constant 69 : i32
      %add3A_2424 = vector.broadcast %add3A_2423 : i32 to vector<16xi32>
      %add3A_2425 = arith.addi %mul3A_151, %add3A_2424 : vector<16xi32>
      %mul3A_2426 = arith.mulf %get3A_2422, %mul3A_1866 : vector<16xf32>
      tpu.vector_store_idx %arg20[%add3A_2425], %mul3A_2426 : memref<1536xf32, #tpu.memory_space<vmem>>[vector<16xi32>], vector<16xf32>,
      %get3A_2427 = arith.constant 8 : i32
      %get3A_2428 = arith.index_cast %get3A_2427 : i32 to index
      %get3A_2429 = arith.constant 96 : index
      %get3A_2430 = tpu.vector_load %arg19[%get3A_2428, %get3A_2429] {strides = array<i32>} : memref<12x128xf32, #tpu.memory_space<vmem>>, vector<16xf32>,
      %add3A_2431 = arith.constant 70 : i32
      %add3A_2432 = vector.broadcast %add3A_2431 : i32 to vector<16xi32>
      %add3A_2433 = arith.addi %mul3A_151, %add3A_2432 : vector<16xi32>
      %mul3A_2434 = arith.mulf %get3A_2430, %mul3A_1866 : vector<16xf32>
      tpu.vector_store_idx %arg20[%add3A_2433], %mul3A_2434 : memref<1536xf32, #tpu.memory_space<vmem>>[vector<16xi32>], vector<16xf32>,
      %get3A_2435 = arith.constant 8 : i32
      %get3A_2436 = arith.index_cast %get3A_2435 : i32 to index
      %get3A_2437 = arith.constant 112 : index
      %get3A_2438 = tpu.vector_load %arg19[%get3A_2436, %get3A_2437] {strides = array<i32>} : memref<12x128xf32, #tpu.memory_space<vmem>>, vector<16xf32>,
      %add3A_2439 = arith.constant 71 : i32
      %add3A_2440 = vector.broadcast %add3A_2439 : i32 to vector<16xi32>
      %add3A_2441 = arith.addi %mul3A_151, %add3A_2440 : vector<16xi32>
      %mul3A_2442 = arith.mulf %get3A_2438, %mul3A_1866 : vector<16xf32>
      tpu.vector_store_idx %arg20[%add3A_2441], %mul3A_2442 : memref<1536xf32, #tpu.memory_space<vmem>>[vector<16xi32>], vector<16xf32>,
      %get3A_2443 = arith.constant 9 : i32
      %get3A_2444 = arith.index_cast %get3A_2443 : i32 to index
      %get3A_2445 = arith.constant 0 : index
      %get3A_2446 = tpu.vector_load %arg19[%get3A_2444, %get3A_2445] {strides = array<i32>} : memref<12x128xf32, #tpu.memory_space<vmem>>, vector<16xf32>,
      %add3A_2447 = arith.constant 72 : i32
      %add3A_2448 = vector.broadcast %add3A_2447 : i32 to vector<16xi32>
      %add3A_2449 = arith.addi %mul3A_151, %add3A_2448 : vector<16xi32>
      %mul3A_2450 = arith.mulf %get3A_2446, %mul3A_1866 : vector<16xf32>
      tpu.vector_store_idx %arg20[%add3A_2449], %mul3A_2450 : memref<1536xf32, #tpu.memory_space<vmem>>[vector<16xi32>], vector<16xf32>,
      %get3A_2451 = arith.constant 9 : i32
      %get3A_2452 = arith.index_cast %get3A_2451 : i32 to index
      %get3A_2453 = arith.constant 16 : index
      %get3A_2454 = tpu.vector_load %arg19[%get3A_2452, %get3A_2453] {strides = array<i32>} : memref<12x128xf32, #tpu.memory_space<vmem>>, vector<16xf32>,
      %add3A_2455 = arith.constant 73 : i32
      %add3A_2456 = vector.broadcast %add3A_2455 : i32 to vector<16xi32>
      %add3A_2457 = arith.addi %mul3A_151, %add3A_2456 : vector<16xi32>
      %mul3A_2458 = arith.mulf %get3A_2454, %mul3A_1866 : vector<16xf32>
      tpu.vector_store_idx %arg20[%add3A_2457], %mul3A_2458 : memref<1536xf32, #tpu.memory_space<vmem>>[vector<16xi32>], vector<16xf32>,
      %get3A_2459 = arith.constant 9 : i32
      %get3A_2460 = arith.index_cast %get3A_2459 : i32 to index
      %get3A_2461 = arith.constant 32 : index
      %get3A_2462 = tpu.vector_load %arg19[%get3A_2460, %get3A_2461] {strides = array<i32>} : memref<12x128xf32, #tpu.memory_space<vmem>>, vector<16xf32>,
      %add3A_2463 = arith.constant 74 : i32
      %add3A_2464 = vector.broadcast %add3A_2463 : i32 to vector<16xi32>
      %add3A_2465 = arith.addi %mul3A_151, %add3A_2464 : vector<16xi32>
      %mul3A_2466 = arith.mulf %get3A_2462, %mul3A_1866 : vector<16xf32>
      tpu.vector_store_idx %arg20[%add3A_2465], %mul3A_2466 : memref<1536xf32, #tpu.memory_space<vmem>>[vector<16xi32>], vector<16xf32>,
      %get3A_2467 = arith.constant 9 : i32
      %get3A_2468 = arith.index_cast %get3A_2467 : i32 to index
      %get3A_2469 = arith.constant 48 : index
      %get3A_2470 = tpu.vector_load %arg19[%get3A_2468, %get3A_2469] {strides = array<i32>} : memref<12x128xf32, #tpu.memory_space<vmem>>, vector<16xf32>,
      %add3A_2471 = arith.constant 75 : i32
      %add3A_2472 = vector.broadcast %add3A_2471 : i32 to vector<16xi32>
      %add3A_2473 = arith.addi %mul3A_151, %add3A_2472 : vector<16xi32>
      %mul3A_2474 = arith.mulf %get3A_2470, %mul3A_1866 : vector<16xf32>
      tpu.vector_store_idx %arg20[%add3A_2473], %mul3A_2474 : memref<1536xf32, #tpu.memory_space<vmem>>[vector<16xi32>], vector<16xf32>,
      %get3A_2475 = arith.constant 9 : i32
      %get3A_2476 = arith.index_cast %get3A_2475 : i32 to index
      %get3A_2477 = arith.constant 64 : index
      %get3A_2478 = tpu.vector_load %arg19[%get3A_2476, %get3A_2477] {strides = array<i32>} : memref<12x128xf32, #tpu.memory_space<vmem>>, vector<16xf32>,
      %add3A_2479 = arith.constant 76 : i32
      %add3A_2480 = vector.broadcast %add3A_2479 : i32 to vector<16xi32>
      %add3A_2481 = arith.addi %mul3A_151, %add3A_2480 : vector<16xi32>
      %mul3A_2482 = arith.mulf %get3A_2478, %mul3A_1866 : vector<16xf32>
      tpu.vector_store_idx %arg20[%add3A_2481], %mul3A_2482 : memref<1536xf32, #tpu.memory_space<vmem>>[vector<16xi32>], vector<16xf32>,
      %get3A_2483 = arith.constant 9 : i32
      %get3A_2484 = arith.index_cast %get3A_2483 : i32 to index
      %get3A_2485 = arith.constant 80 : index
      %get3A_2486 = tpu.vector_load %arg19[%get3A_2484, %get3A_2485] {strides = array<i32>} : memref<12x128xf32, #tpu.memory_space<vmem>>, vector<16xf32>,
      %add3A_2487 = arith.constant 77 : i32
      %add3A_2488 = vector.broadcast %add3A_2487 : i32 to vector<16xi32>
      %add3A_2489 = arith.addi %mul3A_151, %add3A_2488 : vector<16xi32>
      %mul3A_2490 = arith.mulf %get3A_2486, %mul3A_1866 : vector<16xf32>
      tpu.vector_store_idx %arg20[%add3A_2489], %mul3A_2490 : memref<1536xf32, #tpu.memory_space<vmem>>[vector<16xi32>], vector<16xf32>,
      %get3A_2491 = arith.constant 9 : i32
      %get3A_2492 = arith.index_cast %get3A_2491 : i32 to index
      %get3A_2493 = arith.constant 96 : index
      %get3A_2494 = tpu.vector_load %arg19[%get3A_2492, %get3A_2493] {strides = array<i32>} : memref<12x128xf32, #tpu.memory_space<vmem>>, vector<16xf32>,
      %add3A_2495 = arith.constant 78 : i32
      %add3A_2496 = vector.broadcast %add3A_2495 : i32 to vector<16xi32>
      %add3A_2497 = arith.addi %mul3A_151, %add3A_2496 : vector<16xi32>
      %mul3A_2498 = arith.mulf %get3A_2494, %mul3A_1866 : vector<16xf32>
      tpu.vector_store_idx %arg20[%add3A_2497], %mul3A_2498 : memref<1536xf32, #tpu.memory_space<vmem>>[vector<16xi32>], vector<16xf32>,
      %get3A_2499 = arith.constant 9 : i32
      %get3A_2500 = arith.index_cast %get3A_2499 : i32 to index
      %get3A_2501 = arith.constant 112 : index
      %get3A_2502 = tpu.vector_load %arg19[%get3A_2500, %get3A_2501] {strides = array<i32>} : memref<12x128xf32, #tpu.memory_space<vmem>>, vector<16xf32>,
      %add3A_2503 = arith.constant 79 : i32
      %add3A_2504 = vector.broadcast %add3A_2503 : i32 to vector<16xi32>
      %add3A_2505 = arith.addi %mul3A_151, %add3A_2504 : vector<16xi32>
      %mul3A_2506 = arith.mulf %get3A_2502, %mul3A_1866 : vector<16xf32>
      tpu.vector_store_idx %arg20[%add3A_2505], %mul3A_2506 : memref<1536xf32, #tpu.memory_space<vmem>>[vector<16xi32>], vector<16xf32>,
      %get3A_2507 = arith.constant 10 : i32
      %get3A_2508 = arith.index_cast %get3A_2507 : i32 to index
      %get3A_2509 = arith.constant 0 : index
      %get3A_2510 = tpu.vector_load %arg19[%get3A_2508, %get3A_2509] {strides = array<i32>} : memref<12x128xf32, #tpu.memory_space<vmem>>, vector<16xf32>,
      %add3A_2511 = arith.constant 80 : i32
      %add3A_2512 = vector.broadcast %add3A_2511 : i32 to vector<16xi32>
      %add3A_2513 = arith.addi %mul3A_151, %add3A_2512 : vector<16xi32>
      %mul3A_2514 = arith.mulf %get3A_2510, %mul3A_1866 : vector<16xf32>
      tpu.vector_store_idx %arg20[%add3A_2513], %mul3A_2514 : memref<1536xf32, #tpu.memory_space<vmem>>[vector<16xi32>], vector<16xf32>,
      %get3A_2515 = arith.constant 10 : i32
      %get3A_2516 = arith.index_cast %get3A_2515 : i32 to index
      %get3A_2517 = arith.constant 16 : index
      %get3A_2518 = tpu.vector_load %arg19[%get3A_2516, %get3A_2517] {strides = array<i32>} : memref<12x128xf32, #tpu.memory_space<vmem>>, vector<16xf32>,
      %add3A_2519 = arith.constant 81 : i32
      %add3A_2520 = vector.broadcast %add3A_2519 : i32 to vector<16xi32>
      %add3A_2521 = arith.addi %mul3A_151, %add3A_2520 : vector<16xi32>
      %mul3A_2522 = arith.mulf %get3A_2518, %mul3A_1866 : vector<16xf32>
      tpu.vector_store_idx %arg20[%add3A_2521], %mul3A_2522 : memref<1536xf32, #tpu.memory_space<vmem>>[vector<16xi32>], vector<16xf32>,
      %get3A_2523 = arith.constant 10 : i32
      %get3A_2524 = arith.index_cast %get3A_2523 : i32 to index
      %get3A_2525 = arith.constant 32 : index
      %get3A_2526 = tpu.vector_load %arg19[%get3A_2524, %get3A_2525] {strides = array<i32>} : memref<12x128xf32, #tpu.memory_space<vmem>>, vector<16xf32>,
      %add3A_2527 = arith.constant 82 : i32
      %add3A_2528 = vector.broadcast %add3A_2527 : i32 to vector<16xi32>
      %add3A_2529 = arith.addi %mul3A_151, %add3A_2528 : vector<16xi32>
      %mul3A_2530 = arith.mulf %get3A_2526, %mul3A_1866 : vector<16xf32>
      tpu.vector_store_idx %arg20[%add3A_2529], %mul3A_2530 : memref<1536xf32, #tpu.memory_space<vmem>>[vector<16xi32>], vector<16xf32>,
      %get3A_2531 = arith.constant 10 : i32
      %get3A_2532 = arith.index_cast %get3A_2531 : i32 to index
      %get3A_2533 = arith.constant 48 : index
      %get3A_2534 = tpu.vector_load %arg19[%get3A_2532, %get3A_2533] {strides = array<i32>} : memref<12x128xf32, #tpu.memory_space<vmem>>, vector<16xf32>,
      %add3A_2535 = arith.constant 83 : i32
      %add3A_2536 = vector.broadcast %add3A_2535 : i32 to vector<16xi32>
      %add3A_2537 = arith.addi %mul3A_151, %add3A_2536 : vector<16xi32>
      %mul3A_2538 = arith.mulf %get3A_2534, %mul3A_1866 : vector<16xf32>
      tpu.vector_store_idx %arg20[%add3A_2537], %mul3A_2538 : memref<1536xf32, #tpu.memory_space<vmem>>[vector<16xi32>], vector<16xf32>,
      %get3A_2539 = arith.constant 10 : i32
      %get3A_2540 = arith.index_cast %get3A_2539 : i32 to index
      %get3A_2541 = arith.constant 64 : index
      %get3A_2542 = tpu.vector_load %arg19[%get3A_2540, %get3A_2541] {strides = array<i32>} : memref<12x128xf32, #tpu.memory_space<vmem>>, vector<16xf32>,
      %add3A_2543 = arith.constant 84 : i32
      %add3A_2544 = vector.broadcast %add3A_2543 : i32 to vector<16xi32>
      %add3A_2545 = arith.addi %mul3A_151, %add3A_2544 : vector<16xi32>
      %mul3A_2546 = arith.mulf %get3A_2542, %mul3A_1866 : vector<16xf32>
      tpu.vector_store_idx %arg20[%add3A_2545], %mul3A_2546 : memref<1536xf32, #tpu.memory_space<vmem>>[vector<16xi32>], vector<16xf32>,
      %get3A_2547 = arith.constant 10 : i32
      %get3A_2548 = arith.index_cast %get3A_2547 : i32 to index
      %get3A_2549 = arith.constant 80 : index
      %get3A_2550 = tpu.vector_load %arg19[%get3A_2548, %get3A_2549] {strides = array<i32>} : memref<12x128xf32, #tpu.memory_space<vmem>>, vector<16xf32>,
      %add3A_2551 = arith.constant 85 : i32
      %add3A_2552 = vector.broadcast %add3A_2551 : i32 to vector<16xi32>
      %add3A_2553 = arith.addi %mul3A_151, %add3A_2552 : vector<16xi32>
      %mul3A_2554 = arith.mulf %get3A_2550, %mul3A_1866 : vector<16xf32>
      tpu.vector_store_idx %arg20[%add3A_2553], %mul3A_2554 : memref<1536xf32, #tpu.memory_space<vmem>>[vector<16xi32>], vector<16xf32>,
      %get3A_2555 = arith.constant 10 : i32
      %get3A_2556 = arith.index_cast %get3A_2555 : i32 to index
      %get3A_2557 = arith.constant 96 : index
      %get3A_2558 = tpu.vector_load %arg19[%get3A_2556, %get3A_2557] {strides = array<i32>} : memref<12x128xf32, #tpu.memory_space<vmem>>, vector<16xf32>,
      %add3A_2559 = arith.constant 86 : i32
      %add3A_2560 = vector.broadcast %add3A_2559 : i32 to vector<16xi32>
      %add3A_2561 = arith.addi %mul3A_151, %add3A_2560 : vector<16xi32>
      %mul3A_2562 = arith.mulf %get3A_2558, %mul3A_1866 : vector<16xf32>
      tpu.vector_store_idx %arg20[%add3A_2561], %mul3A_2562 : memref<1536xf32, #tpu.memory_space<vmem>>[vector<16xi32>], vector<16xf32>,
      %get3A_2563 = arith.constant 10 : i32
      %get3A_2564 = arith.index_cast %get3A_2563 : i32 to index
      %get3A_2565 = arith.constant 112 : index
      %get3A_2566 = tpu.vector_load %arg19[%get3A_2564, %get3A_2565] {strides = array<i32>} : memref<12x128xf32, #tpu.memory_space<vmem>>, vector<16xf32>,
      %add3A_2567 = arith.constant 87 : i32
      %add3A_2568 = vector.broadcast %add3A_2567 : i32 to vector<16xi32>
      %add3A_2569 = arith.addi %mul3A_151, %add3A_2568 : vector<16xi32>
      %mul3A_2570 = arith.mulf %get3A_2566, %mul3A_1866 : vector<16xf32>
      tpu.vector_store_idx %arg20[%add3A_2569], %mul3A_2570 : memref<1536xf32, #tpu.memory_space<vmem>>[vector<16xi32>], vector<16xf32>,
      %get3A_2571 = arith.constant 11 : i32
      %get3A_2572 = arith.index_cast %get3A_2571 : i32 to index
      %get3A_2573 = arith.constant 0 : index
      %get3A_2574 = tpu.vector_load %arg19[%get3A_2572, %get3A_2573] {strides = array<i32>} : memref<12x128xf32, #tpu.memory_space<vmem>>, vector<16xf32>,
      %add3A_2575 = arith.constant 88 : i32
      %add3A_2576 = vector.broadcast %add3A_2575 : i32 to vector<16xi32>
      %add3A_2577 = arith.addi %mul3A_151, %add3A_2576 : vector<16xi32>
      %mul3A_2578 = arith.mulf %get3A_2574, %mul3A_1866 : vector<16xf32>
      tpu.vector_store_idx %arg20[%add3A_2577], %mul3A_2578 : memref<1536xf32, #tpu.memory_space<vmem>>[vector<16xi32>], vector<16xf32>,
      %get3A_2579 = arith.constant 11 : i32
      %get3A_2580 = arith.index_cast %get3A_2579 : i32 to index
      %get3A_2581 = arith.constant 16 : index
      %get3A_2582 = tpu.vector_load %arg19[%get3A_2580, %get3A_2581] {strides = array<i32>} : memref<12x128xf32, #tpu.memory_space<vmem>>, vector<16xf32>,
      %add3A_2583 = arith.constant 89 : i32
      %add3A_2584 = vector.broadcast %add3A_2583 : i32 to vector<16xi32>
      %add3A_2585 = arith.addi %mul3A_151, %add3A_2584 : vector<16xi32>
      %mul3A_2586 = arith.mulf %get3A_2582, %mul3A_1866 : vector<16xf32>
      tpu.vector_store_idx %arg20[%add3A_2585], %mul3A_2586 : memref<1536xf32, #tpu.memory_space<vmem>>[vector<16xi32>], vector<16xf32>,
      %get3A_2587 = arith.constant 11 : i32
      %get3A_2588 = arith.index_cast %get3A_2587 : i32 to index
      %get3A_2589 = arith.constant 32 : index
      %get3A_2590 = tpu.vector_load %arg19[%get3A_2588, %get3A_2589] {strides = array<i32>} : memref<12x128xf32, #tpu.memory_space<vmem>>, vector<16xf32>,
      %add3A_2591 = arith.constant 90 : i32
      %add3A_2592 = vector.broadcast %add3A_2591 : i32 to vector<16xi32>
      %add3A_2593 = arith.addi %mul3A_151, %add3A_2592 : vector<16xi32>
      %mul3A_2594 = arith.mulf %get3A_2590, %mul3A_1866 : vector<16xf32>
      tpu.vector_store_idx %arg20[%add3A_2593], %mul3A_2594 : memref<1536xf32, #tpu.memory_space<vmem>>[vector<16xi32>], vector<16xf32>,
      %get3A_2595 = arith.constant 11 : i32
      %get3A_2596 = arith.index_cast %get3A_2595 : i32 to index
      %get3A_2597 = arith.constant 48 : index
      %get3A_2598 = tpu.vector_load %arg19[%get3A_2596, %get3A_2597] {strides = array<i32>} : memref<12x128xf32, #tpu.memory_space<vmem>>, vector<16xf32>,
      %add3A_2599 = arith.constant 91 : i32
      %add3A_2600 = vector.broadcast %add3A_2599 : i32 to vector<16xi32>
      %add3A_2601 = arith.addi %mul3A_151, %add3A_2600 : vector<16xi32>
      %mul3A_2602 = arith.mulf %get3A_2598, %mul3A_1866 : vector<16xf32>
      tpu.vector_store_idx %arg20[%add3A_2601], %mul3A_2602 : memref<1536xf32, #tpu.memory_space<vmem>>[vector<16xi32>], vector<16xf32>,
      %get3A_2603 = arith.constant 11 : i32
      %get3A_2604 = arith.index_cast %get3A_2603 : i32 to index
      %get3A_2605 = arith.constant 64 : index
      %get3A_2606 = tpu.vector_load %arg19[%get3A_2604, %get3A_2605] {strides = array<i32>} : memref<12x128xf32, #tpu.memory_space<vmem>>, vector<16xf32>,
      %add3A_2607 = arith.constant 92 : i32
      %add3A_2608 = vector.broadcast %add3A_2607 : i32 to vector<16xi32>
      %add3A_2609 = arith.addi %mul3A_151, %add3A_2608 : vector<16xi32>
      %mul3A_2610 = arith.mulf %get3A_2606, %mul3A_1866 : vector<16xf32>
      tpu.vector_store_idx %arg20[%add3A_2609], %mul3A_2610 : memref<1536xf32, #tpu.memory_space<vmem>>[vector<16xi32>], vector<16xf32>,
      %get3A_2611 = arith.constant 11 : i32
      %get3A_2612 = arith.index_cast %get3A_2611 : i32 to index
      %get3A_2613 = arith.constant 80 : index
      %get3A_2614 = tpu.vector_load %arg19[%get3A_2612, %get3A_2613] {strides = array<i32>} : memref<12x128xf32, #tpu.memory_space<vmem>>, vector<16xf32>,
      %add3A_2615 = arith.constant 93 : i32
      %add3A_2616 = vector.broadcast %add3A_2615 : i32 to vector<16xi32>
      %add3A_2617 = arith.addi %mul3A_151, %add3A_2616 : vector<16xi32>
      %mul3A_2618 = arith.mulf %get3A_2614, %mul3A_1866 : vector<16xf32>
      tpu.vector_store_idx %arg20[%add3A_2617], %mul3A_2618 : memref<1536xf32, #tpu.memory_space<vmem>>[vector<16xi32>], vector<16xf32>,
      %get3A_2619 = arith.constant 11 : i32
      %get3A_2620 = arith.index_cast %get3A_2619 : i32 to index
      %get3A_2621 = arith.constant 96 : index
      %get3A_2622 = tpu.vector_load %arg19[%get3A_2620, %get3A_2621] {strides = array<i32>} : memref<12x128xf32, #tpu.memory_space<vmem>>, vector<16xf32>,
      %add3A_2623 = arith.constant 94 : i32
      %add3A_2624 = vector.broadcast %add3A_2623 : i32 to vector<16xi32>
      %add3A_2625 = arith.addi %mul3A_151, %add3A_2624 : vector<16xi32>
      %mul3A_2626 = arith.mulf %get3A_2622, %mul3A_1866 : vector<16xf32>
      tpu.vector_store_idx %arg20[%add3A_2625], %mul3A_2626 : memref<1536xf32, #tpu.memory_space<vmem>>[vector<16xi32>], vector<16xf32>,
      %get3A_2627 = arith.constant 11 : i32
      %get3A_2628 = arith.index_cast %get3A_2627 : i32 to index
      %get3A_2629 = arith.constant 112 : index
      %get3A_2630 = tpu.vector_load %arg19[%get3A_2628, %get3A_2629] {strides = array<i32>} : memref<12x128xf32, #tpu.memory_space<vmem>>, vector<16xf32>,
      %add3A_2631 = arith.constant 95 : i32
      %add3A_2632 = vector.broadcast %add3A_2631 : i32 to vector<16xi32>
      %add3A_2633 = arith.addi %mul3A_151, %add3A_2632 : vector<16xi32>
      %mul3A_2634 = arith.mulf %get3A_2630, %mul3A_1866 : vector<16xf32>
      tpu.vector_store_idx %arg20[%add3A_2633], %mul3A_2634 : memref<1536xf32, #tpu.memory_space<vmem>>[vector<16xi32>], vector<16xf32>,
      %mul3A_2635 = arith.constant 491520 : i32
      %mul3A_2636 = arith.muli %add3A_30, %mul3A_2635 : i32
      %mul3A_2637 = arith.constant 16 : i32
      %mul3A_2638 = arith.muli %scan3A_169, %mul3A_2637 : i32
      %add3A_2639 = arith.addi %mul3A_144, %mul3A_2638 : i32
      %mul3A_2640 = arith.constant 96 : i32
      %mul3A_2641 = arith.muli %add3A_2639, %mul3A_2640 : i32
      %add3A_2642 = arith.addi %mul3A_2636, %mul3A_2641 : i32
      "tpu.region"() ({
        %run_scoped3A = tpu.sem_alloc : memref<!tpu.dma_semaphore, #tpu.memory_space<semaphore_mem>>
        %dma_start3A_2644 = tpu.memref_slice %arg6[%add3A_2642] : memref<1966080xf32, #tpu.memory_space<hbm>> -> memref<1536xf32, #tpu.memory_space<hbm>>
        %dma_start3A_2645 = tpu.memref_slice %arg6[%add3A_2642] : memref<1966080xf32, #tpu.memory_space<hbm>> -> memref<1536xf32, #tpu.memory_space<hbm>>
        tpu.enqueue_dma source(%arg20 : memref<1536xf32, #tpu.memory_space<vmem>>) target(%dma_start3A_2645 : memref<1536xf32, #tpu.memory_space<hbm>>) target_semaphore(%run_scoped3A : memref<!tpu.dma_semaphore, #tpu.memory_space<semaphore_mem>>)
        %dma_wait3A_2646 = tpu.memref_slice %arg6[%add3A_2642] : memref<1966080xf32, #tpu.memory_space<hbm>> -> memref<1536xf32, #tpu.memory_space<hbm>>
        %dma_wait3A_2647 = tpu.memref_slice %arg6[%add3A_2642] : memref<1966080xf32, #tpu.memory_space<hbm>> -> memref<1536xf32, #tpu.memory_space<hbm>>
        tpu.wait_dma2 semaphore(%run_scoped3A : memref<!tpu.dma_semaphore, #tpu.memory_space<semaphore_mem>>) src(%arg20 : memref<1536xf32, #tpu.memory_space<vmem>>) dst(%dma_wait3A_2647 : memref<1536xf32, #tpu.memory_space<hbm>>)
        tpu.yield
      }) : () -> ()
      %scan3A_2643 = arith.constant 0 : i32
      scf.yield %scan3A_2643 : i32
    }
    %scan3A_158 = arith.constant 40 : i32
    %mul3A_159 = arith.constant 2 : i32
    %mul3A_160 = arith.muli %add3A_30, %mul3A_159 : i32
    %mul3A_161 = arith.constant 5120 : i32
    %mul3A_162 = arith.muli %mul3A_160, %mul3A_161 : i32
    %mul3A_163 = arith.constant 2 : i32
    %mul3A_164 = arith.muli %mul3A_163, %mul3A_144 : i32
    %add3A_165 = arith.addi %mul3A_162, %mul3A_164 : i32
    "tpu.region"() ({
      %run_scoped3A = tpu.sem_alloc : memref<!tpu.dma_semaphore, #tpu.memory_space<semaphore_mem>>
      %dma_start3A = tpu.memref_slice %arg5[%add3A_165] : memref<40960xf32, #tpu.memory_space<hbm>> -> memref<1280xf32, #tpu.memory_space<hbm>>
      %dma_start3A_169 = tpu.memref_slice %arg5[%add3A_165] : memref<40960xf32, #tpu.memory_space<hbm>> -> memref<1280xf32, #tpu.memory_space<hbm>>
      tpu.enqueue_dma source(%arg21 : memref<1280xf32, #tpu.memory_space<vmem>>) target(%dma_start3A_169 : memref<1280xf32, #tpu.memory_space<hbm>>) target_semaphore(%run_scoped3A : memref<!tpu.dma_semaphore, #tpu.memory_space<semaphore_mem>>)
      %dma_wait3A = tpu.memref_slice %arg5[%add3A_165] : memref<40960xf32, #tpu.memory_space<hbm>> -> memref<1280xf32, #tpu.memory_space<hbm>>
      %dma_wait3A_170 = tpu.memref_slice %arg5[%add3A_165] : memref<40960xf32, #tpu.memory_space<hbm>> -> memref<1280xf32, #tpu.memory_space<hbm>>
      tpu.wait_dma2 semaphore(%run_scoped3A : memref<!tpu.dma_semaphore, #tpu.memory_space<semaphore_mem>>) src(%arg21 : memref<1280xf32, #tpu.memory_space<vmem>>) dst(%dma_wait3A_170 : memref<1280xf32, #tpu.memory_space<hbm>>)
      tpu.yield
    }) : () -> ()
    %mul3A_166 = arith.constant 5120 : i32
    %mul3A_167 = arith.muli %add3A_30, %mul3A_166 : i32
    %add3A_168 = arith.addi %mul3A_167, %mul3A_144 : i32
    "tpu.region"() ({
      %run_scoped3A = tpu.sem_alloc : memref<!tpu.dma_semaphore, #tpu.memory_space<semaphore_mem>>
      %dma_start3A = tpu.memref_slice %arg7[%add3A_168] : memref<20480xf32, #tpu.memory_space<hbm>> -> memref<640xf32, #tpu.memory_space<hbm>>
      %dma_start3A_169 = tpu.memref_slice %arg7[%add3A_168] : memref<20480xf32, #tpu.memory_space<hbm>> -> memref<640xf32, #tpu.memory_space<hbm>>
      tpu.enqueue_dma source(%arg22 : memref<640xf32, #tpu.memory_space<vmem>>) target(%dma_start3A_169 : memref<640xf32, #tpu.memory_space<hbm>>) target_semaphore(%run_scoped3A : memref<!tpu.dma_semaphore, #tpu.memory_space<semaphore_mem>>)
      %dma_wait3A = tpu.memref_slice %arg7[%add3A_168] : memref<20480xf32, #tpu.memory_space<hbm>> -> memref<640xf32, #tpu.memory_space<hbm>>
      %dma_wait3A_170 = tpu.memref_slice %arg7[%add3A_168] : memref<20480xf32, #tpu.memory_space<hbm>> -> memref<640xf32, #tpu.memory_space<hbm>>
      tpu.wait_dma2 semaphore(%run_scoped3A : memref<!tpu.dma_semaphore, #tpu.memory_space<semaphore_mem>>) src(%arg22 : memref<640xf32, #tpu.memory_space<vmem>>) dst(%dma_wait3A_170 : memref<640xf32, #tpu.memory_space<hbm>>)
      tpu.yield
    }) : () -> ()
    return
  }
}

module attributes {stable_mosaic.version = 14 : i64} {
  func.func @_nms_body(%arg0: i32, %arg1: memref<1x1x384x384xf32, #tpu.memory_space<vmem>>, %arg2: memref<1x1x384x384xf32, #tpu.memory_space<vmem>>) attributes {dimension_semantics = [#tpu.dimension_semantics<arbitrary>], iteration_bounds = array<i64: 4>, scalar_prefetch = 0 : i64, scratch_operands = 0 : i64, tpu.core_type = #tpu.core_type<tc>, window_params = [{transform_indices = @transform_0, window_bounds = array<i64: 1, 1, 384, 384>}, {transform_indices = @transform_1, window_bounds = array<i64: 1, 1, 384, 384>}]} {
    %get3A = arith.constant 0 : index
    %get3A_0 = arith.constant 0 : index
    %get3A_1 = arith.constant 0 : index
    %get3A_2 = arith.constant 0 : index
    %get3A_3 = vector.load %arg1[%get3A, %get3A_0, %get3A_1, %get3A_2] : memref<1x1x384x384xf32, #tpu.memory_space<vmem>>, vector<1x1x384x384xf32>
    %get3A_4 = vector.shape_cast %get3A_3 : vector<1x1x384x384xf32> to vector<384x384xf32>
    %broadcast_in_dim3A = arith.constant 0.000000e+00 : f32
    %broadcast_in_dim3A_5 = vector.broadcast %broadcast_in_dim3A : f32 to vector<384x384xf32>
    %broadcast_in_dim3A_6 = arith.constant 0xFF800000 : f32
    %broadcast_in_dim3A_7 = vector.broadcast %broadcast_in_dim3A_6 : f32 to vector<2x384xf32>
    %concatenate3A = tpu.concatenate %broadcast_in_dim3A_7, %get3A_4, %broadcast_in_dim3A_7 in 0 : vector<2x384xf32>, vector<384x384xf32>, vector<2x384xf32> -> vector<388x384xf32>
    %slice3A = vector.extract_strided_slice %concatenate3A {offsets = [0, 0], sizes = [384, 384], strides = [1, 1]} : vector<388x384xf32> to vector<384x384xf32>
    %slice3A_8 = vector.extract_strided_slice %concatenate3A {offsets = [1, 0], sizes = [384, 384], strides = [1, 1]} : vector<388x384xf32> to vector<384x384xf32>
    %max3A = arith.maximumf %slice3A, %slice3A_8 : vector<384x384xf32>
    %slice3A_9 = vector.extract_strided_slice %concatenate3A {offsets = [3, 0], sizes = [384, 384], strides = [1, 1]} : vector<388x384xf32> to vector<384x384xf32>
    %slice3A_10 = vector.extract_strided_slice %concatenate3A {offsets = [4, 0], sizes = [384, 384], strides = [1, 1]} : vector<388x384xf32> to vector<384x384xf32>
    %max3A_11 = arith.maximumf %slice3A_9, %slice3A_10 : vector<384x384xf32>
    %max3A_12 = arith.maximumf %max3A, %max3A_11 : vector<384x384xf32>
    %max3A_13 = arith.maximumf %max3A_12, %get3A_4 : vector<384x384xf32>
    %broadcast_in_dim3A_14 = arith.constant 0xFF800000 : f32
    %broadcast_in_dim3A_15 = vector.broadcast %broadcast_in_dim3A_14 : f32 to vector<384x2xf32>
    %concatenate3A_16 = tpu.concatenate %broadcast_in_dim3A_15, %max3A_13, %broadcast_in_dim3A_15 in 1 : vector<384x2xf32>, vector<384x384xf32>, vector<384x2xf32> -> vector<384x388xf32>
    %slice3A_17 = vector.extract_strided_slice %concatenate3A_16 {offsets = [0, 0], sizes = [384, 384], strides = [1, 1]} : vector<384x388xf32> to vector<384x384xf32>
    %slice3A_18 = vector.extract_strided_slice %concatenate3A_16 {offsets = [0, 1], sizes = [384, 384], strides = [1, 1]} : vector<384x388xf32> to vector<384x384xf32>
    %max3A_19 = arith.maximumf %slice3A_17, %slice3A_18 : vector<384x384xf32>
    %slice3A_20 = vector.extract_strided_slice %concatenate3A_16 {offsets = [0, 3], sizes = [384, 384], strides = [1, 1]} : vector<384x388xf32> to vector<384x384xf32>
    %slice3A_21 = vector.extract_strided_slice %concatenate3A_16 {offsets = [0, 4], sizes = [384, 384], strides = [1, 1]} : vector<384x388xf32> to vector<384x384xf32>
    %max3A_22 = arith.maximumf %slice3A_20, %slice3A_21 : vector<384x384xf32>
    %max3A_23 = arith.maximumf %max3A_19, %max3A_22 : vector<384x384xf32>
    %max3A_24 = arith.maximumf %max3A_23, %max3A_13 : vector<384x384xf32>
    %eq3A = arith.cmpf oeq, %get3A_4, %max3A_24 : vector<384x384xf32>
    %convert_element_type3A = arith.extui %eq3A : vector<384x384xi1> to vector<384x384xi32>
    %convert_element_type3A_25 = arith.sitofp %convert_element_type3A : vector<384x384xi32> to vector<384x384xf32>
    %broadcast_in_dim3A_26 = arith.constant 0xFF800000 : f32
    %broadcast_in_dim3A_27 = vector.broadcast %broadcast_in_dim3A_26 : f32 to vector<2x384xf32>
    %concatenate3A_28 = tpu.concatenate %broadcast_in_dim3A_27, %convert_element_type3A_25, %broadcast_in_dim3A_27 in 0 : vector<2x384xf32>, vector<384x384xf32>, vector<2x384xf32> -> vector<388x384xf32>
    %slice3A_29 = vector.extract_strided_slice %concatenate3A_28 {offsets = [0, 0], sizes = [384, 384], strides = [1, 1]} : vector<388x384xf32> to vector<384x384xf32>
    %slice3A_30 = vector.extract_strided_slice %concatenate3A_28 {offsets = [1, 0], sizes = [384, 384], strides = [1, 1]} : vector<388x384xf32> to vector<384x384xf32>
    %max3A_31 = arith.maximumf %slice3A_29, %slice3A_30 : vector<384x384xf32>
    %slice3A_32 = vector.extract_strided_slice %concatenate3A_28 {offsets = [3, 0], sizes = [384, 384], strides = [1, 1]} : vector<388x384xf32> to vector<384x384xf32>
    %slice3A_33 = vector.extract_strided_slice %concatenate3A_28 {offsets = [4, 0], sizes = [384, 384], strides = [1, 1]} : vector<388x384xf32> to vector<384x384xf32>
    %max3A_34 = arith.maximumf %slice3A_32, %slice3A_33 : vector<384x384xf32>
    %max3A_35 = arith.maximumf %max3A_31, %max3A_34 : vector<384x384xf32>
    %max3A_36 = arith.maximumf %max3A_35, %convert_element_type3A_25 : vector<384x384xf32>
    %broadcast_in_dim3A_37 = arith.constant 0xFF800000 : f32
    %broadcast_in_dim3A_38 = vector.broadcast %broadcast_in_dim3A_37 : f32 to vector<384x2xf32>
    %concatenate3A_39 = tpu.concatenate %broadcast_in_dim3A_38, %max3A_36, %broadcast_in_dim3A_38 in 1 : vector<384x2xf32>, vector<384x384xf32>, vector<384x2xf32> -> vector<384x388xf32>
    %slice3A_40 = vector.extract_strided_slice %concatenate3A_39 {offsets = [0, 0], sizes = [384, 384], strides = [1, 1]} : vector<384x388xf32> to vector<384x384xf32>
    %slice3A_41 = vector.extract_strided_slice %concatenate3A_39 {offsets = [0, 1], sizes = [384, 384], strides = [1, 1]} : vector<384x388xf32> to vector<384x384xf32>
    %max3A_42 = arith.maximumf %slice3A_40, %slice3A_41 : vector<384x384xf32>
    %slice3A_43 = vector.extract_strided_slice %concatenate3A_39 {offsets = [0, 3], sizes = [384, 384], strides = [1, 1]} : vector<384x388xf32> to vector<384x384xf32>
    %slice3A_44 = vector.extract_strided_slice %concatenate3A_39 {offsets = [0, 4], sizes = [384, 384], strides = [1, 1]} : vector<384x388xf32> to vector<384x384xf32>
    %max3A_45 = arith.maximumf %slice3A_43, %slice3A_44 : vector<384x384xf32>
    %max3A_46 = arith.maximumf %max3A_42, %max3A_45 : vector<384x384xf32>
    %max3A_47 = arith.maximumf %max3A_46, %max3A_36 : vector<384x384xf32>
    %gt3A = arith.constant 0.000000e+00 : f32
    %gt3A_48 = vector.broadcast %gt3A : f32 to vector<384x384xf32>
    %gt3A_49 = arith.cmpf ogt, %max3A_47, %gt3A_48 : vector<384x384xf32>
    %select_n3A = arith.select %gt3A_49, %broadcast_in_dim3A_5, %get3A_4 : vector<384x384xi1>, vector<384x384xf32>
    %broadcast_in_dim3A_50 = arith.constant 0xFF800000 : f32
    %broadcast_in_dim3A_51 = vector.broadcast %broadcast_in_dim3A_50 : f32 to vector<2x384xf32>
    %concatenate3A_52 = tpu.concatenate %broadcast_in_dim3A_51, %select_n3A, %broadcast_in_dim3A_51 in 0 : vector<2x384xf32>, vector<384x384xf32>, vector<2x384xf32> -> vector<388x384xf32>
    %slice3A_53 = vector.extract_strided_slice %concatenate3A_52 {offsets = [0, 0], sizes = [384, 384], strides = [1, 1]} : vector<388x384xf32> to vector<384x384xf32>
    %slice3A_54 = vector.extract_strided_slice %concatenate3A_52 {offsets = [1, 0], sizes = [384, 384], strides = [1, 1]} : vector<388x384xf32> to vector<384x384xf32>
    %max3A_55 = arith.maximumf %slice3A_53, %slice3A_54 : vector<384x384xf32>
    %slice3A_56 = vector.extract_strided_slice %concatenate3A_52 {offsets = [3, 0], sizes = [384, 384], strides = [1, 1]} : vector<388x384xf32> to vector<384x384xf32>
    %slice3A_57 = vector.extract_strided_slice %concatenate3A_52 {offsets = [4, 0], sizes = [384, 384], strides = [1, 1]} : vector<388x384xf32> to vector<384x384xf32>
    %max3A_58 = arith.maximumf %slice3A_56, %slice3A_57 : vector<384x384xf32>
    %max3A_59 = arith.maximumf %max3A_55, %max3A_58 : vector<384x384xf32>
    %max3A_60 = arith.maximumf %max3A_59, %select_n3A : vector<384x384xf32>
    %broadcast_in_dim3A_61 = arith.constant 0xFF800000 : f32
    %broadcast_in_dim3A_62 = vector.broadcast %broadcast_in_dim3A_61 : f32 to vector<384x2xf32>
    %concatenate3A_63 = tpu.concatenate %broadcast_in_dim3A_62, %max3A_60, %broadcast_in_dim3A_62 in 1 : vector<384x2xf32>, vector<384x384xf32>, vector<384x2xf32> -> vector<384x388xf32>
    %slice3A_64 = vector.extract_strided_slice %concatenate3A_63 {offsets = [0, 0], sizes = [384, 384], strides = [1, 1]} : vector<384x388xf32> to vector<384x384xf32>
    %slice3A_65 = vector.extract_strided_slice %concatenate3A_63 {offsets = [0, 1], sizes = [384, 384], strides = [1, 1]} : vector<384x388xf32> to vector<384x384xf32>
    %max3A_66 = arith.maximumf %slice3A_64, %slice3A_65 : vector<384x384xf32>
    %slice3A_67 = vector.extract_strided_slice %concatenate3A_63 {offsets = [0, 3], sizes = [384, 384], strides = [1, 1]} : vector<384x388xf32> to vector<384x384xf32>
    %slice3A_68 = vector.extract_strided_slice %concatenate3A_63 {offsets = [0, 4], sizes = [384, 384], strides = [1, 1]} : vector<384x388xf32> to vector<384x384xf32>
    %max3A_69 = arith.maximumf %slice3A_67, %slice3A_68 : vector<384x384xf32>
    %max3A_70 = arith.maximumf %max3A_66, %max3A_69 : vector<384x384xf32>
    %max3A_71 = arith.maximumf %max3A_70, %max3A_60 : vector<384x384xf32>
    %eq3A_72 = arith.cmpf oeq, %select_n3A, %max3A_71 : vector<384x384xf32>
    %not3A = arith.constant dense<true> : vector<384x384xi1>
    %not3A_73 = arith.xori %gt3A_49, %not3A : vector<384x384xi1>
    %and3A = arith.andi %eq3A_72, %not3A_73 : vector<384x384xi1>
    %or3A = arith.ori %eq3A, %and3A : vector<384x384xi1>
    %convert_element_type3A_74 = arith.extui %or3A : vector<384x384xi1> to vector<384x384xi32>
    %convert_element_type3A_75 = arith.sitofp %convert_element_type3A_74 : vector<384x384xi32> to vector<384x384xf32>
    %broadcast_in_dim3A_76 = arith.constant 0xFF800000 : f32
    %broadcast_in_dim3A_77 = vector.broadcast %broadcast_in_dim3A_76 : f32 to vector<2x384xf32>
    %concatenate3A_78 = tpu.concatenate %broadcast_in_dim3A_77, %convert_element_type3A_75, %broadcast_in_dim3A_77 in 0 : vector<2x384xf32>, vector<384x384xf32>, vector<2x384xf32> -> vector<388x384xf32>
    %slice3A_79 = vector.extract_strided_slice %concatenate3A_78 {offsets = [0, 0], sizes = [384, 384], strides = [1, 1]} : vector<388x384xf32> to vector<384x384xf32>
    %slice3A_80 = vector.extract_strided_slice %concatenate3A_78 {offsets = [1, 0], sizes = [384, 384], strides = [1, 1]} : vector<388x384xf32> to vector<384x384xf32>
    %max3A_81 = arith.maximumf %slice3A_79, %slice3A_80 : vector<384x384xf32>
    %slice3A_82 = vector.extract_strided_slice %concatenate3A_78 {offsets = [3, 0], sizes = [384, 384], strides = [1, 1]} : vector<388x384xf32> to vector<384x384xf32>
    %slice3A_83 = vector.extract_strided_slice %concatenate3A_78 {offsets = [4, 0], sizes = [384, 384], strides = [1, 1]} : vector<388x384xf32> to vector<384x384xf32>
    %max3A_84 = arith.maximumf %slice3A_82, %slice3A_83 : vector<384x384xf32>
    %max3A_85 = arith.maximumf %max3A_81, %max3A_84 : vector<384x384xf32>
    %max3A_86 = arith.maximumf %max3A_85, %convert_element_type3A_75 : vector<384x384xf32>
    %broadcast_in_dim3A_87 = arith.constant 0xFF800000 : f32
    %broadcast_in_dim3A_88 = vector.broadcast %broadcast_in_dim3A_87 : f32 to vector<384x2xf32>
    %concatenate3A_89 = tpu.concatenate %broadcast_in_dim3A_88, %max3A_86, %broadcast_in_dim3A_88 in 1 : vector<384x2xf32>, vector<384x384xf32>, vector<384x2xf32> -> vector<384x388xf32>
    %slice3A_90 = vector.extract_strided_slice %concatenate3A_89 {offsets = [0, 0], sizes = [384, 384], strides = [1, 1]} : vector<384x388xf32> to vector<384x384xf32>
    %slice3A_91 = vector.extract_strided_slice %concatenate3A_89 {offsets = [0, 1], sizes = [384, 384], strides = [1, 1]} : vector<384x388xf32> to vector<384x384xf32>
    %max3A_92 = arith.maximumf %slice3A_90, %slice3A_91 : vector<384x384xf32>
    %slice3A_93 = vector.extract_strided_slice %concatenate3A_89 {offsets = [0, 3], sizes = [384, 384], strides = [1, 1]} : vector<384x388xf32> to vector<384x384xf32>
    %slice3A_94 = vector.extract_strided_slice %concatenate3A_89 {offsets = [0, 4], sizes = [384, 384], strides = [1, 1]} : vector<384x388xf32> to vector<384x384xf32>
    %max3A_95 = arith.maximumf %slice3A_93, %slice3A_94 : vector<384x384xf32>
    %max3A_96 = arith.maximumf %max3A_92, %max3A_95 : vector<384x384xf32>
    %max3A_97 = arith.maximumf %max3A_96, %max3A_86 : vector<384x384xf32>
    %gt3A_98 = arith.constant 0.000000e+00 : f32
    %gt3A_99 = vector.broadcast %gt3A_98 : f32 to vector<384x384xf32>
    %gt3A_100 = arith.cmpf ogt, %max3A_97, %gt3A_99 : vector<384x384xf32>
    %select_n3A_101 = arith.select %gt3A_100, %broadcast_in_dim3A_5, %get3A_4 : vector<384x384xi1>, vector<384x384xf32>
    %broadcast_in_dim3A_102 = arith.constant 0xFF800000 : f32
    %broadcast_in_dim3A_103 = vector.broadcast %broadcast_in_dim3A_102 : f32 to vector<2x384xf32>
    %concatenate3A_104 = tpu.concatenate %broadcast_in_dim3A_103, %select_n3A_101, %broadcast_in_dim3A_103 in 0 : vector<2x384xf32>, vector<384x384xf32>, vector<2x384xf32> -> vector<388x384xf32>
    %slice3A_105 = vector.extract_strided_slice %concatenate3A_104 {offsets = [0, 0], sizes = [384, 384], strides = [1, 1]} : vector<388x384xf32> to vector<384x384xf32>
    %slice3A_106 = vector.extract_strided_slice %concatenate3A_104 {offsets = [1, 0], sizes = [384, 384], strides = [1, 1]} : vector<388x384xf32> to vector<384x384xf32>
    %max3A_107 = arith.maximumf %slice3A_105, %slice3A_106 : vector<384x384xf32>
    %slice3A_108 = vector.extract_strided_slice %concatenate3A_104 {offsets = [3, 0], sizes = [384, 384], strides = [1, 1]} : vector<388x384xf32> to vector<384x384xf32>
    %slice3A_109 = vector.extract_strided_slice %concatenate3A_104 {offsets = [4, 0], sizes = [384, 384], strides = [1, 1]} : vector<388x384xf32> to vector<384x384xf32>
    %max3A_110 = arith.maximumf %slice3A_108, %slice3A_109 : vector<384x384xf32>
    %max3A_111 = arith.maximumf %max3A_107, %max3A_110 : vector<384x384xf32>
    %max3A_112 = arith.maximumf %max3A_111, %select_n3A_101 : vector<384x384xf32>
    %broadcast_in_dim3A_113 = arith.constant 0xFF800000 : f32
    %broadcast_in_dim3A_114 = vector.broadcast %broadcast_in_dim3A_113 : f32 to vector<384x2xf32>
    %concatenate3A_115 = tpu.concatenate %broadcast_in_dim3A_114, %max3A_112, %broadcast_in_dim3A_114 in 1 : vector<384x2xf32>, vector<384x384xf32>, vector<384x2xf32> -> vector<384x388xf32>
    %slice3A_116 = vector.extract_strided_slice %concatenate3A_115 {offsets = [0, 0], sizes = [384, 384], strides = [1, 1]} : vector<384x388xf32> to vector<384x384xf32>
    %slice3A_117 = vector.extract_strided_slice %concatenate3A_115 {offsets = [0, 1], sizes = [384, 384], strides = [1, 1]} : vector<384x388xf32> to vector<384x384xf32>
    %max3A_118 = arith.maximumf %slice3A_116, %slice3A_117 : vector<384x384xf32>
    %slice3A_119 = vector.extract_strided_slice %concatenate3A_115 {offsets = [0, 3], sizes = [384, 384], strides = [1, 1]} : vector<384x388xf32> to vector<384x384xf32>
    %slice3A_120 = vector.extract_strided_slice %concatenate3A_115 {offsets = [0, 4], sizes = [384, 384], strides = [1, 1]} : vector<384x388xf32> to vector<384x384xf32>
    %max3A_121 = arith.maximumf %slice3A_119, %slice3A_120 : vector<384x384xf32>
    %max3A_122 = arith.maximumf %max3A_118, %max3A_121 : vector<384x384xf32>
    %max3A_123 = arith.maximumf %max3A_122, %max3A_112 : vector<384x384xf32>
    %eq3A_124 = arith.cmpf oeq, %select_n3A_101, %max3A_123 : vector<384x384xf32>
    %not3A_125 = arith.constant dense<true> : vector<384x384xi1>
    %not3A_126 = arith.xori %gt3A_100, %not3A_125 : vector<384x384xi1>
    %and3A_127 = arith.andi %eq3A_124, %not3A_126 : vector<384x384xi1>
    %or3A_128 = arith.ori %or3A, %and3A_127 : vector<384x384xi1>
    %select_n3A_129 = arith.select %or3A_128, %get3A_4, %broadcast_in_dim3A_5 : vector<384x384xi1>, vector<384x384xf32>
    %iota3A = tpu.iota {dimensions = array<i32: 0>} : vector<384x384xi32>
    %iota3A_130 = tpu.iota {dimensions = array<i32: 1>} : vector<384x384xi32>
    %gt3A_131 = arith.constant 2 : i32
    %gt3A_132 = vector.broadcast %gt3A_131 : i32 to vector<384x384xi32>
    %gt3A_133 = arith.cmpi sgt, %iota3A, %gt3A_132 : vector<384x384xi32>
    %lt3A = arith.constant 382 : i32
    %lt3A_134 = vector.broadcast %lt3A : i32 to vector<384x384xi32>
    %lt3A_135 = arith.cmpi slt, %iota3A, %lt3A_134 : vector<384x384xi32>
    %and3A_136 = arith.andi %gt3A_133, %lt3A_135 : vector<384x384xi1>
    %gt3A_137 = arith.constant 2 : i32
    %gt3A_138 = vector.broadcast %gt3A_137 : i32 to vector<384x384xi32>
    %gt3A_139 = arith.cmpi sgt, %iota3A_130, %gt3A_138 : vector<384x384xi32>
    %and3A_140 = arith.andi %and3A_136, %gt3A_139 : vector<384x384xi1>
    %lt3A_141 = arith.constant 382 : i32
    %lt3A_142 = vector.broadcast %lt3A_141 : i32 to vector<384x384xi32>
    %lt3A_143 = arith.cmpi slt, %iota3A_130, %lt3A_142 : vector<384x384xi32>
    %and3A_144 = arith.andi %and3A_140, %lt3A_143 : vector<384x384xi1>
    %select_n3A_145 = arith.select %and3A_144, %select_n3A_129, %broadcast_in_dim3A_5 : vector<384x384xi1>, vector<384x384xf32>
    %swap3A = arith.constant 0 : index
    %swap3A_146 = arith.constant 0 : index
    %swap3A_147 = arith.constant 0 : index
    %swap3A_148 = arith.constant 0 : index
    %swap3A_149 = vector.load %arg2[%swap3A, %swap3A_146, %swap3A_147, %swap3A_148] : memref<1x1x384x384xf32, #tpu.memory_space<vmem>>, vector<1x1x384x384xf32>
    %swap3A_150 = vector.shape_cast %swap3A_149 : vector<1x1x384x384xf32> to vector<384x384xf32>
    %swap3A_151 = vector.shape_cast %select_n3A_145 : vector<384x384xf32> to vector<1x1x384x384xf32>
    tpu.vector_store %arg2[%swap3A, %swap3A_146, %swap3A_147, %swap3A_148], %swap3A_151 {strides = array<i32>} : memref<1x1x384x384xf32, #tpu.memory_space<vmem>>, vector<1x1x384x384xf32>,
    return
  }
  func.func @transform_0(%arg0: i32) -> (i32, i32, i32, i32) {
    %c0_i32 = arith.constant 0 : i32
    %c0_i32_0 = arith.constant 0 : i32
    %c0_i32_1 = arith.constant 0 : i32
    %c0_i32_2 = arith.constant 0 : i32
    return %arg0, %c0_i32, %c0_i32_0, %c0_i32_1 : i32, i32, i32, i32
  }
  func.func @transform_1(%arg0: i32) -> (i32, i32, i32, i32) {
    %c0_i32 = arith.constant 0 : i32
    %c0_i32_0 = arith.constant 0 : i32
    %c0_i32_1 = arith.constant 0 : i32
    %c0_i32_2 = arith.constant 0 : i32
    return %arg0, %c0_i32, %c0_i32_0, %c0_i32_1 : i32, i32, i32, i32
  }
}

</mosaic_0001>

<sc_bundles>
// kernel: kernel.4.cloned.1.call-start
scs
__scs_entry_jumppad:
0x0: {  	(pc) =	sbr.rel $0x88, $3  }
0x1: {  	(tag) =	ssettag $0x0;
	lr =	simm.s32 $0x1  }
0x2: {  	[smem:$0x3F9F] =	sst lr;
	_ =	strace $0xD0000000  }
0x3: {  	_ = 	snop  }
0x4: {  	_ = 	snop  }
0x5: {  	_ = 	snop  }
0x6: {  	_ = 	snop  }
0x7: {  	_ = 	snop  }
__scs_overlays_trampoline_lowered:
0x8: {  	[smem:$0x3FAE] =	sst s0  }
0x9: {  	[smem:$0x3FAF] =	sst s1  }
0xa: {  	[smem:$0x3FB0] =	sst s2  }
0xb: {  	[smem:$0x3FB1] =	sst s3  }
0xc: {  	[smem:$0x3FB2] =	sst s4  }
0xd: {  	[smem:$0x3FB3] =	sst s5  }
0xe: {  	[smem:$0x3FB4] =	sst s6  }
0xf: {  	[smem:$0x3FB5] =	sst s7  }
0x10: {  	[smem:$0x3FB6] =	sst s8  }
0x11: {  	[smem:$0x3FB7] =	sst s9;
	s0 =	simm.s32 @!p0 $0x0  }
0x12: {  	s1 =	sld [smem:$0x3F9D];
	s0 =	simm.s32 @p0 $0x1  }
0x13: {  	[smem:$0x3FB8] =	sst s0;
	s0 =	simm.s32 @!p1 $0x0  }
0x14: {  	s2 =	sld [smem:$0x3F9C];
	s0 =	simm.s32 @p1 $0x1  }
0x15: {  	[smem:$0x3FB9] =	sst s0;
	s0 =	simm.s32 @!p2 $0x0  }
0x16: {  	s3 =	sld [smem:$0x3FDB];
	s0 =	simm.s32 @p2 $0x1  }
0x17: {  	s4 =	simm.s32 $0x1BF5;
	[smem:$0x3FBB] =	sst s0  }
0x18: {  	s0 =	sld [smem:$0x3F9E];
	_ =	swait.ge [sflag:s4], $0x0  }
0x19: {  	s7 =	sld [smem:$0x3F9F]  }
0x1a: {  	s8 =	sadd.s32 $0xFFFFE003, lr  }
0x1b: {  	s9 =	sadd.s32 $0xFFFFFEF7, lr;
	s5 =	simm.s32 $0xFFFFFFFF;
	p2 =	slt.u32 s8, $0xFFFFF086  }
0x1c: {  	p1 =	slt.u32 s9, $0xF7A;
	s5 =	simm.s32 @!p2 $0x0  }
0x1d: {  	s5 =	simm.s32 @p1 $0x1;
	p0 =	seq.s32 s7, s2  }
0x1e: {  	s7 =	smul.u32 @!p0 $0xF7A, s2;
	p2 =	seq.s32 @!p0 s5, $0x0  }
0x1f: {  	s9 =	smul.u32 $0xF7A, s1;
	s8 =	simm.s32 @!p0 $0x1BF5;
	p2 =	por !p2, p0  }
0x20: {  	[sflag:s8] =	ssyncset.s32 @!p0 $0xFFFFF086;
	s6 =	sadd.s32 @!p0 s3, s7;
	s7 =	simm.s32 @!p0 $0x108  }
0x21: {  	s3 =	sadd.s32 s3, s9;
	s6 =	sadd.s32 @!p0 $0x88, s6;
	s7 =	simm.s32 @p2 $0x1082  }
0x22: {  	[simem:s7], [sflag:s8] =	dma.local @!p0 [hbm:s6], $0xF7A  }
0x23: {  	s9 =	sor.u32 $0xD0000000, s2;
	s6 =	simm.s32 $0x108;
	_ =	swait.ge @!p0 [sflag:s8], $0x0  }
0x24: {  	s3 =	sadd.s32 $0x88, s3;
	s6 =	simm.s32 @!p1 $0x1082;
	[sflag:s4] =	ssyncset.s32 $0xFFFFF086  }
0x25: {  	[simem:s6], [sflag:s4] =	dma.local [hbm:s3], $0xF7A  }
0x26: {  	[smem:$0x3F9F] =	sst s1;
	(tag) =	ssettag s2;
	_ =	strace s9  }
0x27: {  	s1 =	sld [smem:$0x3FAF]  }
0x28: {  	s2 =	sld [smem:$0x3FB0]  }
0x29: {  	s4 =	sld [smem:$0x3FB2]  }
0x2a: {  	p0 =	seq.s32 s5, $0x0;
	s5 =	sld [smem:$0x3FB3]  }
0x2b: {  	s6 =	sld [smem:$0x3FB4]  }
0x2c: {  	s7 =	sld [smem:$0x3FB5]  }
0x2d: {  	s3 =	simm.s32 $0x108;
	s8 =	sld [smem:$0x3FB6]  }
0x2e: {  	s3 =	simm.s32 @!p0 $0x1082;
	s9 =	sld [smem:$0x3FB7]  }
0x2f: {  	lr =	sadd.s32 s0, s3;
	s0 =	sld [smem:$0x3FAE]  }
0x30: {  	s3 =	sld [smem:$0x3FB1]  }
0x31: {  	[smem:$0x3FBA] =	sst s10  }
0x32: {  	s10 =	sld [smem:$0x3FB8];
	_ =	sdelay $0x3  }
0x33: {  	p0 =	seq.s32 s10, $0x1;
	s10 =	sld [smem:$0x3FBA];
	_ =	sdelay $0x3  }
0x34: {  	[smem:$0x3FBA] =	sst s10  }
0x35: {  	s10 =	sld [smem:$0x3FB9];
	_ =	sdelay $0x3  }
0x36: {  	p1 =	seq.s32 s10, $0x1;
	s10 =	sld [smem:$0x3FBA];
	_ =	sdelay $0x3  }
0x37: {  	[smem:$0x3FBA] =	sst s10  }
0x38: {  	s10 =	sld [smem:$0x3FBB]  }
0x39: {  	_ = 	snop;
	(pc) =	sbr.ind lr, $3  }
0x3a: {  	_ = 	snop  }
0x3b: {  	_ = 	snop  }
0x3c: {  	p2 =	seq.s32 s10, $0x1;
	s10 =	sld [smem:$0x3FBA]  }
0x3d: {  	_ =	shalt  }
0x3e: {  	_ =	shalt  }
0x3f: {  	_ =	shalt  }
0x40: {  	_ =	shalt  }
0x41: {  	_ =	shalt  }
0x42: {  	_ =	shalt  }
0x43: {  	_ =	shalt  }
0x44: {  	_ =	shalt  }
0x45: {  	_ =	shalt  }
0x46: {  	_ =	shalt  }
0x47: {  	_ =	shalt  }
0x48: {  	_ =	shalt  }
0x49: {  	_ =	shalt  }
0x4a: {  	_ =	shalt  }
0x4b: {  	_ =	shalt  }
0x4c: {  	_ =	shalt  }
0x4d: {  	_ =	shalt  }
0x4e: {  	_ =	shalt  }
0x4f: {  	_ =	shalt  }
0x50: {  	_ =	shalt  }
0x51: {  	_ =	shalt  }
0x52: {  	_ =	shalt  }
0x53: {  	_ =	shalt  }
0x54: {  	_ =	shalt  }
0x55: {  	_ =	shalt  }
0x56: {  	_ =	shalt  }
0x57: {  	_ =	shalt  }
0x58: {  	_ =	shalt  }
0x59: {  	_ =	shalt  }
0x5a: {  	_ =	shalt  }
0x5b: {  	_ =	shalt  }
0x5c: {  	_ =	shalt  }
0x5d: {  	_ =	shalt  }
0x5e: {  	_ =	shalt  }
0x5f: {  	_ =	shalt  }
0x60: {  	_ =	shalt  }
0x61: {  	_ =	shalt  }
0x62: {  	_ =	shalt  }
0x63: {  	_ =	shalt  }
0x64: {  	_ =	shalt  }
0x65: {  	_ =	shalt  }
0x66: {  	_ =	shalt  }
0x67: {  	_ =	shalt  }
0x68: {  	_ =	shalt  }
0x69: {  	_ =	shalt  }
0x6a: {  	_ =	shalt  }
0x6b: {  	_ =	shalt  }
0x6c: {  	_ =	shalt  }
0x6d: {  	_ =	shalt  }
0x6e: {  	_ =	shalt  }
0x6f: {  	_ =	shalt  }
0x70: {  	_ =	shalt  }
0x71: {  	_ =	shalt  }
0x72: {  	_ =	shalt  }
0x73: {  	_ =	shalt  }
0x74: {  	_ =	shalt  }
0x75: {  	_ =	shalt  }
0x76: {  	_ =	shalt  }
0x77: {  	_ =	shalt  }
0x78: {  	_ =	shalt  }
0x79: {  	_ =	shalt  }
0x7a: {  	_ =	shalt  }
0x7b: {  	_ =	shalt  }
0x7c: {  	_ =	shalt  }
0x7d: {  	_ =	shalt  }
0x7e: {  	_ =	shalt  }
0x7f: {  	_ =	shalt  }
0x80: {  	_ =	shalt  }
0x81: {  	_ =	shalt  }
0x82: {  	_ =	shalt  }
0x83: {  	_ =	shalt  }
0x84: {  	_ =	shalt  }
0x85: {  	_ =	shalt  }
0x86: {  	_ =	shalt  }
0x87: {  	_ =	shalt  }
.Lfunc_end0:
.L_simem_size_0:
called_computation_lowered:
.L_overlay_start_0:
0x88: {  	s2 =	sld [smem:$0x3FD9]  }
0x89: {  	s3 =	sld [smem:$0x3FFE];
	_ =	sdelay $0x1  }
0x8a: {  	s1 =	srdreg.scid  }
0x8b: {  	s0 =	sand.u32 $0x1, s1  }
0x8c: {  	s14 =	sshll.u32 s0, $0xA;
	s2 =	sadd.s32 s3, s2  }
0x8d: {  	s2 =	sadd.s32 s2, s14  }
0x8e: {  	[smem:$0x3FC6] =	sst s2  }
0x8f: {  	_ = 	snop  }
0x90: {  	s2 =	sld [smem:$0x3FD0];
	_ =	sdelay $0x2  }
0x91: {  	s15 =	simm.s32 $0xA;
	s4 =	simm.s32 $0x10  }
0x92: {  	[smem:s4], [sflag:s15] =	dma.local [hbm:s2], $0x1  }
0x93: {  	_ =	swait.eq [sflag:s15], $0x1  }
0x94: {  	[sflag:s15] =	ssyncset.done $0x0  }
0x95: {  	s16 =	sld [smem:$0x10];
	[sflag:s15] =	ssyncadd.s32 $0xFFFFFFFF  }
0x96: {  	s17 =	sld [smem:$0x11];
	(tm) =	ssettm $0x1  }
0x97: {  	s18 =	sld [smem:$0x3FFB];
	_ =	sdelay $0x3  }
0x98: {  	_ =	strace s18  }
0x99: {  	s4 =	sld [smem:$0x3FFC];
	_ =	sdelay $0x3  }
0x9a: {  	_ =	strace s4  }
0x9b: {  	s4 =	sld [smem:$0x3FFD];
	_ =	sdelay $0x3  }
0x9c: {  	_ =	strace s4  }
0x9d: {  	_ =	strace $0x8FFFFFFF  }
0x9e: {  	s19 =	sld [smem:$0x3FDB];
	_ =	sdelay $0x1  }
0x9f: {  	s5 =	simm.s32 $_scs_section_size  }
0xa0: {  	s6 =	simm.s32 $_size__tile_overlayer_lowered;
	s7 =	simm.s32 $_tile_overlayer_lowered  }
0xa1: {  	s22 =	simm.s32 $0x1BFF;
	s21 =	sshll.u32 s7, $0x1;
	s4 =	sadd.s32 s5, s19  }
0xa2: {  	s8 =	simm.s32 $0x0;
	s20 =	sshll.u32 s6, $0x1;
	s6 =	sadd.s32 s21, s4  }
0xa3: {  	[timem:s8], [sflag:s22] =	dma.local [hbm:s6], s20  }
0xa4: {  	_ =	swait.ge [sflag:s22], s20  }
0xa5: {  	s5 =	ssub.s32 $0x0, s20;
	[sflag:s22] =	ssyncset.done $0x0  }
0xa6: {  	[sflag:s22] =	ssyncadd.s32 s5;
	_ =	sdelay $0x1  }
0xa7: {  	s23 =	simm.s32 $0x1B8B  }
0xa8: {  	_ =	swait.ge [sflag:s23], $0x1  }
0xa9: {  	[sflag:s23] =	ssyncset.done $0x0  }
0xaa: {  	s25 =	simm.s32 $0x1B8E;
	s24 =	sld [smem:$0x3FFE];
	[sflag:s23] =	ssyncadd.s32 $0xFFFFFFFF  }
0xab: {  	s26 =	simm.s32 $execute0_lowered;
	[smem:$0x3FD2] =	sst s25  }
0xac: {  	s6 =	sshll.u32 s26, $0x1;
	_ =	strace $0x80000046;
	[dreg:$0x1] =	wrdreg $0xFFFFFFFF  }
0xad: {  	s28 =	simm.s32 $_size_execute0_lowered;
	s4 =	sadd.s32 s4, s6;
	[dreg:$0x0] =	wrdreg $0x0  }
0xae: {  	s6 =	sshll.u32 s28, $0x1;
	[dreg:$0x2] =	wrdreg s4  }
0xaf: {  	[dreg:$0x3] =	wrdreg s6  }
0xb0: {  	[dreg:$0x4] =	wrdreg $0xC0  }
0xb1: {  	_ =	task [dreg:s8], $0x5FFFF  }
0xb2: {  	[dreg:$0x1] =	wrdreg $0xFFFFFFFF  }
0xb3: {  	[dreg:$0x0] =	wrdreg $0x60  }
0xb4: {  	[dreg:$0x2] =	wrdreg s24  }
0xb5: {  	[dreg:$0x3] =	wrdreg s16  }
0xb6: {  	[dreg:$0x4] =	wrdreg s17  }
0xb7: {  	[dreg:$0x5] =	wrdreg $0xC4800  }
0xb8: {  	[dreg:$0x6] =	wrdreg $0xC4900  }
0xb9: {  	[dreg:$0x7] =	wrdreg $0xCC900  }
0xba: {  	[dreg:$0x8] =	wrdreg $0xD5180  }
0xbb: {  	[dreg:$0x9] =	wrdreg $0x9  }
0xbc: {  	_ =	task.clear_ibuf [dreg:s8], $0xAFFFF;
	_ =	strace $0x90000046  }
0xbd: {  	s29 =	simm.s32 $0x9;
	_ =	strace $0x80000048  }
0xbe: {  	_ =	swait.ge [sflag:s29], $0x1  }
0xbf: {  	[sflag:s29] =	ssyncadd.s32 $0xFFFFFFFF  }
0xc0: {  	_ =	strace $0x90000048  }
0xc1: {  	_ =	sfence  }
0xc2: {  	s30 =	sld [smem:$0x0];
	_ =	sdelay $0x2  }
0xc3: {  	s31 =	sshll.u32 s1, $0xD;
	s1 =	sshrl.u32 s1, $0x2  }
0xc4: {  	s3 =	sand.u32 $0x4000, s31;
	s1 =	sadd.s32 s1, s30  }
0xc5: {  	s0 =	sor.u32 s3, s0;
	s1 =	sshll.u32 s1, $0x11  }
0xc6: {  	s0 =	sor.u32 s1, s0  }
0xc7: {  	s0 =	sadd.s32 $0x8F2B, s0  }
0xc8: {  	[sflag:s0] =	ssyncadd.remote.s32 $0x1  }
0xc9: {  	_ =	sfence.sel $0xFFFF  }
0xca: {  	[dreg:$0x0] =	wrdreg $0xFFFFFFFF;
	(pc) =	sbr.abs _section_cstart, $3  }
0xcb: {  	[dreg:$0x1] =	wrdreg $0xFFFFFFFF  }
0xcc: {  	_ =	task.clear_ibuf [dreg:s8], $0x2FFFF;
	_ =	strace $0x9FFFFFFF  }
0xcd: {  	(tm) =	ssettm $0x7FFFFFFF  }
tec
execute0_lowered:
.L_overlay_start_1:
0x0: {  	(tag) =	ssettag $0x1  }
0x1: {  	v6 =	vimm.f32 $3.830000000e+02  }
0x2: {  	v8 =	vimm.f32 $2.000000000e+00;
	v10 =	vimm.s32 $0xEDCBA987;
	vm4 =	vmxor vm4, vm4  }
0x3: {  	v12 =	vimm.s32 $0x65432100;
	v11 =	vimm.s32 $0x0;
	v15 =	vimm.s32 $0xDCBA9876  }
0x4: {  	v16 =	vimm.s32 $0x54321000;
	vm1 =	vmmov $0xffff;
	v18 =	vimm.s32 $0xCBA98765  }
0x5: {  	s10 =	rddreg [dreg:$0x0];
	vm0 =	vcmask $0x3F04;
	vm9 =	vcmask $0x3F08;
	v19 =	vimm.s32 $0x32100000  }
0x6: {  	s5 =	rddreg [dreg:$0x1];
	v20 =	vimm.s32 $0x39000;
	vm10 =	vcmask $0x3F0C;
	v21 =	vimm.s32 $0xE4000  }
0x7: {  	s0 =	rddreg [dreg:$0x2];
	v22 =	vimm.s32 $0x390000;
	vm7 =	vcmask $0x3F24;
	vm13 =	vcmask $0x3F10  }
0x8: {  	s17 =	rddreg [dreg:$0x3];
	vm8 =	vcmask $0x3F28;
	vm15 =	vcmask $0x3F14;
	vm2 =	vcmask $0x2B00  }
0x9: {  	s9 =	rddreg [dreg:$0x4];
	vm11 =	vcmask $0x3F18;
	v24 =	vimm.s32 $0xE400000;
	v13 =	vunpack.c.l.s4.s8 v10  }
0xa: {  	s3 =	rddreg [dreg:$0x5];
	vm12 =	vcmask $0x3F30;
	vm14 =	vcmask $0x3F1C;
	v14 =	vunpack.c.l.s4.s8 v12  }
0xb: {  	s4 =	rddreg [dreg:$0x6];
	v25 =	vimm.s32 $0x39000000;
	vm3 =	vcmask $0x3F20;
	v13 =	vunpack.c.0.s8.s32 v13  }
0xc: {  	s1 =	srdreg.scid;
	s18 =	stileid.u32;
	s19 =	simm.s32 $0x0;
	vm5 =	vcmask $0x3F34;
	v15 =	vunpack.c.l.s4.s8 v15;
	v14 =	vunpack.c.0.s8.s32 v14  }
0xd: {  	s12 =	simm.s32 $0x1;
	s13 =	simm.s32 $0x1;
	s14 =	simm.s32 $0x1;
	vm6 =	vcmask $0x3700;
	v16 =	vunpack.c.l.s4.s8 v16;
	v17 =	vand.u32 $0xF, v13  }
0xe: {  	s15 =	simm.s32 $0x1;
	s16 =	simm.s32 $0x1;
	s29 =	simm.s32 $0x5B80;
	v15 =	vunpack.c.0.s8.s32 v15;
	v14 =	vcombine.low v14, v17;
	v17 =	vimm.s32 $0x43210000  }
0xf: {  	s30 =	simm.s32 $0xBD00;
	s31 =	simm.s32 $0x80;
	s7 =	sand.u32 $0x1, s1;
	v18 =	vunpack.c.l.s4.s8 v18;
	v16 =	vunpack.c.0.s8.s32 v16;
	v17 =	vunpack.c.l.s4.s8 v17  }
0x10: {  	s6 =	sshrl.u32 s18, $0x3;
	[smem:$0x7FF] =	sst s19;
	v10 =	vlaneseq.u32;
	v19 =	vunpack.c.l.s4.s8 v19;
	s23 =	sadd.s32 $0xC00, s10;
	v15 =	vand.u32 $0xF, v15  }
0x11: {  	s26 =	sshll.u32 s18, $0x4;
	s1 =	sshll.u32 s7, $0x1;
	s2 =	smul.u32 $0x4400, s6;
	v15 =	vcombine.low v16, v15;
	v16 =	vunpack.c.0.s8.s32 v17;
	v17 =	vunpack.c.0.s8.s32 v18  }
0x12: {  	v20 =	vunpack.c.l.s2.s4 v20;
	v21 =	vunpack.c.l.s2.s4 v21;
	s24 =	ssub.s32 $0x2, s7;
	s7 =	smul.u32 $0xF0000, s7;
	s11 =	sor.u32 s6, s1;
	v18 =	vimm.s32 $0xBA987654  }
0x13: {  	v24 =	vunpack.c.l.s2.s4 v24;
	_ =	strace $0x80000047;
	s1 =	sand.u32 $0x7, s18;
	s8 =	smul.u32 $0x24000, s11;
	v18 =	vunpack.c.l.s4.s8 v18;
	v17 =	vand.u32 $0xF, v17  }
0x14: {  	[dreg:$0x8] =	wrdreg s23;
	s23 =	simm.s32 $0x40;
	(erf) = vrcp.f32 v6;
	v20 =	vunpack.c.l.s4.s8 v20;
	s20 =	smul.u32 $0x4800, s1;
	v16 =	vcombine.low v16, v17  }
0x15: {  	s25 =	sshrl.u32 s24, $0x1;
	p0 =	sne.s32 s1, $0x0;
	s21 =	smul.u32 $0x1400, s11;
	v17 =	vunpack.c.0.s8.s32 v18;
	v18 =	vunpack.c.0.s8.s32 v19;
	v19 =	vimm.s32 $0xA9876540  }
0x16: {  	v21 =	vunpack.c.l.s4.s8 v21;
	[dreg:$0x9] =	wrdreg s23;
	s18 =	smul.u32 $0x500, s1;
	s12 =	simm.s32 @!p0 $0x0;
	v20 =	vunpack.c.0.s8.s32 v20;
	v19 =	vunpack.c.l.s4.s8 v19  }
0x17: {  	s23 =	simm.s32 $0xB080;
	s28 =	smul.u32 $0x880, s1;
	p0 =	sgt.u32 s1, $0x1;
	v0 =	vmov s12;
	v48 =	vmov s8;
	v17 =	vand.u32 $0xF, v17  }
0x18: {  	[dreg:$0x13] =	wrdreg s23;
	s13 =	simm.s32 @!p0 $0x0;
	p0 =	sgt.u32 s1, $0x2;
	v17 =	vcombine.low v18, v17;
	v18 =	vunpack.c.0.s8.s32 v19;
	v19 =	vunpack.c.l.s2.s4 v22  }
0x19: {  	s23 =	simm.s32 $0x3;
	s14 =	simm.s32 @!p0 $0x0;
	p0 =	sgt.u32 s1, $0x3;
	v1 =	vmov s13;
	v20 =	vand.u32 $0x3, v20;
	v22 =	vimm.s32 $0x98765400  }
0x1a: {  	s12 =	simm.s32 $0x1;
	[dreg:$0x17] =	wrdreg s20;
	s15 =	simm.s32 @!p0 $0x0;
	v2 =	vmov s14;
	v22 =	vunpack.c.l.s4.s8 v22;
	v19 =	vunpack.c.l.s4.s8 v19  }
0x1b: {  	s8 =	sadd.s32 s20, s8;
	s20 =	sshll.u32 s1, $0xB;
	p0 =	sgt.u32 s1, $0x4;
	v3 =	vmov s15;
	v18 =	vsel vm7, v18, v20;
	v20 =	vunpack.c.0.s8.s32 v21  }
0x1c: {  	s13 =	simm.s32 $0x1;
	s8 =	sshrl.u32 s8, $0x3;
	s16 =	simm.s32 @!p0 $0x0;
	v21 =	vunpack.c.0.s8.s32 v22;
	v22 =	vunpack.c.0.s8.s32 v19;
	v19 =	vimm.s32 $0xE40000  }
0x1d: {  	s22 =	sadd.s32 s8, s10;
	s8 =	sadd.s32 $0x24C00, s10;
	s14 =	sadd.s32 s26, s17;
	v4 =	vmov s16;
	v20 =	vand.u32 $0x3, v20;
	v23 =	vunpack.c.l.s2.s4 v19  }
0x1e: {  	s17 =	sshll.u32 s6, $0xE;
	s26 =	simm.s32 $0xA700;
	p0 =	sgt.u32 s1, $0x5;
	v19 =	vsel vm8, v21, v20;
	v21 =	vimm.s32 $0x4070605;
	v20 =	vand.u32 $0x3, v22  }
0x1f: {  	[dreg:$0x1a] =	wrdreg s14;
	s15 =	sshll.u32 s6, $0x7;
	s6 =	smul.u32 $0x78000, s6;
	v21 =	vunpack.c.0.s8.s32 v21;
	v22 =	vunpack.c.l.s4.s8 v23;
	v23 =	vimm.s32 $0x3900000  }
0x20: {  	[dreg:$0xc] =	wrdreg s26;
	s26 =	simm.s32 $0xA980;
	s12 =	simm.s32 @!p0 $0x0;
	v20 =	vnsel vm2, $0x8, v20;
	vm2 =	vcmask $0x3B2C;
	v23 =	vunpack.c.l.s2.s4 v23  }
0x21: {  	p0 =	seq.s32 s1, $0x7;
	s16 =	smul.u32 $0xD80000, s11;
	[dreg:$0x1b] =	wrdreg s15;
	v20 =	vsel vm2, v21, v20;
	v21 =	vimm.s32 $0x7060504;
	v22 =	vunpack.c.0.s8.s32 v22  }
0x22: {  	v24 =	vunpack.c.l.s4.s8 v24;
	s11 =	smul.u32 $0x2800, s11;
	[dreg:$0x16] =	wrdreg s26;
	s13 =	simm.s32 @!p0 $0x0;
	v21 =	vunpack.c.0.s8.s32 v21;
	v23 =	vunpack.c.l.s4.s8 v23  }
0x23: {  	s6 =	sadd.s32 s6, s7;
	s7 =	simm.s32 $0xAF00;
	v6 =	vmov s13;
	v63 =	vmov s16;
	s16 =	smul.u32 $0x280, s1;
	v22 =	vand.u32 $0x3, v22  }
0x24: {  	s13 =	sadd.s32 $0x12C00, s22;
	s22 =	sadd.s32 s28, s2;
	[dreg:$0xd] =	wrdreg s7;
	v21 =	vsel vm12, v21, v22;
	v22 =	vimm.s32 $0x6050400;
	v23 =	vunpack.c.0.s8.s32 v23  }
0x25: {  	v25 =	vunpack.c.l.s2.s4 v25;
	v7 =	vmov s2;
	s2 =	sadd.s32 s2, s4;
	s1 =	smul.u32 $0xF000, s1;
	[dreg:$0x19] =	wrdreg s13;
	v22 =	vunpack.c.0.s8.s32 v22  }
0x26: {  	v24 =	vunpack.c.0.s8.s32 v24;
	v5 =	vmov s12;
	s13 =	sadd.s32 s17, s9;
	s17 =	sadd.s32 s22, s3;
	[dreg:$0x18] =	wrdreg s16;
	v23 =	vand.u32 $0x3, v23  }
0x27: {  	s12 =	sadd.s32 s16, s21;
	s2 =	sadd.s32 s16, s2;
	[smem:$0x7FC] =	sst s13;
	v22 =	vsel vm5, v22, v23;
	v23 =	vunpack.c.l.s4.s8 v25;
	v25 =	vimm.s32 $0xE4000000  }
0x28: {  	v12 =	vimm.s32 $0x1;
	v24 =	vand.u32 $0x3, v24;
	s21 =	sadd.s32 s18, s11;
	s16 =	simm.s32 $0xA800;
	[dreg:$0x1d] =	wrdreg s2;
	v25 =	vunpack.c.l.s2.s4 v25  }
0x29: {  	v24 =	vnsel vm6, $0x5, v24;
	s18 =	sadd.s32 s22, s4;
	s22 =	simm.s32 $0xA880;
	[dreg:$0x10] =	wrdreg s16;
	vm2 =	vcmask $0x3B38;
	v26 =	vunpack.c.0.s8.s32 v23  }
0x2a: {  	s14 =	sadd.s32 s20, s13;
	s12 =	sshrl.u32 s12, $0x3;
	[dreg:$0x12] =	wrdreg s22;
	v23 =	vsel vm2, $0x4, v24;
	v24 =	vimm.s32 $0x2;
	v25 =	vunpack.c.l.s4.s8 v25  }
0x2b: {  	v34 =	vmul.u32 $0x2, v10;
	v30 =	vor.u32 $0x8800, v10;
	s9 =	sshrl.u32 s21, $0x3;
	s21 =	simm.s32 $0xB000;
	[smem:$0x7FD] =	sst s14;
	v27 =	vsel vm6, $0x0, v24  }
0x2c: {  	s12 =	sadd.s32 s12, s10;
	s5 =	sadd.s32 s5, s9;
	[dreg:$0x11] =	wrdreg s21;
	v28 =	vunpack.c.0.s8.s32 v25;
	v25 =	vsel vm2, $0x1, v27;
	v27 =	vmul.u32 $0x60, v10  }
0x2d: {  	(erf) = vrcp.f32 v8;
	v35 =	vor.u32 $0x1, v34;
	v13 =	vor.u32 $0x800, v10;
	s10 =	ssub.s32 s24, s25;
	s24 =	simm.s32 $0xA600;
	[dreg:$0x1c] =	wrdreg s5  }
0x2e: {  	[tilespmem:$0x1FF90] =	vst v48;
	s1 =	sadd.s32 s1, s6;
	s25 =	simm.s32 $0xA680;
	[dreg:$0xa] =	wrdreg s24;
	vm6 =	vcmask $0x3B00;
	v26 =	vand.u32 $0x3, v26;
	v33 =	vor.u32 $0x2, v27  }
0x2f: {  	s1 =	sshrl.u32 s1, $0x3;
	s9 =	simm.s32 $0xA780;
	[dreg:$0xb] =	wrdreg s25;
	v29 =	vsel vm6, $0x0, v12;
	v24 =	vnsel vm6, $0x4, v26;
	v50 =	vor.u32 $0x13, v27;
	[tilespmem:$0x1FF70] =	vst v33  }
0x30: {  	s15 =	simm.s32 $0x1;
	s0 =	sadd.s32 s1, s0;
	[dreg:$0xe] =	wrdreg s9;
	vm6 =	vmmov vm3;
	v28 =	vand.u32 $0x3, v28;
	v37 =	vor.u32 $0x15, v27;
	[tilespmem:$0x1FF80] =	vst v50  }
0x31: {  	s7 =	simm.s32 $0xAC80;
	s11 =	sadd.s32 $0x6E4C00, s12;
	[smem:$0x7FB] =	sst s0;
	v36 =	vor.u32 $0x1, v27;
	v31 =	vor.u32 $0x3, v27;
	v47 =	vor.u32 $0x14, v27;
	[tilespmem:$0x1FFA0] =	vst v37  }
0x32: {  	s6 =	simm.s32 $0x2;
	s12 =	simm.s32 $0xAF80;
	[dreg:$0x1e] =	wrdreg s11;
	v39 =	vor.u32 $0x4, v27;
	v40 =	vor.u32 $0x5, v27;
	v9 =	vor.u32 $0xB, v27;
	[tilespmem:$0x1FFB0] =	vst v47  }
0x33: {  	s22 =	simm.s32 $0xB400;
	s20 =	smax.u32 s10, $0x1;
	[dreg:$0xf] =	wrdreg s12;
	v41 =	vor.u32 $0x6, v27;
	v42 =	vor.u32 $0x7, v27;
	v26 =	vor.u32 $0xC, v27;
	[tilespmem:$0x1FFC0] =	vst v9  }
0x34: {  	s1 =	simm.s32 $0x0;
	s24 =	simm.s32 $0xA900;
	[dreg:$0x1f] =	wrdreg s20;
	v43 =	vor.u32 $0x8, v27;
	v44 =	vor.u32 $0x9, v27;
	v32 =	vor.u32 $0xD, v27;
	[tilespmem:$0x1FFD0] =	vst v26  }
0x35: {  	v46 =	vpop (erf);
	s25 =	simm.s32 $0xB100;
	[dreg:$0x14] =	wrdreg s24;
	s24 =	simm.s32 $0x4800;
	v45 =	vor.u32 $0xA, v27;
	v53 =	vor.u32 $0xE, v27;
	v38 =	vor.u32 $0xF, v27;
	[tilespmem:$0x1FFE0] =	vst v32  }
0x36: {  	v52 =	vpop (erf);
	[dreg:$0x15] =	wrdreg s25;
	s25 =	simm.s32 $0x5100;
	s11 =	simm.s32 $0xB700;
	v51 =	vor.u32 $0x10, v27;
	v8 =	vor.u32 $0x11, v27;
	v54 =	vor.u32 $0x12, v27;
	[tilespmem:$0x1FFF0] =	vst v38  }
.LBB2_1:
0x37: {  	[smem:$0x7FA] =	sst s1  }
0x38: {  	s0 =	rddreg [dreg:$0x19]  }
0x39: {  	[tilespmem:s19], [sflag:$0x3] =	stream.linear.gather [hbm4b:s0+s19], $0x4800, $0x38;
	[tilespmem:$0xDDA0] =	vst v63  }
0x3a: {  	_ =	swait.ge [sflag:s23], $0x4800  }
0x3b: {  	[sflag:s23] =	ssyncset.done $0x0  }
0x3c: {  	s20 =	simm.s32 $0x0;
	[sflag:s23] =	ssyncadd.s32 $0xFFFFB800  }
0x3d: {  	v55 =	vld [tilespmem:s20+$0x0];
	_ =	sdelay $0x3  }
0x3e: {  	p0 =	por $0x1, $0x1;
	vm2 =	vmmov vm4  }
0x3f: {  	vm2 =	vmneg @p0 vm2;
	vm3 =	vgt.f32 v55, $0.0e+00  }
0x40: {  	vm2 =	vmand vm2, vm3  }
0x41: {  	v56 =	vsel vm2, $0x1, v11  }
0x42: {  	(xrf0) =	vadd.scan.msk.s32 $0xffff, v56;
	_ =	sdelay $0x5  }
0x43: {  	v57, _, _ =	vpop (xrf0)  }
0x44: {  	(v2sf) =	vpush v57, $0xF;
	_ =	sdelay $0x4  }
0x45: {  	v56 =	vsub.s32 v57, v56  }
0x46: {  	v56 =	vadd.s32 s19, v56;
	_ =	sdelay $0x3  }
0x47: {  	s2 =	rddreg [dreg:$0x17];
	v55 =	vxor.u32 $0xFFFFFFFF, v55  }
0x48: {  	v60 =	vor.u32 s2, v10;
	[tilespmem:v56+s24+$0x0] =	vst.idx.msk vm2, v55  }
0x49: {  	s21 =	simm.s32 $0x10;
	[tilespmem:v56+s25+$0x0] =	vst.idx.msk vm2, v60  }
0x4a: {  	v55 =	vld [tilespmem:s21+$0x0];
	_ =	sdelay $0x1  }
0x4b: {  	s26 =	spop (v2sf)  }
0x4c: {  	s0 =	sadd.s32 $0x0, s26  }
0x4d: {  	vm2 =	vmmov vm4;
	p0 =	slt.s32 s0, $0x870  }
0x4e: {  	vm3 =	vgt.f32 v55, $0.0e+00;
	vm2 =	vmneg @p0 vm2  }
0x4f: {  	vm2 =	vmand vm2, vm3  }
0x50: {  	v61 =	vsel vm2, $0x1, v11  }
0x51: {  	(xrf0) =	vadd.scan.msk.s32 $0xffff, v61;
	_ =	sdelay $0x5  }
0x52: {  	v62, _, _ =	vpop (xrf0)  }
0x53: {  	v56 =	vsub.s32 v62, v61;
	(v2sf) =	vpush v62, $0xF  }
0x54: {  	v56 =	vadd.s32 s0, v56;
	_ =	sdelay $0x1  }
0x55: {  	s1 =	simm.s32 $0x80;
	s5 =	simm.s32 $0xC0  }
.LBB2_2:
0x56: {  	p0 =	seq.s32 s5, $0x11FC0  }
0x57: {  	v55 =	vxor.u32 $0xFFFFFFFF, v55;
	s2 =	sadd.s32 $0x10, s2  }
0x58: {  	v57 =	vor.u32 s2, v10;
	[tilespmem:v56+s24+$0x0] =	vst.idx.msk vm2, v55  }
0x59: {  	[tilespmem:v56+s25+$0x0] =	vst.idx.msk vm2, v57;
	_ =	sdelay $0x4  }
0x5a: {  	s9 =	sshra.s32 s1, $0x2;
	s1 =	smov.u32 s5  }
0x5b: {  	v55 =	vld [tilespmem:s9+$0x0];
	_ =	sdelay $0x1  }
0x5c: {  	s9 =	spop (v2sf)  }
0x5d: {  	s0 =	sadd.s32 s0, s9  }
0x5e: {  	vm3 =	vmmov vm4;
	p1 =	slt.s32 s0, $0x870  }
0x5f: {  	vm2 =	vgt.f32 v55, $0.0e+00;
	vm3 =	vmneg @p1 vm3  }
0x60: {  	vm2 =	vmand vm3, vm2  }
0x61: {  	v56 =	vsel vm2, $0x1, v11  }
0x62: {  	(xrf0) =	vadd.scan.msk.s32 $0xffff, v56;
	_ =	sdelay $0x5  }
.Ltmp0:
0x63: {  	v57, _, _ =	vpop (xrf0);
	(pc) =	sbr.rel @!p0 .LBB2_2-.Ltmp0, $3  }
0x64: {  	v56 =	vsub.s32 v57, v56;
	(v2sf) =	vpush v57, $0xF  }
0x65: {  	v56 =	vadd.s32 s0, v56;
	_ =	sdelay $0x1  }
0x66: {  	s5 =	sadd.s32 $0x40, s5  }
0x67: {  	_ =	sdelay $0x5  }
0x68: {  	v55 =	vxor.u32 $0xFFFFFFFF, v55;
	s2 =	sadd.s32 $0x10, s2  }
0x69: {  	v57 =	vor.u32 s2, v10;
	[tilespmem:v56+s24+$0x0] =	vst.idx.msk vm2, v55  }
0x6a: {  	s1 =	sshra.s32 s1, $0x2;
	[tilespmem:v56+s25+$0x0] =	vst.idx.msk vm2, v57  }
0x6b: {  	v55 =	vld [tilespmem:s1+$0x0];
	_ =	sdelay $0x1  }
0x6c: {  	s20 =	spop (v2sf)  }
0x6d: {  	s0 =	sadd.s32 s0, s20  }
0x6e: {  	vm2 =	vmmov vm4;
	p0 =	slt.s32 s0, $0x870  }
0x6f: {  	vm3 =	vgt.f32 v55, $0.0e+00;
	vm2 =	vmneg @p0 vm2  }
0x70: {  	vm2 =	vmand vm2, vm3  }
0x71: {  	v60 =	vsel vm2, $0x1, v11  }
0x72: {  	(xrf0) =	vadd.scan.msk.s32 $0xffff, v60;
	_ =	sdelay $0x5  }
0x73: {  	v61, _, _ =	vpop (xrf0)  }
0x74: {  	(v2sf) =	vpush v61, $0xF;
	_ =	sdelay $0x9  }
0x75: {  	v56 =	vsub.s32 v61, v60  }
0x76: {  	v56 =	vadd.s32 s0, v56;
	_ =	sdelay $0x3  }
0x77: {  	s21 =	sadd.s32 $0x10, s2;
	v55 =	vxor.u32 $0xFFFFFFFF, v55;
	s26 =	spop (v2sf)  }
0x78: {  	v62 =	vor.u32 s21, v10;
	[tilespmem:v56+s24+$0x0] =	vst.idx.msk vm2, v55;
	s0 =	sadd.s32 s0, s26  }
0x79: {  	[tilespmem:v56+s25+$0x0] =	vst.idx.msk vm2, v62;
	v55 =	vmov s0;
	s0 =	simm.s32 $0x4800  }
0x7a: {  	s2 =	simm.s32 $0x10;
	s1 =	simm.s32 $0x0;
	v56 =	vld [tilespmem:s0+$0x0]  }
.LBB2_4:
0x7b: {  	p0 =	sne.s32 s2, $0x870;
	_ =	sdelay $0x1  }
.Ltmp1:
0x7c: {  	v57 =	vor.u32 s1, v10;
	s1 =	smov.u32 s2;
	(pc) =	sbr.rel @p0 .LBB2_4-.Ltmp1, $4  }
0x7d: {  	vm2 =	vlt.s32 v57, v55  }
0x7e: {  	v56 =	vnsel vm2, $0xFFFFFFFF, v56  }
0x7f: {  	[tilespmem:s0+$0x0] =	vst v56;
	s0 =	sadd.s32 $0x10, s0  }
0x80: {  	s2 =	sadd.s32 $0x10, s2;
	v56 =	vld [tilespmem:s0+$0x0]  }
0x81: {  	_ =	sdelay $0x1  }
0x82: {  	v57 =	vor.u32 s1, v10  }
0x83: {  	vm2 =	vlt.s32 v57, v55  }
0x84: {  	v56 =	vnsel vm2, $0xFFFFFFFF, v56  }
0x85: {  	[tilespmem:s0+$0x0] =	vst v56  }
0x86: {  	s21 =	rddreg [dreg:$0x1a];
	s26 =	simm.s32 $0x5A00;
	[tilespmem:$0x5A00] =	vst v55  }
0x87: {  	[spmem:s21] =	stream.linear.scatter [tilespmem:s26], [sflag:$0x3], $0x10, $0x38;
	[tilespmem:$0xDDA0] =	vst v63  }
0x88: {  	_ =	swait.ge [sflag:s23], $0x10  }
0x89: {  	[sflag:s23] =	ssyncset.done $0x0  }
0x8a: {  	[sflag:s23] =	ssyncadd.s32 $0xFFFFFFF0  }
0x8b: {  	[bflag:$0x0] =	sbarrier.arrive $0xFFFF  }
0x8c: {  	s2 =	simm.s32 $0x5A80;
	s1 =	rddreg [dreg:$0x3]  }
0x8d: {  	[tilespmem:s2], [sflag:$0x3] =	stream.linear.gather [spmem:s1], $0x100, $0x38;
	[tilespmem:$0xDDA0] =	vst v63  }
0x8e: {  	_ =	swait.ge [sflag:s23], $0x100  }
0x8f: {  	[sflag:s23] =	ssyncset.done $0x0  }
0x90: {  	s5 =	rddreg [dreg:$0x1b];
	[sflag:s23] =	ssyncadd.s32 $0xFFFFFF00  }
0x91: {  	v48 =	vld [tilespmem:s5+$0x5A80]  }
0x92: {  	v49 =	vld [tilespmem:s5+$0x5A90]  }
0x93: {  	v50 =	vld [tilespmem:s5+$0x5AA0]  }
0x94: {  	v58 =	vld [tilespmem:s5+$0x5AB0]  }
0x95: {  	v59 =	vld [tilespmem:s5+$0x5AC0]  }
0x96: {  	v60 =	vld [tilespmem:s5+$0x5AD0];
	(v2sf) =	vpush v48, $0x0  }
0x97: {  	v61 =	vld [tilespmem:s5+$0x5AE0];
	(v2sf) =	vpush v49, $0x0  }
0x98: {  	v62 =	vld [tilespmem:s5+$0x5AF0];
	(v2sf) =	vpush v50, $0x0  }
0x99: {  	(v2sf) =	vpush v58, $0x0  }
0x9a: {  	(v2sf) =	vpush v59, $0x0  }
0x9b: {  	(v2sf) =	vpush v60, $0x0  }
0x9c: {  	(v2sf) =	vpush v61, $0x0  }
0x9d: {  	(v2sf) =	vpush v62, $0x0;
	_ =	sdelay $0x7  }
0x9e: {  	s9 =	spop (v2sf)  }
0x9f: {  	s10 =	spop (v2sf)  }
0xa0: {  	s0 =	sadd.s32 s9, s10;
	s12 =	spop (v2sf)  }
0xa1: {  	s0 =	sadd.s32 s12, s0;
	s16 =	spop (v2sf)  }
0xa2: {  	s0 =	sadd.s32 s16, s0;
	s19 =	spop (v2sf)  }
0xa3: {  	s0 =	sadd.s32 s19, s0;
	s20 =	spop (v2sf)  }
0xa4: {  	s0 =	sadd.s32 s20, s0;
	s21 =	spop (v2sf)  }
0xa5: {  	s0 =	sadd.s32 s21, s0;
	s26 =	spop (v2sf)  }
0xa6: {  	s1 =	simm.s32 $0x0;
	s0 =	sadd.s32 s26, s0  }
.LBB2_6:
0xa7: {  	v37 =	vmov v36;
	s2 =	simm.s32 $0x40;
	s5 =	simm.s32 $0x0  }
.LBB2_7:
0xa8: {  	p0 =	seq.s32 s2, $0x1FC0;
	[tilespmem:s5+$0x5B80] =	vst v11;
	s5 =	smov.u32 s2;
	s2 =	sadd.s32 $0x40, s2  }
.Ltmp2:
0xa9: {  	(pc) =	sbr.rel @!p0 .LBB2_7-.Ltmp2, $2  }
0xaa: {  	_ =	sdelay $0x2  }
0xab: {  	s5 =	sshra.s32 s5, $0x2  }
0xac: {  	[tilespmem:s5+$0x5B80] =	vst v11;
	s26 =	simm.s32 $0x0  }
0xad: {  	v57 =	vld [tilespmem:s26+$0x4800]  }
0xae: {  	p0 =	seq.s32 s1, $0x1  }
0xaf: {  	s2 =	simm.s32 $0xB;
	p1 =	seq.s32 s1, $0x0;
	s5 =	smov.u32 s0  }
0xb0: {  	s2 =	simm.s32 @!p0 $0x16;
	s5 =	simm.s32 @p1 $0x4400  }
0xb1: {  	v58 =	vor.u32 s28, v10;
	s2 =	simm.s32 @p1 $0x0;
	v55 =	vmov s5  }
0xb2: {  	v56 =	vmov s2;
	vm3 =	vlt.s32 v58, v55;
	vm2 =	vne.s32 v57, $0xFFFFFFFF  }
0xb3: {  	v57 =	vshrl.u32 v57, v56;
	vm2 =	vmand vm3, vm2  }
0xb4: {  	v57 =	vand.u32 $0x7FF, v57;
	_ =	sdelay $0x4  }
0xb5: {  	v36 =	vmovc v35;
	v35 =	vmov v34;
	v38 =	vmov v31;
	v34 =	vmov v63;
	s9 =	simm.s32 $0x10;
	s5 =	simm.s32 $0x80;
	s2 =	smov.u32 s28;
	[tilespmem:v57+s29+$0x0] =	vst.idx.add.s32.msk vm2, v12  }
.LBB2_9:
0xb6: {  	p0 =	sne.s32 s5, $0x21C0;
	v57 =	vld [tilespmem:s9+$0x4800];
	_ =	sdelay $0x2  }
0xb7: {  	s2 =	sadd.s32 $0x10, s2  }
0xb8: {  	v58 =	vor.u32 s2, v10  }
0xb9: {  	vm3 =	vlt.s32 v58, v55;
	vm2 =	vne.s32 v57, $0xFFFFFFFF  }
0xba: {  	v57 =	vshrl.u32 v57, v56;
	vm2 =	vmand vm3, vm2  }
0xbb: {  	v57 =	vand.u32 $0x7FF, v57  }
.Ltmp3:
0xbc: {  	(pc) =	sbr.rel @p0 .LBB2_9-.Ltmp3, $2  }
0xbd: {  	_ =	sdelay $0x2  }
0xbe: {  	s9 =	sshra.s32 s5, $0x2;
	s5 =	sadd.s32 $0x40, s5;
	[tilespmem:v57+s29+$0x0] =	vst.idx.add.s32.msk vm2, v12  }
0xbf: {  	v57 =	vld [tilespmem:s9+$0x4800];
	_ =	sdelay $0x2  }
0xc0: {  	s2 =	sadd.s32 $0x10, s2  }
0xc1: {  	v58 =	vor.u32 s2, v10  }
0xc2: {  	vm3 =	vlt.s32 v58, v55;
	vm2 =	vne.s32 v57, $0xFFFFFFFF  }
0xc3: {  	v57 =	vshrl.u32 v57, v56;
	vm2 =	vmand vm3, vm2  }
0xc4: {  	v57 =	vand.u32 $0x7FF, v57;
	_ =	sdelay $0x4  }
0xc5: {  	s5 =	simm.s32 $0x5B80;
	[tilespmem:v57+s29+$0x0] =	vst.idx.add.s32.msk vm2, v12  }
0xc6: {  	[spmem:s14] =	stream.linear.scatter [tilespmem:s5], [sflag:$0x3], $0x800, $0x38;
	[tilespmem:$0xDDA0] =	vst v63  }
0xc7: {  	_ =	swait.ge [sflag:s23], $0x800  }
0xc8: {  	[sflag:s23] =	ssyncset.done $0x0  }
0xc9: {  	[sflag:s23] =	ssyncadd.s32 $0xFFFFF800  }
0xca: {  	s21 =	simm.s32 $0x6380;
	[bflag:$0x0] =	sbarrier.arrive $0xFFFF  }
0xcb: {  	[tilespmem:s21], [sflag:$0x3] =	stream.linear.gather [spmem:s13], $0x4000, $0x38;
	[tilespmem:$0xDDA0] =	vst v63  }
0xcc: {  	_ =	swait.ge [sflag:s23], $0x4000  }
0xcd: {  	s2 =	simm.s32 $0x0;
	[sflag:s23] =	ssyncset.done $0x0  }
0xce: {  	s10 =	sand.u32 $0x7F0, s2;
	[sflag:s23] =	ssyncadd.s32 $0xFFFFC000  }
0xcf: {  	v49 =	vld [tilespmem:s10+$0x6B80]  }
0xd0: {  	v50 =	vld [tilespmem:s21+$0x0]  }
0xd1: {  	v59 =	vld [tilespmem:s10+$0x7380]  }
0xd2: {  	v60 =	vld [tilespmem:s10+$0x7B80]  }
0xd3: {  	v61 =	vld [tilespmem:s10+$0x8380]  }
0xd4: {  	v62 =	vld [tilespmem:s10+$0x8B80]  }
0xd5: {  	v9 =	vld [tilespmem:s10+$0x9380];
	v63 =	vadd.s32 v50, v49  }
0xd6: {  	v26 =	vld [tilespmem:s10+$0x9B80];
	v63 =	vadd.s32 v59, v63  }
0xd7: {  	v63 =	vadd.s32 v60, v63  }
0xd8: {  	v63 =	vadd.s32 v61, v63  }
0xd9: {  	v63 =	vadd.s32 v62, v63  }
0xda: {  	v63 =	vadd.s32 v9, v63  }
0xdb: {  	v58 =	vmul.u32 v0, v50;
	v26 =	vadd.s32 v26, v63  }
0xdc: {  	v57 =	vmul.u32 v1, v49;
	(xrf0) =	vadd.scan.msk.s32 $0xffff, v26  }
0xdd: {  	v59 =	vmul.u32 v2, v59;
	v58 =	vadd.s32 s2, v58  }
0xde: {  	v60 =	vmul.u32 v3, v60;
	v57 =	vadd.s32 v57, v58  }
0xdf: {  	v61 =	vmul.u32 v4, v61;
	v57 =	vadd.s32 v59, v57  }
0xe0: {  	v62 =	vmul.u32 v5, v62;
	v57 =	vadd.s32 v60, v57  }
0xe1: {  	v9 =	vmul.u32 v6, v9;
	v57 =	vadd.s32 v61, v57  }
0xe2: {  	v57 =	vadd.s32 v62, v57;
	v63, _, _ =	vpop (xrf0)  }
0xe3: {  	v9 =	vadd.s32 v9, v57;
	(v2sf) =	vpush v63, $0xF  }
0xe4: {  	v9 =	vsub.s32 v9, v26  }
0xe5: {  	s26 =	simm.s32 $0x10;
	v9 =	vadd.s32 v63, v9  }
0xe6: {  	s16 =	sand.u32 $0x7F0, s26;
	[tilespmem:s5+$0x0] =	vst v9  }
0xe7: {  	s12 =	simm.s32 $0x20;
	s9 =	simm.s32 $0x0;
	s10 =	simm.s32 $0x6390;
	v57 =	vld [tilespmem:s16+$0x6B80]  }
.LBB2_11:
0xe8: {  	p0 =	sne.s32 s12, $0x7F0;
	v9 =	vld [tilespmem:s10+$0x0]  }
0xe9: {  	v26 =	vld [tilespmem:s16+$0x7380]  }
0xea: {  	v58 =	vld [tilespmem:s16+$0x7B80]  }
0xeb: {  	v59 =	vld [tilespmem:s16+$0x8380]  }
0xec: {  	v60 =	vmul.u32 v1, v57;
	v61 =	vld [tilespmem:s16+$0x8B80]  }
0xed: {  	v62 =	vmul.u32 v0, v9;
	v9 =	vadd.s32 v9, v57;
	v57 =	vld [tilespmem:s16+$0x9380]  }
0xee: {  	v9 =	vadd.s32 v26, v9;
	v26 =	vmul.u32 v2, v26;
	v63 =	vld [tilespmem:s16+$0x9B80]  }
0xef: {  	v9 =	vadd.s32 v58, v9;
	v58 =	vmul.u32 v3, v58  }
0xf0: {  	v9 =	vadd.s32 v59, v9;
	v59 =	vmul.u32 v4, v59  }
0xf1: {  	v9 =	vadd.s32 v61, v9;
	v61 =	vmul.u32 v5, v61  }
0xf2: {  	v9 =	vadd.s32 v57, v9;
	v57 =	vmul.u32 v6, v57;
	s16 =	spop (v2sf)  }
0xf3: {  	v9 =	vadd.s32 v63, v9;
	s9 =	sadd.s32 s9, s16  }
0xf4: {  	v62 =	vadd.s32 s9, v62;
	(xrf0) =	vadd.scan.msk.s32 $0xffff, v9  }
0xf5: {  	v60 =	vadd.s32 v60, v62  }
0xf6: {  	v26 =	vadd.s32 v26, v60  }
0xf7: {  	v26 =	vadd.s32 v58, v26  }
0xf8: {  	v26 =	vadd.s32 v59, v26  }
0xf9: {  	v26 =	vadd.s32 v61, v26  }
0xfa: {  	v26 =	vadd.s32 v57, v26;
	v57, _, _ =	vpop (xrf0)  }
.Ltmp4:
0xfb: {  	v9 =	vsub.s32 v26, v9;
	(v2sf) =	vpush v57, $0xF;
	(pc) =	sbr.rel @p0 .LBB2_11-.Ltmp4, $4  }
0xfc: {  	s5 =	sadd.s32 $0x10, s5;
	v9 =	vadd.s32 v57, v9  }
0xfd: {  	[tilespmem:s5+$0x0] =	vst v9  }
0xfe: {  	s16 =	sand.u32 $0x7F0, s12  }
0xff: {  	s10 =	sadd.s32 $0x10, s10;
	s12 =	sadd.s32 $0x10, s12;
	v57 =	vld [tilespmem:s16+$0x6B80]  }
0x100: {  	v9 =	vld [tilespmem:s10+$0x0]  }
0x101: {  	v26 =	vld [tilespmem:s16+$0x7380]  }
0x102: {  	v58 =	vld [tilespmem:s16+$0x7B80]  }
0x103: {  	v59 =	vld [tilespmem:s16+$0x8380]  }
0x104: {  	v60 =	vld [tilespmem:s16+$0x8B80]  }
0x105: {  	v62 =	vld [tilespmem:s16+$0x9380];
	v61 =	vadd.s32 v9, v57  }
0x106: {  	v63 =	vld [tilespmem:s16+$0x9B80];
	v61 =	vadd.s32 v26, v61  }
0x107: {  	v61 =	vadd.s32 v58, v61  }
0x108: {  	v61 =	vadd.s32 v59, v61  }
0x109: {  	v61 =	vadd.s32 v60, v61  }
0x10a: {  	v61 =	vadd.s32 v62, v61  }
0x10b: {  	v61 =	vadd.s32 v63, v61  }
0x10c: {  	(xrf0) =	vadd.scan.msk.s32 $0xffff, v61;
	_ =	sdelay $0x5  }
0x10d: {  	v48, _, _ =	vpop (xrf0)  }
0x10e: {  	(v2sf) =	vpush v48, $0xF;
	_ =	sdelay $0x4  }
0x10f: {  	v9 =	vmul.u32 v0, v9;
	s21 =	spop (v2sf)  }
0x110: {  	v49 =	vmul.u32 v1, v57;
	s9 =	sadd.s32 s9, s21  }
0x111: {  	v26 =	vmul.u32 v2, v26;
	v9 =	vadd.s32 s9, v9  }
0x112: {  	v58 =	vmul.u32 v3, v58;
	v9 =	vadd.s32 v49, v9  }
0x113: {  	v50 =	vmul.u32 v4, v59;
	v9 =	vadd.s32 v26, v9  }
0x114: {  	v26 =	vmul.u32 v5, v60;
	v9 =	vadd.s32 v58, v9  }
0x115: {  	v62 =	vmul.u32 v6, v62;
	v9 =	vadd.s32 v50, v9  }
0x116: {  	v9 =	vadd.s32 v26, v9  }
0x117: {  	v9 =	vadd.s32 v62, v9  }
0x118: {  	v9 =	vsub.s32 v9, v61  }
0x119: {  	s5 =	sadd.s32 $0x10, s5;
	v9 =	vadd.s32 v48, v9;
	s26 =	spop (v2sf)  }
0x11a: {  	s12 =	smov.u32 s28;
	[tilespmem:s5+$0x0] =	vst v9;
	s5 =	simm.s32 $0x4800;
	s26 =	simm.s32 $0x5100  }
.LBB2_13:
0x11b: {  	v57 =	vmov s5;
	_ =	sdelay $0x3  }
0x11c: {  	s9 =	simm.s32 $0x0  }
0x11d: {  	v9 =	vld.idx.msk [tilespmem:v57+s9+$0x0 ss:$0x1], $0xffff;
	_ =	sdelay $0x2  }
0x11e: {  	v26 =	vor.u32 s12, v10  }
0x11f: {  	vm2 =	vlt.s32 v26, v55  }
0x120: {  	s10 =	sadd.s32 $0x10, s12;
	vm2 =	vmmov vm2;
	vm3 =	vne.s32 v9, $0xFFFFFFFF;
	v9 =	vshrl.u32 v9, v56  }
0x121: {  	v58 =	vor.u32 s10, v10;
	vm3 =	vmand vm2, vm3;
	v9 =	vand.u32 $0x7FF, v9  }
0x122: {  	v31 =	vimm.s32 $0x0;
	vm2 =	vlt.s32 v58, v55;
	v26 =	vsel vm3, v9, v13  }
0x123: {  	vm2 =	vmmov vm2;
	v59 =	vperm.xlane v26, v15;
	v47 =	vperm.xlane v26, v18  }
0x124: {  	v31 =	vsel vm2, $0xFFFFFFFF, v31;
	v60 =	vperm.xlane v26, v16;
	v48 =	vperm.xlane v26, v14  }
0x125: {  	vm2 =	vmmov vm5;
	v49 =	vperm.xlane v26, v20;
	vm4 =	veq.s32 v59, v26  }
0x126: {  	v50 =	vperm.xlane v26, v21;
	vm5 =	veq.s32 v47, v26;
	vm4 =	vmand vm4, vm9  }
0x127: {  	[tilespmem:$0x1FF60] =	vst v31;
	v31 =	vperm.xlane v26, v17;
	v61 =	vsel vm4, $0x1, v11;
	vm4 =	vmand vm5, vm15  }
0x128: {  	v47 =	vperm.xlane v26, v23;
	v62 =	vld.idx.msk [tilespmem:v9+s29+$0x0], $0xffff;
	vm5 =	veq.s32 v60, v26;
	v60 =	vsel vm4, $0x1, v11  }
0x129: {  	vm4 =	veq.s32 v48, v26;
	vm5 =	vmand vm5, vm10;
	v48 =	vperm.xlane v26, v25  }
0x12a: {  	vm4 =	vmand vm4, vm0;
	v32 =	vsel vm5, $0x1, v11;
	vm5 =	veq.s32 v50, v26  }
0x12b: {  	v50 =	vperm.xlane v26, v28;
	v63 =	vsel vm4, $0x1, v11;
	vm4 =	veq.s32 v49, v26  }
0x12c: {  	vm5 =	vmand vm5, vm6;
	v49 =	vperm.xlane v26, v19;
	vm4 =	vmand vm4, vm14  }
0x12d: {  	v33 =	vsel vm5, $0x1, v11;
	vm5 =	veq.s32 v31, v26;
	v62 =	vadd.s32 v7, v62  }
0x12e: {  	v59 =	vsel vm4, $0x1, v11;
	vm4 =	veq.s32 v47, v26;
	v61 =	vadd.s32 v61, v62  }
0x12f: {  	vm5 =	vmand vm5, vm13;
	vm4 =	vmand vm4, vm8;
	v61 =	vadd.s32 v63, v61  }
0x130: {  	v47 =	vsel vm5, $0x1, v11;
	vm5 =	veq.s32 v49, v26;
	v31 =	vsel vm4, $0x1, v11  }
0x131: {  	vm4 =	veq.s32 v48, v26;
	v32 =	vadd.s32 v32, v61;
	vm5 =	vmand vm5, vm11  }
0x132: {  	v48 =	vperm.xlane v26, v22;
	vm4 =	vmand vm4, vm2;
	v32 =	vadd.s32 v47, v32  }
0x133: {  	v49 =	vsel vm5, $0x1, v11;
	vm5 =	veq.s32 v50, v26;
	v50 =	vperm.xlane v26, v24  }
0x134: {  	vm2 =	vcmask $0x3F2C;
	v58 =	vsel vm4, $0x1, v11;
	v32 =	vadd.s32 v60, v32  }
0x135: {  	vm4 =	veq.s32 v48, v26;
	vm5 =	vmand vm5, vm12;
	v32 =	vadd.s32 v49, v32  }
0x136: {  	v48 =	vperm.xlane v26, v29;
	vm4 =	vmand vm4, vm7;
	v32 =	vadd.s32 v59, v32  }
0x137: {  	v47 =	vsel vm4, $0x1, v11;
	vm4 =	veq.s32 v50, v26;
	v32 =	vadd.s32 v33, v32  }
0x138: {  	v63 =	vsel vm5, $0x1, v11;
	vm4 =	vmand vm4, vm2;
	v32 =	vadd.s32 v47, v32  }
0x139: {  	v50 =	vperm.xlane v26, v11;
	v49 =	vsel vm4, $0x1, v11;
	v31 =	vadd.s32 v31, v32  }
0x13a: {  	vm2 =	vcmask $0x3F38;
	vm4 =	veq.s32 v48, v26;
	v31 =	vadd.s32 v49, v31  }
0x13b: {  	s16 =	simm.s32 $0x40;
	s19 =	simm.s32 $0x80;
	[tilespmem:v9+s29+$0x0] =	vst.idx.add.s32.msk vm3, v12;
	vm5 =	veq.s32 v50, v26;
	vm4 =	vmand vm4, vm2;
	v59 =	vadd.s32 v63, v31  }
.LBB2_14:
0x13c: {  	vm0 =	vcmask $0x3F3C  }
0x13d: {  	v9 =	vsel vm4, $0x1, v11;
	v26 =	vadd.s32 v58, v59;
	vm4 =	vmand vm5, vm0  }
0x13e: {  	v9 =	vadd.s32 v9, v26;
	v31 =	vsel vm4, $0x1, v11  }
0x13f: {  	v9 =	vadd.s32 v31, v9  }
0x140: {  	v9 =	vsel vm3, v9, v30;
	_ =	sdelay $0x3  }
0x141: {  	s10 =	sadd.s32 $0x10, s10;
	s21 =	sadd.s32 s9, s5  }
0x142: {  	[spmem:s3] =	stream.indirect_vreg.scatter [tilespmem:s21], [sflag:$0x1], $0x1, v9, vm1, $0xb8;
	[tilespmem:$0xDDA0] =	vst v63  }
0x143: {  	v26 =	vor.u32 s10, v10;
	s21 =	sadd.s32 s9, s26;
	s9 =	sshra.s32 s16, $0x2  }
0x144: {  	vm4 =	vlt.s32 v26, v55;
	v26 =	vld [tilespmem:$0x1FF60];
	[spmem:s4] =	stream.indirect_vreg.scatter [tilespmem:s21], [sflag:$0x1], $0x1, v9, vm1, $0xb8  }
0x145: {  	v9 =	vld.idx.msk [tilespmem:v57+s9+$0x0 ss:$0x1], $0xffff;
	_ =	sdelay $0x4  }
0x146: {  	vm0 =	vnez.u8 v26;
	v26 =	vimm.s32 $0x0;
	vm3 =	vne.s32 v9, $0xFFFFFFFF  }
0x147: {  	v9 =	vshrl.u32 v9, v56;
	vm2 =	vmand vm0, vm3;
	vm0 =	vmmov vm4  }
0x148: {  	v9 =	vand.u32 $0x7FF, v9;
	v26 =	vsel vm0, $0xFFFFFFFF, v26  }
0x149: {  	v48 =	vimm.s32 $0x0;
	[tilespmem:$0x1FF60] =	vst v26;
	v26 =	vsel vm2, v9, v13  }
0x14a: {  	vm14 =	vmmov vm8;
	v31 =	vperm.xlane v26, v18;
	v32 =	vperm.xlane v26, v28  }
0x14b: {  	vm3 =	vmmov vm12;
	v33 =	vperm.xlane v26, v15;
	v58 =	vperm.xlane v26, v17  }
0x14c: {  	vm12 =	vmmov vm9;
	v47 =	vperm.xlane v26, v16;
	v60 =	vperm.xlane v26, v19  }
0x14d: {  	vm4 =	vcmask $0x3F04;
	v49 =	vperm.xlane v26, v14;
	v50 =	vperm.xlane v26, v20  }
0x14e: {  	v62 =	vperm.xlane v26, v25;
	vm0 =	veq.s32 v32, v26;
	vm5 =	veq.s32 v33, v26  }
0x14f: {  	vm6 =	veq.s32 v47, v26;
	vm7 =	veq.s32 v58, v26;
	v47 =	vperm.xlane v26, v21  }
0x150: {  	vm8 =	veq.s32 v49, v26;
	v49 =	vperm.xlane v26, v23;
	v32 =	vsel vm0, $0xFFFFFFFF, v48  }
0x151: {  	vm5 =	vmand vm5, vm9;
	vm9 =	veq.s32 v31, v26;
	vm0 =	vmmov vm11  }
0x152: {  	v61 =	vld.idx.msk [tilespmem:v9+s29+$0x0], $0xffff;
	vm11 =	vmmov vm1;
	vm1 =	vmmov vm15;
	vm8 =	vmand vm8, vm4  }
0x153: {  	[tilespmem:v9+s29+$0x0] =	vst.idx.add.s32.msk vm2, v12;
	vm4 =	vcmask $0x3F1C;
	v9 =	vsel vm5, $0x1, v11;
	vm5 =	vmand vm6, vm10  }
0x154: {  	vm6 =	vmand vm7, vm13;
	vm7 =	vmand vm9, vm15;
	vm9 =	veq.s32 v50, v26  }
0x155: {  	vm15 =	vmmov vm13;
	vm13 =	vmmov vm10;
	vm10 =	veq.s32 v47, v26  }
0x156: {  	v48 =	vsel vm8, $0x1, v11;
	v31 =	vsel vm7, $0x1, v11;
	vm7 =	vmand vm9, vm4  }
0x157: {  	vm9 =	vmmov vm12;
	vm12 =	vmmov vm3;
	vm3 =	vcmask $0x3F20  }
0x158: {  	v50 =	vsel vm5, $0x1, v11;
	vm5 =	veq.s32 v49, v26;
	v47 =	vsel vm6, $0x1, v11  }
0x159: {  	vm6 =	veq.s32 v60, v26;
	vm8 =	vmand vm10, vm3;
	vm3 =	vmmov vm2  }
0x15a: {  	vm10 =	vmmov vm13;
	vm13 =	vmmov vm15;
	vm15 =	vmmov vm1  }
0x15b: {  	vm1 =	vmmov vm11;
	vm11 =	vmmov vm0;
	v59 =	vsel vm7, $0x1, v11  }
0x15c: {  	vm5 =	vmand vm5, vm14;
	vm7 =	veq.s32 v62, v26;
	v61 =	vadd.s32 v7, v61  }
0x15d: {  	vm0 =	vcmask $0x3F34;
	v62 =	vperm.xlane v26, v11;
	v9 =	vadd.s32 v9, v61  }
0x15e: {  	[tilespmem:$0x1FF50] =	vst v32;
	v63 =	vsel vm8, $0x1, v11;
	v33 =	vsel vm5, $0x1, v11;
	v9 =	vadd.s32 v48, v9  }
0x15f: {  	vm6 =	vmand vm6, vm11;
	v48 =	vperm.xlane v26, v22;
	v9 =	vadd.s32 v50, v9;
	v50 =	vld [tilespmem:$0x1FF50]  }
0x160: {  	vm5 =	vmand vm7, vm0;
	vm7 =	vcmask $0x3F24;
	v49 =	vsel vm6, $0x1, v11  }
0x161: {  	v58 =	vsel vm5, $0x1, v11;
	v9 =	vadd.s32 v47, v9;
	vm5 =	veq.s32 v48, v26  }
0x162: {  	v9 =	vadd.s32 v31, v9;
	v31 =	vperm.xlane v26, v24;
	vm5 =	vmand vm5, vm7  }
0x163: {  	vm8 =	vmmov vm14;
	v9 =	vadd.s32 v49, v9;
	v60 =	vsel vm5, $0x1, v11  }
0x164: {  	p0 =	sne.s32 s19, $0x400;
	v9 =	vadd.s32 v59, v9;
	vm5 =	veq.s32 v31, v26;
	vm0 =	vnez.u8 v50  }
.Ltmp5:
0x165: {  	v9 =	vadd.s32 v63, v9;
	vm4 =	vmand vm0, vm12;
	vm0 =	vcmask $0x3F2C;
	(pc) =	sbr.rel @p0 .LBB2_14-.Ltmp5, $4  }
0x166: {  	v31 =	vperm.xlane v26, v29;
	v9 =	vadd.s32 v60, v9;
	vm5 =	vmand vm5, vm0  }
0x167: {  	v9 =	vadd.s32 v33, v9;
	v63 =	vsel vm4, $0x1, v11;
	v61 =	vsel vm5, $0x1, v11  }
0x168: {  	s20 =	smov.u32 s19;
	vm4 =	veq.s32 v31, v26;
	vm0 =	vcmask $0x3F38;
	v9 =	vadd.s32 v61, v9  }
0x169: {  	s19 =	sadd.s32 $0x40, s19;
	s16 =	smov.u32 s20;
	vm4 =	vmand vm4, vm0;
	vm5 =	veq.s32 v62, v26;
	v59 =	vadd.s32 v63, v9  }
0x16a: {  	vm0 =	vcmask $0x3F3C  }
0x16b: {  	v9 =	vsel vm4, $0x1, v11;
	v26 =	vadd.s32 v58, v59;
	vm4 =	vmand vm5, vm0  }
0x16c: {  	v9 =	vadd.s32 v9, v26;
	v31 =	vsel vm4, $0x1, v11  }
0x16d: {  	v9 =	vadd.s32 v31, v9  }
0x16e: {  	v9 =	vsel vm3, v9, v30;
	_ =	sdelay $0x3  }
0x16f: {  	s10 =	sadd.s32 s9, s5  }
0x170: {  	[spmem:s3] =	stream.indirect_vreg.scatter [tilespmem:s10], [sflag:$0x1], $0x1, v9, vm1, $0xb8;
	[tilespmem:$0xDDA0] =	vst v63  }
0x171: {  	s16 =	sshra.s32 s16, $0x2;
	s19 =	sadd.s32 s9, s26  }
0x172: {  	v26 =	vld [tilespmem:$0x1FF60];
	[spmem:s4] =	stream.indirect_vreg.scatter [tilespmem:s19], [sflag:$0x1], $0x1, v9, vm1, $0xb8  }
0x173: {  	v9 =	vld.idx.msk [tilespmem:v57+s16+$0x0 ss:$0x1], $0xffff;
	_ =	sdelay $0x4  }
0x174: {  	vm0 =	vnez.u8 v26;
	vm3 =	vne.s32 v9, $0xFFFFFFFF;
	v9 =	vshrl.u32 v9, v56  }
0x175: {  	vm2 =	vmand vm0, vm3;
	v9 =	vand.u32 $0x7FF, v9  }
0x176: {  	vm6 =	vcmask $0x3F04;
	vm14 =	vcmask $0x3F1C;
	v26 =	vsel vm2, v9, v13  }
0x177: {  	vm5 =	vcmask $0x3F34;
	v31 =	vperm.xlane v26, v15;
	v32 =	vperm.xlane v26, v18  }
0x178: {  	vm0 =	vcmask $0x3F2C;
	v33 =	vperm.xlane v26, v16;
	v63 =	vperm.xlane v26, v20  }
0x179: {  	v49 =	vperm.xlane v26, v23;
	v60 =	vperm.xlane v26, v17;
	vm3 =	veq.s32 v31, v26  }
0x17a: {  	v31 =	vperm.xlane v26, v14;
	vm4 =	veq.s32 v32, v26;
	vm3 =	vmand vm3, vm9  }
0x17b: {  	v50 =	vperm.xlane v26, v25;
	v47 =	vld.idx.msk [tilespmem:v9+s29+$0x0], $0xffff;
	v57 =	vsel vm3, $0x1, v11;
	vm3 =	vmand vm4, vm15  }
0x17c: {  	vm4 =	veq.s32 v33, v26;
	v33 =	vsel vm3, $0x1, v11;
	vm3 =	veq.s32 v31, v26  }
0x17d: {  	v31 =	vperm.xlane v26, v21;
	vm4 =	vmand vm4, vm10;
	vm3 =	vmand vm3, vm6  }
0x17e: {  	v61 =	vsel vm4, $0x1, v11;
	vm6 =	vcmask $0x3F20;
	v48 =	vsel vm3, $0x1, v11  }
0x17f: {  	vm3 =	veq.s32 v63, v26;
	vm4 =	veq.s32 v31, v26;
	v63 =	vperm.xlane v26, v19  }
0x180: {  	vm3 =	vmand vm3, vm14;
	vm4 =	vmand vm4, vm6;
	v58 =	vadd.s32 v7, v47  }
0x181: {  	v47 =	vperm.xlane v26, v28;
	v31 =	vsel vm3, $0x1, v11;
	vm3 =	veq.s32 v49, v26  }
0x182: {  	v62 =	vsel vm4, $0x1, v11;
	vm4 =	veq.s32 v60, v26;
	v57 =	vadd.s32 v57, v58  }
0x183: {  	vm3 =	vmand vm3, vm8;
	vm4 =	vmand vm4, vm13;
	v57 =	vadd.s32 v48, v57  }
0x184: {  	v60 =	vsel vm3, $0x1, v11;
	vm3 =	veq.s32 v50, v26;
	v48 =	vsel vm4, $0x1, v11  }
0x185: {  	vm4 =	veq.s32 v63, v26;
	v49 =	vadd.s32 v61, v57;
	v50 =	vperm.xlane v26, v22  }
0x186: {  	vm3 =	vmand vm3, vm5;
	vm4 =	vmand vm4, vm11;
	v32 =	vadd.s32 v48, v49  }
0x187: {  	v49 =	vperm.xlane v26, v29;
	v61 =	vsel vm4, $0x1, v11;
	vm4 =	veq.s32 v47, v26  }
0x188: {  	v63 =	vsel vm3, $0x1, v11;
	v32 =	vadd.s32 v33, v32;
	vm3 =	veq.s32 v50, v26  }
0x189: {  	v47 =	vperm.xlane v26, v24;
	v32 =	vadd.s32 v61, v32;
	vm3 =	vmand vm3, vm7  }
0x18a: {  	vm4 =	vmand vm4, vm12;
	v61 =	vperm.xlane v26, v11;
	v31 =	vadd.s32 v31, v32  }
0x18b: {  	v48 =	vsel vm3, $0x1, v11;
	vm3 =	veq.s32 v47, v26;
	v31 =	vadd.s32 v62, v31  }
0x18c: {  	vm3 =	vmand vm3, vm0;
	v62 =	vsel vm4, $0x1, v11;
	v31 =	vadd.s32 v48, v31  }
0x18d: {  	vm0 =	vcmask $0x3F38;
	v50 =	vsel vm3, $0x1, v11;
	v31 =	vadd.s32 v60, v31  }
0x18e: {  	vm4 =	veq.s32 v61, v26;
	vm3 =	veq.s32 v49, v26;
	v31 =	vadd.s32 v50, v31  }
0x18f: {  	vm3 =	vmand vm3, vm0;
	vm0 =	vcmask $0x3F3C;
	v26 =	vadd.s32 v62, v31  }
0x190: {  	v31 =	vsel vm3, $0x1, v11;
	vm3 =	vmand vm4, vm0;
	v26 =	vadd.s32 v63, v26  }
0x191: {  	v63 =	vsel vm3, $0x1, v11;
	v26 =	vadd.s32 v31, v26  }
0x192: {  	v26 =	vadd.s32 v63, v26  }
0x193: {  	v26 =	vsel vm2, v26, v30;
	_ =	sdelay $0x2  }
0x194: {  	s2 =	sadd.s32 $0x1, s2  }
0x195: {  	s20 =	sadd.s32 s16, s5;
	p0 =	sne.s32 s2, $0x8;
	[tilespmem:v9+s29+$0x0] =	vst.idx.add.s32.msk vm2, v12  }
0x196: {  	[spmem:s3] =	stream.indirect_vreg.scatter [tilespmem:s20], [sflag:$0x1], $0x1, v26, vm1, $0xb8;
	[tilespmem:$0xDDA0] =	vst v63  }
.Ltmp6:
0x197: {  	s21 =	sadd.s32 s16, s26;
	(pc) =	sbr.rel @p0 .LBB2_13-.Ltmp6, $4  }
0x198: {  	[spmem:s4] =	stream.indirect_vreg.scatter [tilespmem:s21], [sflag:$0x1], $0x1, v26, vm1, $0xb8;
	[tilespmem:$0xDDA0] =	vst v63  }
0x199: {  	_ =	swait.ge [sflag:s15], $0x220  }
0x19a: {  	s12 =	sadd.s32 $0x110, s12;
	[sflag:s15] =	ssyncset.done $0x0  }
0x19b: {  	s5 =	sadd.s32 $0x110, s5;
	s26 =	sadd.s32 $0x110, s26;
	vm0 =	vcmask $0x3F04;
	[sflag:s15] =	ssyncadd.s32 $0xFFFFFDE0  }
0x19c: {  	[bflag:$0x0] =	sbarrier.arrive $0xFFFF  }
0x19d: {  	[tilespmem:s24], [sflag:$0x3] =	stream.linear.gather [spmem:s17], $0x880, $0x38;
	[tilespmem:$0xDDA0] =	vst v63  }
0x19e: {  	_ =	swait.ge [sflag:s23], $0x880  }
0x19f: {  	s1 =	sadd.s32 $0x1, s1;
	[sflag:s23] =	ssyncset.done $0x0  }
0x1a0: {  	p0 =	sne.s32 s1, $0x3;
	[sflag:s23] =	ssyncadd.s32 $0xFFFFF780  }
0x1a1: {  	[tilespmem:s25], [sflag:$0x3] =	stream.linear.gather [spmem:s18], $0x880, $0x38;
	[tilespmem:$0xDDA0] =	vst v63  }
.Ltmp7:
0x1a2: {  	_ =	swait.ge [sflag:s23], $0x880;
	(pc) =	sbr.rel @p0 .LBB2_6-.Ltmp7, $4  }
0x1a3: {  	[sflag:s23] =	ssyncset.done $0x0  }
0x1a4: {  	[sflag:s23] =	ssyncadd.s32 $0xFFFFF780  }
0x1a5: {  	v63 =	vmov v34;
	[bflag:$0x0] =	sbarrier.arrive $0xFFFF  }
0x1a6: {  	s19 =	simm.s32 $0x0;
	vm4 =	vmxor vm4, vm4;
	v34 =	vmovc v35;
	v35 =	vmovc v36;
	v36 =	vmov v37;
	v31 =	vmov v38;
	s20 =	simm.s32 $0xB180;
	s21 =	simm.s32 $0xAA00  }
0x1a7: {  	s5 =	simm.s32 $0xA380;
	s1 =	rddreg [dreg:$0x1d]  }
0x1a8: {  	[tilespmem:s5], [sflag:$0x3] =	stream.linear.gather [spmem:s1], $0x280, $0x38;
	[tilespmem:$0xDDA0] =	vst v63  }
0x1a9: {  	_ =	swait.ge [sflag:s23], $0x280  }
0x1aa: {  	v33 =	vld [tilespmem:$0x1FF70]  }
0x1ab: {  	v50 =	vld [tilespmem:$0x1FF80]  }
0x1ac: {  	v55 =	vmov s0;
	s0 =	simm.s32 $0x0;
	s2 =	simm.s32 $0xC200;
	v48 =	vld [tilespmem:$0x1FF90]  }
0x1ad: {  	s14 =	simm.s32 $0xAC00;
	[sflag:s23] =	ssyncset.done $0x0;
	s1 =	rddreg [dreg:$0x18];
	v37 =	vld [tilespmem:$0x1FFA0]  }
0x1ae: {  	s13 =	simm.s32 $0xB480;
	s26 =	sld [smem:$0x7FB];
	v47 =	vld [tilespmem:$0x1FFB0];
	[sflag:s23] =	ssyncadd.s32 $0xFFFFFD80  }
.LBB2_18:
0x1af: {  	v9 =	vld [tilespmem:s5+$0x0];
	_ =	sdelay $0x2  }
0x1b0: {  	v26 =	vor.u32 s1, v10  }
0x1b1: {  	vm2 =	vlt.s32 v26, v55;
	v26 =	vsub.s32 v26, v55  }
0x1b2: {  	v9 =	vsel vm2, v9, v26  }
0x1b3: {  	v26 =	vshrl.u32 v9, $0x7  }
0x1b4: {  	v26 =	vmul.u32 $0x2AB, v26;
	_ =	sdelay $0x1  }
0x1b5: {  	v26 =	vshrl.u32 v26, $0xB  }
0x1b6: {  	v31 =	vmul.u32 $0xFFFFFE80, v26;
	v26 =	vcvt.s32.f32 v26;
	_ =	sdelay $0x1  }
0x1b7: {  	v9 =	vadd.s32 v9, v31;
	v26 =	vmul.f32 v26, v46  }
0x1b8: {  	v9 =	vcvt.s32.f32 v9  }
0x1b9: {  	v26 =	vadd.f32 v26, v26  }
0x1ba: {  	v9 =	vmul.f32 v9, v46  }
0x1bb: {  	v26 =	vadd.f32 $-1.000000000e+00, v26  }
0x1bc: {  	v9 =	vadd.f32 v9, v9  }
0x1bd: {  	v31 =	vadd.f32 $1.000000000e+00, v26  }
0x1be: {  	v9 =	vadd.f32 $-1.000000000e+00, v9  }
0x1bf: {  	v31 =	vmul.f32 v31, v52  }
0x1c0: {  	v32 =	vadd.f32 $1.000000000e+00, v9  }
0x1c1: {  	v57 =	vmul.f32 $3.830000000e+02, v31  }
0x1c2: {  	v32 =	vmul.f32 v32, v52  }
0x1c3: {  	v31 =	vtrunc.f32 v57  }
0x1c4: {  	v56 =	vmul.f32 $3.830000000e+02, v32;
	v58 =	vcvt.f32.s32 v31;
	v31 =	vor.u32 s0, v34  }
0x1c5: {  	v49 =	vmov v33;
	v33 =	vor.u32 s0, v35  }
0x1c6: {  	v32 =	vtrunc.f32 v56;
	vm2 =	vlt.s32 v58, $0x17F;
	v60 =	vadd.s32 $0x1, v58  }
0x1c7: {  	v59 =	vcvt.f32.s32 v32;
	v32 =	vnsel vm2, $0x17F, v58;
	vm3 =	vlt.s32 v60, $0x17F  }
0x1c8: {  	v32 =	vmul.u32 $0x180, v32;
	v60 =	vnsel vm3, $0x17F, v60  }
0x1c9: {  	vm2 =	vlt.s32 v59, $0x17F;
	v62 =	vadd.s32 $0x1, v59;
	[tilespmem:v31+s30+$0x0] =	vst.idx.msk $0xffff, v9;
	v31 =	vmul.u32 $0x180, v60  }
0x1ca: {  	v61 =	vnsel vm2, $0x17F, v59;
	vm2 =	vlt.s32 v62, $0x17F;
	v9 =	vadd.s32 v48, v32  }
0x1cb: {  	[tilespmem:v33+s30+$0x0] =	vst.idx.msk $0xffff, v26;
	v26 =	vnsel vm2, $0x17F, v62;
	v32 =	vadd.s32 v61, v9  }
0x1cc: {  	s9 =	rddreg [dreg:$0x8];
	v31 =	vadd.s32 v48, v31;
	[tilespmem:$0xA600] =	vst v32;
	v9 =	vadd.s32 v9, v26  }
0x1cd: {  	s10 =	rddreg [dreg:$0x9];
	v62 =	vmul.u32 $0x180, v58;
	[tilespmem:$0xA610] =	vst v9;
	v9 =	vadd.s32 v61, v31  }
0x1ce: {  	s12 =	rddreg [dreg:$0xa];
	[tilespmem:$0xA620] =	vst v9;
	v9 =	vadd.s32 v26, v31  }
0x1cf: {  	s16 =	rddreg [dreg:$0xb];
	[tilespmem:$0xA630] =	vst v9;
	v9 =	vadd.s32 v63, v62  }
0x1d0: {  	[tilespmem:s16], [sflag:$0x2] =	stream.indirect.gather [hbm4b:s9+s10], $0x1, s12, s10, $0xb8;
	v33 =	vadd.s32 v59, v9;
	[tilespmem:$0xDDA0] =	vst v63  }
0x1d1: {  	[tilespmem:$0xA700] =	vst v33;
	v9 =	vadd.s32 $0x24000, v33  }
0x1d2: {  	[tilespmem:$0xA710] =	vst v9;
	v9 =	vadd.s32 $0x48000, v33  }
0x1d3: {  	[tilespmem:$0xA720] =	vst v9;
	v9 =	vadd.s32 $0x6C000, v33  }
0x1d4: {  	[tilespmem:$0xA730] =	vst v9;
	v9 =	vadd.s32 $0x90000, v33  }
0x1d5: {  	[tilespmem:$0xA740] =	vst v9;
	v9 =	vadd.s32 $0xB4000, v33  }
0x1d6: {  	[tilespmem:$0xA750] =	vst v9;
	v9 =	vadd.s32 $0xD8000, v33  }
0x1d7: {  	[tilespmem:$0xA760] =	vst v9;
	v9 =	vadd.s32 $0xFC000, v33  }
0x1d8: {  	[tilespmem:$0xA770] =	vst v9;
	v9 =	vadd.s32 $0x120000, v33  }
0x1d9: {  	[tilespmem:$0xA780] =	vst v9;
	v9 =	vadd.s32 $0x144000, v33  }
0x1da: {  	[tilespmem:$0xA790] =	vst v9;
	v9 =	vadd.s32 $0x168000, v33  }
0x1db: {  	[tilespmem:$0xA7A0] =	vst v9;
	v9 =	vadd.s32 $0x18C000, v33  }
0x1dc: {  	[tilespmem:$0xA7B0] =	vst v9;
	v9 =	vadd.s32 $0x1B0000, v33  }
0x1dd: {  	[tilespmem:$0xA7C0] =	vst v9;
	v9 =	vadd.s32 $0x1D4000, v33  }
0x1de: {  	[tilespmem:$0xA7D0] =	vst v9;
	v9 =	vadd.s32 $0x1F8000, v33  }
0x1df: {  	[tilespmem:$0xA7E0] =	vst v9;
	v9 =	vadd.s32 $0x21C000, v33  }
0x1e0: {  	[tilespmem:$0xA7F0] =	vst v9;
	v9 =	vadd.s32 $0x240000, v33  }
0x1e1: {  	[tilespmem:$0xA800] =	vst v9;
	v9 =	vadd.s32 $0x264000, v33  }
0x1e2: {  	[tilespmem:$0xA810] =	vst v9;
	v9 =	vadd.s32 $0x288000, v33  }
0x1e3: {  	[tilespmem:$0xA820] =	vst v9;
	v9 =	vadd.s32 $0x2AC000, v33  }
0x1e4: {  	[tilespmem:$0xA830] =	vst v9;
	v9 =	vadd.s32 $0x2D0000, v33  }
0x1e5: {  	[tilespmem:$0xA840] =	vst v9;
	v9 =	vadd.s32 $0x2F4000, v33  }
0x1e6: {  	[tilespmem:$0xA850] =	vst v9;
	v9 =	vadd.s32 $0x318000, v33  }
0x1e7: {  	[tilespmem:$0xA860] =	vst v9;
	v9 =	vadd.s32 $0x33C000, v33  }
0x1e8: {  	[tilespmem:$0xA870] =	vst v9;
	v9 =	vadd.s32 $0x360000, v33  }
0x1e9: {  	[tilespmem:$0xA880] =	vst v9;
	v9 =	vadd.s32 $0x384000, v33  }
0x1ea: {  	[tilespmem:$0xA890] =	vst v9;
	v9 =	vadd.s32 $0x3A8000, v33  }
0x1eb: {  	[tilespmem:$0xA8A0] =	vst v9;
	v9 =	vadd.s32 $0x3CC000, v33  }
0x1ec: {  	[tilespmem:$0xA8B0] =	vst v9;
	v9 =	vadd.s32 $0x3F0000, v33  }
0x1ed: {  	[tilespmem:$0xA8C0] =	vst v9;
	v9 =	vadd.s32 $0x414000, v33  }
0x1ee: {  	[tilespmem:$0xA8D0] =	vst v9;
	v9 =	vadd.s32 $0x438000, v33  }
0x1ef: {  	[tilespmem:$0xA8E0] =	vst v9;
	v9 =	vadd.s32 $0x45C000, v33  }
0x1f0: {  	[tilespmem:$0xA8F0] =	vst v9;
	v9 =	vadd.s32 $0x480000, v33  }
0x1f1: {  	[tilespmem:$0xA900] =	vst v9;
	v9 =	vadd.s32 $0x4A4000, v33  }
0x1f2: {  	[tilespmem:$0xA910] =	vst v9;
	v9 =	vadd.s32 $0x4C8000, v33  }
0x1f3: {  	[tilespmem:$0xA920] =	vst v9;
	v9 =	vadd.s32 $0x4EC000, v33  }
0x1f4: {  	[tilespmem:$0xA930] =	vst v9;
	v9 =	vadd.s32 $0x510000, v33  }
0x1f5: {  	[tilespmem:$0xA940] =	vst v9;
	v9 =	vadd.s32 $0x534000, v33  }
0x1f6: {  	[tilespmem:$0xA950] =	vst v9;
	v9 =	vadd.s32 $0x558000, v33  }
0x1f7: {  	[tilespmem:$0xA960] =	vst v9;
	v9 =	vadd.s32 $0x57C000, v33  }
0x1f8: {  	[tilespmem:$0xA970] =	vst v9;
	v9 =	vadd.s32 $0x5A0000, v33  }
0x1f9: {  	[tilespmem:$0xA980] =	vst v9;
	v9 =	vadd.s32 $0x5C4000, v33  }
0x1fa: {  	[tilespmem:$0xA990] =	vst v9;
	v9 =	vadd.s32 $0x5E8000, v33  }
0x1fb: {  	[tilespmem:$0xA9A0] =	vst v9;
	v9 =	vadd.s32 $0x60C000, v33  }
0x1fc: {  	[tilespmem:$0xA9B0] =	vst v9;
	v9 =	vadd.s32 $0x630000, v33  }
0x1fd: {  	[tilespmem:$0xA9C0] =	vst v9;
	v9 =	vadd.s32 $0x654000, v33  }
0x1fe: {  	[tilespmem:$0xA9D0] =	vst v9;
	v9 =	vadd.s32 $0x678000, v33  }
0x1ff: {  	[tilespmem:$0xA9E0] =	vst v9;
	v9 =	vadd.s32 $0x69C000, v33  }
0x200: {  	[tilespmem:$0xA9F0] =	vst v9;
	v9 =	vadd.s32 $0x6C0000, v33  }
0x201: {  	[tilespmem:$0xAA00] =	vst v9;
	v9 =	vadd.s32 $0x6E4000, v33  }
0x202: {  	[tilespmem:$0xAA10] =	vst v9;
	v9 =	vadd.s32 $0x708000, v33  }
0x203: {  	[tilespmem:$0xAA20] =	vst v9;
	v9 =	vadd.s32 $0x72C000, v33  }
0x204: {  	[tilespmem:$0xAA30] =	vst v9;
	v9 =	vadd.s32 $0x750000, v33  }
0x205: {  	[tilespmem:$0xAA40] =	vst v9;
	v9 =	vadd.s32 $0x774000, v33  }
0x206: {  	[tilespmem:$0xAA50] =	vst v9;
	v9 =	vadd.s32 $0x798000, v33  }
0x207: {  	[tilespmem:$0xAA60] =	vst v9;
	v9 =	vadd.s32 $0x7BC000, v33  }
0x208: {  	[tilespmem:$0xAA70] =	vst v9;
	v9 =	vadd.s32 $0x7E0000, v33  }
0x209: {  	[tilespmem:$0xAA80] =	vst v9;
	v9 =	vadd.s32 $0x804000, v33  }
0x20a: {  	[tilespmem:$0xAA90] =	vst v9;
	v9 =	vadd.s32 $0x828000, v33  }
0x20b: {  	[tilespmem:$0xAAA0] =	vst v9;
	v9 =	vadd.s32 $0x84C000, v33  }
0x20c: {  	[tilespmem:$0xAAB0] =	vst v9;
	v9 =	vadd.s32 $0x870000, v33  }
0x20d: {  	[tilespmem:$0xAAC0] =	vst v9;
	v9 =	vadd.s32 $0x894000, v33  }
0x20e: {  	[tilespmem:$0xAAD0] =	vst v9;
	v9 =	vadd.s32 $0x8B8000, v33  }
0x20f: {  	[tilespmem:$0xAAE0] =	vst v9;
	v9 =	vadd.s32 $0x8DC000, v33  }
0x210: {  	[tilespmem:$0xAAF0] =	vst v9;
	v9 =	vadd.s32 $0x900000, v33  }
0x211: {  	[tilespmem:$0xAB00] =	vst v9;
	v9 =	vadd.s32 $0x924000, v33  }
0x212: {  	[tilespmem:$0xAB10] =	vst v9;
	v9 =	vadd.s32 $0x948000, v33  }
0x213: {  	[tilespmem:$0xAB20] =	vst v9;
	v9 =	vadd.s32 $0x96C000, v33  }
0x214: {  	[tilespmem:$0xAB30] =	vst v9;
	v9 =	vadd.s32 $0x990000, v33  }
0x215: {  	[tilespmem:$0xAB40] =	vst v9;
	v9 =	vadd.s32 $0x9B4000, v33  }
0x216: {  	[tilespmem:$0xAB50] =	vst v9;
	v9 =	vadd.s32 $0x9D8000, v33  }
0x217: {  	[tilespmem:$0xAB60] =	vst v9;
	v9 =	vadd.s32 $0x9FC000, v33  }
0x218: {  	[tilespmem:$0xAB70] =	vst v9;
	v9 =	vadd.s32 $0xA20000, v33  }
0x219: {  	[tilespmem:$0xAB80] =	vst v9;
	v9 =	vadd.s32 $0xA44000, v33  }
0x21a: {  	[tilespmem:$0xAB90] =	vst v9;
	v9 =	vadd.s32 $0xA68000, v33  }
0x21b: {  	[tilespmem:$0xABA0] =	vst v9;
	v9 =	vadd.s32 $0xA8C000, v33  }
0x21c: {  	[tilespmem:$0xABB0] =	vst v9;
	v9 =	vadd.s32 $0xAB0000, v33  }
0x21d: {  	[tilespmem:$0xABC0] =	vst v9;
	v9 =	vadd.s32 $0xAD4000, v33  }
0x21e: {  	[tilespmem:$0xABD0] =	vst v9;
	v9 =	vadd.s32 $0xAF8000, v33  }
0x21f: {  	[tilespmem:$0xABE0] =	vst v9;
	v9 =	vadd.s32 $0xB1C000, v33  }
0x220: {  	[tilespmem:$0xABF0] =	vst v9;
	v9 =	vadd.s32 $0xB40000, v33  }
0x221: {  	[tilespmem:$0xAC00] =	vst v9;
	v9 =	vadd.s32 $0xB64000, v33  }
0x222: {  	[tilespmem:$0xAC10] =	vst v9;
	v9 =	vadd.s32 $0xB88000, v33  }
0x223: {  	[tilespmem:$0xAC20] =	vst v9;
	v9 =	vadd.s32 $0xBAC000, v33  }
0x224: {  	[tilespmem:$0xAC30] =	vst v9;
	v9 =	vadd.s32 $0xBD0000, v33  }
0x225: {  	[tilespmem:$0xAC40] =	vst v9;
	v9 =	vadd.s32 $0xBF4000, v33  }
0x226: {  	[tilespmem:$0xAC50] =	vst v9;
	v9 =	vadd.s32 $0xC18000, v33  }
0x227: {  	[tilespmem:$0xAC60] =	vst v9;
	v9 =	vadd.s32 $0xC3C000, v33  }
0x228: {  	[tilespmem:$0xAC70] =	vst v9;
	v9 =	vadd.s32 $0xC60000, v33  }
0x229: {  	[tilespmem:$0xAC80] =	vst v9;
	v9 =	vadd.s32 $0xC84000, v33  }
0x22a: {  	[tilespmem:$0xAC90] =	vst v9;
	v9 =	vadd.s32 $0xCA8000, v33  }
0x22b: {  	[tilespmem:$0xACA0] =	vst v9;
	v9 =	vadd.s32 $0xCCC000, v33  }
0x22c: {  	[tilespmem:$0xACB0] =	vst v9;
	v9 =	vadd.s32 $0xCF0000, v33  }
0x22d: {  	s12 =	rddreg [dreg:$0xc];
	[tilespmem:$0xACC0] =	vst v9;
	v9 =	vadd.s32 $0xD14000, v33  }
0x22e: {  	s16 =	rddreg [dreg:$0xd];
	[tilespmem:$0xACD0] =	vst v9;
	v9 =	vadd.s32 $0xD38000, v33  }
0x22f: {  	s9 =	rddreg [dreg:$0xe];
	[tilespmem:$0xACE0] =	vst v9;
	v9 =	vadd.s32 $0xD5C000, v33  }
0x230: {  	s10 =	rddreg [dreg:$0xf];
	[tilespmem:$0xACF0] =	vst v9  }
0x231: {  	[tilespmem:s16], [sflag:$0x1] =	stream.indirect.gather [hbm4b:s8+s31], $0x1, s12, s31, $0xb8;
	[tilespmem:$0xDDA0] =	vst v63  }
0x232: {  	s12 =	rddreg [dreg:$0x10]  }
0x233: {  	s16 =	rddreg [dreg:$0x11]  }
0x234: {  	[tilespmem:s10], [sflag:$0x1] =	stream.indirect.gather [hbm4b:s8+s31], $0x1, s9, s31, $0xb8;
	[tilespmem:$0xDDA0] =	vst v63  }
0x235: {  	s9 =	rddreg [dreg:$0x12]  }
0x236: {  	s10 =	rddreg [dreg:$0x13]  }
0x237: {  	[tilespmem:s16], [sflag:$0x1] =	stream.indirect.gather [hbm4b:s8+s31], $0x1, s12, s31, $0xb8;
	[tilespmem:$0xDDA0] =	vst v63  }
0x238: {  	s12 =	rddreg [dreg:$0x14]  }
0x239: {  	[tilespmem:s10], [sflag:$0x1] =	stream.indirect.gather [hbm4b:s8+s31], $0x1, s9, s31, $0xb8;
	[tilespmem:$0xDDA0] =	vst v63  }
0x23a: {  	s16 =	rddreg [dreg:$0x15]  }
0x23b: {  	[tilespmem:s16], [sflag:$0x1] =	stream.indirect.gather [hbm4b:s8+s31], $0x1, s12, s31, $0xb8;
	[tilespmem:$0xDDA0] =	vst v63  }
0x23c: {  	s10 =	rddreg [dreg:$0x16]  }
0x23d: {  	[tilespmem:s20], [sflag:$0x1] =	stream.indirect.gather [hbm4b:s8+s31], $0x1, s10, s31, $0xb8;
	[tilespmem:$0xDDA0] =	vst v63  }
0x23e: {  	s10 =	simm.s32 $0xB200  }
0x23f: {  	[tilespmem:s10], [sflag:$0x1] =	stream.indirect.gather [hbm4b:s8+s31], $0x1, s21, s31, $0xb8;
	[tilespmem:$0xDDA0] =	vst v63  }
0x240: {  	s12 =	simm.s32 $0xAA80;
	s16 =	simm.s32 $0xB280  }
0x241: {  	[tilespmem:s16], [sflag:$0x1] =	stream.indirect.gather [hbm4b:s8+s31], $0x1, s12, s31, $0xb8;
	[tilespmem:$0xDDA0] =	vst v63  }
0x242: {  	s12 =	simm.s32 $0xAB00;
	s16 =	simm.s32 $0xB300  }
0x243: {  	[tilespmem:s16], [sflag:$0x1] =	stream.indirect.gather [hbm4b:s8+s31], $0x1, s12, s31, $0xb8;
	[tilespmem:$0xDDA0] =	vst v63  }
0x244: {  	s12 =	simm.s32 $0xB380;
	s16 =	simm.s32 $0xAB80  }
0x245: {  	[tilespmem:s12], [sflag:$0x1] =	stream.indirect.gather [hbm4b:s8+s31], $0x1, s16, s31, $0xb8;
	[tilespmem:$0xDDA0] =	vst v63  }
0x246: {  	_ = 	snop  }
0x247: {  	[tilespmem:s22], [sflag:$0x1] =	stream.indirect.gather [hbm4b:s8+s31], $0x1, s14, s31, $0xb8;
	[tilespmem:$0xDDA0] =	vst v63  }
0x248: {  	_ = 	snop  }
0x249: {  	[tilespmem:s13], [sflag:$0x1] =	stream.indirect.gather [hbm4b:s8+s31], $0x1, s7, s31, $0xb8;
	[tilespmem:$0xDDA0] =	vst v63  }
0x24a: {  	_ =	swait.ge [sflag:s6], $0x40  }
0x24b: {  	[sflag:s6] =	ssyncset.done $0x0  }
0x24c: {  	[sflag:s6] =	ssyncadd.s32 $0xFFFFFFC0  }
0x24d: {  	v9 =	vcvt.s32.f32 v58;
	v26 =	vld [tilespmem:$0xA680]  }
0x24e: {  	v32 =	vld [tilespmem:$0xA690]  }
0x24f: {  	v31 =	vcvt.s32.f32 v59;
	v9 =	vsub.f32 v57, v9;
	v60 =	vld [tilespmem:$0xA6A0];
	_ =	sdelay $0x1  }
0x250: {  	v31 =	vsub.f32 v56, v31;
	v33 =	vsub.f32 $1.000000000e+00, v9  }
0x251: {  	v62 =	vld [tilespmem:$0xA6B0]  }
0x252: {  	v61 =	vsub.f32 $1.000000000e+00, v31;
	v26 =	vmul.f32 v26, v33;
	v32 =	vmul.f32 v32, v33  }
0x253: {  	v56 =	vmul.f32 v60, v9  }
0x254: {  	v26 =	vmul.f32 v26, v61;
	v32 =	vmul.f32 v32, v31;
	_ =	sdelay $0x1  }
0x255: {  	v9 =	vmul.f32 v62, v9;
	v57 =	vmul.f32 v56, v61;
	v26 =	vadd.f32 v32, v26;
	_ =	sdelay $0x1  }
0x256: {  	v9 =	vmul.f32 v9, v31;
	v26 =	vadd.f32 v57, v26;
	_ =	sdelay $0x1  }
0x257: {  	v9 =	vadd.f32 v9, v26;
	_ =	sdelay $0x1  }
0x258: {  	[tilespmem:s2+$0x0] =	vst v9  }
0x259: {  	_ =	swait.ge [sflag:s15], $0x80  }
0x25a: {  	[sflag:s15] =	ssyncset.done $0x0  }
0x25b: {  	[sflag:s15] =	ssyncadd.s32 $0xFFFFFF80  }
0x25c: {  	_ =	swait.ge [sflag:s15], $0x80  }
0x25d: {  	[sflag:s15] =	ssyncset.done $0x0  }
0x25e: {  	[sflag:s15] =	ssyncadd.s32 $0xFFFFFF80  }
0x25f: {  	_ =	swait.ge [sflag:s15], $0x80  }
0x260: {  	[sflag:s15] =	ssyncset.done $0x0  }
0x261: {  	[sflag:s15] =	ssyncadd.s32 $0xFFFFFF80  }
0x262: {  	_ =	swait.ge [sflag:s15], $0x80  }
0x263: {  	[sflag:s15] =	ssyncset.done $0x0  }
0x264: {  	[sflag:s15] =	ssyncadd.s32 $0xFFFFFF80  }
0x265: {  	_ =	swait.ge [sflag:s15], $0x80  }
0x266: {  	[sflag:s15] =	ssyncset.done $0x0  }
0x267: {  	[sflag:s15] =	ssyncadd.s32 $0xFFFFFF80  }
0x268: {  	_ =	swait.ge [sflag:s15], $0x80  }
0x269: {  	[sflag:s15] =	ssyncset.done $0x0  }
0x26a: {  	[sflag:s15] =	ssyncadd.s32 $0xFFFFFF80  }
0x26b: {  	_ =	swait.ge [sflag:s15], $0x80  }
0x26c: {  	[sflag:s15] =	ssyncset.done $0x0  }
0x26d: {  	[sflag:s15] =	ssyncadd.s32 $0xFFFFFF80  }
0x26e: {  	_ =	swait.ge [sflag:s15], $0x80  }
0x26f: {  	[sflag:s15] =	ssyncset.done $0x0  }
0x270: {  	[sflag:s15] =	ssyncadd.s32 $0xFFFFFF80  }
0x271: {  	_ =	swait.ge [sflag:s15], $0x80  }
0x272: {  	[sflag:s15] =	ssyncset.done $0x0  }
0x273: {  	[sflag:s15] =	ssyncadd.s32 $0xFFFFFF80  }
0x274: {  	_ =	swait.ge [sflag:s15], $0x80  }
0x275: {  	[sflag:s15] =	ssyncset.done $0x0  }
0x276: {  	[sflag:s15] =	ssyncadd.s32 $0xFFFFFF80  }
0x277: {  	_ =	swait.ge [sflag:s15], $0x80  }
0x278: {  	[sflag:s15] =	ssyncset.done $0x0  }
0x279: {  	[sflag:s15] =	ssyncadd.s32 $0xFFFFFF80  }
0x27a: {  	_ =	swait.ge [sflag:s15], $0x80  }
0x27b: {  	[sflag:s15] =	ssyncset.done $0x0  }
0x27c: {  	[sflag:s15] =	ssyncadd.s32 $0xFFFFFF80  }
0x27d: {  	v57 =	vld [tilespmem:$0xAF00]  }
0x27e: {  	v9 =	vld [tilespmem:$0xAF10];
	_ =	sdelay $0x1  }
0x27f: {  	v26 =	vld [tilespmem:$0xAF20];
	_ =	sdelay $0x1  }
0x280: {  	v31 =	vld [tilespmem:$0xAF30]  }
0x281: {  	v59 =	vmul.f32 v57, v57;
	v9 =	vmul.f32 v9, v9  }
0x282: {  	v60 =	vld [tilespmem:$0xAF40]  }
0x283: {  	v26 =	vmul.f32 v26, v26;
	v9 =	vadd.f32 v9, v59  }
0x284: {  	v61 =	vld [tilespmem:$0xAF50]  }
0x285: {  	v9 =	vadd.f32 v26, v9;
	v26 =	vmul.f32 v31, v31  }
0x286: {  	v31 =	vld [tilespmem:$0xAF60]  }
0x287: {  	v9 =	vadd.f32 v26, v9;
	v26 =	vmul.f32 v60, v60  }
0x288: {  	v62 =	vld [tilespmem:$0xAF70]  }
0x289: {  	v9 =	vadd.f32 v26, v9;
	v26 =	vmul.f32 v61, v61  }
0x28a: {  	v56 =	vld [tilespmem:$0xAF80]  }
0x28b: {  	v9 =	vadd.f32 v26, v9;
	v26 =	vmul.f32 v31, v31  }
0x28c: {  	v31 =	vld [tilespmem:$0xAF90]  }
0x28d: {  	v9 =	vadd.f32 v26, v9;
	v26 =	vmul.f32 v62, v62  }
0x28e: {  	v58 =	vld [tilespmem:$0xAFA0]  }
0x28f: {  	v9 =	vadd.f32 v26, v9;
	v26 =	vmul.f32 v56, v56  }
0x290: {  	v59 =	vld [tilespmem:$0xAFB0]  }
0x291: {  	v9 =	vadd.f32 v26, v9;
	v26 =	vmul.f32 v31, v31  }
0x292: {  	v31 =	vld [tilespmem:$0xAFC0]  }
0x293: {  	v9 =	vadd.f32 v26, v9;
	v26 =	vmul.f32 v58, v58  }
0x294: {  	v60 =	vld [tilespmem:$0xAFD0]  }
0x295: {  	v9 =	vadd.f32 v26, v9;
	v26 =	vmul.f32 v59, v59  }
0x296: {  	v61 =	vld [tilespmem:$0xAFE0]  }
0x297: {  	v9 =	vadd.f32 v26, v9;
	v26 =	vmul.f32 v31, v31  }
0x298: {  	v31 =	vld [tilespmem:$0xAFF0]  }
0x299: {  	v9 =	vadd.f32 v26, v9;
	v26 =	vmul.f32 v60, v60  }
0x29a: {  	v62 =	vld [tilespmem:$0xB000]  }
0x29b: {  	v9 =	vadd.f32 v26, v9;
	v26 =	vmul.f32 v61, v61  }
0x29c: {  	v56 =	vld [tilespmem:$0xB010]  }
0x29d: {  	v9 =	vadd.f32 v26, v9;
	v26 =	vmul.f32 v31, v31  }
0x29e: {  	v31 =	vld [tilespmem:$0xB020]  }
0x29f: {  	v9 =	vadd.f32 v26, v9;
	v26 =	vmul.f32 v62, v62  }
0x2a0: {  	v58 =	vld [tilespmem:$0xB030]  }
0x2a1: {  	v9 =	vadd.f32 v26, v9;
	v26 =	vmul.f32 v56, v56  }
0x2a2: {  	v59 =	vld [tilespmem:$0xB040]  }
0x2a3: {  	v9 =	vadd.f32 v26, v9;
	v26 =	vmul.f32 v31, v31  }
0x2a4: {  	v31 =	vld [tilespmem:$0xB050]  }
0x2a5: {  	v9 =	vadd.f32 v26, v9;
	v26 =	vmul.f32 v58, v58  }
0x2a6: {  	v60 =	vld [tilespmem:$0xB060]  }
0x2a7: {  	v9 =	vadd.f32 v26, v9;
	v26 =	vmul.f32 v59, v59  }
0x2a8: {  	v61 =	vld [tilespmem:$0xB070]  }
0x2a9: {  	v9 =	vadd.f32 v26, v9;
	v26 =	vmul.f32 v31, v31  }
0x2aa: {  	v31 =	vld [tilespmem:$0xB080]  }
0x2ab: {  	v9 =	vadd.f32 v26, v9;
	v26 =	vmul.f32 v60, v60  }
0x2ac: {  	v62 =	vld [tilespmem:$0xB090]  }
0x2ad: {  	v9 =	vadd.f32 v26, v9;
	v26 =	vmul.f32 v61, v61  }
0x2ae: {  	v56 =	vld [tilespmem:$0xB0A0]  }
0x2af: {  	v9 =	vadd.f32 v26, v9;
	v26 =	vmul.f32 v31, v31  }
0x2b0: {  	v31 =	vld [tilespmem:$0xB0B0]  }
0x2b1: {  	v9 =	vadd.f32 v26, v9;
	v26 =	vmul.f32 v62, v62  }
0x2b2: {  	v58 =	vld [tilespmem:$0xB0C0]  }
0x2b3: {  	v9 =	vadd.f32 v26, v9;
	v26 =	vmul.f32 v56, v56  }
0x2b4: {  	v59 =	vld [tilespmem:$0xB0D0]  }
0x2b5: {  	v9 =	vadd.f32 v26, v9;
	v26 =	vmul.f32 v31, v31  }
0x2b6: {  	v31 =	vld [tilespmem:$0xB0E0]  }
0x2b7: {  	v9 =	vadd.f32 v26, v9;
	v26 =	vmul.f32 v58, v58  }
0x2b8: {  	v60 =	vld [tilespmem:$0xB0F0]  }
0x2b9: {  	v9 =	vadd.f32 v26, v9;
	v26 =	vmul.f32 v59, v59  }
0x2ba: {  	v61 =	vld [tilespmem:$0xB100]  }
0x2bb: {  	v9 =	vadd.f32 v26, v9;
	v26 =	vmul.f32 v31, v31  }
0x2bc: {  	v31 =	vld [tilespmem:$0xB110]  }
0x2bd: {  	v9 =	vadd.f32 v26, v9;
	v26 =	vmul.f32 v60, v60  }
0x2be: {  	v62 =	vld [tilespmem:$0xB120]  }
0x2bf: {  	v9 =	vadd.f32 v26, v9;
	v26 =	vmul.f32 v61, v61  }
0x2c0: {  	v56 =	vld [tilespmem:$0xB130]  }
0x2c1: {  	v9 =	vadd.f32 v26, v9;
	v26 =	vmul.f32 v31, v31  }
0x2c2: {  	v31 =	vld [tilespmem:$0xB140]  }
0x2c3: {  	v9 =	vadd.f32 v26, v9;
	v26 =	vmul.f32 v62, v62  }
0x2c4: {  	v58 =	vld [tilespmem:$0xB150]  }
0x2c5: {  	v9 =	vadd.f32 v26, v9;
	v26 =	vmul.f32 v56, v56  }
0x2c6: {  	v59 =	vld [tilespmem:$0xB160]  }
0x2c7: {  	v9 =	vadd.f32 v26, v9;
	v26 =	vmul.f32 v31, v31  }
0x2c8: {  	v31 =	vld [tilespmem:$0xB170]  }
0x2c9: {  	v9 =	vadd.f32 v26, v9;
	v26 =	vmul.f32 v58, v58  }
0x2ca: {  	v60 =	vld [tilespmem:$0xB180]  }
0x2cb: {  	v9 =	vadd.f32 v26, v9;
	v26 =	vmul.f32 v59, v59  }
0x2cc: {  	v61 =	vld [tilespmem:$0xB190]  }
0x2cd: {  	v9 =	vadd.f32 v26, v9;
	v26 =	vmul.f32 v31, v31  }
0x2ce: {  	v31 =	vld [tilespmem:$0xB1A0]  }
0x2cf: {  	v9 =	vadd.f32 v26, v9;
	v26 =	vmul.f32 v60, v60  }
0x2d0: {  	v62 =	vld [tilespmem:$0xB1B0]  }
0x2d1: {  	v9 =	vadd.f32 v26, v9;
	v26 =	vmul.f32 v61, v61  }
0x2d2: {  	v56 =	vld [tilespmem:$0xB1C0]  }
0x2d3: {  	v9 =	vadd.f32 v26, v9;
	v26 =	vmul.f32 v31, v31  }
0x2d4: {  	v31 =	vld [tilespmem:$0xB1D0]  }
0x2d5: {  	v9 =	vadd.f32 v26, v9;
	v26 =	vmul.f32 v62, v62  }
0x2d6: {  	v58 =	vld [tilespmem:$0xB1E0]  }
0x2d7: {  	v9 =	vadd.f32 v26, v9;
	v26 =	vmul.f32 v56, v56  }
0x2d8: {  	v59 =	vld [tilespmem:$0xB1F0]  }
0x2d9: {  	v9 =	vadd.f32 v26, v9;
	v26 =	vmul.f32 v31, v31  }
0x2da: {  	v31 =	vld [tilespmem:$0xB200]  }
0x2db: {  	v9 =	vadd.f32 v26, v9;
	v26 =	vmul.f32 v58, v58  }
0x2dc: {  	v60 =	vld [tilespmem:$0xB210]  }
0x2dd: {  	v9 =	vadd.f32 v26, v9;
	v26 =	vmul.f32 v59, v59  }
0x2de: {  	v61 =	vld [tilespmem:$0xB220]  }
0x2df: {  	v9 =	vadd.f32 v26, v9;
	v26 =	vmul.f32 v31, v31  }
0x2e0: {  	v31 =	vld [tilespmem:$0xB230]  }
0x2e1: {  	v9 =	vadd.f32 v26, v9;
	v26 =	vmul.f32 v60, v60  }
0x2e2: {  	v62 =	vld [tilespmem:$0xB240]  }
0x2e3: {  	v9 =	vadd.f32 v26, v9;
	v26 =	vmul.f32 v61, v61  }
0x2e4: {  	v56 =	vld [tilespmem:$0xB250]  }
0x2e5: {  	v9 =	vadd.f32 v26, v9;
	v26 =	vmul.f32 v31, v31  }
0x2e6: {  	v31 =	vld [tilespmem:$0xB260]  }
0x2e7: {  	v9 =	vadd.f32 v26, v9;
	v26 =	vmul.f32 v62, v62  }
0x2e8: {  	v58 =	vld [tilespmem:$0xB270]  }
0x2e9: {  	v9 =	vadd.f32 v26, v9;
	v26 =	vmul.f32 v56, v56  }
0x2ea: {  	v59 =	vld [tilespmem:$0xB280]  }
0x2eb: {  	v9 =	vadd.f32 v26, v9;
	v26 =	vmul.f32 v31, v31  }
0x2ec: {  	v31 =	vld [tilespmem:$0xB290]  }
0x2ed: {  	v9 =	vadd.f32 v26, v9;
	v26 =	vmul.f32 v58, v58  }
0x2ee: {  	v60 =	vld [tilespmem:$0xB2A0]  }
0x2ef: {  	v9 =	vadd.f32 v26, v9;
	v26 =	vmul.f32 v59, v59  }
0x2f0: {  	v61 =	vld [tilespmem:$0xB2B0]  }
0x2f1: {  	v9 =	vadd.f32 v26, v9;
	v26 =	vmul.f32 v31, v31  }
0x2f2: {  	v31 =	vld [tilespmem:$0xB2C0]  }
0x2f3: {  	v9 =	vadd.f32 v26, v9;
	v26 =	vmul.f32 v60, v60  }
0x2f4: {  	v62 =	vld [tilespmem:$0xB2D0]  }
0x2f5: {  	v9 =	vadd.f32 v26, v9;
	v26 =	vmul.f32 v61, v61  }
0x2f6: {  	v56 =	vld [tilespmem:$0xB2E0]  }
0x2f7: {  	v9 =	vadd.f32 v26, v9;
	v26 =	vmul.f32 v31, v31  }
0x2f8: {  	v31 =	vld [tilespmem:$0xB2F0]  }
0x2f9: {  	v9 =	vadd.f32 v26, v9;
	v26 =	vmul.f32 v62, v62  }
0x2fa: {  	v58 =	vld [tilespmem:$0xB300]  }
0x2fb: {  	v9 =	vadd.f32 v26, v9;
	v26 =	vmul.f32 v56, v56  }
0x2fc: {  	v59 =	vld [tilespmem:$0xB310]  }
0x2fd: {  	v9 =	vadd.f32 v26, v9;
	v26 =	vmul.f32 v31, v31  }
0x2fe: {  	v31 =	vld [tilespmem:$0xB320]  }
0x2ff: {  	v9 =	vadd.f32 v26, v9;
	v26 =	vmul.f32 v58, v58  }
0x300: {  	v60 =	vld [tilespmem:$0xB330]  }
0x301: {  	v9 =	vadd.f32 v26, v9;
	v26 =	vmul.f32 v59, v59  }
0x302: {  	v61 =	vld [tilespmem:$0xB340]  }
0x303: {  	v9 =	vadd.f32 v26, v9;
	v26 =	vmul.f32 v31, v31  }
0x304: {  	v31 =	vld [tilespmem:$0xB350]  }
0x305: {  	v9 =	vadd.f32 v26, v9;
	v26 =	vmul.f32 v60, v60  }
0x306: {  	v62 =	vld [tilespmem:$0xB360]  }
0x307: {  	v9 =	vadd.f32 v26, v9;
	v26 =	vmul.f32 v61, v61  }
0x308: {  	v56 =	vld [tilespmem:$0xB370]  }
0x309: {  	v9 =	vadd.f32 v26, v9;
	v26 =	vmul.f32 v31, v31  }
0x30a: {  	v31 =	vld [tilespmem:$0xB380]  }
0x30b: {  	v9 =	vadd.f32 v26, v9;
	v26 =	vmul.f32 v62, v62  }
0x30c: {  	v58 =	vld [tilespmem:$0xB390]  }
0x30d: {  	v9 =	vadd.f32 v26, v9;
	v26 =	vmul.f32 v56, v56  }
0x30e: {  	v59 =	vld [tilespmem:$0xB3A0]  }
0x30f: {  	v9 =	vadd.f32 v26, v9;
	v26 =	vmul.f32 v31, v31  }
0x310: {  	v31 =	vld [tilespmem:$0xB3B0]  }
0x311: {  	v9 =	vadd.f32 v26, v9;
	v26 =	vmul.f32 v58, v58  }
0x312: {  	v60 =	vld [tilespmem:$0xB3C0]  }
0x313: {  	v9 =	vadd.f32 v26, v9;
	v26 =	vmul.f32 v59, v59  }
0x314: {  	v61 =	vld [tilespmem:$0xB3D0]  }
0x315: {  	v9 =	vadd.f32 v26, v9;
	v26 =	vmul.f32 v31, v31  }
0x316: {  	v31 =	vld [tilespmem:$0xB3E0]  }
0x317: {  	v9 =	vadd.f32 v26, v9;
	v26 =	vmul.f32 v60, v60  }
0x318: {  	v62 =	vld [tilespmem:$0xB3F0]  }
0x319: {  	v9 =	vadd.f32 v26, v9;
	v26 =	vmul.f32 v61, v61  }
0x31a: {  	v56 =	vld [tilespmem:$0xB400]  }
0x31b: {  	v9 =	vadd.f32 v26, v9;
	v26 =	vmul.f32 v31, v31  }
0x31c: {  	v31 =	vld [tilespmem:$0xB410]  }
0x31d: {  	v9 =	vadd.f32 v26, v9;
	v26 =	vmul.f32 v62, v62  }
0x31e: {  	v58 =	vld [tilespmem:$0xB420]  }
0x31f: {  	v9 =	vadd.f32 v26, v9;
	v26 =	vmul.f32 v56, v56  }
0x320: {  	v59 =	vld [tilespmem:$0xB430]  }
0x321: {  	v9 =	vadd.f32 v26, v9;
	v26 =	vmul.f32 v31, v31  }
0x322: {  	v31 =	vld [tilespmem:$0xB440]  }
0x323: {  	v9 =	vadd.f32 v26, v9;
	v26 =	vmul.f32 v58, v58  }
0x324: {  	v60 =	vld [tilespmem:$0xB450]  }
0x325: {  	v9 =	vadd.f32 v26, v9;
	v26 =	vmul.f32 v59, v59  }
0x326: {  	v61 =	vld [tilespmem:$0xB460]  }
0x327: {  	v9 =	vadd.f32 v26, v9;
	v26 =	vmul.f32 v31, v31  }
0x328: {  	v31 =	vld [tilespmem:$0xB470]  }
0x329: {  	v9 =	vadd.f32 v26, v9;
	v26 =	vmul.f32 v60, v60  }
0x32a: {  	v62 =	vld [tilespmem:$0xB480]  }
0x32b: {  	v9 =	vadd.f32 v26, v9;
	v26 =	vmul.f32 v61, v61  }
0x32c: {  	v56 =	vld [tilespmem:$0xB490]  }
0x32d: {  	v9 =	vadd.f32 v26, v9;
	v26 =	vmul.f32 v31, v31  }
0x32e: {  	v31 =	vld [tilespmem:$0xB4A0]  }
0x32f: {  	v9 =	vadd.f32 v26, v9;
	v26 =	vmul.f32 v62, v62  }
0x330: {  	v58 =	vld [tilespmem:$0xB4B0]  }
0x331: {  	v9 =	vadd.f32 v26, v9;
	v26 =	vmul.f32 v56, v56  }
0x332: {  	v59 =	vld [tilespmem:$0xB4C0]  }
0x333: {  	v9 =	vadd.f32 v26, v9;
	v26 =	vmul.f32 v31, v31  }
0x334: {  	v31 =	vld [tilespmem:$0xB4D0]  }
0x335: {  	v9 =	vadd.f32 v26, v9;
	v26 =	vmul.f32 v58, v58  }
0x336: {  	v60 =	vld [tilespmem:$0xB4E0]  }
0x337: {  	v9 =	vadd.f32 v26, v9;
	v26 =	vmul.f32 v59, v59  }
0x338: {  	v61 =	vld [tilespmem:$0xB4F0]  }
0x339: {  	v9 =	vadd.f32 v26, v9;
	v26 =	vmul.f32 v31, v31;
	_ =	sdelay $0x1  }
0x33a: {  	v9 =	vadd.f32 v26, v9;
	v26 =	vmul.f32 v60, v60;
	_ =	sdelay $0x1  }
0x33b: {  	v9 =	vadd.f32 v26, v9;
	v26 =	vmul.f32 v61, v61;
	_ =	sdelay $0x1  }
0x33c: {  	v9 =	vadd.f32 v26, v9;
	_ =	sdelay $0x1  }
0x33d: {  	v26 =	vshrl.u32 v9, $0x1;
	v9 =	vmul.f32 $5.000000000e-01, v9  }
0x33e: {  	v26 =	vsub.s32 $0x5F3759DF, v26  }
0x33f: {  	v31 =	vmul.f32 v26, v9;
	_ =	sdelay $0x1  }
0x340: {  	v31 =	vmul.f32 v26, v31;
	_ =	sdelay $0x1  }
0x341: {  	v31 =	vsub.f32 $1.500000000e+00, v31;
	_ =	sdelay $0x1  }
0x342: {  	v26 =	vmul.f32 v26, v31;
	_ =	sdelay $0x1  }
0x343: {  	v31 =	vmul.f32 v26, v9;
	_ =	sdelay $0x1  }
0x344: {  	v31 =	vmul.f32 v31, v26;
	_ =	sdelay $0x1  }
0x345: {  	v31 =	vsub.f32 $1.500000000e+00, v31;
	_ =	sdelay $0x1  }
0x346: {  	v26 =	vmul.f32 v31, v26;
	_ =	sdelay $0x1  }
0x347: {  	v9 =	vmul.f32 v26, v9;
	_ =	sdelay $0x1  }
0x348: {  	v9 =	vmul.f32 v9, v26;
	_ =	sdelay $0x1  }
0x349: {  	v9 =	vsub.f32 $1.500000000e+00, v9;
	_ =	sdelay $0x1  }
0x34a: {  	v62 =	vmul.f32 v9, v26;
	_ =	sdelay $0x1  }
0x34b: {  	v9 =	vmul.f32 v62, v57;
	_ =	sdelay $0x1  }
0x34c: {  	[tilespmem:v27+s11+$0x0] =	vst.idx.msk $0xffff, v9  }
0x34d: {  	v9 =	vld [tilespmem:$0xAF10];
	_ =	sdelay $0x4  }
0x34e: {  	v9 =	vmul.f32 v62, v9;
	_ =	sdelay $0x1  }
0x34f: {  	[tilespmem:v36+s11+$0x0] =	vst.idx.msk $0xffff, v9  }
0x350: {  	v9 =	vld [tilespmem:$0xAF20];
	_ =	sdelay $0x4  }
0x351: {  	v9 =	vmul.f32 v62, v9;
	_ =	sdelay $0x1  }
0x352: {  	[tilespmem:v49+s11+$0x0] =	vst.idx.msk $0xffff, v9  }
0x353: {  	v9 =	vld [tilespmem:$0xAF30];
	_ =	sdelay $0x4  }
0x354: {  	v9 =	vmul.f32 v62, v9;
	_ =	sdelay $0x1  }
0x355: {  	[tilespmem:v38+s11+$0x0] =	vst.idx.msk $0xffff, v9  }
0x356: {  	v9 =	vld [tilespmem:$0xAF40];
	_ =	sdelay $0x4  }
0x357: {  	v9 =	vmul.f32 v62, v9;
	_ =	sdelay $0x1  }
0x358: {  	[tilespmem:v39+s11+$0x0] =	vst.idx.msk $0xffff, v9  }
0x359: {  	v9 =	vld [tilespmem:$0xAF50];
	_ =	sdelay $0x4  }
0x35a: {  	v9 =	vmul.f32 v62, v9;
	_ =	sdelay $0x1  }
0x35b: {  	[tilespmem:v40+s11+$0x0] =	vst.idx.msk $0xffff, v9  }
0x35c: {  	v9 =	vld [tilespmem:$0xAF60];
	_ =	sdelay $0x4  }
0x35d: {  	v9 =	vmul.f32 v62, v9;
	_ =	sdelay $0x1  }
0x35e: {  	[tilespmem:v41+s11+$0x0] =	vst.idx.msk $0xffff, v9  }
0x35f: {  	v9 =	vld [tilespmem:$0xAF70];
	_ =	sdelay $0x4  }
0x360: {  	v9 =	vmul.f32 v62, v9;
	_ =	sdelay $0x1  }
0x361: {  	[tilespmem:v42+s11+$0x0] =	vst.idx.msk $0xffff, v9  }
0x362: {  	v9 =	vld [tilespmem:$0xAF80];
	_ =	sdelay $0x4  }
0x363: {  	v9 =	vmul.f32 v62, v9;
	_ =	sdelay $0x1  }
0x364: {  	[tilespmem:v43+s11+$0x0] =	vst.idx.msk $0xffff, v9  }
0x365: {  	v9 =	vld [tilespmem:$0xAF90];
	_ =	sdelay $0x4  }
0x366: {  	v9 =	vmul.f32 v62, v9;
	_ =	sdelay $0x1  }
0x367: {  	[tilespmem:v44+s11+$0x0] =	vst.idx.msk $0xffff, v9  }
0x368: {  	v9 =	vld [tilespmem:$0xAFA0];
	_ =	sdelay $0x4  }
0x369: {  	v9 =	vmul.f32 v9, v62;
	_ =	sdelay $0x1  }
0x36a: {  	v26 =	vld [tilespmem:$0x1FFC0];
	[tilespmem:v45+s11+$0x0] =	vst.idx.msk $0xffff, v9  }
0x36b: {  	v9 =	vld [tilespmem:$0xAFB0];
	_ =	sdelay $0x4  }
0x36c: {  	v9 =	vmul.f32 v9, v62;
	_ =	sdelay $0x1  }
0x36d: {  	[tilespmem:v26+s11+$0x0] =	vst.idx.msk $0xffff, v9;
	v26 =	vld [tilespmem:$0x1FFD0]  }
0x36e: {  	v9 =	vld [tilespmem:$0xAFC0];
	_ =	sdelay $0x4  }
0x36f: {  	v9 =	vmul.f32 v9, v62;
	_ =	sdelay $0x1  }
0x370: {  	[tilespmem:v26+s11+$0x0] =	vst.idx.msk $0xffff, v9;
	v26 =	vld [tilespmem:$0x1FFE0]  }
0x371: {  	v9 =	vld [tilespmem:$0xAFD0];
	_ =	sdelay $0x4  }
0x372: {  	v9 =	vmul.f32 v9, v62;
	_ =	sdelay $0x1  }
0x373: {  	[tilespmem:v26+s11+$0x0] =	vst.idx.msk $0xffff, v9  }
0x374: {  	v9 =	vld [tilespmem:$0xAFE0];
	_ =	sdelay $0x4  }
0x375: {  	v9 =	vmul.f32 v9, v62;
	_ =	sdelay $0x1  }
0x376: {  	v26 =	vld [tilespmem:$0x1FFF0];
	[tilespmem:v53+s11+$0x0] =	vst.idx.msk $0xffff, v9  }
0x377: {  	v9 =	vld [tilespmem:$0xAFF0];
	_ =	sdelay $0x4  }
0x378: {  	v9 =	vmul.f32 v9, v62;
	_ =	sdelay $0x1  }
0x379: {  	[tilespmem:v26+s11+$0x0] =	vst.idx.msk $0xffff, v9  }
0x37a: {  	v9 =	vld [tilespmem:$0xB000];
	_ =	sdelay $0x4  }
0x37b: {  	v9 =	vmul.f32 v9, v62;
	_ =	sdelay $0x1  }
0x37c: {  	[tilespmem:v51+s11+$0x0] =	vst.idx.msk $0xffff, v9  }
0x37d: {  	v9 =	vld [tilespmem:$0xB010];
	_ =	sdelay $0x4  }
0x37e: {  	v9 =	vmul.f32 v9, v62;
	_ =	sdelay $0x1  }
0x37f: {  	[tilespmem:v8+s11+$0x0] =	vst.idx.msk $0xffff, v9  }
0x380: {  	v9 =	vld [tilespmem:$0xB020];
	_ =	sdelay $0x4  }
0x381: {  	v9 =	vmul.f32 v9, v62;
	_ =	sdelay $0x1  }
0x382: {  	[tilespmem:v54+s11+$0x0] =	vst.idx.msk $0xffff, v9  }
0x383: {  	v9 =	vld [tilespmem:$0xB030];
	_ =	sdelay $0x4  }
0x384: {  	v9 =	vmul.f32 v9, v62;
	_ =	sdelay $0x1  }
0x385: {  	[tilespmem:v50+s11+$0x0] =	vst.idx.msk $0xffff, v9  }
0x386: {  	v9 =	vld [tilespmem:$0xB040];
	_ =	sdelay $0x4  }
0x387: {  	v9 =	vmul.f32 v9, v62;
	_ =	sdelay $0x1  }
0x388: {  	[tilespmem:v47+s11+$0x0] =	vst.idx.msk $0xffff, v9  }
0x389: {  	v9 =	vld [tilespmem:$0xB050];
	_ =	sdelay $0x4  }
0x38a: {  	v9 =	vmul.f32 v9, v62;
	_ =	sdelay $0x1  }
0x38b: {  	[tilespmem:v37+s11+$0x0] =	vst.idx.msk $0xffff, v9  }
0x38c: {  	v9 =	vld [tilespmem:$0xB060];
	_ =	sdelay $0x1  }
0x38d: {  	v26 =	vor.u32 $0x16, v27;
	_ =	sdelay $0x2  }
0x38e: {  	v9 =	vmul.f32 v9, v62;
	_ =	sdelay $0x1  }
0x38f: {  	[tilespmem:v26+s11+$0x0] =	vst.idx.msk $0xffff, v9  }
0x390: {  	v9 =	vld [tilespmem:$0xB070];
	_ =	sdelay $0x1  }
0x391: {  	v26 =	vor.u32 $0x17, v27;
	_ =	sdelay $0x2  }
0x392: {  	v9 =	vmul.f32 v9, v62;
	_ =	sdelay $0x1  }
0x393: {  	[tilespmem:v26+s11+$0x0] =	vst.idx.msk $0xffff, v9  }
0x394: {  	v9 =	vld [tilespmem:$0xB080];
	_ =	sdelay $0x1  }
0x395: {  	v26 =	vor.u32 $0x18, v27;
	_ =	sdelay $0x2  }
0x396: {  	v9 =	vmul.f32 v9, v62;
	_ =	sdelay $0x1  }
0x397: {  	[tilespmem:v26+s11+$0x0] =	vst.idx.msk $0xffff, v9  }
0x398: {  	v9 =	vld [tilespmem:$0xB090];
	_ =	sdelay $0x1  }
0x399: {  	v26 =	vor.u32 $0x19, v27;
	_ =	sdelay $0x2  }
0x39a: {  	v9 =	vmul.f32 v9, v62;
	_ =	sdelay $0x1  }
0x39b: {  	[tilespmem:v26+s11+$0x0] =	vst.idx.msk $0xffff, v9  }
0x39c: {  	v9 =	vld [tilespmem:$0xB0A0];
	_ =	sdelay $0x1  }
0x39d: {  	v26 =	vor.u32 $0x1A, v27;
	_ =	sdelay $0x2  }
0x39e: {  	v9 =	vmul.f32 v9, v62;
	_ =	sdelay $0x1  }
0x39f: {  	[tilespmem:v26+s11+$0x0] =	vst.idx.msk $0xffff, v9  }
0x3a0: {  	v9 =	vld [tilespmem:$0xB0B0];
	_ =	sdelay $0x1  }
0x3a1: {  	v26 =	vor.u32 $0x1B, v27;
	_ =	sdelay $0x2  }
0x3a2: {  	v9 =	vmul.f32 v9, v62;
	_ =	sdelay $0x1  }
0x3a3: {  	[tilespmem:v26+s11+$0x0] =	vst.idx.msk $0xffff, v9  }
0x3a4: {  	v9 =	vld [tilespmem:$0xB0C0];
	_ =	sdelay $0x1  }
0x3a5: {  	v26 =	vor.u32 $0x1C, v27;
	_ =	sdelay $0x2  }
0x3a6: {  	v9 =	vmul.f32 v9, v62;
	_ =	sdelay $0x1  }
0x3a7: {  	[tilespmem:v26+s11+$0x0] =	vst.idx.msk $0xffff, v9  }
0x3a8: {  	v9 =	vld [tilespmem:$0xB0D0];
	_ =	sdelay $0x1  }
0x3a9: {  	v26 =	vor.u32 $0x1D, v27;
	_ =	sdelay $0x2  }
0x3aa: {  	v9 =	vmul.f32 v9, v62;
	_ =	sdelay $0x1  }
0x3ab: {  	[tilespmem:v26+s11+$0x0] =	vst.idx.msk $0xffff, v9  }
0x3ac: {  	v9 =	vld [tilespmem:$0xB0E0];
	_ =	sdelay $0x1  }
0x3ad: {  	v26 =	vor.u32 $0x1E, v27;
	_ =	sdelay $0x2  }
0x3ae: {  	v9 =	vmul.f32 v9, v62;
	_ =	sdelay $0x1  }
0x3af: {  	[tilespmem:v26+s11+$0x0] =	vst.idx.msk $0xffff, v9  }
0x3b0: {  	v9 =	vld [tilespmem:$0xB0F0];
	_ =	sdelay $0x1  }
0x3b1: {  	v26 =	vor.u32 $0x1F, v27;
	_ =	sdelay $0x2  }
0x3b2: {  	v9 =	vmul.f32 v9, v62;
	_ =	sdelay $0x1  }
0x3b3: {  	[tilespmem:v26+s11+$0x0] =	vst.idx.msk $0xffff, v9  }
0x3b4: {  	v9 =	vld [tilespmem:$0xB100];
	_ =	sdelay $0x1  }
0x3b5: {  	v26 =	vadd.s32 $0x20, v27;
	_ =	sdelay $0x2  }
0x3b6: {  	v9 =	vmul.f32 v9, v62;
	_ =	sdelay $0x1  }
0x3b7: {  	[tilespmem:v26+s11+$0x0] =	vst.idx.msk $0xffff, v9  }
0x3b8: {  	v9 =	vld [tilespmem:$0xB110];
	_ =	sdelay $0x1  }
0x3b9: {  	v26 =	vadd.s32 $0x21, v27;
	_ =	sdelay $0x2  }
0x3ba: {  	v9 =	vmul.f32 v9, v62;
	_ =	sdelay $0x1  }
0x3bb: {  	[tilespmem:v26+s11+$0x0] =	vst.idx.msk $0xffff, v9  }
0x3bc: {  	v9 =	vld [tilespmem:$0xB120];
	_ =	sdelay $0x1  }
0x3bd: {  	v26 =	vadd.s32 $0x22, v27;
	_ =	sdelay $0x2  }
0x3be: {  	v9 =	vmul.f32 v9, v62;
	_ =	sdelay $0x1  }
0x3bf: {  	[tilespmem:v26+s11+$0x0] =	vst.idx.msk $0xffff, v9  }
0x3c0: {  	v9 =	vld [tilespmem:$0xB130];
	_ =	sdelay $0x1  }
0x3c1: {  	v26 =	vadd.s32 $0x23, v27;
	_ =	sdelay $0x2  }
0x3c2: {  	v9 =	vmul.f32 v9, v62;
	_ =	sdelay $0x1  }
0x3c3: {  	[tilespmem:v26+s11+$0x0] =	vst.idx.msk $0xffff, v9  }
0x3c4: {  	v9 =	vld [tilespmem:$0xB140];
	_ =	sdelay $0x1  }
0x3c5: {  	v26 =	vadd.s32 $0x24, v27;
	_ =	sdelay $0x2  }
0x3c6: {  	v9 =	vmul.f32 v9, v62;
	_ =	sdelay $0x1  }
0x3c7: {  	[tilespmem:v26+s11+$0x0] =	vst.idx.msk $0xffff, v9  }
0x3c8: {  	v9 =	vld [tilespmem:$0xB150];
	_ =	sdelay $0x1  }
0x3c9: {  	v26 =	vadd.s32 $0x25, v27;
	_ =	sdelay $0x2  }
0x3ca: {  	v9 =	vmul.f32 v9, v62;
	_ =	sdelay $0x1  }
0x3cb: {  	[tilespmem:v26+s11+$0x0] =	vst.idx.msk $0xffff, v9  }
0x3cc: {  	v9 =	vld [tilespmem:$0xB160];
	_ =	sdelay $0x1  }
0x3cd: {  	v26 =	vadd.s32 $0x26, v27;
	_ =	sdelay $0x2  }
0x3ce: {  	v9 =	vmul.f32 v9, v62;
	_ =	sdelay $0x1  }
0x3cf: {  	[tilespmem:v26+s11+$0x0] =	vst.idx.msk $0xffff, v9  }
0x3d0: {  	v9 =	vld [tilespmem:$0xB170];
	_ =	sdelay $0x1  }
0x3d1: {  	v26 =	vadd.s32 $0x27, v27;
	_ =	sdelay $0x2  }
0x3d2: {  	v9 =	vmul.f32 v9, v62;
	_ =	sdelay $0x1  }
0x3d3: {  	[tilespmem:v26+s11+$0x0] =	vst.idx.msk $0xffff, v9  }
0x3d4: {  	v9 =	vld [tilespmem:$0xB180];
	_ =	sdelay $0x1  }
0x3d5: {  	v26 =	vadd.s32 $0x28, v27;
	_ =	sdelay $0x2  }
0x3d6: {  	v9 =	vmul.f32 v9, v62;
	_ =	sdelay $0x1  }
0x3d7: {  	[tilespmem:v26+s11+$0x0] =	vst.idx.msk $0xffff, v9  }
0x3d8: {  	v9 =	vld [tilespmem:$0xB190];
	_ =	sdelay $0x1  }
0x3d9: {  	v26 =	vadd.s32 $0x29, v27;
	_ =	sdelay $0x2  }
0x3da: {  	v9 =	vmul.f32 v9, v62;
	_ =	sdelay $0x1  }
0x3db: {  	[tilespmem:v26+s11+$0x0] =	vst.idx.msk $0xffff, v9  }
0x3dc: {  	v9 =	vld [tilespmem:$0xB1A0];
	_ =	sdelay $0x1  }
0x3dd: {  	v26 =	vadd.s32 $0x2A, v27;
	_ =	sdelay $0x2  }
0x3de: {  	v9 =	vmul.f32 v9, v62;
	_ =	sdelay $0x1  }
0x3df: {  	[tilespmem:v26+s11+$0x0] =	vst.idx.msk $0xffff, v9  }
0x3e0: {  	v9 =	vld [tilespmem:$0xB1B0];
	_ =	sdelay $0x1  }
0x3e1: {  	v26 =	vadd.s32 $0x2B, v27;
	_ =	sdelay $0x2  }
0x3e2: {  	v9 =	vmul.f32 v9, v62;
	_ =	sdelay $0x1  }
0x3e3: {  	[tilespmem:v26+s11+$0x0] =	vst.idx.msk $0xffff, v9  }
0x3e4: {  	v9 =	vld [tilespmem:$0xB1C0];
	_ =	sdelay $0x1  }
0x3e5: {  	v26 =	vadd.s32 $0x2C, v27;
	_ =	sdelay $0x2  }
0x3e6: {  	v9 =	vmul.f32 v9, v62;
	_ =	sdelay $0x1  }
0x3e7: {  	[tilespmem:v26+s11+$0x0] =	vst.idx.msk $0xffff, v9  }
0x3e8: {  	v9 =	vld [tilespmem:$0xB1D0];
	_ =	sdelay $0x1  }
0x3e9: {  	v26 =	vadd.s32 $0x2D, v27;
	_ =	sdelay $0x2  }
0x3ea: {  	v9 =	vmul.f32 v9, v62;
	_ =	sdelay $0x1  }
0x3eb: {  	[tilespmem:v26+s11+$0x0] =	vst.idx.msk $0xffff, v9  }
0x3ec: {  	v9 =	vld [tilespmem:$0xB1E0];
	_ =	sdelay $0x1  }
0x3ed: {  	v26 =	vadd.s32 $0x2E, v27;
	_ =	sdelay $0x2  }
0x3ee: {  	v9 =	vmul.f32 v9, v62;
	_ =	sdelay $0x1  }
0x3ef: {  	[tilespmem:v26+s11+$0x0] =	vst.idx.msk $0xffff, v9  }
0x3f0: {  	v9 =	vld [tilespmem:$0xB1F0];
	_ =	sdelay $0x1  }
0x3f1: {  	v26 =	vadd.s32 $0x2F, v27;
	_ =	sdelay $0x2  }
0x3f2: {  	v9 =	vmul.f32 v9, v62;
	_ =	sdelay $0x1  }
0x3f3: {  	[tilespmem:v26+s11+$0x0] =	vst.idx.msk $0xffff, v9  }
0x3f4: {  	v9 =	vld [tilespmem:$0xB200];
	_ =	sdelay $0x1  }
0x3f5: {  	v26 =	vadd.s32 $0x30, v27;
	_ =	sdelay $0x2  }
0x3f6: {  	v9 =	vmul.f32 v9, v62;
	_ =	sdelay $0x1  }
0x3f7: {  	[tilespmem:v26+s11+$0x0] =	vst.idx.msk $0xffff, v9  }
0x3f8: {  	v9 =	vld [tilespmem:$0xB210];
	_ =	sdelay $0x1  }
0x3f9: {  	v26 =	vadd.s32 $0x31, v27;
	_ =	sdelay $0x2  }
0x3fa: {  	v9 =	vmul.f32 v9, v62;
	_ =	sdelay $0x1  }
0x3fb: {  	[tilespmem:v26+s11+$0x0] =	vst.idx.msk $0xffff, v9  }
0x3fc: {  	v9 =	vld [tilespmem:$0xB220];
	_ =	sdelay $0x1  }
0x3fd: {  	v26 =	vadd.s32 $0x32, v27;
	_ =	sdelay $0x2  }
0x3fe: {  	v9 =	vmul.f32 v9, v62;
	_ =	sdelay $0x1  }
0x3ff: {  	[tilespmem:v26+s11+$0x0] =	vst.idx.msk $0xffff, v9  }
0x400: {  	v9 =	vld [tilespmem:$0xB230];
	_ =	sdelay $0x1  }
0x401: {  	v26 =	vadd.s32 $0x33, v27;
	_ =	sdelay $0x2  }
0x402: {  	v9 =	vmul.f32 v9, v62;
	_ =	sdelay $0x1  }
0x403: {  	[tilespmem:v26+s11+$0x0] =	vst.idx.msk $0xffff, v9  }
0x404: {  	v9 =	vld [tilespmem:$0xB240];
	_ =	sdelay $0x1  }
0x405: {  	v26 =	vadd.s32 $0x34, v27;
	_ =	sdelay $0x2  }
0x406: {  	v9 =	vmul.f32 v9, v62;
	_ =	sdelay $0x1  }
0x407: {  	[tilespmem:v26+s11+$0x0] =	vst.idx.msk $0xffff, v9  }
0x408: {  	v9 =	vld [tilespmem:$0xB250];
	_ =	sdelay $0x1  }
0x409: {  	v26 =	vadd.s32 $0x35, v27;
	_ =	sdelay $0x2  }
0x40a: {  	v9 =	vmul.f32 v9, v62;
	_ =	sdelay $0x1  }
0x40b: {  	[tilespmem:v26+s11+$0x0] =	vst.idx.msk $0xffff, v9  }
0x40c: {  	v9 =	vld [tilespmem:$0xB260];
	_ =	sdelay $0x1  }
0x40d: {  	v26 =	vadd.s32 $0x36, v27;
	_ =	sdelay $0x2  }
0x40e: {  	v9 =	vmul.f32 v9, v62;
	_ =	sdelay $0x1  }
0x40f: {  	[tilespmem:v26+s11+$0x0] =	vst.idx.msk $0xffff, v9  }
0x410: {  	v9 =	vld [tilespmem:$0xB270];
	_ =	sdelay $0x1  }
0x411: {  	v26 =	vadd.s32 $0x37, v27;
	_ =	sdelay $0x2  }
0x412: {  	v9 =	vmul.f32 v9, v62;
	_ =	sdelay $0x1  }
0x413: {  	[tilespmem:v26+s11+$0x0] =	vst.idx.msk $0xffff, v9  }
0x414: {  	v9 =	vld [tilespmem:$0xB280];
	_ =	sdelay $0x1  }
0x415: {  	v26 =	vadd.s32 $0x38, v27;
	_ =	sdelay $0x2  }
0x416: {  	v9 =	vmul.f32 v9, v62;
	_ =	sdelay $0x1  }
0x417: {  	[tilespmem:v26+s11+$0x0] =	vst.idx.msk $0xffff, v9  }
0x418: {  	v9 =	vld [tilespmem:$0xB290];
	_ =	sdelay $0x1  }
0x419: {  	v26 =	vadd.s32 $0x39, v27;
	_ =	sdelay $0x2  }
0x41a: {  	v9 =	vmul.f32 v9, v62;
	_ =	sdelay $0x1  }
0x41b: {  	[tilespmem:v26+s11+$0x0] =	vst.idx.msk $0xffff, v9  }
0x41c: {  	v9 =	vld [tilespmem:$0xB2A0];
	_ =	sdelay $0x1  }
0x41d: {  	v26 =	vadd.s32 $0x3A, v27;
	_ =	sdelay $0x2  }
0x41e: {  	v9 =	vmul.f32 v9, v62;
	_ =	sdelay $0x1  }
0x41f: {  	[tilespmem:v26+s11+$0x0] =	vst.idx.msk $0xffff, v9  }
0x420: {  	v9 =	vld [tilespmem:$0xB2B0];
	_ =	sdelay $0x1  }
0x421: {  	v26 =	vadd.s32 $0x3B, v27;
	_ =	sdelay $0x2  }
0x422: {  	v9 =	vmul.f32 v9, v62;
	_ =	sdelay $0x1  }
0x423: {  	[tilespmem:v26+s11+$0x0] =	vst.idx.msk $0xffff, v9  }
0x424: {  	v9 =	vld [tilespmem:$0xB2C0];
	_ =	sdelay $0x1  }
0x425: {  	v26 =	vadd.s32 $0x3C, v27;
	_ =	sdelay $0x2  }
0x426: {  	v9 =	vmul.f32 v9, v62;
	_ =	sdelay $0x1  }
0x427: {  	[tilespmem:v26+s11+$0x0] =	vst.idx.msk $0xffff, v9  }
0x428: {  	v9 =	vld [tilespmem:$0xB2D0];
	_ =	sdelay $0x1  }
0x429: {  	v26 =	vadd.s32 $0x3D, v27;
	_ =	sdelay $0x2  }
0x42a: {  	v9 =	vmul.f32 v9, v62;
	_ =	sdelay $0x1  }
0x42b: {  	[tilespmem:v26+s11+$0x0] =	vst.idx.msk $0xffff, v9  }
0x42c: {  	v9 =	vld [tilespmem:$0xB2E0];
	_ =	sdelay $0x1  }
0x42d: {  	v26 =	vadd.s32 $0x3E, v27;
	_ =	sdelay $0x2  }
0x42e: {  	v9 =	vmul.f32 v9, v62;
	_ =	sdelay $0x1  }
0x42f: {  	[tilespmem:v26+s11+$0x0] =	vst.idx.msk $0xffff, v9  }
0x430: {  	v9 =	vld [tilespmem:$0xB2F0];
	_ =	sdelay $0x1  }
0x431: {  	v26 =	vadd.s32 $0x3F, v27;
	_ =	sdelay $0x2  }
0x432: {  	v9 =	vmul.f32 v9, v62;
	_ =	sdelay $0x1  }
0x433: {  	[tilespmem:v26+s11+$0x0] =	vst.idx.msk $0xffff, v9  }
0x434: {  	v9 =	vld [tilespmem:$0xB300];
	_ =	sdelay $0x1  }
0x435: {  	v26 =	vadd.s32 $0x40, v27;
	_ =	sdelay $0x2  }
0x436: {  	v9 =	vmul.f32 v9, v62;
	_ =	sdelay $0x1  }
0x437: {  	[tilespmem:v26+s11+$0x0] =	vst.idx.msk $0xffff, v9  }
0x438: {  	v9 =	vld [tilespmem:$0xB310];
	_ =	sdelay $0x1  }
0x439: {  	v26 =	vadd.s32 $0x41, v27;
	_ =	sdelay $0x2  }
0x43a: {  	v9 =	vmul.f32 v9, v62;
	_ =	sdelay $0x1  }
0x43b: {  	[tilespmem:v26+s11+$0x0] =	vst.idx.msk $0xffff, v9  }
0x43c: {  	v9 =	vld [tilespmem:$0xB320];
	_ =	sdelay $0x1  }
0x43d: {  	v26 =	vadd.s32 $0x42, v27;
	_ =	sdelay $0x2  }
0x43e: {  	v9 =	vmul.f32 v9, v62;
	_ =	sdelay $0x1  }
0x43f: {  	[tilespmem:v26+s11+$0x0] =	vst.idx.msk $0xffff, v9  }
0x440: {  	v9 =	vld [tilespmem:$0xB330];
	_ =	sdelay $0x1  }
0x441: {  	v26 =	vadd.s32 $0x43, v27;
	_ =	sdelay $0x2  }
0x442: {  	v9 =	vmul.f32 v9, v62;
	_ =	sdelay $0x1  }
0x443: {  	[tilespmem:v26+s11+$0x0] =	vst.idx.msk $0xffff, v9  }
0x444: {  	v9 =	vld [tilespmem:$0xB340];
	_ =	sdelay $0x1  }
0x445: {  	v26 =	vadd.s32 $0x44, v27;
	_ =	sdelay $0x2  }
0x446: {  	v9 =	vmul.f32 v9, v62;
	_ =	sdelay $0x1  }
0x447: {  	[tilespmem:v26+s11+$0x0] =	vst.idx.msk $0xffff, v9  }
0x448: {  	v9 =	vld [tilespmem:$0xB350];
	_ =	sdelay $0x1  }
0x449: {  	v26 =	vadd.s32 $0x45, v27;
	_ =	sdelay $0x2  }
0x44a: {  	v9 =	vmul.f32 v9, v62;
	_ =	sdelay $0x1  }
0x44b: {  	[tilespmem:v26+s11+$0x0] =	vst.idx.msk $0xffff, v9  }
0x44c: {  	v9 =	vld [tilespmem:$0xB360];
	_ =	sdelay $0x1  }
0x44d: {  	v26 =	vadd.s32 $0x46, v27;
	_ =	sdelay $0x2  }
0x44e: {  	v9 =	vmul.f32 v9, v62;
	_ =	sdelay $0x1  }
0x44f: {  	[tilespmem:v26+s11+$0x0] =	vst.idx.msk $0xffff, v9  }
0x450: {  	v9 =	vld [tilespmem:$0xB370];
	_ =	sdelay $0x1  }
0x451: {  	v26 =	vadd.s32 $0x47, v27;
	_ =	sdelay $0x2  }
0x452: {  	v9 =	vmul.f32 v9, v62;
	_ =	sdelay $0x1  }
0x453: {  	[tilespmem:v26+s11+$0x0] =	vst.idx.msk $0xffff, v9  }
0x454: {  	v9 =	vld [tilespmem:$0xB380];
	_ =	sdelay $0x1  }
0x455: {  	v26 =	vadd.s32 $0x48, v27;
	_ =	sdelay $0x2  }
0x456: {  	v9 =	vmul.f32 v9, v62;
	_ =	sdelay $0x1  }
0x457: {  	[tilespmem:v26+s11+$0x0] =	vst.idx.msk $0xffff, v9  }
0x458: {  	v9 =	vld [tilespmem:$0xB390];
	_ =	sdelay $0x1  }
0x459: {  	v26 =	vadd.s32 $0x49, v27;
	_ =	sdelay $0x2  }
0x45a: {  	v9 =	vmul.f32 v9, v62;
	_ =	sdelay $0x1  }
0x45b: {  	[tilespmem:v26+s11+$0x0] =	vst.idx.msk $0xffff, v9  }
0x45c: {  	v9 =	vld [tilespmem:$0xB3A0];
	_ =	sdelay $0x1  }
0x45d: {  	v26 =	vadd.s32 $0x4A, v27;
	_ =	sdelay $0x2  }
0x45e: {  	v9 =	vmul.f32 v9, v62;
	_ =	sdelay $0x1  }
0x45f: {  	[tilespmem:v26+s11+$0x0] =	vst.idx.msk $0xffff, v9  }
0x460: {  	v9 =	vld [tilespmem:$0xB3B0];
	_ =	sdelay $0x1  }
0x461: {  	v26 =	vadd.s32 $0x4B, v27;
	_ =	sdelay $0x2  }
0x462: {  	v9 =	vmul.f32 v9, v62;
	_ =	sdelay $0x1  }
0x463: {  	[tilespmem:v26+s11+$0x0] =	vst.idx.msk $0xffff, v9  }
0x464: {  	v9 =	vld [tilespmem:$0xB3C0];
	_ =	sdelay $0x1  }
0x465: {  	v26 =	vadd.s32 $0x4C, v27;
	_ =	sdelay $0x2  }
0x466: {  	v9 =	vmul.f32 v9, v62;
	_ =	sdelay $0x1  }
0x467: {  	[tilespmem:v26+s11+$0x0] =	vst.idx.msk $0xffff, v9  }
0x468: {  	v9 =	vld [tilespmem:$0xB3D0];
	_ =	sdelay $0x1  }
0x469: {  	v26 =	vadd.s32 $0x4D, v27;
	_ =	sdelay $0x2  }
0x46a: {  	v9 =	vmul.f32 v9, v62;
	_ =	sdelay $0x1  }
0x46b: {  	[tilespmem:v26+s11+$0x0] =	vst.idx.msk $0xffff, v9  }
0x46c: {  	v9 =	vld [tilespmem:$0xB3E0];
	_ =	sdelay $0x1  }
0x46d: {  	v26 =	vadd.s32 $0x4E, v27;
	_ =	sdelay $0x2  }
0x46e: {  	v9 =	vmul.f32 v9, v62;
	_ =	sdelay $0x1  }
0x46f: {  	[tilespmem:v26+s11+$0x0] =	vst.idx.msk $0xffff, v9  }
0x470: {  	v9 =	vld [tilespmem:$0xB3F0];
	_ =	sdelay $0x1  }
0x471: {  	v26 =	vadd.s32 $0x4F, v27;
	_ =	sdelay $0x2  }
0x472: {  	v9 =	vmul.f32 v9, v62;
	_ =	sdelay $0x1  }
0x473: {  	[tilespmem:v26+s11+$0x0] =	vst.idx.msk $0xffff, v9  }
0x474: {  	v9 =	vld [tilespmem:$0xB400];
	_ =	sdelay $0x1  }
0x475: {  	v26 =	vadd.s32 $0x50, v27;
	_ =	sdelay $0x2  }
0x476: {  	v9 =	vmul.f32 v9, v62;
	_ =	sdelay $0x1  }
0x477: {  	[tilespmem:v26+s11+$0x0] =	vst.idx.msk $0xffff, v9  }
0x478: {  	v9 =	vld [tilespmem:$0xB410];
	_ =	sdelay $0x1  }
0x479: {  	v26 =	vadd.s32 $0x51, v27;
	_ =	sdelay $0x2  }
0x47a: {  	v9 =	vmul.f32 v9, v62;
	_ =	sdelay $0x1  }
0x47b: {  	[tilespmem:v26+s11+$0x0] =	vst.idx.msk $0xffff, v9  }
0x47c: {  	v9 =	vld [tilespmem:$0xB420];
	_ =	sdelay $0x1  }
0x47d: {  	v26 =	vadd.s32 $0x52, v27;
	_ =	sdelay $0x2  }
0x47e: {  	v9 =	vmul.f32 v9, v62;
	_ =	sdelay $0x1  }
0x47f: {  	[tilespmem:v26+s11+$0x0] =	vst.idx.msk $0xffff, v9  }
0x480: {  	v9 =	vld [tilespmem:$0xB430];
	_ =	sdelay $0x1  }
0x481: {  	v26 =	vadd.s32 $0x53, v27;
	_ =	sdelay $0x2  }
0x482: {  	v9 =	vmul.f32 v9, v62;
	_ =	sdelay $0x1  }
0x483: {  	[tilespmem:v26+s11+$0x0] =	vst.idx.msk $0xffff, v9  }
0x484: {  	v9 =	vld [tilespmem:$0xB440];
	_ =	sdelay $0x1  }
0x485: {  	v26 =	vadd.s32 $0x54, v27;
	_ =	sdelay $0x2  }
0x486: {  	v9 =	vmul.f32 v9, v62;
	_ =	sdelay $0x1  }
0x487: {  	[tilespmem:v26+s11+$0x0] =	vst.idx.msk $0xffff, v9  }
0x488: {  	v9 =	vld [tilespmem:$0xB450];
	_ =	sdelay $0x1  }
0x489: {  	v26 =	vadd.s32 $0x55, v27;
	_ =	sdelay $0x2  }
0x48a: {  	v9 =	vmul.f32 v9, v62;
	_ =	sdelay $0x1  }
0x48b: {  	[tilespmem:v26+s11+$0x0] =	vst.idx.msk $0xffff, v9  }
0x48c: {  	v9 =	vld [tilespmem:$0xB460];
	_ =	sdelay $0x1  }
0x48d: {  	v26 =	vadd.s32 $0x56, v27;
	_ =	sdelay $0x2  }
0x48e: {  	v9 =	vmul.f32 v9, v62;
	_ =	sdelay $0x1  }
0x48f: {  	[tilespmem:v26+s11+$0x0] =	vst.idx.msk $0xffff, v9  }
0x490: {  	v9 =	vld [tilespmem:$0xB470];
	_ =	sdelay $0x1  }
0x491: {  	v26 =	vadd.s32 $0x57, v27;
	_ =	sdelay $0x2  }
0x492: {  	v9 =	vmul.f32 v9, v62;
	_ =	sdelay $0x1  }
0x493: {  	[tilespmem:v26+s11+$0x0] =	vst.idx.msk $0xffff, v9  }
0x494: {  	v9 =	vld [tilespmem:$0xB480];
	_ =	sdelay $0x1  }
0x495: {  	v26 =	vadd.s32 $0x58, v27;
	_ =	sdelay $0x2  }
0x496: {  	v9 =	vmul.f32 v9, v62;
	_ =	sdelay $0x1  }
0x497: {  	[tilespmem:v26+s11+$0x0] =	vst.idx.msk $0xffff, v9  }
0x498: {  	v9 =	vld [tilespmem:$0xB490];
	_ =	sdelay $0x1  }
0x499: {  	v26 =	vadd.s32 $0x59, v27;
	_ =	sdelay $0x2  }
0x49a: {  	v9 =	vmul.f32 v9, v62;
	_ =	sdelay $0x1  }
0x49b: {  	[tilespmem:v26+s11+$0x0] =	vst.idx.msk $0xffff, v9  }
0x49c: {  	v9 =	vld [tilespmem:$0xB4A0];
	_ =	sdelay $0x1  }
0x49d: {  	v26 =	vadd.s32 $0x5A, v27;
	_ =	sdelay $0x2  }
0x49e: {  	v9 =	vmul.f32 v9, v62;
	_ =	sdelay $0x1  }
0x49f: {  	[tilespmem:v26+s11+$0x0] =	vst.idx.msk $0xffff, v9  }
0x4a0: {  	v9 =	vld [tilespmem:$0xB4B0];
	_ =	sdelay $0x1  }
0x4a1: {  	v26 =	vadd.s32 $0x5B, v27;
	_ =	sdelay $0x2  }
0x4a2: {  	v9 =	vmul.f32 v9, v62;
	_ =	sdelay $0x1  }
0x4a3: {  	[tilespmem:v26+s11+$0x0] =	vst.idx.msk $0xffff, v9  }
0x4a4: {  	v9 =	vld [tilespmem:$0xB4C0];
	_ =	sdelay $0x1  }
0x4a5: {  	v26 =	vadd.s32 $0x5C, v27;
	_ =	sdelay $0x2  }
0x4a6: {  	v9 =	vmul.f32 v9, v62;
	_ =	sdelay $0x1  }
0x4a7: {  	[tilespmem:v26+s11+$0x0] =	vst.idx.msk $0xffff, v9  }
0x4a8: {  	v9 =	vld [tilespmem:$0xB4D0];
	_ =	sdelay $0x1  }
0x4a9: {  	v26 =	vadd.s32 $0x5D, v27;
	_ =	sdelay $0x2  }
0x4aa: {  	v9 =	vmul.f32 v9, v62;
	_ =	sdelay $0x1  }
0x4ab: {  	[tilespmem:v26+s11+$0x0] =	vst.idx.msk $0xffff, v9  }
0x4ac: {  	v9 =	vld [tilespmem:$0xB4E0];
	_ =	sdelay $0x1  }
0x4ad: {  	v26 =	vadd.s32 $0x5E, v27;
	_ =	sdelay $0x2  }
0x4ae: {  	v9 =	vmul.f32 v9, v62;
	_ =	sdelay $0x1  }
0x4af: {  	[tilespmem:v26+s11+$0x0] =	vst.idx.msk $0xffff, v9  }
0x4b0: {  	v9 =	vld [tilespmem:$0xB4F0];
	_ =	sdelay $0x1  }
0x4b1: {  	v26 =	vadd.s32 $0x5F, v27;
	_ =	sdelay $0x2  }
0x4b2: {  	v9 =	vmul.f32 v9, v62  }
0x4b3: {  	p0 =	sne.s32 s0, $0x4E0  }
.Ltmp8:
0x4b4: {  	[tilespmem:v26+s11+$0x0] =	vst.idx.msk $0xffff, v9;
	(pc) =	sbr.rel @p0 .LBB2_18-.Ltmp8, $4  }
0x4b5: {  	[hbm4b:s26+s19] =	stream.linear.scatter [tilespmem:s11], [sflag:$0x3], $0x600, $0x38;
	[tilespmem:$0xDDA0] =	vst v63  }
0x4b6: {  	s5 =	sadd.s32 $0x10, s5;
	_ =	swait.ge [sflag:s23], $0x600  }
0x4b7: {  	s1 =	sadd.s32 $0x10, s1;
	s0 =	sadd.s32 $0x20, s0;
	[sflag:s23] =	ssyncset.done $0x0  }
0x4b8: {  	v33 =	vmov v49;
	s2 =	sadd.s32 $0x10, s2;
	s26 =	sadd.s32 $0xC0, s26;
	[sflag:s23] =	ssyncadd.s32 $0xFFFFFA00  }
0x4b9: {  	s0 =	rddreg [dreg:$0x1c]  }
0x4ba: {  	[hbm4b:s0+s19] =	stream.linear.scatter [tilespmem:s30], [sflag:$0x3], $0x500, $0x38;
	[tilespmem:$0xDDA0] =	vst v63  }
0x4bb: {  	_ =	swait.ge [sflag:s23], $0x500  }
0x4bc: {  	[sflag:s23] =	ssyncset.done $0x0  }
0x4bd: {  	s1 =	simm.s32 $0xC200;
	s20 =	rddreg [dreg:$0x1e];
	[sflag:s23] =	ssyncadd.s32 $0xFFFFFB00  }
0x4be: {  	[hbm4b:s20+s19] =	stream.linear.scatter [tilespmem:s1], [sflag:$0x3], $0x280, $0x38;
	[tilespmem:$0xDDA0] =	vst v63  }
0x4bf: {  	_ =	swait.ge [sflag:s23], $0x280  }
0x4c0: {  	s21 =	sld [smem:$0x7FA];
	_ =	sdelay $0x2  }
0x4c1: {  	s26 =	rddreg [dreg:$0x1f];
	s1 =	sadd.s32 $0x1, s21  }
0x4c2: {  	p0 =	sne.s32 s1, s26  }
.Ltmp9:
0x4c3: {  	_ = 	snop;
	(pc) =	sbr.rel @p0 .LBB2_1-.Ltmp9, $3  }
0x4c4: {  	_ =	sdelay $0x1  }
0x4c5: {  	[sflag:s23] =	ssyncset.done $0x0;
	s13 =	sld [smem:$0x7FC]  }
0x4c6: {  	v31 =	vmov v38;
	s14 =	sld [smem:$0x7FD];
	[sflag:s23] =	ssyncadd.s32 $0xFFFFFD80  }
0x4c7: {  	_ =	sfence.sel $0x180000  }
0x4c8: {  	[bflag:$0x0] =	sbarrier.arrive $0xFFFF  }
0x4c9: {  	_ =	strace $0x90000047  }
0x4ca: {  	s0 =	stileid.u32;
	[bflag:$0x2] =	sbarrier.arrive $0xFFFF  }
0x4cb: {  	p0 =	sne.s32 s0, $0x0;
	s0 =	rddreg [dreg:$0x7]  }
0x4cc: {  	s0 =	sadd.s32 @!p0 $0x100000, s0  }
0x4cd: {  	[sflag:s0] =	ssyncadd.tile.s32 @!p0 $0x1;
	_ =	shalt  }
.Lfunc_end2:
_tile_overlayer_lowered:
.L_overlay_start_2:
0x4ce: {  	(tag) =	ssettag $0x2  }
0x4cf: {  	s0 =	rddreg [dreg:$0x0];
	s2 =	stileid.u32  }
0x4d0: {  	s1 =	rddreg [dreg:$0x1];
	p0 =	sne.s32 s2, $0x0  }
0x4d1: {  	s3 =	rddreg [dreg:$0x2];
	[bflag:$0x3] =	sbarrier.arrive $0xFFFF;
	s2 =	simm.s32 @!p0 $0x1C03  }
0x4d2: {  	[timem:s3], [sflag:s2] =	dma.local @!p0 [hbm:s0], s1  }
0x4d3: {  	s0 =	simm.s32 @!p0 $0x3  }
0x4d4: {  	_ =	swait.ge @!p0 [sflag:s0], s1  }
0x4d5: {  	s1 =	ssub.s32 @!p0 $0x0, s1;
	[sflag:s0] =	ssyncset.done @!p0 $0x0  }
0x4d6: {  	[sflag:s0] =	ssyncadd.s32 @!p0 s1  }
0x4d7: {  	[bflag:$0x3] =	sbarrier.arrive $0xFFFF  }
0x4d8: {  	_ =	shalt  }

</sc_bundles>
